<compile_context>
chip_gen: v7x
topology: tpu7x:2x2x1
jax: 0.10.2.dev20260603
libtpu: 0.0.44.dev20260713+nightly
codegen_flags: <defaults>
</compile_context>

<pallas_src>
import functools

import jax
import jax.numpy as jnp
from jax import lax
from jax.experimental import pallas as pl
from jax.experimental.pallas import tpu as pltpu
from jax.experimental.pallas import tpu_sc as plsc

N = 50000
E = 800000
G = 2000
NREL = 3
ED = 32
H = 64
NCLS = 10

NC = 2
NS = 16
NH = N // NC
RACC = NREL * NH + 8
TRASH = NREL * NH
DRAIN = RACC // NS

NB = 16
OUT_IT = 25
ROWS_PW = OUT_IT * NB
ER_TOT = ROWS_PW * NS
EPAD = ER_TOT * 128

NPOOL = 53248
PR_TOT = NPOOL // 128
PR_PW = PR_TOT // (NC * NS)
GACC = 2048
TRASHG = 2040

RB = 200
NGRID = N // RB


def _make_edge_agg(tab_rows, gather=True):
  mesh = plsc.VectorSubcoreMesh(core_axis_name="c", subcore_axis_name="s")

  @functools.partial(
      pl.kernel,
      out_type=jax.ShapeDtypeStruct((NC, RACC, 16), jnp.float32),
      mesh=mesh,
      compiler_params=pltpu.CompilerParams(use_tc_tiling_on_sc=False),
      scratch_types=[
          pltpu.VMEM((NB * 128,), jnp.int32),
          pltpu.VMEM((NB * 128,), jnp.int32),
          pltpu.VMEM((NB * 128, 16), jnp.float32),
          pltpu.VMEM((128, 16), jnp.float32),
          pltpu.VMEM_SHARED((RACC, 16), jnp.float32),
          pltpu.SemaphoreType.DMA,
          pltpu.SemaphoreType.DMA,
      ],
  )
  def agg(tab_hbm, src_hbm, sidx_hbm, out_hbm,
          gi_v, si_v, rows_v, zb_v, acc_sh, gsem, ssem):
    c = lax.axis_index("c")
    s = lax.axis_index("s")

    def zero_body(i, carry):
      zb_v[i] = jnp.zeros((16,), jnp.float32)
      return carry

    lax.fori_loop(0, 128, zero_body, 0)

    def zero_copy(t, carry):
      pltpu.sync_copy(zb_v, acc_sh.at[pl.ds(s * DRAIN + t * 128, 128)])
      return carry

    lax.fori_loop(0, DRAIN // 128, zero_copy, 0)
    rem = DRAIN % 128
    if rem:
      pltpu.sync_copy(zb_v.at[pl.ds(0, rem)],
                      acc_sh.at[pl.ds(s * DRAIN + DRAIN - rem, rem)])
    if not gather:
      def ones_body(i, carry):
        rows_v[i] = jnp.ones((16,), jnp.float32)
        return carry

      lax.fori_loop(0, NB * 128, ones_body, 0)
    plsc.subcore_barrier()

    def outer(i, carry):
      eb = s * (ROWS_PW * 128) + i * (NB * 128)
      pltpu.sync_copy(sidx_hbm.at[c].at[pl.ds(eb, NB * 128)], si_v)
      if gather:
        pltpu.sync_copy(src_hbm.at[pl.ds(eb, NB * 128)], gi_v)
        pltpu.async_copy(tab_hbm.at[gi_v], rows_v, gsem).wait()
      pltpu.async_copy(rows_v, acc_sh.at[si_v], ssem, add=True).wait()
      return carry

    lax.fori_loop(0, OUT_IT, outer, 0)
    plsc.subcore_barrier()
    pltpu.sync_copy(acc_sh.at[pl.ds(s * DRAIN, DRAIN)],
                    out_hbm.at[c].at[pl.ds(s * DRAIN, DRAIN)])

  return agg


_edge_agg_tab = _make_edge_agg(N)
_edge_agg_cnt = _make_edge_agg(8, gather=False)


def _make_pool():
  mesh = plsc.VectorSubcoreMesh(core_axis_name="c", subcore_axis_name="s")

  @functools.partial(
      pl.kernel,
      out_type=(jax.ShapeDtypeStruct((NC, GACC, H), jnp.float32),
                jax.ShapeDtypeStruct((NC, GACC, 16), jnp.float32)),
      mesh=mesh,
      compiler_params=pltpu.CompilerParams(use_tc_tiling_on_sc=False),
      scratch_types=[
          pltpu.VMEM((PR_PW, 128), jnp.int32),
          pltpu.VMEM((7, 128, H), jnp.float32),
          pltpu.VMEM((128, H), jnp.float32),
          pltpu.VMEM((128, 16), jnp.float32),
          pltpu.VMEM_SHARED((GACC, H), jnp.float32),
          pltpu.VMEM_SHARED((GACC, 16), jnp.float32),
          pltpu.SemaphoreType.DMA,
          pltpu.SemaphoreType.DMA,
      ],
  )
  def pool(h2_hbm, bidx_hbm, pout_hbm, cout_hbm,
           bi_v, rows_v, zb_v, ob_v, pacc_sh, cacc_sh, psem, csem):
    c = lax.axis_index("c")
    s = lax.axis_index("s")
    w = s * NC + c

    def zero_wide(i, carry):
      for q in range(H // 16):
        zb_v[i, q * 16:(q + 1) * 16] = jnp.zeros((16,), jnp.float32)
      return carry

    lax.fori_loop(0, 128, zero_wide, 0)

    def zero_narrow(i, carry):
      ob_v[i] = jnp.zeros((16,), jnp.float32)
      return carry

    lax.fori_loop(0, 128, zero_narrow, 0)
    pltpu.sync_copy(zb_v, pacc_sh.at[pl.ds(s * 128, 128)])
    pltpu.sync_copy(ob_v, cacc_sh.at[pl.ds(s * 128, 128)])

    def fill_ones(i, carry):
      ob_v[i] = jnp.ones((16,), jnp.float32)
      return carry

    lax.fori_loop(0, 128, fill_ones, 0)
    plsc.subcore_barrier()

    pltpu.sync_copy(bidx_hbm.at[pl.ds(w * PR_PW, PR_PW)], bi_v)
    for off, nb in ((0, 7), (7, 6)):
      pltpu.sync_copy(h2_hbm.at[pl.ds(w * PR_PW + off, nb)],
                      rows_v.at[pl.ds(0, nb)])
      pds = [pltpu.async_copy(rows_v.at[j], pacc_sh.at[bi_v.at[off + j]],
                              psem, add=True)
             for j in range(nb)]
      cds = [pltpu.async_copy(ob_v, cacc_sh.at[bi_v.at[off + j]], csem,
                              add=True)
             for j in range(nb)]
      for d in pds:
        d.wait()
      for d in cds:
        d.wait()
    plsc.subcore_barrier()
    pltpu.sync_copy(pacc_sh.at[pl.ds(s * 128, 128)],
                    pout_hbm.at[c].at[pl.ds(s * 128, 128)])
    pltpu.sync_copy(cacc_sh.at[pl.ds(s * 128, 128)],
                    cout_hbm.at[c].at[pl.ds(s * 128, 128)])

  return pool


_pool = _make_pool()


def _embed_body(x_ref, se_ref, ce_ref, pe_ref, o0_ref, o1_ref):
  xb = x_ref[...]
  oh0 = (xb[:, 0:1] ==
         lax.broadcasted_iota(jnp.int32, (RB, 8), 1)).astype(jnp.float32)
  oh1 = (xb[:, 1:2] ==
         lax.broadcasted_iota(jnp.int32, (RB, 8), 1)).astype(jnp.float32)
  p = jnp.clip(xb[:, 2:3], 0, 24)
  ohp = (p == lax.broadcasted_iota(jnp.int32, (RB, 32), 1)).astype(jnp.float32)
  h = (jnp.dot(oh0, se_ref[...], preferred_element_type=jnp.float32)
       + jnp.dot(oh1, ce_ref[...], preferred_element_type=jnp.float32)
       + jnp.dot(ohp, pe_ref[...], preferred_element_type=jnp.float32))
  o0_ref[...] = h[:, :16]
  o1_ref[...] = h[:, 16:]


def _embed(x, se, ce, pe_pad):
  full = lambda shp: pl.BlockSpec(shp, lambda n: tuple(0 for _ in shp))
  return pl.pallas_call(
      _embed_body,
      grid=(NGRID,),
      in_specs=[
          pl.BlockSpec((RB, 3), lambda n: (n, 0)),
          full((8, ED)), full((8, ED)), full((32, ED)),
      ],
      out_specs=[pl.BlockSpec((RB, 16), lambda n: (n, 0)),
                 pl.BlockSpec((RB, 16), lambda n: (n, 0))],
      out_shape=[jax.ShapeDtypeStruct((N, 16), jnp.float32),
                 jax.ShapeDtypeStruct((N, 16), jnp.float32)],
  )(x, se, ce, pe_pad)


def _dense_layer(h_chunks, s_raw_chunks, cnt_raw, W, root):
  C = len(h_chunks)
  din = 16 * C

  def body(*refs):
    h_refs = refs[:C]
    s_refs = refs[C:C + NREL * C]
    cnt_refs = refs[C + NREL * C:C + NREL * C + NREL]
    w_ref, root_ref = refs[C + NREL * C + NREL:C + NREL * C + NREL + 2]
    z_ref, st_ref = refs[-2:]

    n = pl.program_id(0)
    hb = jnp.concatenate([r[...] for r in h_refs], axis=1)
    z = jnp.dot(hb, root_ref[...], preferred_element_type=jnp.float32)
    for r in range(NREL):
      acc = jnp.zeros((RB, H), jnp.float32)
      for k in range(C):
        sk = s_refs[r * C + k][0]
        acc = acc + jnp.dot(sk, w_ref[r, 16 * k:16 * (k + 1), :],
                            preferred_element_type=jnp.float32)
      cntr = cnt_refs[r][0][:, 0]
      z = z + acc / jnp.maximum(cntr, 1.0)[:, None]
    z_ref[...] = z

    @pl.when(n == 0)
    def _():
      st_ref[...] = jnp.zeros((8, H), jnp.float32)

    st_ref[0:1, :] += jnp.sum(z, axis=0)[None]
    st_ref[1:2, :] += jnp.sum(z * z, axis=0)[None]

  def smap(r):
    return pl.BlockSpec(
        (1, RB, 16),
        lambda n, r=r: (n // (NH // RB), r * (NH // RB) + n % (NH // RB), 0))

  in_specs = ([pl.BlockSpec((RB, 16), lambda n: (n, 0))] * C
              + [smap(r) for r in range(NREL) for _ in range(C)]
              + [smap(r) for r in range(NREL)]
              + [pl.BlockSpec((NREL, din, H), lambda n: (0, 0, 0)),
                 pl.BlockSpec((din, H), lambda n: (0, 0))])
  operands = (list(h_chunks)
              + [s_raw_chunks[k] for _ in range(NREL) for k in range(C)]
              + [cnt_raw] * NREL + [W, root])
  return pl.pallas_call(
      body,
      grid=(NGRID,),
      in_specs=in_specs,
      out_specs=[pl.BlockSpec((RB, H), lambda n: (n, 0)),
                 pl.BlockSpec((8, H), lambda n: (0, 0))],
      out_shape=[jax.ShapeDtypeStruct((N, H), jnp.float32),
                 jax.ShapeDtypeStruct((8, H), jnp.float32)],
  )(*operands)


def _bn_relu(z, stats, gb, n_chunks):

  def body(z_ref, st_ref, gb_ref, *o_refs):
    zb = z_ref[...]
    mu = st_ref[0, :] / N
    var = st_ref[1, :] / N - mu * mu
    inv = lax.rsqrt(var + 1e-5)
    h = jnp.maximum(gb_ref[0, :] * (zb - mu) * inv + gb_ref[1, :], 0.0)
    if n_chunks == 0:
      o_refs[0][...] = h
    else:
      for k in range(n_chunks):
        o_refs[k][...] = h[:, 16 * k:16 * (k + 1)]

  if n_chunks == 0:
    out_specs = [pl.BlockSpec((RB, H), lambda n: (n, 0))]
    out_shape = [jax.ShapeDtypeStruct((N, H), jnp.float32)]
  else:
    out_specs = [pl.BlockSpec((RB, 16), lambda n: (n, 0))] * n_chunks
    out_shape = [jax.ShapeDtypeStruct((N, 16), jnp.float32)] * n_chunks
  res = pl.pallas_call(
      body,
      grid=(NGRID,),
      in_specs=[pl.BlockSpec((RB, H), lambda n: (n, 0)),
                pl.BlockSpec((8, H), lambda n: (0, 0)),
                pl.BlockSpec((8, H), lambda n: (0, 0))],
      out_specs=out_specs,
      out_shape=out_shape,
  )(z, stats, gb)
  return res


def _classifier(p0, p1, c0, c1, wpad, cbpad):
  def body(p0_ref, p1_ref, c0_ref, c1_ref, w_ref, cb_ref, o_ref):
    p = p0_ref[...] + p1_ref[...]
    cnt = c0_ref[...][:, 0:1] + c1_ref[...][:, 0:1]
    hg = p / jnp.maximum(cnt, 1.0)
    o_ref[...] = (jnp.dot(hg, w_ref[...], preferred_element_type=jnp.float32)
                  + cb_ref[0:1, :])

  return pl.pallas_call(
      body,
      out_shape=jax.ShapeDtypeStruct((GACC, 16), jnp.float32),
  )(p0, p1, c0, c1, wpad, cbpad)


def kernel(x, edge_index, edge_type, batch, shape_emb, color_emb, pos_emb,
           W1, root1, b1, g1, be1, W2, root2, b2, g2, be2, clsW, clsb):
  x = x.astype(jnp.int32)
  src = edge_index[0].astype(jnp.int32)
  dst = edge_index[1].astype(jnp.int32)
  et = edge_type.astype(jnp.int32)

  pad = EPAD - E
  src_p = jnp.concatenate([src, jnp.zeros((pad,), jnp.int32)])
  halves = []
  for c in range(NC):
    loc = et * NH + dst - c * NH
    ok = (dst >= c * NH) & (dst < (c + 1) * NH)
    hi = jnp.where(ok, loc, TRASH)
    halves.append(jnp.concatenate([hi, jnp.full((pad,), TRASH, jnp.int32)]))
  sidx2 = jnp.stack(halves)
  zidx = jnp.zeros((EPAD,), jnp.int32)
  ones_tab = jnp.ones((8, 16), jnp.float32)

  pe_pad = jnp.zeros((32, ED), jnp.float32).at[:25].set(pos_emb)
  h0c = _embed(x, shape_emb, color_emb, pe_pad)

  cnt_raw = _edge_agg_cnt(ones_tab, zidx, sidx2)

  s1 = [_edge_agg_tab(h0c[k], src_p, sidx2) for k in range(ED // 16)]
  z1, st1 = _dense_layer(h0c, s1, cnt_raw, W1, root1)
  gb1 = jnp.zeros((8, H), jnp.float32).at[0].set(g1).at[1].set(be1)
  h1c = _bn_relu(z1, st1, gb1, H // 16)

  s2 = [_edge_agg_tab(h1c[k], src_p, sidx2) for k in range(H // 16)]
  z2, st2 = _dense_layer(h1c, s2, cnt_raw, W2, root2)
  gb2 = jnp.zeros((8, H), jnp.float32).at[0].set(g2).at[1].set(be2)
  h2 = _bn_relu(z2, st2, gb2, 0)[0]

  h2p = jnp.concatenate(
      [h2, jnp.zeros((NPOOL - N, H), jnp.float32)]).reshape(PR_TOT, 128, H)
  bidx = jnp.concatenate(
      [batch.astype(jnp.int32),
       jnp.full((NPOOL - N,), TRASHG, jnp.int32)]).reshape(PR_TOT, 128)
  pout, cout = _pool(h2p, bidx)

  wpad = jnp.zeros((H, 16), jnp.float32).at[:, :NCLS].set(clsW)
  cbpad = jnp.zeros((8, 16), jnp.float32).at[0, :NCLS].set(clsb)
  logits = _classifier(pout[0], pout[1], cout[0], cout[1], wpad, cbpad)
  return logits[:G, :NCLS]

# --- scband reference (transcript-rebuilt; emitter-appended) ---
"""Pipeline reference for scband-spr-rgcn-88648124990836 (READ-ONLY COPY).

The authoritative reference and input builder live on the scoring server;
editing this copy changes nothing except your own understanding.
"""

import jax, jax.numpy as jnp
import numpy as np

N = 50000
E = 800000
G = 2000
NREL = 3
NUM_SHAPE = 8
NUM_COLOR = 8
MAX_POS = 25
NUM_CLASS = 10
ED = 32
H = 64


def setup_inputs(seed: int = 0):
    key = jax.random.key(seed)
    ks = jax.random.split(key, 16)
    inp = {}
    inp["x"] = jax.random.randint(ks[0], (N, 3), 0, 8)
    inp["edge_index"] = jax.random.randint(ks[1], (2, E), 0, N)
    inp["edge_type"] = jax.random.randint(ks[2], (E,), 0, NREL)
    inp["batch"] = jnp.sort(jax.random.randint(ks[3], (N,), 0, G))
    inp["shape_emb"] = jax.random.normal(ks[4], (NUM_SHAPE, ED), jnp.float32) * 0.1
    inp["color_emb"] = jax.random.normal(ks[5], (NUM_COLOR, ED), jnp.float32) * 0.1
    inp["pos_emb"] = jax.random.normal(ks[6], (MAX_POS, ED), jnp.float32) * 0.1
    inp["W1"] = jax.random.normal(ks[7], (NREL, ED, H), jnp.float32) * 0.1
    inp["root1"] = jax.random.normal(ks[8], (ED, H), jnp.float32) * 0.1
    inp["b1"] = jnp.zeros((H,), jnp.float32)
    inp["g1"] = jnp.ones((H,), jnp.float32)
    inp["be1"] = jnp.zeros((H,), jnp.float32)
    inp["W2"] = jax.random.normal(ks[9], (NREL, H, H), jnp.float32) * 0.1
    inp["root2"] = jax.random.normal(ks[10], (H, H), jnp.float32) * 0.1
    inp["b2"] = jnp.zeros((H,), jnp.float32)
    inp["g2"] = jnp.ones((H,), jnp.float32)
    inp["be2"] = jnp.zeros((H,), jnp.float32)
    inp["clsW"] = jax.random.normal(ks[11], (H, NUM_CLASS), jnp.float32) * 0.1
    inp["clsb"] = jnp.zeros((NUM_CLASS,), jnp.float32)
    return inp


def _rgcn(h, src, dst, edge_type, W, root, b):
    out = h @ root + b
    h_src = h[src]
    for r in range(NREL):
        mask = (edge_type == r)
        msg = jnp.where(mask[:, None], h_src @ W[r], 0.0)
        agg = jax.ops.segment_sum(msg, dst, num_segments=N)
        cnt = jax.ops.segment_sum(mask.astype(h.dtype), dst, num_segments=N)
        out = out + agg / jnp.maximum(cnt, 1.0)[:, None]
    return out


def _bn(h, g, b, eps=1e-5):
    mu = jnp.mean(h, axis=0)
    var = jnp.var(h, axis=0)
    return g * (h - mu) / jnp.sqrt(var + eps) + b


def reference(x, edge_index, edge_type, batch, shape_emb, color_emb, pos_emb, W1, root1, b1, g1, be1, W2, root2, b2, g2, be2, clsW, clsb):
    shp = shape_emb[x[:, 0]]
    col = color_emb[x[:, 1]]
    pos = pos_emb[jnp.clip(x[:, 2], 0, MAX_POS - 1)]
    h = shp + col + pos
    src, dst = edge_index[0], edge_index[1]
    h = jax.nn.relu(_bn(_rgcn(h, src, dst, edge_type, W1, root1, b1), g1, be1))
    h = jax.nn.relu(_bn(_rgcn(h, src, dst, edge_type, W2, root2, b2), g2, be2))
    sums = jax.ops.segment_sum(h, batch, num_segments=G)
    cnt = jax.ops.segment_sum(jnp.ones((N,), h.dtype), batch, num_segments=G)
    hg = sums / jnp.maximum(cnt, 1.0)[:, None]
    return hg @ clsW + clsb

if __name__ == "__main__":
    import jax
    _d = setup_inputs()
    print(jax.jit(kernel)(*tuple(_d.values())))

</pallas_src>

<mosaic_0001>
#map = affine_map<(d0, d1) -> (0, 0)>
#map1 = affine_map<(d0, d1) -> (0)>
#map2 = affine_map<(d0, d1) -> (0, 0, 0)>
module attributes {stable_mosaic.version = 14 : i64} {
  func.func @agg(%arg0: i32, %arg1: i32, %arg2: memref<50000x16xf32, #tpu.memory_space<hbm>>, %arg3: memref<819200xi32, #tpu.memory_space<hbm>>, %arg4: memref<2x819200xi32, #tpu.memory_space<hbm>>, %arg5: memref<2x75008x16xf32, #tpu.memory_space<hbm>>, %arg6: memref<2048xi32, #tpu.memory_space<vmem>>, %arg7: memref<2048xi32, #tpu.memory_space<vmem>>, %arg8: memref<2048x16xf32, #tpu.memory_space<vmem>>, %arg9: memref<128x16xf32, #tpu.memory_space<vmem>>, %arg10: memref<75008x16xf32, #tpu.memory_space<vmem_shared>>, %arg11: memref<!tpu.dma_semaphore, #tpu.memory_space<semaphore_mem>>, %arg12: memref<!tpu.dma_semaphore, #tpu.memory_space<semaphore_mem>>) attributes {dimension_semantics = [#tpu.dimension_semantics<core_parallel>, #tpu.dimension_semantics<subcore_parallel>], iteration_bounds = array<i64: 2, 16>, scalar_prefetch = 0 : i64, scratch_operands = 7 : i64, tpu.core_type = #tpu.core_type<sc_vector_subcore>, window_params = [{transform_indices = #map}, {transform_indices = #map1}, {transform_indices = #map}, {transform_indices = #map2}]} {
    %scan3A = arith.constant 0 : i32
    %scan3A_0 = arith.constant 0 : i32
    %scan3A_1 = arith.constant 128 : i32
    %scan3A_2 = arith.addi %scan3A_0, %scan3A_1 : i32
    %scan3A_3 = arith.constant 1 : i32
    scf.for %scan3A_25 = %scan3A_0 to %scan3A_2 step %scan3A_3  : i32 {
      %broadcast_in_dim3A = arith.constant 0.000000e+00 : f32
      %broadcast_in_dim3A_26 = vector.broadcast %broadcast_in_dim3A : f32 to vector<16xf32>
      %swap3A = arith.index_cast %scan3A_25 : i32 to index
      %swap3A_27 = arith.constant 0 : index
      %swap3A_28 = tpu.vector_load %arg9[%swap3A, %swap3A_27] {strides = array<i32>} : memref<128x16xf32, #tpu.memory_space<vmem>>, vector<1x16xf32>,
      %swap3A_29 = vector.shape_cast %swap3A_28 : vector<1x16xf32> to vector<16xf32>
      %swap3A_30 = vector.shape_cast %broadcast_in_dim3A_26 : vector<16xf32> to vector<1x16xf32>
      tpu.vector_store %arg9[%swap3A, %swap3A_27], %swap3A_30 {strides = array<i32>} : memref<128x16xf32, #tpu.memory_space<vmem>>, vector<1x16xf32>,
    }
    %scan3A_4 = arith.constant 128 : i32
    %scan3A_5 = arith.constant 0 : i32
    %scan3A_6 = arith.constant 0 : i32
    %scan3A_7 = arith.constant 36 : i32
    %scan3A_8 = arith.addi %scan3A_6, %scan3A_7 : i32
    %scan3A_9 = arith.constant 1 : i32
    scf.for %scan3A_25 = %scan3A_6 to %scan3A_8 step %scan3A_9  : i32 {
      %mul3A_26 = arith.constant 4688 : i32
      %mul3A_27 = arith.muli %arg1, %mul3A_26 : i32
      %mul3A_28 = arith.constant 128 : i32
      %mul3A_29 = arith.muli %scan3A_25, %mul3A_28 : i32
      %add3A_30 = arith.addi %mul3A_27, %mul3A_29 : i32
      "tpu.region"() ({
        %run_scoped3A = tpu.sem_alloc : memref<!tpu.dma_semaphore, #tpu.memory_space<semaphore_mem>>
        %dma_start3A = arith.constant 0 : i32
        %dma_start3A_31 = tpu.memref_slice %arg10[%add3A_30, %dma_start3A] : memref<75008x16xf32, #tpu.memory_space<vmem_shared>> -> memref<128x16xf32, #tpu.memory_space<vmem_shared>>
        %dma_start3A_32 = arith.constant 0 : i32
        %dma_start3A_33 = tpu.memref_slice %arg10[%add3A_30, %dma_start3A_32] : memref<75008x16xf32, #tpu.memory_space<vmem_shared>> -> memref<128x16xf32, #tpu.memory_space<vmem_shared>>
        tpu.enqueue_dma source(%arg9 : memref<128x16xf32, #tpu.memory_space<vmem>>) target(%dma_start3A_33 : memref<128x16xf32, #tpu.memory_space<vmem_shared>>) target_semaphore(%run_scoped3A : memref<!tpu.dma_semaphore, #tpu.memory_space<semaphore_mem>>)
        %dma_wait3A = arith.constant 0 : i32
        %dma_wait3A_34 = tpu.memref_slice %arg10[%add3A_30, %dma_wait3A] : memref<75008x16xf32, #tpu.memory_space<vmem_shared>> -> memref<128x16xf32, #tpu.memory_space<vmem_shared>>
        %dma_wait3A_35 = arith.constant 0 : i32
        %dma_wait3A_36 = tpu.memref_slice %arg10[%add3A_30, %dma_wait3A_35] : memref<75008x16xf32, #tpu.memory_space<vmem_shared>> -> memref<128x16xf32, #tpu.memory_space<vmem_shared>>
        tpu.wait_dma2 semaphore(%run_scoped3A : memref<!tpu.dma_semaphore, #tpu.memory_space<semaphore_mem>>) src(%arg9 : memref<128x16xf32, #tpu.memory_space<vmem>>) dst(%dma_wait3A_36 : memref<128x16xf32, #tpu.memory_space<vmem_shared>>)
        tpu.yield
      }) : () -> ()
    }
    %scan3A_10 = arith.constant 36 : i32
    %mul3A = arith.constant 4688 : i32
    %mul3A_11 = arith.muli %arg1, %mul3A : i32
    %add3A = arith.constant 4688 : i32
    %add3A_12 = arith.addi %mul3A_11, %add3A : i32
    %sub3A = arith.constant 80 : i32
    %sub3A_13 = arith.subi %add3A_12, %sub3A : i32
    "tpu.region"() ({
      %run_scoped3A = tpu.sem_alloc : memref<!tpu.dma_semaphore, #tpu.memory_space<semaphore_mem>>
      %dma_start3A = arith.constant 0 : i32
      %dma_start3A_25 = arith.constant 0 : i32
      %dma_start3A_26 = tpu.memref_slice %arg9[%dma_start3A, %dma_start3A_25] : memref<128x16xf32, #tpu.memory_space<vmem>> -> memref<80x16xf32, #tpu.memory_space<vmem>>
      %dma_start3A_27 = arith.constant 0 : i32
      %dma_start3A_28 = tpu.memref_slice %arg10[%sub3A_13, %dma_start3A_27] : memref<75008x16xf32, #tpu.memory_space<vmem_shared>> -> memref<80x16xf32, #tpu.memory_space<vmem_shared>>
      %dma_start3A_29 = arith.constant 0 : i32
      %dma_start3A_30 = tpu.memref_slice %arg10[%sub3A_13, %dma_start3A_29] : memref<75008x16xf32, #tpu.memory_space<vmem_shared>> -> memref<80x16xf32, #tpu.memory_space<vmem_shared>>
      %dma_start3A_31 = arith.constant 0 : i32
      %dma_start3A_32 = arith.constant 0 : i32
      %dma_start3A_33 = tpu.memref_slice %arg9[%dma_start3A_31, %dma_start3A_32] : memref<128x16xf32, #tpu.memory_space<vmem>> -> memref<80x16xf32, #tpu.memory_space<vmem>>
      tpu.enqueue_dma source(%dma_start3A_33 : memref<80x16xf32, #tpu.memory_space<vmem>>) target(%dma_start3A_30 : memref<80x16xf32, #tpu.memory_space<vmem_shared>>) target_semaphore(%run_scoped3A : memref<!tpu.dma_semaphore, #tpu.memory_space<semaphore_mem>>)
      %dma_wait3A = arith.constant 0 : i32
      %dma_wait3A_34 = arith.constant 0 : i32
      %dma_wait3A_35 = tpu.memref_slice %arg9[%dma_wait3A, %dma_wait3A_34] : memref<128x16xf32, #tpu.memory_space<vmem>> -> memref<80x16xf32, #tpu.memory_space<vmem>>
      %dma_wait3A_36 = arith.constant 0 : i32
      %dma_wait3A_37 = tpu.memref_slice %arg10[%sub3A_13, %dma_wait3A_36] : memref<75008x16xf32, #tpu.memory_space<vmem_shared>> -> memref<80x16xf32, #tpu.memory_space<vmem_shared>>
      %dma_wait3A_38 = arith.constant 0 : i32
      %dma_wait3A_39 = tpu.memref_slice %arg10[%sub3A_13, %dma_wait3A_38] : memref<75008x16xf32, #tpu.memory_space<vmem_shared>> -> memref<80x16xf32, #tpu.memory_space<vmem_shared>>
      %dma_wait3A_40 = arith.constant 0 : i32
      %dma_wait3A_41 = arith.constant 0 : i32
      %dma_wait3A_42 = tpu.memref_slice %arg9[%dma_wait3A_40, %dma_wait3A_41] : memref<128x16xf32, #tpu.memory_space<vmem>> -> memref<80x16xf32, #tpu.memory_space<vmem>>
      tpu.wait_dma2 semaphore(%run_scoped3A : memref<!tpu.dma_semaphore, #tpu.memory_space<semaphore_mem>>) src(%dma_wait3A_42 : memref<80x16xf32, #tpu.memory_space<vmem>>) dst(%dma_wait3A_39 : memref<80x16xf32, #tpu.memory_space<vmem_shared>>)
      tpu.yield
    }) : () -> ()
    %barrier3A = arith.constant 0 : index
    tpu.barrier barrier_id(%barrier3A)
    %scan3A_14 = arith.constant 0 : i32
    %scan3A_15 = arith.constant 0 : i32
    %scan3A_16 = arith.constant 25 : i32
    %scan3A_17 = arith.addi %scan3A_15, %scan3A_16 : i32
    %scan3A_18 = arith.constant 1 : i32
    scf.for %scan3A_25 = %scan3A_15 to %scan3A_17 step %scan3A_18  : i32 {
      %mul3A_26 = arith.constant 51200 : i32
      %mul3A_27 = arith.muli %arg1, %mul3A_26 : i32
      %mul3A_28 = arith.constant 2048 : i32
      %mul3A_29 = arith.muli %scan3A_25, %mul3A_28 : i32
      %add3A_30 = arith.addi %mul3A_27, %mul3A_29 : i32
      "tpu.region"() ({
        %run_scoped3A = tpu.sem_alloc : memref<!tpu.dma_semaphore, #tpu.memory_space<semaphore_mem>>
        %dma_start3A_41 = arith.constant 0 : i32
        %dma_start3A_42 = tpu.memref_slice %arg4[%arg0, %dma_start3A_41] : memref<2x819200xi32, #tpu.memory_space<hbm>> -> memref<1x819200xi32, #tpu.memory_space<hbm>>
        %dma_start3A_43 = tpu.memref_squeeze %dma_start3A_42 : memref<1x819200xi32, #tpu.memory_space<hbm>> -> memref<819200xi32, #tpu.memory_space<hbm>>
        %dma_start3A_44 = tpu.memref_slice %dma_start3A_43[%add3A_30] : memref<819200xi32, #tpu.memory_space<hbm>> -> memref<2048xi32, #tpu.memory_space<hbm>>
        %dma_start3A_45 = arith.constant 0 : i32
        %dma_start3A_46 = tpu.memref_slice %arg4[%arg0, %dma_start3A_45] : memref<2x819200xi32, #tpu.memory_space<hbm>> -> memref<1x819200xi32, #tpu.memory_space<hbm>>
        %dma_start3A_47 = tpu.memref_squeeze %dma_start3A_46 : memref<1x819200xi32, #tpu.memory_space<hbm>> -> memref<819200xi32, #tpu.memory_space<hbm>>
        %dma_start3A_48 = tpu.memref_slice %dma_start3A_47[%add3A_30] : memref<819200xi32, #tpu.memory_space<hbm>> -> memref<2048xi32, #tpu.memory_space<hbm>>
        tpu.enqueue_dma source(%dma_start3A_48 : memref<2048xi32, #tpu.memory_space<hbm>>) target(%arg7 : memref<2048xi32, #tpu.memory_space<vmem>>) target_semaphore(%run_scoped3A : memref<!tpu.dma_semaphore, #tpu.memory_space<semaphore_mem>>)
        %dma_wait3A_49 = arith.constant 0 : i32
        %dma_wait3A_50 = tpu.memref_slice %arg4[%arg0, %dma_wait3A_49] : memref<2x819200xi32, #tpu.memory_space<hbm>> -> memref<1x819200xi32, #tpu.memory_space<hbm>>
        %dma_wait3A_51 = tpu.memref_squeeze %dma_wait3A_50 : memref<1x819200xi32, #tpu.memory_space<hbm>> -> memref<819200xi32, #tpu.memory_space<hbm>>
        %dma_wait3A_52 = tpu.memref_slice %dma_wait3A_51[%add3A_30] : memref<819200xi32, #tpu.memory_space<hbm>> -> memref<2048xi32, #tpu.memory_space<hbm>>
        %dma_wait3A_53 = arith.constant 0 : i32
        %dma_wait3A_54 = tpu.memref_slice %arg4[%arg0, %dma_wait3A_53] : memref<2x819200xi32, #tpu.memory_space<hbm>> -> memref<1x819200xi32, #tpu.memory_space<hbm>>
        %dma_wait3A_55 = tpu.memref_squeeze %dma_wait3A_54 : memref<1x819200xi32, #tpu.memory_space<hbm>> -> memref<819200xi32, #tpu.memory_space<hbm>>
        %dma_wait3A_56 = tpu.memref_slice %dma_wait3A_55[%add3A_30] : memref<819200xi32, #tpu.memory_space<hbm>> -> memref<2048xi32, #tpu.memory_space<hbm>>
        tpu.wait_dma2 semaphore(%run_scoped3A : memref<!tpu.dma_semaphore, #tpu.memory_space<semaphore_mem>>) src(%dma_wait3A_56 : memref<2048xi32, #tpu.memory_space<hbm>>) dst(%arg7 : memref<2048xi32, #tpu.memory_space<vmem>>)
        tpu.yield
      }) : () -> ()
      "tpu.region"() ({
        %run_scoped3A = tpu.sem_alloc : memref<!tpu.dma_semaphore, #tpu.memory_space<semaphore_mem>>
        %dma_start3A_41 = tpu.memref_slice %arg3[%add3A_30] : memref<819200xi32, #tpu.memory_space<hbm>> -> memref<2048xi32, #tpu.memory_space<hbm>>
        %dma_start3A_42 = tpu.memref_slice %arg3[%add3A_30] : memref<819200xi32, #tpu.memory_space<hbm>> -> memref<2048xi32, #tpu.memory_space<hbm>>
        tpu.enqueue_dma source(%dma_start3A_42 : memref<2048xi32, #tpu.memory_space<hbm>>) target(%arg6 : memref<2048xi32, #tpu.memory_space<vmem>>) target_semaphore(%run_scoped3A : memref<!tpu.dma_semaphore, #tpu.memory_space<semaphore_mem>>)
        %dma_wait3A_43 = tpu.memref_slice %arg3[%add3A_30] : memref<819200xi32, #tpu.memory_space<hbm>> -> memref<2048xi32, #tpu.memory_space<hbm>>
        %dma_wait3A_44 = tpu.memref_slice %arg3[%add3A_30] : memref<819200xi32, #tpu.memory_space<hbm>> -> memref<2048xi32, #tpu.memory_space<hbm>>
        tpu.wait_dma2 semaphore(%run_scoped3A : memref<!tpu.dma_semaphore, #tpu.memory_space<semaphore_mem>>) src(%dma_wait3A_44 : memref<2048xi32, #tpu.memory_space<hbm>>) dst(%arg6 : memref<2048xi32, #tpu.memory_space<vmem>>)
        tpu.yield
      }) : () -> ()
      %dma_start3A = arith.constant 0 : i32
      %dma_start3A_31 = arith.constant 0 : i32
      %dma_start3A_32 = tpu.memref_slice %arg2[%dma_start3A, %dma_start3A_31] : memref<50000x16xf32, #tpu.memory_space<hbm>> -> memref<50000x16xf32, #tpu.memory_space<hbm>>
      tpu.enqueue_indirect_dma source(%dma_start3A_32 : memref<50000x16xf32, #tpu.memory_space<hbm>>) target(%arg8 : memref<2048x16xf32, #tpu.memory_space<vmem>>) offsets(%arg6 : memref<2048xi32, #tpu.memory_space<vmem>>) semaphore(%arg11 : memref<!tpu.dma_semaphore, #tpu.memory_space<semaphore_mem>>)
      %dma_wait3A = arith.constant 0 : i32
      %dma_wait3A_33 = arith.constant 0 : i32
      %dma_wait3A_34 = tpu.memref_slice %arg2[%dma_wait3A, %dma_wait3A_33] : memref<50000x16xf32, #tpu.memory_space<hbm>> -> memref<50000x16xf32, #tpu.memory_space<hbm>>
      tpu.wait_indirect_dma semaphore(%arg11 : memref<!tpu.dma_semaphore, #tpu.memory_space<semaphore_mem>>) src(%dma_wait3A_34 : memref<50000x16xf32, #tpu.memory_space<hbm>>) dst(%arg8 : memref<2048x16xf32, #tpu.memory_space<vmem>>)
      %dma_start3A_35 = arith.constant 0 : i32
      %dma_start3A_36 = arith.constant 0 : i32
      %dma_start3A_37 = tpu.memref_slice %arg10[%dma_start3A_35, %dma_start3A_36] : memref<75008x16xf32, #tpu.memory_space<vmem_shared>> -> memref<75008x16xf32, #tpu.memory_space<vmem_shared>>
      tpu.enqueue_indirect_dma source(%arg8 : memref<2048x16xf32, #tpu.memory_space<vmem>>) target(%dma_start3A_37 : memref<75008x16xf32, #tpu.memory_space<vmem_shared>>) offsets(%arg7 : memref<2048xi32, #tpu.memory_space<vmem>>) semaphore(%arg12 : memref<!tpu.dma_semaphore, #tpu.memory_space<semaphore_mem>>) {add = true}
      %dma_wait3A_38 = arith.constant 0 : i32
      %dma_wait3A_39 = arith.constant 0 : i32
      %dma_wait3A_40 = tpu.memref_slice %arg10[%dma_wait3A_38, %dma_wait3A_39] : memref<75008x16xf32, #tpu.memory_space<vmem_shared>> -> memref<75008x16xf32, #tpu.memory_space<vmem_shared>>
      tpu.wait_indirect_dma semaphore(%arg12 : memref<!tpu.dma_semaphore, #tpu.memory_space<semaphore_mem>>) src(%arg8 : memref<2048x16xf32, #tpu.memory_space<vmem>>) dst(%dma_wait3A_40 : memref<75008x16xf32, #tpu.memory_space<vmem_shared>>)
    }
    %scan3A_19 = arith.constant 25 : i32
    %barrier3A_20 = arith.constant 0 : index
    tpu.barrier barrier_id(%barrier3A_20)
    %mul3A_21 = arith.constant 4688 : i32
    %mul3A_22 = arith.muli %arg1, %mul3A_21 : i32
    %mul3A_23 = arith.constant 4688 : i32
    %mul3A_24 = arith.muli %arg1, %mul3A_23 : i32
    "tpu.region"() ({
      %run_scoped3A = tpu.sem_alloc : memref<!tpu.dma_semaphore, #tpu.memory_space<semaphore_mem>>
      %dma_start3A = arith.constant 0 : i32
      %dma_start3A_25 = arith.constant 0 : i32
      %dma_start3A_26 = tpu.memref_slice %arg5[%arg0, %dma_start3A, %dma_start3A_25] : memref<2x75008x16xf32, #tpu.memory_space<hbm>> -> memref<1x75008x16xf32, #tpu.memory_space<hbm>>
      %dma_start3A_27 = tpu.memref_squeeze %dma_start3A_26 : memref<1x75008x16xf32, #tpu.memory_space<hbm>> -> memref<75008x16xf32, #tpu.memory_space<hbm>>
      %dma_start3A_28 = arith.constant 0 : i32
      %dma_start3A_29 = tpu.memref_slice %dma_start3A_27[%mul3A_24, %dma_start3A_28] : memref<75008x16xf32, #tpu.memory_space<hbm>> -> memref<4688x16xf32, #tpu.memory_space<hbm>>
      %dma_start3A_30 = arith.constant 0 : i32
      %dma_start3A_31 = tpu.memref_slice %arg10[%mul3A_22, %dma_start3A_30] : memref<75008x16xf32, #tpu.memory_space<vmem_shared>> -> memref<4688x16xf32, #tpu.memory_space<vmem_shared>>
      tpu.enqueue_dma source(%dma_start3A_31 : memref<4688x16xf32, #tpu.memory_space<vmem_shared>>) target(%dma_start3A_29 : memref<4688x16xf32, #tpu.memory_space<hbm>>) target_semaphore(%run_scoped3A : memref<!tpu.dma_semaphore, #tpu.memory_space<semaphore_mem>>)
      %dma_wait3A = arith.constant 0 : i32
      %dma_wait3A_32 = arith.constant 0 : i32
      %dma_wait3A_33 = tpu.memref_slice %arg5[%arg0, %dma_wait3A, %dma_wait3A_32] : memref<2x75008x16xf32, #tpu.memory_space<hbm>> -> memref<1x75008x16xf32, #tpu.memory_space<hbm>>
      %dma_wait3A_34 = tpu.memref_squeeze %dma_wait3A_33 : memref<1x75008x16xf32, #tpu.memory_space<hbm>> -> memref<75008x16xf32, #tpu.memory_space<hbm>>
      %dma_wait3A_35 = arith.constant 0 : i32
      %dma_wait3A_36 = tpu.memref_slice %dma_wait3A_34[%mul3A_24, %dma_wait3A_35] : memref<75008x16xf32, #tpu.memory_space<hbm>> -> memref<4688x16xf32, #tpu.memory_space<hbm>>
      %dma_wait3A_37 = arith.constant 0 : i32
      %dma_wait3A_38 = tpu.memref_slice %arg10[%mul3A_22, %dma_wait3A_37] : memref<75008x16xf32, #tpu.memory_space<vmem_shared>> -> memref<4688x16xf32, #tpu.memory_space<vmem_shared>>
      tpu.wait_dma2 semaphore(%run_scoped3A : memref<!tpu.dma_semaphore, #tpu.memory_space<semaphore_mem>>) src(%dma_wait3A_38 : memref<4688x16xf32, #tpu.memory_space<vmem_shared>>) dst(%dma_wait3A_36 : memref<4688x16xf32, #tpu.memory_space<hbm>>)
      tpu.yield
    }) : () -> ()
    return
  }
}

#map = affine_map<(d0, d1) -> (0, 0)>
#map1 = affine_map<(d0, d1) -> (0)>
#map2 = affine_map<(d0, d1) -> (0, 0, 0)>
module attributes {stable_mosaic.version = 14 : i64} {
  func.func @agg(%arg0: i32, %arg1: i32, %arg2: memref<50000x16xf32, #tpu.memory_space<hbm>>, %arg3: memref<819200xi32, #tpu.memory_space<hbm>>, %arg4: memref<2x819200xi32, #tpu.memory_space<hbm>>, %arg5: memref<2x75008x16xf32, #tpu.memory_space<hbm>>, %arg6: memref<2048xi32, #tpu.memory_space<vmem>>, %arg7: memref<2048xi32, #tpu.memory_space<vmem>>, %arg8: memref<2048x16xf32, #tpu.memory_space<vmem>>, %arg9: memref<128x16xf32, #tpu.memory_space<vmem>>, %arg10: memref<75008x16xf32, #tpu.memory_space<vmem_shared>>, %arg11: memref<!tpu.dma_semaphore, #tpu.memory_space<semaphore_mem>>, %arg12: memref<!tpu.dma_semaphore, #tpu.memory_space<semaphore_mem>>) attributes {dimension_semantics = [#tpu.dimension_semantics<core_parallel>, #tpu.dimension_semantics<subcore_parallel>], iteration_bounds = array<i64: 2, 16>, scalar_prefetch = 0 : i64, scratch_operands = 7 : i64, tpu.core_type = #tpu.core_type<sc_vector_subcore>, window_params = [{transform_indices = #map}, {transform_indices = #map1}, {transform_indices = #map}, {transform_indices = #map2}]} {
    %scan3A = arith.constant 0 : i32
    %scan3A_0 = arith.constant 0 : i32
    %scan3A_1 = arith.constant 128 : i32
    %scan3A_2 = arith.addi %scan3A_0, %scan3A_1 : i32
    %scan3A_3 = arith.constant 1 : i32
    scf.for %scan3A_25 = %scan3A_0 to %scan3A_2 step %scan3A_3  : i32 {
      %broadcast_in_dim3A = arith.constant 0.000000e+00 : f32
      %broadcast_in_dim3A_26 = vector.broadcast %broadcast_in_dim3A : f32 to vector<16xf32>
      %swap3A = arith.index_cast %scan3A_25 : i32 to index
      %swap3A_27 = arith.constant 0 : index
      %swap3A_28 = tpu.vector_load %arg9[%swap3A, %swap3A_27] {strides = array<i32>} : memref<128x16xf32, #tpu.memory_space<vmem>>, vector<1x16xf32>,
      %swap3A_29 = vector.shape_cast %swap3A_28 : vector<1x16xf32> to vector<16xf32>
      %swap3A_30 = vector.shape_cast %broadcast_in_dim3A_26 : vector<16xf32> to vector<1x16xf32>
      tpu.vector_store %arg9[%swap3A, %swap3A_27], %swap3A_30 {strides = array<i32>} : memref<128x16xf32, #tpu.memory_space<vmem>>, vector<1x16xf32>,
    }
    %scan3A_4 = arith.constant 128 : i32
    %scan3A_5 = arith.constant 0 : i32
    %scan3A_6 = arith.constant 0 : i32
    %scan3A_7 = arith.constant 36 : i32
    %scan3A_8 = arith.addi %scan3A_6, %scan3A_7 : i32
    %scan3A_9 = arith.constant 1 : i32
    scf.for %scan3A_25 = %scan3A_6 to %scan3A_8 step %scan3A_9  : i32 {
      %mul3A_26 = arith.constant 4688 : i32
      %mul3A_27 = arith.muli %arg1, %mul3A_26 : i32
      %mul3A_28 = arith.constant 128 : i32
      %mul3A_29 = arith.muli %scan3A_25, %mul3A_28 : i32
      %add3A_30 = arith.addi %mul3A_27, %mul3A_29 : i32
      "tpu.region"() ({
        %run_scoped3A = tpu.sem_alloc : memref<!tpu.dma_semaphore, #tpu.memory_space<semaphore_mem>>
        %dma_start3A = arith.constant 0 : i32
        %dma_start3A_31 = tpu.memref_slice %arg10[%add3A_30, %dma_start3A] : memref<75008x16xf32, #tpu.memory_space<vmem_shared>> -> memref<128x16xf32, #tpu.memory_space<vmem_shared>>
        %dma_start3A_32 = arith.constant 0 : i32
        %dma_start3A_33 = tpu.memref_slice %arg10[%add3A_30, %dma_start3A_32] : memref<75008x16xf32, #tpu.memory_space<vmem_shared>> -> memref<128x16xf32, #tpu.memory_space<vmem_shared>>
        tpu.enqueue_dma source(%arg9 : memref<128x16xf32, #tpu.memory_space<vmem>>) target(%dma_start3A_33 : memref<128x16xf32, #tpu.memory_space<vmem_shared>>) target_semaphore(%run_scoped3A : memref<!tpu.dma_semaphore, #tpu.memory_space<semaphore_mem>>)
        %dma_wait3A = arith.constant 0 : i32
        %dma_wait3A_34 = tpu.memref_slice %arg10[%add3A_30, %dma_wait3A] : memref<75008x16xf32, #tpu.memory_space<vmem_shared>> -> memref<128x16xf32, #tpu.memory_space<vmem_shared>>
        %dma_wait3A_35 = arith.constant 0 : i32
        %dma_wait3A_36 = tpu.memref_slice %arg10[%add3A_30, %dma_wait3A_35] : memref<75008x16xf32, #tpu.memory_space<vmem_shared>> -> memref<128x16xf32, #tpu.memory_space<vmem_shared>>
        tpu.wait_dma2 semaphore(%run_scoped3A : memref<!tpu.dma_semaphore, #tpu.memory_space<semaphore_mem>>) src(%arg9 : memref<128x16xf32, #tpu.memory_space<vmem>>) dst(%dma_wait3A_36 : memref<128x16xf32, #tpu.memory_space<vmem_shared>>)
        tpu.yield
      }) : () -> ()
    }
    %scan3A_10 = arith.constant 36 : i32
    %mul3A = arith.constant 4688 : i32
    %mul3A_11 = arith.muli %arg1, %mul3A : i32
    %add3A = arith.constant 4688 : i32
    %add3A_12 = arith.addi %mul3A_11, %add3A : i32
    %sub3A = arith.constant 80 : i32
    %sub3A_13 = arith.subi %add3A_12, %sub3A : i32
    "tpu.region"() ({
      %run_scoped3A = tpu.sem_alloc : memref<!tpu.dma_semaphore, #tpu.memory_space<semaphore_mem>>
      %dma_start3A = arith.constant 0 : i32
      %dma_start3A_25 = arith.constant 0 : i32
      %dma_start3A_26 = tpu.memref_slice %arg9[%dma_start3A, %dma_start3A_25] : memref<128x16xf32, #tpu.memory_space<vmem>> -> memref<80x16xf32, #tpu.memory_space<vmem>>
      %dma_start3A_27 = arith.constant 0 : i32
      %dma_start3A_28 = tpu.memref_slice %arg10[%sub3A_13, %dma_start3A_27] : memref<75008x16xf32, #tpu.memory_space<vmem_shared>> -> memref<80x16xf32, #tpu.memory_space<vmem_shared>>
      %dma_start3A_29 = arith.constant 0 : i32
      %dma_start3A_30 = tpu.memref_slice %arg10[%sub3A_13, %dma_start3A_29] : memref<75008x16xf32, #tpu.memory_space<vmem_shared>> -> memref<80x16xf32, #tpu.memory_space<vmem_shared>>
      %dma_start3A_31 = arith.constant 0 : i32
      %dma_start3A_32 = arith.constant 0 : i32
      %dma_start3A_33 = tpu.memref_slice %arg9[%dma_start3A_31, %dma_start3A_32] : memref<128x16xf32, #tpu.memory_space<vmem>> -> memref<80x16xf32, #tpu.memory_space<vmem>>
      tpu.enqueue_dma source(%dma_start3A_33 : memref<80x16xf32, #tpu.memory_space<vmem>>) target(%dma_start3A_30 : memref<80x16xf32, #tpu.memory_space<vmem_shared>>) target_semaphore(%run_scoped3A : memref<!tpu.dma_semaphore, #tpu.memory_space<semaphore_mem>>)
      %dma_wait3A = arith.constant 0 : i32
      %dma_wait3A_34 = arith.constant 0 : i32
      %dma_wait3A_35 = tpu.memref_slice %arg9[%dma_wait3A, %dma_wait3A_34] : memref<128x16xf32, #tpu.memory_space<vmem>> -> memref<80x16xf32, #tpu.memory_space<vmem>>
      %dma_wait3A_36 = arith.constant 0 : i32
      %dma_wait3A_37 = tpu.memref_slice %arg10[%sub3A_13, %dma_wait3A_36] : memref<75008x16xf32, #tpu.memory_space<vmem_shared>> -> memref<80x16xf32, #tpu.memory_space<vmem_shared>>
      %dma_wait3A_38 = arith.constant 0 : i32
      %dma_wait3A_39 = tpu.memref_slice %arg10[%sub3A_13, %dma_wait3A_38] : memref<75008x16xf32, #tpu.memory_space<vmem_shared>> -> memref<80x16xf32, #tpu.memory_space<vmem_shared>>
      %dma_wait3A_40 = arith.constant 0 : i32
      %dma_wait3A_41 = arith.constant 0 : i32
      %dma_wait3A_42 = tpu.memref_slice %arg9[%dma_wait3A_40, %dma_wait3A_41] : memref<128x16xf32, #tpu.memory_space<vmem>> -> memref<80x16xf32, #tpu.memory_space<vmem>>
      tpu.wait_dma2 semaphore(%run_scoped3A : memref<!tpu.dma_semaphore, #tpu.memory_space<semaphore_mem>>) src(%dma_wait3A_42 : memref<80x16xf32, #tpu.memory_space<vmem>>) dst(%dma_wait3A_39 : memref<80x16xf32, #tpu.memory_space<vmem_shared>>)
      tpu.yield
    }) : () -> ()
    %barrier3A = arith.constant 0 : index
    tpu.barrier barrier_id(%barrier3A)
    %scan3A_14 = arith.constant 0 : i32
    %scan3A_15 = arith.constant 0 : i32
    %scan3A_16 = arith.constant 25 : i32
    %scan3A_17 = arith.addi %scan3A_15, %scan3A_16 : i32
    %scan3A_18 = arith.constant 1 : i32
    scf.for %scan3A_25 = %scan3A_15 to %scan3A_17 step %scan3A_18  : i32 {
      %mul3A_26 = arith.constant 51200 : i32
      %mul3A_27 = arith.muli %arg1, %mul3A_26 : i32
      %mul3A_28 = arith.constant 2048 : i32
      %mul3A_29 = arith.muli %scan3A_25, %mul3A_28 : i32
      %add3A_30 = arith.addi %mul3A_27, %mul3A_29 : i32
      "tpu.region"() ({
        %run_scoped3A = tpu.sem_alloc : memref<!tpu.dma_semaphore, #tpu.memory_space<semaphore_mem>>
        %dma_start3A_41 = arith.constant 0 : i32
        %dma_start3A_42 = tpu.memref_slice %arg4[%arg0, %dma_start3A_41] : memref<2x819200xi32, #tpu.memory_space<hbm>> -> memref<1x819200xi32, #tpu.memory_space<hbm>>
        %dma_start3A_43 = tpu.memref_squeeze %dma_start3A_42 : memref<1x819200xi32, #tpu.memory_space<hbm>> -> memref<819200xi32, #tpu.memory_space<hbm>>
        %dma_start3A_44 = tpu.memref_slice %dma_start3A_43[%add3A_30] : memref<819200xi32, #tpu.memory_space<hbm>> -> memref<2048xi32, #tpu.memory_space<hbm>>
        %dma_start3A_45 = arith.constant 0 : i32
        %dma_start3A_46 = tpu.memref_slice %arg4[%arg0, %dma_start3A_45] : memref<2x819200xi32, #tpu.memory_space<hbm>> -> memref<1x819200xi32, #tpu.memory_space<hbm>>
        %dma_start3A_47 = tpu.memref_squeeze %dma_start3A_46 : memref<1x819200xi32, #tpu.memory_space<hbm>> -> memref<819200xi32, #tpu.memory_space<hbm>>
        %dma_start3A_48 = tpu.memref_slice %dma_start3A_47[%add3A_30] : memref<819200xi32, #tpu.memory_space<hbm>> -> memref<2048xi32, #tpu.memory_space<hbm>>
        tpu.enqueue_dma source(%dma_start3A_48 : memref<2048xi32, #tpu.memory_space<hbm>>) target(%arg7 : memref<2048xi32, #tpu.memory_space<vmem>>) target_semaphore(%run_scoped3A : memref<!tpu.dma_semaphore, #tpu.memory_space<semaphore_mem>>)
        %dma_wait3A_49 = arith.constant 0 : i32
        %dma_wait3A_50 = tpu.memref_slice %arg4[%arg0, %dma_wait3A_49] : memref<2x819200xi32, #tpu.memory_space<hbm>> -> memref<1x819200xi32, #tpu.memory_space<hbm>>
        %dma_wait3A_51 = tpu.memref_squeeze %dma_wait3A_50 : memref<1x819200xi32, #tpu.memory_space<hbm>> -> memref<819200xi32, #tpu.memory_space<hbm>>
        %dma_wait3A_52 = tpu.memref_slice %dma_wait3A_51[%add3A_30] : memref<819200xi32, #tpu.memory_space<hbm>> -> memref<2048xi32, #tpu.memory_space<hbm>>
        %dma_wait3A_53 = arith.constant 0 : i32
        %dma_wait3A_54 = tpu.memref_slice %arg4[%arg0, %dma_wait3A_53] : memref<2x819200xi32, #tpu.memory_space<hbm>> -> memref<1x819200xi32, #tpu.memory_space<hbm>>
        %dma_wait3A_55 = tpu.memref_squeeze %dma_wait3A_54 : memref<1x819200xi32, #tpu.memory_space<hbm>> -> memref<819200xi32, #tpu.memory_space<hbm>>
        %dma_wait3A_56 = tpu.memref_slice %dma_wait3A_55[%add3A_30] : memref<819200xi32, #tpu.memory_space<hbm>> -> memref<2048xi32, #tpu.memory_space<hbm>>
        tpu.wait_dma2 semaphore(%run_scoped3A : memref<!tpu.dma_semaphore, #tpu.memory_space<semaphore_mem>>) src(%dma_wait3A_56 : memref<2048xi32, #tpu.memory_space<hbm>>) dst(%arg7 : memref<2048xi32, #tpu.memory_space<vmem>>)
        tpu.yield
      }) : () -> ()
      "tpu.region"() ({
        %run_scoped3A = tpu.sem_alloc : memref<!tpu.dma_semaphore, #tpu.memory_space<semaphore_mem>>
        %dma_start3A_41 = tpu.memref_slice %arg3[%add3A_30] : memref<819200xi32, #tpu.memory_space<hbm>> -> memref<2048xi32, #tpu.memory_space<hbm>>
        %dma_start3A_42 = tpu.memref_slice %arg3[%add3A_30] : memref<819200xi32, #tpu.memory_space<hbm>> -> memref<2048xi32, #tpu.memory_space<hbm>>
        tpu.enqueue_dma source(%dma_start3A_42 : memref<2048xi32, #tpu.memory_space<hbm>>) target(%arg6 : memref<2048xi32, #tpu.memory_space<vmem>>) target_semaphore(%run_scoped3A : memref<!tpu.dma_semaphore, #tpu.memory_space<semaphore_mem>>)
        %dma_wait3A_43 = tpu.memref_slice %arg3[%add3A_30] : memref<819200xi32, #tpu.memory_space<hbm>> -> memref<2048xi32, #tpu.memory_space<hbm>>
        %dma_wait3A_44 = tpu.memref_slice %arg3[%add3A_30] : memref<819200xi32, #tpu.memory_space<hbm>> -> memref<2048xi32, #tpu.memory_space<hbm>>
        tpu.wait_dma2 semaphore(%run_scoped3A : memref<!tpu.dma_semaphore, #tpu.memory_space<semaphore_mem>>) src(%dma_wait3A_44 : memref<2048xi32, #tpu.memory_space<hbm>>) dst(%arg6 : memref<2048xi32, #tpu.memory_space<vmem>>)
        tpu.yield
      }) : () -> ()
      %dma_start3A = arith.constant 0 : i32
      %dma_start3A_31 = arith.constant 0 : i32
      %dma_start3A_32 = tpu.memref_slice %arg2[%dma_start3A, %dma_start3A_31] : memref<50000x16xf32, #tpu.memory_space<hbm>> -> memref<50000x16xf32, #tpu.memory_space<hbm>>
      tpu.enqueue_indirect_dma source(%dma_start3A_32 : memref<50000x16xf32, #tpu.memory_space<hbm>>) target(%arg8 : memref<2048x16xf32, #tpu.memory_space<vmem>>) offsets(%arg6 : memref<2048xi32, #tpu.memory_space<vmem>>) semaphore(%arg11 : memref<!tpu.dma_semaphore, #tpu.memory_space<semaphore_mem>>)
      %dma_wait3A = arith.constant 0 : i32
      %dma_wait3A_33 = arith.constant 0 : i32
      %dma_wait3A_34 = tpu.memref_slice %arg2[%dma_wait3A, %dma_wait3A_33] : memref<50000x16xf32, #tpu.memory_space<hbm>> -> memref<50000x16xf32, #tpu.memory_space<hbm>>
      tpu.wait_indirect_dma semaphore(%arg11 : memref<!tpu.dma_semaphore, #tpu.memory_space<semaphore_mem>>) src(%dma_wait3A_34 : memref<50000x16xf32, #tpu.memory_space<hbm>>) dst(%arg8 : memref<2048x16xf32, #tpu.memory_space<vmem>>)
      %dma_start3A_35 = arith.constant 0 : i32
      %dma_start3A_36 = arith.constant 0 : i32
      %dma_start3A_37 = tpu.memref_slice %arg10[%dma_start3A_35, %dma_start3A_36] : memref<75008x16xf32, #tpu.memory_space<vmem_shared>> -> memref<75008x16xf32, #tpu.memory_space<vmem_shared>>
      tpu.enqueue_indirect_dma source(%arg8 : memref<2048x16xf32, #tpu.memory_space<vmem>>) target(%dma_start3A_37 : memref<75008x16xf32, #tpu.memory_space<vmem_shared>>) offsets(%arg7 : memref<2048xi32, #tpu.memory_space<vmem>>) semaphore(%arg12 : memref<!tpu.dma_semaphore, #tpu.memory_space<semaphore_mem>>) {add = true}
      %dma_wait3A_38 = arith.constant 0 : i32
      %dma_wait3A_39 = arith.constant 0 : i32
      %dma_wait3A_40 = tpu.memref_slice %arg10[%dma_wait3A_38, %dma_wait3A_39] : memref<75008x16xf32, #tpu.memory_space<vmem_shared>> -> memref<75008x16xf32, #tpu.memory_space<vmem_shared>>
      tpu.wait_indirect_dma semaphore(%arg12 : memref<!tpu.dma_semaphore, #tpu.memory_space<semaphore_mem>>) src(%arg8 : memref<2048x16xf32, #tpu.memory_space<vmem>>) dst(%dma_wait3A_40 : memref<75008x16xf32, #tpu.memory_space<vmem_shared>>)
    }
    %scan3A_19 = arith.constant 25 : i32
    %barrier3A_20 = arith.constant 0 : index
    tpu.barrier barrier_id(%barrier3A_20)
    %mul3A_21 = arith.constant 4688 : i32
    %mul3A_22 = arith.muli %arg1, %mul3A_21 : i32
    %mul3A_23 = arith.constant 4688 : i32
    %mul3A_24 = arith.muli %arg1, %mul3A_23 : i32
    "tpu.region"() ({
      %run_scoped3A = tpu.sem_alloc : memref<!tpu.dma_semaphore, #tpu.memory_space<semaphore_mem>>
      %dma_start3A = arith.constant 0 : i32
      %dma_start3A_25 = arith.constant 0 : i32
      %dma_start3A_26 = tpu.memref_slice %arg5[%arg0, %dma_start3A, %dma_start3A_25] : memref<2x75008x16xf32, #tpu.memory_space<hbm>> -> memref<1x75008x16xf32, #tpu.memory_space<hbm>>
      %dma_start3A_27 = tpu.memref_squeeze %dma_start3A_26 : memref<1x75008x16xf32, #tpu.memory_space<hbm>> -> memref<75008x16xf32, #tpu.memory_space<hbm>>
      %dma_start3A_28 = arith.constant 0 : i32
      %dma_start3A_29 = tpu.memref_slice %dma_start3A_27[%mul3A_24, %dma_start3A_28] : memref<75008x16xf32, #tpu.memory_space<hbm>> -> memref<4688x16xf32, #tpu.memory_space<hbm>>
      %dma_start3A_30 = arith.constant 0 : i32
      %dma_start3A_31 = tpu.memref_slice %arg10[%mul3A_22, %dma_start3A_30] : memref<75008x16xf32, #tpu.memory_space<vmem_shared>> -> memref<4688x16xf32, #tpu.memory_space<vmem_shared>>
      tpu.enqueue_dma source(%dma_start3A_31 : memref<4688x16xf32, #tpu.memory_space<vmem_shared>>) target(%dma_start3A_29 : memref<4688x16xf32, #tpu.memory_space<hbm>>) target_semaphore(%run_scoped3A : memref<!tpu.dma_semaphore, #tpu.memory_space<semaphore_mem>>)
      %dma_wait3A = arith.constant 0 : i32
      %dma_wait3A_32 = arith.constant 0 : i32
      %dma_wait3A_33 = tpu.memref_slice %arg5[%arg0, %dma_wait3A, %dma_wait3A_32] : memref<2x75008x16xf32, #tpu.memory_space<hbm>> -> memref<1x75008x16xf32, #tpu.memory_space<hbm>>
      %dma_wait3A_34 = tpu.memref_squeeze %dma_wait3A_33 : memref<1x75008x16xf32, #tpu.memory_space<hbm>> -> memref<75008x16xf32, #tpu.memory_space<hbm>>
      %dma_wait3A_35 = arith.constant 0 : i32
      %dma_wait3A_36 = tpu.memref_slice %dma_wait3A_34[%mul3A_24, %dma_wait3A_35] : memref<75008x16xf32, #tpu.memory_space<hbm>> -> memref<4688x16xf32, #tpu.memory_space<hbm>>
      %dma_wait3A_37 = arith.constant 0 : i32
      %dma_wait3A_38 = tpu.memref_slice %arg10[%mul3A_22, %dma_wait3A_37] : memref<75008x16xf32, #tpu.memory_space<vmem_shared>> -> memref<4688x16xf32, #tpu.memory_space<vmem_shared>>
      tpu.wait_dma2 semaphore(%run_scoped3A : memref<!tpu.dma_semaphore, #tpu.memory_space<semaphore_mem>>) src(%dma_wait3A_38 : memref<4688x16xf32, #tpu.memory_space<vmem_shared>>) dst(%dma_wait3A_36 : memref<4688x16xf32, #tpu.memory_space<hbm>>)
      tpu.yield
    }) : () -> ()
    return
  }
}

#map = affine_map<(d0, d1) -> (0, 0)>
#map1 = affine_map<(d0, d1) -> (0)>
#map2 = affine_map<(d0, d1) -> (0, 0, 0)>
module attributes {stable_mosaic.version = 14 : i64} {
  func.func @agg(%arg0: i32, %arg1: i32, %arg2: memref<8x16xf32, #tpu.memory_space<hbm>>, %arg3: memref<819200xi32, #tpu.memory_space<hbm>>, %arg4: memref<2x819200xi32, #tpu.memory_space<hbm>>, %arg5: memref<2x75008x16xf32, #tpu.memory_space<hbm>>, %arg6: memref<2048xi32, #tpu.memory_space<vmem>>, %arg7: memref<2048xi32, #tpu.memory_space<vmem>>, %arg8: memref<2048x16xf32, #tpu.memory_space<vmem>>, %arg9: memref<128x16xf32, #tpu.memory_space<vmem>>, %arg10: memref<75008x16xf32, #tpu.memory_space<vmem_shared>>, %arg11: memref<!tpu.dma_semaphore, #tpu.memory_space<semaphore_mem>>, %arg12: memref<!tpu.dma_semaphore, #tpu.memory_space<semaphore_mem>>) attributes {dimension_semantics = [#tpu.dimension_semantics<core_parallel>, #tpu.dimension_semantics<subcore_parallel>], iteration_bounds = array<i64: 2, 16>, scalar_prefetch = 0 : i64, scratch_operands = 7 : i64, tpu.core_type = #tpu.core_type<sc_vector_subcore>, window_params = [{transform_indices = #map}, {transform_indices = #map1}, {transform_indices = #map}, {transform_indices = #map2}]} {
    %scan3A = arith.constant 0 : i32
    %scan3A_0 = arith.constant 0 : i32
    %scan3A_1 = arith.constant 128 : i32
    %scan3A_2 = arith.addi %scan3A_0, %scan3A_1 : i32
    %scan3A_3 = arith.constant 1 : i32
    scf.for %scan3A_31 = %scan3A_0 to %scan3A_2 step %scan3A_3  : i32 {
      %broadcast_in_dim3A = arith.constant 0.000000e+00 : f32
      %broadcast_in_dim3A_32 = vector.broadcast %broadcast_in_dim3A : f32 to vector<16xf32>
      %swap3A = arith.index_cast %scan3A_31 : i32 to index
      %swap3A_33 = arith.constant 0 : index
      %swap3A_34 = tpu.vector_load %arg9[%swap3A, %swap3A_33] {strides = array<i32>} : memref<128x16xf32, #tpu.memory_space<vmem>>, vector<1x16xf32>,
      %swap3A_35 = vector.shape_cast %swap3A_34 : vector<1x16xf32> to vector<16xf32>
      %swap3A_36 = vector.shape_cast %broadcast_in_dim3A_32 : vector<16xf32> to vector<1x16xf32>
      tpu.vector_store %arg9[%swap3A, %swap3A_33], %swap3A_36 {strides = array<i32>} : memref<128x16xf32, #tpu.memory_space<vmem>>, vector<1x16xf32>,
    }
    %scan3A_4 = arith.constant 128 : i32
    %scan3A_5 = arith.constant 0 : i32
    %scan3A_6 = arith.constant 0 : i32
    %scan3A_7 = arith.constant 36 : i32
    %scan3A_8 = arith.addi %scan3A_6, %scan3A_7 : i32
    %scan3A_9 = arith.constant 1 : i32
    scf.for %scan3A_31 = %scan3A_6 to %scan3A_8 step %scan3A_9  : i32 {
      %mul3A_32 = arith.constant 4688 : i32
      %mul3A_33 = arith.muli %arg1, %mul3A_32 : i32
      %mul3A_34 = arith.constant 128 : i32
      %mul3A_35 = arith.muli %scan3A_31, %mul3A_34 : i32
      %add3A_36 = arith.addi %mul3A_33, %mul3A_35 : i32
      "tpu.region"() ({
        %run_scoped3A = tpu.sem_alloc : memref<!tpu.dma_semaphore, #tpu.memory_space<semaphore_mem>>
        %dma_start3A = arith.constant 0 : i32
        %dma_start3A_37 = tpu.memref_slice %arg10[%add3A_36, %dma_start3A] : memref<75008x16xf32, #tpu.memory_space<vmem_shared>> -> memref<128x16xf32, #tpu.memory_space<vmem_shared>>
        %dma_start3A_38 = arith.constant 0 : i32
        %dma_start3A_39 = tpu.memref_slice %arg10[%add3A_36, %dma_start3A_38] : memref<75008x16xf32, #tpu.memory_space<vmem_shared>> -> memref<128x16xf32, #tpu.memory_space<vmem_shared>>
        tpu.enqueue_dma source(%arg9 : memref<128x16xf32, #tpu.memory_space<vmem>>) target(%dma_start3A_39 : memref<128x16xf32, #tpu.memory_space<vmem_shared>>) target_semaphore(%run_scoped3A : memref<!tpu.dma_semaphore, #tpu.memory_space<semaphore_mem>>)
        %dma_wait3A = arith.constant 0 : i32
        %dma_wait3A_40 = tpu.memref_slice %arg10[%add3A_36, %dma_wait3A] : memref<75008x16xf32, #tpu.memory_space<vmem_shared>> -> memref<128x16xf32, #tpu.memory_space<vmem_shared>>
        %dma_wait3A_41 = arith.constant 0 : i32
        %dma_wait3A_42 = tpu.memref_slice %arg10[%add3A_36, %dma_wait3A_41] : memref<75008x16xf32, #tpu.memory_space<vmem_shared>> -> memref<128x16xf32, #tpu.memory_space<vmem_shared>>
        tpu.wait_dma2 semaphore(%run_scoped3A : memref<!tpu.dma_semaphore, #tpu.memory_space<semaphore_mem>>) src(%arg9 : memref<128x16xf32, #tpu.memory_space<vmem>>) dst(%dma_wait3A_42 : memref<128x16xf32, #tpu.memory_space<vmem_shared>>)
        tpu.yield
      }) : () -> ()
    }
    %scan3A_10 = arith.constant 36 : i32
    %mul3A = arith.constant 4688 : i32
    %mul3A_11 = arith.muli %arg1, %mul3A : i32
    %add3A = arith.constant 4688 : i32
    %add3A_12 = arith.addi %mul3A_11, %add3A : i32
    %sub3A = arith.constant 80 : i32
    %sub3A_13 = arith.subi %add3A_12, %sub3A : i32
    "tpu.region"() ({
      %run_scoped3A = tpu.sem_alloc : memref<!tpu.dma_semaphore, #tpu.memory_space<semaphore_mem>>
      %dma_start3A = arith.constant 0 : i32
      %dma_start3A_31 = arith.constant 0 : i32
      %dma_start3A_32 = tpu.memref_slice %arg9[%dma_start3A, %dma_start3A_31] : memref<128x16xf32, #tpu.memory_space<vmem>> -> memref<80x16xf32, #tpu.memory_space<vmem>>
      %dma_start3A_33 = arith.constant 0 : i32
      %dma_start3A_34 = tpu.memref_slice %arg10[%sub3A_13, %dma_start3A_33] : memref<75008x16xf32, #tpu.memory_space<vmem_shared>> -> memref<80x16xf32, #tpu.memory_space<vmem_shared>>
      %dma_start3A_35 = arith.constant 0 : i32
      %dma_start3A_36 = tpu.memref_slice %arg10[%sub3A_13, %dma_start3A_35] : memref<75008x16xf32, #tpu.memory_space<vmem_shared>> -> memref<80x16xf32, #tpu.memory_space<vmem_shared>>
      %dma_start3A_37 = arith.constant 0 : i32
      %dma_start3A_38 = arith.constant 0 : i32
      %dma_start3A_39 = tpu.memref_slice %arg9[%dma_start3A_37, %dma_start3A_38] : memref<128x16xf32, #tpu.memory_space<vmem>> -> memref<80x16xf32, #tpu.memory_space<vmem>>
      tpu.enqueue_dma source(%dma_start3A_39 : memref<80x16xf32, #tpu.memory_space<vmem>>) target(%dma_start3A_36 : memref<80x16xf32, #tpu.memory_space<vmem_shared>>) target_semaphore(%run_scoped3A : memref<!tpu.dma_semaphore, #tpu.memory_space<semaphore_mem>>)
      %dma_wait3A = arith.constant 0 : i32
      %dma_wait3A_40 = arith.constant 0 : i32
      %dma_wait3A_41 = tpu.memref_slice %arg9[%dma_wait3A, %dma_wait3A_40] : memref<128x16xf32, #tpu.memory_space<vmem>> -> memref<80x16xf32, #tpu.memory_space<vmem>>
      %dma_wait3A_42 = arith.constant 0 : i32
      %dma_wait3A_43 = tpu.memref_slice %arg10[%sub3A_13, %dma_wait3A_42] : memref<75008x16xf32, #tpu.memory_space<vmem_shared>> -> memref<80x16xf32, #tpu.memory_space<vmem_shared>>
      %dma_wait3A_44 = arith.constant 0 : i32
      %dma_wait3A_45 = tpu.memref_slice %arg10[%sub3A_13, %dma_wait3A_44] : memref<75008x16xf32, #tpu.memory_space<vmem_shared>> -> memref<80x16xf32, #tpu.memory_space<vmem_shared>>
      %dma_wait3A_46 = arith.constant 0 : i32
      %dma_wait3A_47 = arith.constant 0 : i32
      %dma_wait3A_48 = tpu.memref_slice %arg9[%dma_wait3A_46, %dma_wait3A_47] : memref<128x16xf32, #tpu.memory_space<vmem>> -> memref<80x16xf32, #tpu.memory_space<vmem>>
      tpu.wait_dma2 semaphore(%run_scoped3A : memref<!tpu.dma_semaphore, #tpu.memory_space<semaphore_mem>>) src(%dma_wait3A_48 : memref<80x16xf32, #tpu.memory_space<vmem>>) dst(%dma_wait3A_45 : memref<80x16xf32, #tpu.memory_space<vmem_shared>>)
      tpu.yield
    }) : () -> ()
    %scan3A_14 = arith.constant 0 : i32
    %scan3A_15 = arith.constant 0 : i32
    %scan3A_16 = arith.constant 2048 : i32
    %scan3A_17 = arith.addi %scan3A_15, %scan3A_16 : i32
    %scan3A_18 = arith.constant 1 : i32
    scf.for %scan3A_31 = %scan3A_15 to %scan3A_17 step %scan3A_18  : i32 {
      %broadcast_in_dim3A = arith.constant 1.000000e+00 : f32
      %broadcast_in_dim3A_32 = vector.broadcast %broadcast_in_dim3A : f32 to vector<16xf32>
      %swap3A = arith.index_cast %scan3A_31 : i32 to index
      %swap3A_33 = arith.constant 0 : index
      %swap3A_34 = tpu.vector_load %arg8[%swap3A, %swap3A_33] {strides = array<i32>} : memref<2048x16xf32, #tpu.memory_space<vmem>>, vector<1x16xf32>,
      %swap3A_35 = vector.shape_cast %swap3A_34 : vector<1x16xf32> to vector<16xf32>
      %swap3A_36 = vector.shape_cast %broadcast_in_dim3A_32 : vector<16xf32> to vector<1x16xf32>
      tpu.vector_store %arg8[%swap3A, %swap3A_33], %swap3A_36 {strides = array<i32>} : memref<2048x16xf32, #tpu.memory_space<vmem>>, vector<1x16xf32>,
    }
    %scan3A_19 = arith.constant 2048 : i32
    %barrier3A = arith.constant 0 : index
    tpu.barrier barrier_id(%barrier3A)
    %scan3A_20 = arith.constant 0 : i32
    %scan3A_21 = arith.constant 0 : i32
    %scan3A_22 = arith.constant 25 : i32
    %scan3A_23 = arith.addi %scan3A_21, %scan3A_22 : i32
    %scan3A_24 = arith.constant 1 : i32
    scf.for %scan3A_31 = %scan3A_21 to %scan3A_23 step %scan3A_24  : i32 {
      %mul3A_32 = arith.constant 51200 : i32
      %mul3A_33 = arith.muli %arg1, %mul3A_32 : i32
      %mul3A_34 = arith.constant 2048 : i32
      %mul3A_35 = arith.muli %scan3A_31, %mul3A_34 : i32
      %add3A_36 = arith.addi %mul3A_33, %mul3A_35 : i32
      "tpu.region"() ({
        %run_scoped3A = tpu.sem_alloc : memref<!tpu.dma_semaphore, #tpu.memory_space<semaphore_mem>>
        %dma_start3A_41 = arith.constant 0 : i32
        %dma_start3A_42 = tpu.memref_slice %arg4[%arg0, %dma_start3A_41] : memref<2x819200xi32, #tpu.memory_space<hbm>> -> memref<1x819200xi32, #tpu.memory_space<hbm>>
        %dma_start3A_43 = tpu.memref_squeeze %dma_start3A_42 : memref<1x819200xi32, #tpu.memory_space<hbm>> -> memref<819200xi32, #tpu.memory_space<hbm>>
        %dma_start3A_44 = tpu.memref_slice %dma_start3A_43[%add3A_36] : memref<819200xi32, #tpu.memory_space<hbm>> -> memref<2048xi32, #tpu.memory_space<hbm>>
        %dma_start3A_45 = arith.constant 0 : i32
        %dma_start3A_46 = tpu.memref_slice %arg4[%arg0, %dma_start3A_45] : memref<2x819200xi32, #tpu.memory_space<hbm>> -> memref<1x819200xi32, #tpu.memory_space<hbm>>
        %dma_start3A_47 = tpu.memref_squeeze %dma_start3A_46 : memref<1x819200xi32, #tpu.memory_space<hbm>> -> memref<819200xi32, #tpu.memory_space<hbm>>
        %dma_start3A_48 = tpu.memref_slice %dma_start3A_47[%add3A_36] : memref<819200xi32, #tpu.memory_space<hbm>> -> memref<2048xi32, #tpu.memory_space<hbm>>
        tpu.enqueue_dma source(%dma_start3A_48 : memref<2048xi32, #tpu.memory_space<hbm>>) target(%arg7 : memref<2048xi32, #tpu.memory_space<vmem>>) target_semaphore(%run_scoped3A : memref<!tpu.dma_semaphore, #tpu.memory_space<semaphore_mem>>)
        %dma_wait3A_49 = arith.constant 0 : i32
        %dma_wait3A_50 = tpu.memref_slice %arg4[%arg0, %dma_wait3A_49] : memref<2x819200xi32, #tpu.memory_space<hbm>> -> memref<1x819200xi32, #tpu.memory_space<hbm>>
        %dma_wait3A_51 = tpu.memref_squeeze %dma_wait3A_50 : memref<1x819200xi32, #tpu.memory_space<hbm>> -> memref<819200xi32, #tpu.memory_space<hbm>>
        %dma_wait3A_52 = tpu.memref_slice %dma_wait3A_51[%add3A_36] : memref<819200xi32, #tpu.memory_space<hbm>> -> memref<2048xi32, #tpu.memory_space<hbm>>
        %dma_wait3A_53 = arith.constant 0 : i32
        %dma_wait3A_54 = tpu.memref_slice %arg4[%arg0, %dma_wait3A_53] : memref<2x819200xi32, #tpu.memory_space<hbm>> -> memref<1x819200xi32, #tpu.memory_space<hbm>>
        %dma_wait3A_55 = tpu.memref_squeeze %dma_wait3A_54 : memref<1x819200xi32, #tpu.memory_space<hbm>> -> memref<819200xi32, #tpu.memory_space<hbm>>
        %dma_wait3A_56 = tpu.memref_slice %dma_wait3A_55[%add3A_36] : memref<819200xi32, #tpu.memory_space<hbm>> -> memref<2048xi32, #tpu.memory_space<hbm>>
        tpu.wait_dma2 semaphore(%run_scoped3A : memref<!tpu.dma_semaphore, #tpu.memory_space<semaphore_mem>>) src(%dma_wait3A_56 : memref<2048xi32, #tpu.memory_space<hbm>>) dst(%arg7 : memref<2048xi32, #tpu.memory_space<vmem>>)
        tpu.yield
      }) : () -> ()
      %dma_start3A = arith.constant 0 : i32
      %dma_start3A_37 = arith.constant 0 : i32
      %dma_start3A_38 = tpu.memref_slice %arg10[%dma_start3A, %dma_start3A_37] : memref<75008x16xf32, #tpu.memory_space<vmem_shared>> -> memref<75008x16xf32, #tpu.memory_space<vmem_shared>>
      tpu.enqueue_indirect_dma source(%arg8 : memref<2048x16xf32, #tpu.memory_space<vmem>>) target(%dma_start3A_38 : memref<75008x16xf32, #tpu.memory_space<vmem_shared>>) offsets(%arg7 : memref<2048xi32, #tpu.memory_space<vmem>>) semaphore(%arg12 : memref<!tpu.dma_semaphore, #tpu.memory_space<semaphore_mem>>) {add = true}
      %dma_wait3A = arith.constant 0 : i32
      %dma_wait3A_39 = arith.constant 0 : i32
      %dma_wait3A_40 = tpu.memref_slice %arg10[%dma_wait3A, %dma_wait3A_39] : memref<75008x16xf32, #tpu.memory_space<vmem_shared>> -> memref<75008x16xf32, #tpu.memory_space<vmem_shared>>
      tpu.wait_indirect_dma semaphore(%arg12 : memref<!tpu.dma_semaphore, #tpu.memory_space<semaphore_mem>>) src(%arg8 : memref<2048x16xf32, #tpu.memory_space<vmem>>) dst(%dma_wait3A_40 : memref<75008x16xf32, #tpu.memory_space<vmem_shared>>)
    }
    %scan3A_25 = arith.constant 25 : i32
    %barrier3A_26 = arith.constant 0 : index
    tpu.barrier barrier_id(%barrier3A_26)
    %mul3A_27 = arith.constant 4688 : i32
    %mul3A_28 = arith.muli %arg1, %mul3A_27 : i32
    %mul3A_29 = arith.constant 4688 : i32
    %mul3A_30 = arith.muli %arg1, %mul3A_29 : i32
    "tpu.region"() ({
      %run_scoped3A = tpu.sem_alloc : memref<!tpu.dma_semaphore, #tpu.memory_space<semaphore_mem>>
      %dma_start3A = arith.constant 0 : i32
      %dma_start3A_31 = arith.constant 0 : i32
      %dma_start3A_32 = tpu.memref_slice %arg5[%arg0, %dma_start3A, %dma_start3A_31] : memref<2x75008x16xf32, #tpu.memory_space<hbm>> -> memref<1x75008x16xf32, #tpu.memory_space<hbm>>
      %dma_start3A_33 = tpu.memref_squeeze %dma_start3A_32 : memref<1x75008x16xf32, #tpu.memory_space<hbm>> -> memref<75008x16xf32, #tpu.memory_space<hbm>>
      %dma_start3A_34 = arith.constant 0 : i32
      %dma_start3A_35 = tpu.memref_slice %dma_start3A_33[%mul3A_30, %dma_start3A_34] : memref<75008x16xf32, #tpu.memory_space<hbm>> -> memref<4688x16xf32, #tpu.memory_space<hbm>>
      %dma_start3A_36 = arith.constant 0 : i32
      %dma_start3A_37 = tpu.memref_slice %arg10[%mul3A_28, %dma_start3A_36] : memref<75008x16xf32, #tpu.memory_space<vmem_shared>> -> memref<4688x16xf32, #tpu.memory_space<vmem_shared>>
      tpu.enqueue_dma source(%dma_start3A_37 : memref<4688x16xf32, #tpu.memory_space<vmem_shared>>) target(%dma_start3A_35 : memref<4688x16xf32, #tpu.memory_space<hbm>>) target_semaphore(%run_scoped3A : memref<!tpu.dma_semaphore, #tpu.memory_space<semaphore_mem>>)
      %dma_wait3A = arith.constant 0 : i32
      %dma_wait3A_38 = arith.constant 0 : i32
      %dma_wait3A_39 = tpu.memref_slice %arg5[%arg0, %dma_wait3A, %dma_wait3A_38] : memref<2x75008x16xf32, #tpu.memory_space<hbm>> -> memref<1x75008x16xf32, #tpu.memory_space<hbm>>
      %dma_wait3A_40 = tpu.memref_squeeze %dma_wait3A_39 : memref<1x75008x16xf32, #tpu.memory_space<hbm>> -> memref<75008x16xf32, #tpu.memory_space<hbm>>
      %dma_wait3A_41 = arith.constant 0 : i32
      %dma_wait3A_42 = tpu.memref_slice %dma_wait3A_40[%mul3A_30, %dma_wait3A_41] : memref<75008x16xf32, #tpu.memory_space<hbm>> -> memref<4688x16xf32, #tpu.memory_space<hbm>>
      %dma_wait3A_43 = arith.constant 0 : i32
      %dma_wait3A_44 = tpu.memref_slice %arg10[%mul3A_28, %dma_wait3A_43] : memref<75008x16xf32, #tpu.memory_space<vmem_shared>> -> memref<4688x16xf32, #tpu.memory_space<vmem_shared>>
      tpu.wait_dma2 semaphore(%run_scoped3A : memref<!tpu.dma_semaphore, #tpu.memory_space<semaphore_mem>>) src(%dma_wait3A_44 : memref<4688x16xf32, #tpu.memory_space<vmem_shared>>) dst(%dma_wait3A_42 : memref<4688x16xf32, #tpu.memory_space<hbm>>)
      tpu.yield
    }) : () -> ()
    return
  }
}

#map = affine_map<(d0, d1) -> (0, 0)>
#map1 = affine_map<(d0, d1) -> (0)>
#map2 = affine_map<(d0, d1) -> (0, 0, 0)>
module attributes {stable_mosaic.version = 14 : i64} {
  func.func @agg(%arg0: i32, %arg1: i32, %arg2: memref<50000x16xf32, #tpu.memory_space<hbm>>, %arg3: memref<819200xi32, #tpu.memory_space<hbm>>, %arg4: memref<2x819200xi32, #tpu.memory_space<hbm>>, %arg5: memref<2x75008x16xf32, #tpu.memory_space<hbm>>, %arg6: memref<2048xi32, #tpu.memory_space<vmem>>, %arg7: memref<2048xi32, #tpu.memory_space<vmem>>, %arg8: memref<2048x16xf32, #tpu.memory_space<vmem>>, %arg9: memref<128x16xf32, #tpu.memory_space<vmem>>, %arg10: memref<75008x16xf32, #tpu.memory_space<vmem_shared>>, %arg11: memref<!tpu.dma_semaphore, #tpu.memory_space<semaphore_mem>>, %arg12: memref<!tpu.dma_semaphore, #tpu.memory_space<semaphore_mem>>) attributes {dimension_semantics = [#tpu.dimension_semantics<core_parallel>, #tpu.dimension_semantics<subcore_parallel>], iteration_bounds = array<i64: 2, 16>, scalar_prefetch = 0 : i64, scratch_operands = 7 : i64, tpu.core_type = #tpu.core_type<sc_vector_subcore>, window_params = [{transform_indices = #map}, {transform_indices = #map1}, {transform_indices = #map}, {transform_indices = #map2}]} {
    %scan3A = arith.constant 0 : i32
    %scan3A_0 = arith.constant 0 : i32
    %scan3A_1 = arith.constant 128 : i32
    %scan3A_2 = arith.addi %scan3A_0, %scan3A_1 : i32
    %scan3A_3 = arith.constant 1 : i32
    scf.for %scan3A_25 = %scan3A_0 to %scan3A_2 step %scan3A_3  : i32 {
      %broadcast_in_dim3A = arith.constant 0.000000e+00 : f32
      %broadcast_in_dim3A_26 = vector.broadcast %broadcast_in_dim3A : f32 to vector<16xf32>
      %swap3A = arith.index_cast %scan3A_25 : i32 to index
      %swap3A_27 = arith.constant 0 : index
      %swap3A_28 = tpu.vector_load %arg9[%swap3A, %swap3A_27] {strides = array<i32>} : memref<128x16xf32, #tpu.memory_space<vmem>>, vector<1x16xf32>,
      %swap3A_29 = vector.shape_cast %swap3A_28 : vector<1x16xf32> to vector<16xf32>
      %swap3A_30 = vector.shape_cast %broadcast_in_dim3A_26 : vector<16xf32> to vector<1x16xf32>
      tpu.vector_store %arg9[%swap3A, %swap3A_27], %swap3A_30 {strides = array<i32>} : memref<128x16xf32, #tpu.memory_space<vmem>>, vector<1x16xf32>,
    }
    %scan3A_4 = arith.constant 128 : i32
    %scan3A_5 = arith.constant 0 : i32
    %scan3A_6 = arith.constant 0 : i32
    %scan3A_7 = arith.constant 36 : i32
    %scan3A_8 = arith.addi %scan3A_6, %scan3A_7 : i32
    %scan3A_9 = arith.constant 1 : i32
    scf.for %scan3A_25 = %scan3A_6 to %scan3A_8 step %scan3A_9  : i32 {
      %mul3A_26 = arith.constant 4688 : i32
      %mul3A_27 = arith.muli %arg1, %mul3A_26 : i32
      %mul3A_28 = arith.constant 128 : i32
      %mul3A_29 = arith.muli %scan3A_25, %mul3A_28 : i32
      %add3A_30 = arith.addi %mul3A_27, %mul3A_29 : i32
      "tpu.region"() ({
        %run_scoped3A = tpu.sem_alloc : memref<!tpu.dma_semaphore, #tpu.memory_space<semaphore_mem>>
        %dma_start3A = arith.constant 0 : i32
        %dma_start3A_31 = tpu.memref_slice %arg10[%add3A_30, %dma_start3A] : memref<75008x16xf32, #tpu.memory_space<vmem_shared>> -> memref<128x16xf32, #tpu.memory_space<vmem_shared>>
        %dma_start3A_32 = arith.constant 0 : i32
        %dma_start3A_33 = tpu.memref_slice %arg10[%add3A_30, %dma_start3A_32] : memref<75008x16xf32, #tpu.memory_space<vmem_shared>> -> memref<128x16xf32, #tpu.memory_space<vmem_shared>>
        tpu.enqueue_dma source(%arg9 : memref<128x16xf32, #tpu.memory_space<vmem>>) target(%dma_start3A_33 : memref<128x16xf32, #tpu.memory_space<vmem_shared>>) target_semaphore(%run_scoped3A : memref<!tpu.dma_semaphore, #tpu.memory_space<semaphore_mem>>)
        %dma_wait3A = arith.constant 0 : i32
        %dma_wait3A_34 = tpu.memref_slice %arg10[%add3A_30, %dma_wait3A] : memref<75008x16xf32, #tpu.memory_space<vmem_shared>> -> memref<128x16xf32, #tpu.memory_space<vmem_shared>>
        %dma_wait3A_35 = arith.constant 0 : i32
        %dma_wait3A_36 = tpu.memref_slice %arg10[%add3A_30, %dma_wait3A_35] : memref<75008x16xf32, #tpu.memory_space<vmem_shared>> -> memref<128x16xf32, #tpu.memory_space<vmem_shared>>
        tpu.wait_dma2 semaphore(%run_scoped3A : memref<!tpu.dma_semaphore, #tpu.memory_space<semaphore_mem>>) src(%arg9 : memref<128x16xf32, #tpu.memory_space<vmem>>) dst(%dma_wait3A_36 : memref<128x16xf32, #tpu.memory_space<vmem_shared>>)
        tpu.yield
      }) : () -> ()
    }
    %scan3A_10 = arith.constant 36 : i32
    %mul3A = arith.constant 4688 : i32
    %mul3A_11 = arith.muli %arg1, %mul3A : i32
    %add3A = arith.constant 4688 : i32
    %add3A_12 = arith.addi %mul3A_11, %add3A : i32
    %sub3A = arith.constant 80 : i32
    %sub3A_13 = arith.subi %add3A_12, %sub3A : i32
    "tpu.region"() ({
      %run_scoped3A = tpu.sem_alloc : memref<!tpu.dma_semaphore, #tpu.memory_space<semaphore_mem>>
      %dma_start3A = arith.constant 0 : i32
      %dma_start3A_25 = arith.constant 0 : i32
      %dma_start3A_26 = tpu.memref_slice %arg9[%dma_start3A, %dma_start3A_25] : memref<128x16xf32, #tpu.memory_space<vmem>> -> memref<80x16xf32, #tpu.memory_space<vmem>>
      %dma_start3A_27 = arith.constant 0 : i32
      %dma_start3A_28 = tpu.memref_slice %arg10[%sub3A_13, %dma_start3A_27] : memref<75008x16xf32, #tpu.memory_space<vmem_shared>> -> memref<80x16xf32, #tpu.memory_space<vmem_shared>>
      %dma_start3A_29 = arith.constant 0 : i32
      %dma_start3A_30 = tpu.memref_slice %arg10[%sub3A_13, %dma_start3A_29] : memref<75008x16xf32, #tpu.memory_space<vmem_shared>> -> memref<80x16xf32, #tpu.memory_space<vmem_shared>>
      %dma_start3A_31 = arith.constant 0 : i32
      %dma_start3A_32 = arith.constant 0 : i32
      %dma_start3A_33 = tpu.memref_slice %arg9[%dma_start3A_31, %dma_start3A_32] : memref<128x16xf32, #tpu.memory_space<vmem>> -> memref<80x16xf32, #tpu.memory_space<vmem>>
      tpu.enqueue_dma source(%dma_start3A_33 : memref<80x16xf32, #tpu.memory_space<vmem>>) target(%dma_start3A_30 : memref<80x16xf32, #tpu.memory_space<vmem_shared>>) target_semaphore(%run_scoped3A : memref<!tpu.dma_semaphore, #tpu.memory_space<semaphore_mem>>)
      %dma_wait3A = arith.constant 0 : i32
      %dma_wait3A_34 = arith.constant 0 : i32
      %dma_wait3A_35 = tpu.memref_slice %arg9[%dma_wait3A, %dma_wait3A_34] : memref<128x16xf32, #tpu.memory_space<vmem>> -> memref<80x16xf32, #tpu.memory_space<vmem>>
      %dma_wait3A_36 = arith.constant 0 : i32
      %dma_wait3A_37 = tpu.memref_slice %arg10[%sub3A_13, %dma_wait3A_36] : memref<75008x16xf32, #tpu.memory_space<vmem_shared>> -> memref<80x16xf32, #tpu.memory_space<vmem_shared>>
      %dma_wait3A_38 = arith.constant 0 : i32
      %dma_wait3A_39 = tpu.memref_slice %arg10[%sub3A_13, %dma_wait3A_38] : memref<75008x16xf32, #tpu.memory_space<vmem_shared>> -> memref<80x16xf32, #tpu.memory_space<vmem_shared>>
      %dma_wait3A_40 = arith.constant 0 : i32
      %dma_wait3A_41 = arith.constant 0 : i32
      %dma_wait3A_42 = tpu.memref_slice %arg9[%dma_wait3A_40, %dma_wait3A_41] : memref<128x16xf32, #tpu.memory_space<vmem>> -> memref<80x16xf32, #tpu.memory_space<vmem>>
      tpu.wait_dma2 semaphore(%run_scoped3A : memref<!tpu.dma_semaphore, #tpu.memory_space<semaphore_mem>>) src(%dma_wait3A_42 : memref<80x16xf32, #tpu.memory_space<vmem>>) dst(%dma_wait3A_39 : memref<80x16xf32, #tpu.memory_space<vmem_shared>>)
      tpu.yield
    }) : () -> ()
    %barrier3A = arith.constant 0 : index
    tpu.barrier barrier_id(%barrier3A)
    %scan3A_14 = arith.constant 0 : i32
    %scan3A_15 = arith.constant 0 : i32
    %scan3A_16 = arith.constant 25 : i32
    %scan3A_17 = arith.addi %scan3A_15, %scan3A_16 : i32
    %scan3A_18 = arith.constant 1 : i32
    scf.for %scan3A_25 = %scan3A_15 to %scan3A_17 step %scan3A_18  : i32 {
      %mul3A_26 = arith.constant 51200 : i32
      %mul3A_27 = arith.muli %arg1, %mul3A_26 : i32
      %mul3A_28 = arith.constant 2048 : i32
      %mul3A_29 = arith.muli %scan3A_25, %mul3A_28 : i32
      %add3A_30 = arith.addi %mul3A_27, %mul3A_29 : i32
      "tpu.region"() ({
        %run_scoped3A = tpu.sem_alloc : memref<!tpu.dma_semaphore, #tpu.memory_space<semaphore_mem>>
        %dma_start3A_41 = arith.constant 0 : i32
        %dma_start3A_42 = tpu.memref_slice %arg4[%arg0, %dma_start3A_41] : memref<2x819200xi32, #tpu.memory_space<hbm>> -> memref<1x819200xi32, #tpu.memory_space<hbm>>
        %dma_start3A_43 = tpu.memref_squeeze %dma_start3A_42 : memref<1x819200xi32, #tpu.memory_space<hbm>> -> memref<819200xi32, #tpu.memory_space<hbm>>
        %dma_start3A_44 = tpu.memref_slice %dma_start3A_43[%add3A_30] : memref<819200xi32, #tpu.memory_space<hbm>> -> memref<2048xi32, #tpu.memory_space<hbm>>
        %dma_start3A_45 = arith.constant 0 : i32
        %dma_start3A_46 = tpu.memref_slice %arg4[%arg0, %dma_start3A_45] : memref<2x819200xi32, #tpu.memory_space<hbm>> -> memref<1x819200xi32, #tpu.memory_space<hbm>>
        %dma_start3A_47 = tpu.memref_squeeze %dma_start3A_46 : memref<1x819200xi32, #tpu.memory_space<hbm>> -> memref<819200xi32, #tpu.memory_space<hbm>>
        %dma_start3A_48 = tpu.memref_slice %dma_start3A_47[%add3A_30] : memref<819200xi32, #tpu.memory_space<hbm>> -> memref<2048xi32, #tpu.memory_space<hbm>>
        tpu.enqueue_dma source(%dma_start3A_48 : memref<2048xi32, #tpu.memory_space<hbm>>) target(%arg7 : memref<2048xi32, #tpu.memory_space<vmem>>) target_semaphore(%run_scoped3A : memref<!tpu.dma_semaphore, #tpu.memory_space<semaphore_mem>>)
        %dma_wait3A_49 = arith.constant 0 : i32
        %dma_wait3A_50 = tpu.memref_slice %arg4[%arg0, %dma_wait3A_49] : memref<2x819200xi32, #tpu.memory_space<hbm>> -> memref<1x819200xi32, #tpu.memory_space<hbm>>
        %dma_wait3A_51 = tpu.memref_squeeze %dma_wait3A_50 : memref<1x819200xi32, #tpu.memory_space<hbm>> -> memref<819200xi32, #tpu.memory_space<hbm>>
        %dma_wait3A_52 = tpu.memref_slice %dma_wait3A_51[%add3A_30] : memref<819200xi32, #tpu.memory_space<hbm>> -> memref<2048xi32, #tpu.memory_space<hbm>>
        %dma_wait3A_53 = arith.constant 0 : i32
        %dma_wait3A_54 = tpu.memref_slice %arg4[%arg0, %dma_wait3A_53] : memref<2x819200xi32, #tpu.memory_space<hbm>> -> memref<1x819200xi32, #tpu.memory_space<hbm>>
        %dma_wait3A_55 = tpu.memref_squeeze %dma_wait3A_54 : memref<1x819200xi32, #tpu.memory_space<hbm>> -> memref<819200xi32, #tpu.memory_space<hbm>>
        %dma_wait3A_56 = tpu.memref_slice %dma_wait3A_55[%add3A_30] : memref<819200xi32, #tpu.memory_space<hbm>> -> memref<2048xi32, #tpu.memory_space<hbm>>
        tpu.wait_dma2 semaphore(%run_scoped3A : memref<!tpu.dma_semaphore, #tpu.memory_space<semaphore_mem>>) src(%dma_wait3A_56 : memref<2048xi32, #tpu.memory_space<hbm>>) dst(%arg7 : memref<2048xi32, #tpu.memory_space<vmem>>)
        tpu.yield
      }) : () -> ()
      "tpu.region"() ({
        %run_scoped3A = tpu.sem_alloc : memref<!tpu.dma_semaphore, #tpu.memory_space<semaphore_mem>>
        %dma_start3A_41 = tpu.memref_slice %arg3[%add3A_30] : memref<819200xi32, #tpu.memory_space<hbm>> -> memref<2048xi32, #tpu.memory_space<hbm>>
        %dma_start3A_42 = tpu.memref_slice %arg3[%add3A_30] : memref<819200xi32, #tpu.memory_space<hbm>> -> memref<2048xi32, #tpu.memory_space<hbm>>
        tpu.enqueue_dma source(%dma_start3A_42 : memref<2048xi32, #tpu.memory_space<hbm>>) target(%arg6 : memref<2048xi32, #tpu.memory_space<vmem>>) target_semaphore(%run_scoped3A : memref<!tpu.dma_semaphore, #tpu.memory_space<semaphore_mem>>)
        %dma_wait3A_43 = tpu.memref_slice %arg3[%add3A_30] : memref<819200xi32, #tpu.memory_space<hbm>> -> memref<2048xi32, #tpu.memory_space<hbm>>
        %dma_wait3A_44 = tpu.memref_slice %arg3[%add3A_30] : memref<819200xi32, #tpu.memory_space<hbm>> -> memref<2048xi32, #tpu.memory_space<hbm>>
        tpu.wait_dma2 semaphore(%run_scoped3A : memref<!tpu.dma_semaphore, #tpu.memory_space<semaphore_mem>>) src(%dma_wait3A_44 : memref<2048xi32, #tpu.memory_space<hbm>>) dst(%arg6 : memref<2048xi32, #tpu.memory_space<vmem>>)
        tpu.yield
      }) : () -> ()
      %dma_start3A = arith.constant 0 : i32
      %dma_start3A_31 = arith.constant 0 : i32
      %dma_start3A_32 = tpu.memref_slice %arg2[%dma_start3A, %dma_start3A_31] : memref<50000x16xf32, #tpu.memory_space<hbm>> -> memref<50000x16xf32, #tpu.memory_space<hbm>>
      tpu.enqueue_indirect_dma source(%dma_start3A_32 : memref<50000x16xf32, #tpu.memory_space<hbm>>) target(%arg8 : memref<2048x16xf32, #tpu.memory_space<vmem>>) offsets(%arg6 : memref<2048xi32, #tpu.memory_space<vmem>>) semaphore(%arg11 : memref<!tpu.dma_semaphore, #tpu.memory_space<semaphore_mem>>)
      %dma_wait3A = arith.constant 0 : i32
      %dma_wait3A_33 = arith.constant 0 : i32
      %dma_wait3A_34 = tpu.memref_slice %arg2[%dma_wait3A, %dma_wait3A_33] : memref<50000x16xf32, #tpu.memory_space<hbm>> -> memref<50000x16xf32, #tpu.memory_space<hbm>>
      tpu.wait_indirect_dma semaphore(%arg11 : memref<!tpu.dma_semaphore, #tpu.memory_space<semaphore_mem>>) src(%dma_wait3A_34 : memref<50000x16xf32, #tpu.memory_space<hbm>>) dst(%arg8 : memref<2048x16xf32, #tpu.memory_space<vmem>>)
      %dma_start3A_35 = arith.constant 0 : i32
      %dma_start3A_36 = arith.constant 0 : i32
      %dma_start3A_37 = tpu.memref_slice %arg10[%dma_start3A_35, %dma_start3A_36] : memref<75008x16xf32, #tpu.memory_space<vmem_shared>> -> memref<75008x16xf32, #tpu.memory_space<vmem_shared>>
      tpu.enqueue_indirect_dma source(%arg8 : memref<2048x16xf32, #tpu.memory_space<vmem>>) target(%dma_start3A_37 : memref<75008x16xf32, #tpu.memory_space<vmem_shared>>) offsets(%arg7 : memref<2048xi32, #tpu.memory_space<vmem>>) semaphore(%arg12 : memref<!tpu.dma_semaphore, #tpu.memory_space<semaphore_mem>>) {add = true}
      %dma_wait3A_38 = arith.constant 0 : i32
      %dma_wait3A_39 = arith.constant 0 : i32
      %dma_wait3A_40 = tpu.memref_slice %arg10[%dma_wait3A_38, %dma_wait3A_39] : memref<75008x16xf32, #tpu.memory_space<vmem_shared>> -> memref<75008x16xf32, #tpu.memory_space<vmem_shared>>
      tpu.wait_indirect_dma semaphore(%arg12 : memref<!tpu.dma_semaphore, #tpu.memory_space<semaphore_mem>>) src(%arg8 : memref<2048x16xf32, #tpu.memory_space<vmem>>) dst(%dma_wait3A_40 : memref<75008x16xf32, #tpu.memory_space<vmem_shared>>)
    }
    %scan3A_19 = arith.constant 25 : i32
    %barrier3A_20 = arith.constant 0 : index
    tpu.barrier barrier_id(%barrier3A_20)
    %mul3A_21 = arith.constant 4688 : i32
    %mul3A_22 = arith.muli %arg1, %mul3A_21 : i32
    %mul3A_23 = arith.constant 4688 : i32
    %mul3A_24 = arith.muli %arg1, %mul3A_23 : i32
    "tpu.region"() ({
      %run_scoped3A = tpu.sem_alloc : memref<!tpu.dma_semaphore, #tpu.memory_space<semaphore_mem>>
      %dma_start3A = arith.constant 0 : i32
      %dma_start3A_25 = arith.constant 0 : i32
      %dma_start3A_26 = tpu.memref_slice %arg5[%arg0, %dma_start3A, %dma_start3A_25] : memref<2x75008x16xf32, #tpu.memory_space<hbm>> -> memref<1x75008x16xf32, #tpu.memory_space<hbm>>
      %dma_start3A_27 = tpu.memref_squeeze %dma_start3A_26 : memref<1x75008x16xf32, #tpu.memory_space<hbm>> -> memref<75008x16xf32, #tpu.memory_space<hbm>>
      %dma_start3A_28 = arith.constant 0 : i32
      %dma_start3A_29 = tpu.memref_slice %dma_start3A_27[%mul3A_24, %dma_start3A_28] : memref<75008x16xf32, #tpu.memory_space<hbm>> -> memref<4688x16xf32, #tpu.memory_space<hbm>>
      %dma_start3A_30 = arith.constant 0 : i32
      %dma_start3A_31 = tpu.memref_slice %arg10[%mul3A_22, %dma_start3A_30] : memref<75008x16xf32, #tpu.memory_space<vmem_shared>> -> memref<4688x16xf32, #tpu.memory_space<vmem_shared>>
      tpu.enqueue_dma source(%dma_start3A_31 : memref<4688x16xf32, #tpu.memory_space<vmem_shared>>) target(%dma_start3A_29 : memref<4688x16xf32, #tpu.memory_space<hbm>>) target_semaphore(%run_scoped3A : memref<!tpu.dma_semaphore, #tpu.memory_space<semaphore_mem>>)
      %dma_wait3A = arith.constant 0 : i32
      %dma_wait3A_32 = arith.constant 0 : i32
      %dma_wait3A_33 = tpu.memref_slice %arg5[%arg0, %dma_wait3A, %dma_wait3A_32] : memref<2x75008x16xf32, #tpu.memory_space<hbm>> -> memref<1x75008x16xf32, #tpu.memory_space<hbm>>
      %dma_wait3A_34 = tpu.memref_squeeze %dma_wait3A_33 : memref<1x75008x16xf32, #tpu.memory_space<hbm>> -> memref<75008x16xf32, #tpu.memory_space<hbm>>
      %dma_wait3A_35 = arith.constant 0 : i32
      %dma_wait3A_36 = tpu.memref_slice %dma_wait3A_34[%mul3A_24, %dma_wait3A_35] : memref<75008x16xf32, #tpu.memory_space<hbm>> -> memref<4688x16xf32, #tpu.memory_space<hbm>>
      %dma_wait3A_37 = arith.constant 0 : i32
      %dma_wait3A_38 = tpu.memref_slice %arg10[%mul3A_22, %dma_wait3A_37] : memref<75008x16xf32, #tpu.memory_space<vmem_shared>> -> memref<4688x16xf32, #tpu.memory_space<vmem_shared>>
      tpu.wait_dma2 semaphore(%run_scoped3A : memref<!tpu.dma_semaphore, #tpu.memory_space<semaphore_mem>>) src(%dma_wait3A_38 : memref<4688x16xf32, #tpu.memory_space<vmem_shared>>) dst(%dma_wait3A_36 : memref<4688x16xf32, #tpu.memory_space<hbm>>)
      tpu.yield
    }) : () -> ()
    return
  }
}

#map = affine_map<(d0, d1) -> (0, 0)>
#map1 = affine_map<(d0, d1) -> (0)>
#map2 = affine_map<(d0, d1) -> (0, 0, 0)>
module attributes {stable_mosaic.version = 14 : i64} {
  func.func @agg(%arg0: i32, %arg1: i32, %arg2: memref<50000x16xf32, #tpu.memory_space<hbm>>, %arg3: memref<819200xi32, #tpu.memory_space<hbm>>, %arg4: memref<2x819200xi32, #tpu.memory_space<hbm>>, %arg5: memref<2x75008x16xf32, #tpu.memory_space<hbm>>, %arg6: memref<2048xi32, #tpu.memory_space<vmem>>, %arg7: memref<2048xi32, #tpu.memory_space<vmem>>, %arg8: memref<2048x16xf32, #tpu.memory_space<vmem>>, %arg9: memref<128x16xf32, #tpu.memory_space<vmem>>, %arg10: memref<75008x16xf32, #tpu.memory_space<vmem_shared>>, %arg11: memref<!tpu.dma_semaphore, #tpu.memory_space<semaphore_mem>>, %arg12: memref<!tpu.dma_semaphore, #tpu.memory_space<semaphore_mem>>) attributes {dimension_semantics = [#tpu.dimension_semantics<core_parallel>, #tpu.dimension_semantics<subcore_parallel>], iteration_bounds = array<i64: 2, 16>, scalar_prefetch = 0 : i64, scratch_operands = 7 : i64, tpu.core_type = #tpu.core_type<sc_vector_subcore>, window_params = [{transform_indices = #map}, {transform_indices = #map1}, {transform_indices = #map}, {transform_indices = #map2}]} {
    %scan3A = arith.constant 0 : i32
    %scan3A_0 = arith.constant 0 : i32
    %scan3A_1 = arith.constant 128 : i32
    %scan3A_2 = arith.addi %scan3A_0, %scan3A_1 : i32
    %scan3A_3 = arith.constant 1 : i32
    scf.for %scan3A_25 = %scan3A_0 to %scan3A_2 step %scan3A_3  : i32 {
      %broadcast_in_dim3A = arith.constant 0.000000e+00 : f32
      %broadcast_in_dim3A_26 = vector.broadcast %broadcast_in_dim3A : f32 to vector<16xf32>
      %swap3A = arith.index_cast %scan3A_25 : i32 to index
      %swap3A_27 = arith.constant 0 : index
      %swap3A_28 = tpu.vector_load %arg9[%swap3A, %swap3A_27] {strides = array<i32>} : memref<128x16xf32, #tpu.memory_space<vmem>>, vector<1x16xf32>,
      %swap3A_29 = vector.shape_cast %swap3A_28 : vector<1x16xf32> to vector<16xf32>
      %swap3A_30 = vector.shape_cast %broadcast_in_dim3A_26 : vector<16xf32> to vector<1x16xf32>
      tpu.vector_store %arg9[%swap3A, %swap3A_27], %swap3A_30 {strides = array<i32>} : memref<128x16xf32, #tpu.memory_space<vmem>>, vector<1x16xf32>,
    }
    %scan3A_4 = arith.constant 128 : i32
    %scan3A_5 = arith.constant 0 : i32
    %scan3A_6 = arith.constant 0 : i32
    %scan3A_7 = arith.constant 36 : i32
    %scan3A_8 = arith.addi %scan3A_6, %scan3A_7 : i32
    %scan3A_9 = arith.constant 1 : i32
    scf.for %scan3A_25 = %scan3A_6 to %scan3A_8 step %scan3A_9  : i32 {
      %mul3A_26 = arith.constant 4688 : i32
      %mul3A_27 = arith.muli %arg1, %mul3A_26 : i32
      %mul3A_28 = arith.constant 128 : i32
      %mul3A_29 = arith.muli %scan3A_25, %mul3A_28 : i32
      %add3A_30 = arith.addi %mul3A_27, %mul3A_29 : i32
      "tpu.region"() ({
        %run_scoped3A = tpu.sem_alloc : memref<!tpu.dma_semaphore, #tpu.memory_space<semaphore_mem>>
        %dma_start3A = arith.constant 0 : i32
        %dma_start3A_31 = tpu.memref_slice %arg10[%add3A_30, %dma_start3A] : memref<75008x16xf32, #tpu.memory_space<vmem_shared>> -> memref<128x16xf32, #tpu.memory_space<vmem_shared>>
        %dma_start3A_32 = arith.constant 0 : i32
        %dma_start3A_33 = tpu.memref_slice %arg10[%add3A_30, %dma_start3A_32] : memref<75008x16xf32, #tpu.memory_space<vmem_shared>> -> memref<128x16xf32, #tpu.memory_space<vmem_shared>>
        tpu.enqueue_dma source(%arg9 : memref<128x16xf32, #tpu.memory_space<vmem>>) target(%dma_start3A_33 : memref<128x16xf32, #tpu.memory_space<vmem_shared>>) target_semaphore(%run_scoped3A : memref<!tpu.dma_semaphore, #tpu.memory_space<semaphore_mem>>)
        %dma_wait3A = arith.constant 0 : i32
        %dma_wait3A_34 = tpu.memref_slice %arg10[%add3A_30, %dma_wait3A] : memref<75008x16xf32, #tpu.memory_space<vmem_shared>> -> memref<128x16xf32, #tpu.memory_space<vmem_shared>>
        %dma_wait3A_35 = arith.constant 0 : i32
        %dma_wait3A_36 = tpu.memref_slice %arg10[%add3A_30, %dma_wait3A_35] : memref<75008x16xf32, #tpu.memory_space<vmem_shared>> -> memref<128x16xf32, #tpu.memory_space<vmem_shared>>
        tpu.wait_dma2 semaphore(%run_scoped3A : memref<!tpu.dma_semaphore, #tpu.memory_space<semaphore_mem>>) src(%arg9 : memref<128x16xf32, #tpu.memory_space<vmem>>) dst(%dma_wait3A_36 : memref<128x16xf32, #tpu.memory_space<vmem_shared>>)
        tpu.yield
      }) : () -> ()
    }
    %scan3A_10 = arith.constant 36 : i32
    %mul3A = arith.constant 4688 : i32
    %mul3A_11 = arith.muli %arg1, %mul3A : i32
    %add3A = arith.constant 4688 : i32
    %add3A_12 = arith.addi %mul3A_11, %add3A : i32
    %sub3A = arith.constant 80 : i32
    %sub3A_13 = arith.subi %add3A_12, %sub3A : i32
    "tpu.region"() ({
      %run_scoped3A = tpu.sem_alloc : memref<!tpu.dma_semaphore, #tpu.memory_space<semaphore_mem>>
      %dma_start3A = arith.constant 0 : i32
      %dma_start3A_25 = arith.constant 0 : i32
      %dma_start3A_26 = tpu.memref_slice %arg9[%dma_start3A, %dma_start3A_25] : memref<128x16xf32, #tpu.memory_space<vmem>> -> memref<80x16xf32, #tpu.memory_space<vmem>>
      %dma_start3A_27 = arith.constant 0 : i32
      %dma_start3A_28 = tpu.memref_slice %arg10[%sub3A_13, %dma_start3A_27] : memref<75008x16xf32, #tpu.memory_space<vmem_shared>> -> memref<80x16xf32, #tpu.memory_space<vmem_shared>>
      %dma_start3A_29 = arith.constant 0 : i32
      %dma_start3A_30 = tpu.memref_slice %arg10[%sub3A_13, %dma_start3A_29] : memref<75008x16xf32, #tpu.memory_space<vmem_shared>> -> memref<80x16xf32, #tpu.memory_space<vmem_shared>>
      %dma_start3A_31 = arith.constant 0 : i32
      %dma_start3A_32 = arith.constant 0 : i32
      %dma_start3A_33 = tpu.memref_slice %arg9[%dma_start3A_31, %dma_start3A_32] : memref<128x16xf32, #tpu.memory_space<vmem>> -> memref<80x16xf32, #tpu.memory_space<vmem>>
      tpu.enqueue_dma source(%dma_start3A_33 : memref<80x16xf32, #tpu.memory_space<vmem>>) target(%dma_start3A_30 : memref<80x16xf32, #tpu.memory_space<vmem_shared>>) target_semaphore(%run_scoped3A : memref<!tpu.dma_semaphore, #tpu.memory_space<semaphore_mem>>)
      %dma_wait3A = arith.constant 0 : i32
      %dma_wait3A_34 = arith.constant 0 : i32
      %dma_wait3A_35 = tpu.memref_slice %arg9[%dma_wait3A, %dma_wait3A_34] : memref<128x16xf32, #tpu.memory_space<vmem>> -> memref<80x16xf32, #tpu.memory_space<vmem>>
      %dma_wait3A_36 = arith.constant 0 : i32
      %dma_wait3A_37 = tpu.memref_slice %arg10[%sub3A_13, %dma_wait3A_36] : memref<75008x16xf32, #tpu.memory_space<vmem_shared>> -> memref<80x16xf32, #tpu.memory_space<vmem_shared>>
      %dma_wait3A_38 = arith.constant 0 : i32
      %dma_wait3A_39 = tpu.memref_slice %arg10[%sub3A_13, %dma_wait3A_38] : memref<75008x16xf32, #tpu.memory_space<vmem_shared>> -> memref<80x16xf32, #tpu.memory_space<vmem_shared>>
      %dma_wait3A_40 = arith.constant 0 : i32
      %dma_wait3A_41 = arith.constant 0 : i32
      %dma_wait3A_42 = tpu.memref_slice %arg9[%dma_wait3A_40, %dma_wait3A_41] : memref<128x16xf32, #tpu.memory_space<vmem>> -> memref<80x16xf32, #tpu.memory_space<vmem>>
      tpu.wait_dma2 semaphore(%run_scoped3A : memref<!tpu.dma_semaphore, #tpu.memory_space<semaphore_mem>>) src(%dma_wait3A_42 : memref<80x16xf32, #tpu.memory_space<vmem>>) dst(%dma_wait3A_39 : memref<80x16xf32, #tpu.memory_space<vmem_shared>>)
      tpu.yield
    }) : () -> ()
    %barrier3A = arith.constant 0 : index
    tpu.barrier barrier_id(%barrier3A)
    %scan3A_14 = arith.constant 0 : i32
    %scan3A_15 = arith.constant 0 : i32
    %scan3A_16 = arith.constant 25 : i32
    %scan3A_17 = arith.addi %scan3A_15, %scan3A_16 : i32
    %scan3A_18 = arith.constant 1 : i32
    scf.for %scan3A_25 = %scan3A_15 to %scan3A_17 step %scan3A_18  : i32 {
      %mul3A_26 = arith.constant 51200 : i32
      %mul3A_27 = arith.muli %arg1, %mul3A_26 : i32
      %mul3A_28 = arith.constant 2048 : i32
      %mul3A_29 = arith.muli %scan3A_25, %mul3A_28 : i32
      %add3A_30 = arith.addi %mul3A_27, %mul3A_29 : i32
      "tpu.region"() ({
        %run_scoped3A = tpu.sem_alloc : memref<!tpu.dma_semaphore, #tpu.memory_space<semaphore_mem>>
        %dma_start3A_41 = arith.constant 0 : i32
        %dma_start3A_42 = tpu.memref_slice %arg4[%arg0, %dma_start3A_41] : memref<2x819200xi32, #tpu.memory_space<hbm>> -> memref<1x819200xi32, #tpu.memory_space<hbm>>
        %dma_start3A_43 = tpu.memref_squeeze %dma_start3A_42 : memref<1x819200xi32, #tpu.memory_space<hbm>> -> memref<819200xi32, #tpu.memory_space<hbm>>
        %dma_start3A_44 = tpu.memref_slice %dma_start3A_43[%add3A_30] : memref<819200xi32, #tpu.memory_space<hbm>> -> memref<2048xi32, #tpu.memory_space<hbm>>
        %dma_start3A_45 = arith.constant 0 : i32
        %dma_start3A_46 = tpu.memref_slice %arg4[%arg0, %dma_start3A_45] : memref<2x819200xi32, #tpu.memory_space<hbm>> -> memref<1x819200xi32, #tpu.memory_space<hbm>>
        %dma_start3A_47 = tpu.memref_squeeze %dma_start3A_46 : memref<1x819200xi32, #tpu.memory_space<hbm>> -> memref<819200xi32, #tpu.memory_space<hbm>>
        %dma_start3A_48 = tpu.memref_slice %dma_start3A_47[%add3A_30] : memref<819200xi32, #tpu.memory_space<hbm>> -> memref<2048xi32, #tpu.memory_space<hbm>>
        tpu.enqueue_dma source(%dma_start3A_48 : memref<2048xi32, #tpu.memory_space<hbm>>) target(%arg7 : memref<2048xi32, #tpu.memory_space<vmem>>) target_semaphore(%run_scoped3A : memref<!tpu.dma_semaphore, #tpu.memory_space<semaphore_mem>>)
        %dma_wait3A_49 = arith.constant 0 : i32
        %dma_wait3A_50 = tpu.memref_slice %arg4[%arg0, %dma_wait3A_49] : memref<2x819200xi32, #tpu.memory_space<hbm>> -> memref<1x819200xi32, #tpu.memory_space<hbm>>
        %dma_wait3A_51 = tpu.memref_squeeze %dma_wait3A_50 : memref<1x819200xi32, #tpu.memory_space<hbm>> -> memref<819200xi32, #tpu.memory_space<hbm>>
        %dma_wait3A_52 = tpu.memref_slice %dma_wait3A_51[%add3A_30] : memref<819200xi32, #tpu.memory_space<hbm>> -> memref<2048xi32, #tpu.memory_space<hbm>>
        %dma_wait3A_53 = arith.constant 0 : i32
        %dma_wait3A_54 = tpu.memref_slice %arg4[%arg0, %dma_wait3A_53] : memref<2x819200xi32, #tpu.memory_space<hbm>> -> memref<1x819200xi32, #tpu.memory_space<hbm>>
        %dma_wait3A_55 = tpu.memref_squeeze %dma_wait3A_54 : memref<1x819200xi32, #tpu.memory_space<hbm>> -> memref<819200xi32, #tpu.memory_space<hbm>>
        %dma_wait3A_56 = tpu.memref_slice %dma_wait3A_55[%add3A_30] : memref<819200xi32, #tpu.memory_space<hbm>> -> memref<2048xi32, #tpu.memory_space<hbm>>
        tpu.wait_dma2 semaphore(%run_scoped3A : memref<!tpu.dma_semaphore, #tpu.memory_space<semaphore_mem>>) src(%dma_wait3A_56 : memref<2048xi32, #tpu.memory_space<hbm>>) dst(%arg7 : memref<2048xi32, #tpu.memory_space<vmem>>)
        tpu.yield
      }) : () -> ()
      "tpu.region"() ({
        %run_scoped3A = tpu.sem_alloc : memref<!tpu.dma_semaphore, #tpu.memory_space<semaphore_mem>>
        %dma_start3A_41 = tpu.memref_slice %arg3[%add3A_30] : memref<819200xi32, #tpu.memory_space<hbm>> -> memref<2048xi32, #tpu.memory_space<hbm>>
        %dma_start3A_42 = tpu.memref_slice %arg3[%add3A_30] : memref<819200xi32, #tpu.memory_space<hbm>> -> memref<2048xi32, #tpu.memory_space<hbm>>
        tpu.enqueue_dma source(%dma_start3A_42 : memref<2048xi32, #tpu.memory_space<hbm>>) target(%arg6 : memref<2048xi32, #tpu.memory_space<vmem>>) target_semaphore(%run_scoped3A : memref<!tpu.dma_semaphore, #tpu.memory_space<semaphore_mem>>)
        %dma_wait3A_43 = tpu.memref_slice %arg3[%add3A_30] : memref<819200xi32, #tpu.memory_space<hbm>> -> memref<2048xi32, #tpu.memory_space<hbm>>
        %dma_wait3A_44 = tpu.memref_slice %arg3[%add3A_30] : memref<819200xi32, #tpu.memory_space<hbm>> -> memref<2048xi32, #tpu.memory_space<hbm>>
        tpu.wait_dma2 semaphore(%run_scoped3A : memref<!tpu.dma_semaphore, #tpu.memory_space<semaphore_mem>>) src(%dma_wait3A_44 : memref<2048xi32, #tpu.memory_space<hbm>>) dst(%arg6 : memref<2048xi32, #tpu.memory_space<vmem>>)
        tpu.yield
      }) : () -> ()
      %dma_start3A = arith.constant 0 : i32
      %dma_start3A_31 = arith.constant 0 : i32
      %dma_start3A_32 = tpu.memref_slice %arg2[%dma_start3A, %dma_start3A_31] : memref<50000x16xf32, #tpu.memory_space<hbm>> -> memref<50000x16xf32, #tpu.memory_space<hbm>>
      tpu.enqueue_indirect_dma source(%dma_start3A_32 : memref<50000x16xf32, #tpu.memory_space<hbm>>) target(%arg8 : memref<2048x16xf32, #tpu.memory_space<vmem>>) offsets(%arg6 : memref<2048xi32, #tpu.memory_space<vmem>>) semaphore(%arg11 : memref<!tpu.dma_semaphore, #tpu.memory_space<semaphore_mem>>)
      %dma_wait3A = arith.constant 0 : i32
      %dma_wait3A_33 = arith.constant 0 : i32
      %dma_wait3A_34 = tpu.memref_slice %arg2[%dma_wait3A, %dma_wait3A_33] : memref<50000x16xf32, #tpu.memory_space<hbm>> -> memref<50000x16xf32, #tpu.memory_space<hbm>>
      tpu.wait_indirect_dma semaphore(%arg11 : memref<!tpu.dma_semaphore, #tpu.memory_space<semaphore_mem>>) src(%dma_wait3A_34 : memref<50000x16xf32, #tpu.memory_space<hbm>>) dst(%arg8 : memref<2048x16xf32, #tpu.memory_space<vmem>>)
      %dma_start3A_35 = arith.constant 0 : i32
      %dma_start3A_36 = arith.constant 0 : i32
      %dma_start3A_37 = tpu.memref_slice %arg10[%dma_start3A_35, %dma_start3A_36] : memref<75008x16xf32, #tpu.memory_space<vmem_shared>> -> memref<75008x16xf32, #tpu.memory_space<vmem_shared>>
      tpu.enqueue_indirect_dma source(%arg8 : memref<2048x16xf32, #tpu.memory_space<vmem>>) target(%dma_start3A_37 : memref<75008x16xf32, #tpu.memory_space<vmem_shared>>) offsets(%arg7 : memref<2048xi32, #tpu.memory_space<vmem>>) semaphore(%arg12 : memref<!tpu.dma_semaphore, #tpu.memory_space<semaphore_mem>>) {add = true}
      %dma_wait3A_38 = arith.constant 0 : i32
      %dma_wait3A_39 = arith.constant 0 : i32
      %dma_wait3A_40 = tpu.memref_slice %arg10[%dma_wait3A_38, %dma_wait3A_39] : memref<75008x16xf32, #tpu.memory_space<vmem_shared>> -> memref<75008x16xf32, #tpu.memory_space<vmem_shared>>
      tpu.wait_indirect_dma semaphore(%arg12 : memref<!tpu.dma_semaphore, #tpu.memory_space<semaphore_mem>>) src(%arg8 : memref<2048x16xf32, #tpu.memory_space<vmem>>) dst(%dma_wait3A_40 : memref<75008x16xf32, #tpu.memory_space<vmem_shared>>)
    }
    %scan3A_19 = arith.constant 25 : i32
    %barrier3A_20 = arith.constant 0 : index
    tpu.barrier barrier_id(%barrier3A_20)
    %mul3A_21 = arith.constant 4688 : i32
    %mul3A_22 = arith.muli %arg1, %mul3A_21 : i32
    %mul3A_23 = arith.constant 4688 : i32
    %mul3A_24 = arith.muli %arg1, %mul3A_23 : i32
    "tpu.region"() ({
      %run_scoped3A = tpu.sem_alloc : memref<!tpu.dma_semaphore, #tpu.memory_space<semaphore_mem>>
      %dma_start3A = arith.constant 0 : i32
      %dma_start3A_25 = arith.constant 0 : i32
      %dma_start3A_26 = tpu.memref_slice %arg5[%arg0, %dma_start3A, %dma_start3A_25] : memref<2x75008x16xf32, #tpu.memory_space<hbm>> -> memref<1x75008x16xf32, #tpu.memory_space<hbm>>
      %dma_start3A_27 = tpu.memref_squeeze %dma_start3A_26 : memref<1x75008x16xf32, #tpu.memory_space<hbm>> -> memref<75008x16xf32, #tpu.memory_space<hbm>>
      %dma_start3A_28 = arith.constant 0 : i32
      %dma_start3A_29 = tpu.memref_slice %dma_start3A_27[%mul3A_24, %dma_start3A_28] : memref<75008x16xf32, #tpu.memory_space<hbm>> -> memref<4688x16xf32, #tpu.memory_space<hbm>>
      %dma_start3A_30 = arith.constant 0 : i32
      %dma_start3A_31 = tpu.memref_slice %arg10[%mul3A_22, %dma_start3A_30] : memref<75008x16xf32, #tpu.memory_space<vmem_shared>> -> memref<4688x16xf32, #tpu.memory_space<vmem_shared>>
      tpu.enqueue_dma source(%dma_start3A_31 : memref<4688x16xf32, #tpu.memory_space<vmem_shared>>) target(%dma_start3A_29 : memref<4688x16xf32, #tpu.memory_space<hbm>>) target_semaphore(%run_scoped3A : memref<!tpu.dma_semaphore, #tpu.memory_space<semaphore_mem>>)
      %dma_wait3A = arith.constant 0 : i32
      %dma_wait3A_32 = arith.constant 0 : i32
      %dma_wait3A_33 = tpu.memref_slice %arg5[%arg0, %dma_wait3A, %dma_wait3A_32] : memref<2x75008x16xf32, #tpu.memory_space<hbm>> -> memref<1x75008x16xf32, #tpu.memory_space<hbm>>
      %dma_wait3A_34 = tpu.memref_squeeze %dma_wait3A_33 : memref<1x75008x16xf32, #tpu.memory_space<hbm>> -> memref<75008x16xf32, #tpu.memory_space<hbm>>
      %dma_wait3A_35 = arith.constant 0 : i32
      %dma_wait3A_36 = tpu.memref_slice %dma_wait3A_34[%mul3A_24, %dma_wait3A_35] : memref<75008x16xf32, #tpu.memory_space<hbm>> -> memref<4688x16xf32, #tpu.memory_space<hbm>>
      %dma_wait3A_37 = arith.constant 0 : i32
      %dma_wait3A_38 = tpu.memref_slice %arg10[%mul3A_22, %dma_wait3A_37] : memref<75008x16xf32, #tpu.memory_space<vmem_shared>> -> memref<4688x16xf32, #tpu.memory_space<vmem_shared>>
      tpu.wait_dma2 semaphore(%run_scoped3A : memref<!tpu.dma_semaphore, #tpu.memory_space<semaphore_mem>>) src(%dma_wait3A_38 : memref<4688x16xf32, #tpu.memory_space<vmem_shared>>) dst(%dma_wait3A_36 : memref<4688x16xf32, #tpu.memory_space<hbm>>)
      tpu.yield
    }) : () -> ()
    return
  }
}

#map = affine_map<(d0, d1) -> (0, 0)>
#map1 = affine_map<(d0, d1) -> (0)>
#map2 = affine_map<(d0, d1) -> (0, 0, 0)>
module attributes {stable_mosaic.version = 14 : i64} {
  func.func @agg(%arg0: i32, %arg1: i32, %arg2: memref<50000x16xf32, #tpu.memory_space<hbm>>, %arg3: memref<819200xi32, #tpu.memory_space<hbm>>, %arg4: memref<2x819200xi32, #tpu.memory_space<hbm>>, %arg5: memref<2x75008x16xf32, #tpu.memory_space<hbm>>, %arg6: memref<2048xi32, #tpu.memory_space<vmem>>, %arg7: memref<2048xi32, #tpu.memory_space<vmem>>, %arg8: memref<2048x16xf32, #tpu.memory_space<vmem>>, %arg9: memref<128x16xf32, #tpu.memory_space<vmem>>, %arg10: memref<75008x16xf32, #tpu.memory_space<vmem_shared>>, %arg11: memref<!tpu.dma_semaphore, #tpu.memory_space<semaphore_mem>>, %arg12: memref<!tpu.dma_semaphore, #tpu.memory_space<semaphore_mem>>) attributes {dimension_semantics = [#tpu.dimension_semantics<core_parallel>, #tpu.dimension_semantics<subcore_parallel>], iteration_bounds = array<i64: 2, 16>, scalar_prefetch = 0 : i64, scratch_operands = 7 : i64, tpu.core_type = #tpu.core_type<sc_vector_subcore>, window_params = [{transform_indices = #map}, {transform_indices = #map1}, {transform_indices = #map}, {transform_indices = #map2}]} {
    %scan3A = arith.constant 0 : i32
    %scan3A_0 = arith.constant 0 : i32
    %scan3A_1 = arith.constant 128 : i32
    %scan3A_2 = arith.addi %scan3A_0, %scan3A_1 : i32
    %scan3A_3 = arith.constant 1 : i32
    scf.for %scan3A_25 = %scan3A_0 to %scan3A_2 step %scan3A_3  : i32 {
      %broadcast_in_dim3A = arith.constant 0.000000e+00 : f32
      %broadcast_in_dim3A_26 = vector.broadcast %broadcast_in_dim3A : f32 to vector<16xf32>
      %swap3A = arith.index_cast %scan3A_25 : i32 to index
      %swap3A_27 = arith.constant 0 : index
      %swap3A_28 = tpu.vector_load %arg9[%swap3A, %swap3A_27] {strides = array<i32>} : memref<128x16xf32, #tpu.memory_space<vmem>>, vector<1x16xf32>,
      %swap3A_29 = vector.shape_cast %swap3A_28 : vector<1x16xf32> to vector<16xf32>
      %swap3A_30 = vector.shape_cast %broadcast_in_dim3A_26 : vector<16xf32> to vector<1x16xf32>
      tpu.vector_store %arg9[%swap3A, %swap3A_27], %swap3A_30 {strides = array<i32>} : memref<128x16xf32, #tpu.memory_space<vmem>>, vector<1x16xf32>,
    }
    %scan3A_4 = arith.constant 128 : i32
    %scan3A_5 = arith.constant 0 : i32
    %scan3A_6 = arith.constant 0 : i32
    %scan3A_7 = arith.constant 36 : i32
    %scan3A_8 = arith.addi %scan3A_6, %scan3A_7 : i32
    %scan3A_9 = arith.constant 1 : i32
    scf.for %scan3A_25 = %scan3A_6 to %scan3A_8 step %scan3A_9  : i32 {
      %mul3A_26 = arith.constant 4688 : i32
      %mul3A_27 = arith.muli %arg1, %mul3A_26 : i32
      %mul3A_28 = arith.constant 128 : i32
      %mul3A_29 = arith.muli %scan3A_25, %mul3A_28 : i32
      %add3A_30 = arith.addi %mul3A_27, %mul3A_29 : i32
      "tpu.region"() ({
        %run_scoped3A = tpu.sem_alloc : memref<!tpu.dma_semaphore, #tpu.memory_space<semaphore_mem>>
        %dma_start3A = arith.constant 0 : i32
        %dma_start3A_31 = tpu.memref_slice %arg10[%add3A_30, %dma_start3A] : memref<75008x16xf32, #tpu.memory_space<vmem_shared>> -> memref<128x16xf32, #tpu.memory_space<vmem_shared>>
        %dma_start3A_32 = arith.constant 0 : i32
        %dma_start3A_33 = tpu.memref_slice %arg10[%add3A_30, %dma_start3A_32] : memref<75008x16xf32, #tpu.memory_space<vmem_shared>> -> memref<128x16xf32, #tpu.memory_space<vmem_shared>>
        tpu.enqueue_dma source(%arg9 : memref<128x16xf32, #tpu.memory_space<vmem>>) target(%dma_start3A_33 : memref<128x16xf32, #tpu.memory_space<vmem_shared>>) target_semaphore(%run_scoped3A : memref<!tpu.dma_semaphore, #tpu.memory_space<semaphore_mem>>)
        %dma_wait3A = arith.constant 0 : i32
        %dma_wait3A_34 = tpu.memref_slice %arg10[%add3A_30, %dma_wait3A] : memref<75008x16xf32, #tpu.memory_space<vmem_shared>> -> memref<128x16xf32, #tpu.memory_space<vmem_shared>>
        %dma_wait3A_35 = arith.constant 0 : i32
        %dma_wait3A_36 = tpu.memref_slice %arg10[%add3A_30, %dma_wait3A_35] : memref<75008x16xf32, #tpu.memory_space<vmem_shared>> -> memref<128x16xf32, #tpu.memory_space<vmem_shared>>
        tpu.wait_dma2 semaphore(%run_scoped3A : memref<!tpu.dma_semaphore, #tpu.memory_space<semaphore_mem>>) src(%arg9 : memref<128x16xf32, #tpu.memory_space<vmem>>) dst(%dma_wait3A_36 : memref<128x16xf32, #tpu.memory_space<vmem_shared>>)
        tpu.yield
      }) : () -> ()
    }
    %scan3A_10 = arith.constant 36 : i32
    %mul3A = arith.constant 4688 : i32
    %mul3A_11 = arith.muli %arg1, %mul3A : i32
    %add3A = arith.constant 4688 : i32
    %add3A_12 = arith.addi %mul3A_11, %add3A : i32
    %sub3A = arith.constant 80 : i32
    %sub3A_13 = arith.subi %add3A_12, %sub3A : i32
    "tpu.region"() ({
      %run_scoped3A = tpu.sem_alloc : memref<!tpu.dma_semaphore, #tpu.memory_space<semaphore_mem>>
      %dma_start3A = arith.constant 0 : i32
      %dma_start3A_25 = arith.constant 0 : i32
      %dma_start3A_26 = tpu.memref_slice %arg9[%dma_start3A, %dma_start3A_25] : memref<128x16xf32, #tpu.memory_space<vmem>> -> memref<80x16xf32, #tpu.memory_space<vmem>>
      %dma_start3A_27 = arith.constant 0 : i32
      %dma_start3A_28 = tpu.memref_slice %arg10[%sub3A_13, %dma_start3A_27] : memref<75008x16xf32, #tpu.memory_space<vmem_shared>> -> memref<80x16xf32, #tpu.memory_space<vmem_shared>>
      %dma_start3A_29 = arith.constant 0 : i32
      %dma_start3A_30 = tpu.memref_slice %arg10[%sub3A_13, %dma_start3A_29] : memref<75008x16xf32, #tpu.memory_space<vmem_shared>> -> memref<80x16xf32, #tpu.memory_space<vmem_shared>>
      %dma_start3A_31 = arith.constant 0 : i32
      %dma_start3A_32 = arith.constant 0 : i32
      %dma_start3A_33 = tpu.memref_slice %arg9[%dma_start3A_31, %dma_start3A_32] : memref<128x16xf32, #tpu.memory_space<vmem>> -> memref<80x16xf32, #tpu.memory_space<vmem>>
      tpu.enqueue_dma source(%dma_start3A_33 : memref<80x16xf32, #tpu.memory_space<vmem>>) target(%dma_start3A_30 : memref<80x16xf32, #tpu.memory_space<vmem_shared>>) target_semaphore(%run_scoped3A : memref<!tpu.dma_semaphore, #tpu.memory_space<semaphore_mem>>)
      %dma_wait3A = arith.constant 0 : i32
      %dma_wait3A_34 = arith.constant 0 : i32
      %dma_wait3A_35 = tpu.memref_slice %arg9[%dma_wait3A, %dma_wait3A_34] : memref<128x16xf32, #tpu.memory_space<vmem>> -> memref<80x16xf32, #tpu.memory_space<vmem>>
      %dma_wait3A_36 = arith.constant 0 : i32
      %dma_wait3A_37 = tpu.memref_slice %arg10[%sub3A_13, %dma_wait3A_36] : memref<75008x16xf32, #tpu.memory_space<vmem_shared>> -> memref<80x16xf32, #tpu.memory_space<vmem_shared>>
      %dma_wait3A_38 = arith.constant 0 : i32
      %dma_wait3A_39 = tpu.memref_slice %arg10[%sub3A_13, %dma_wait3A_38] : memref<75008x16xf32, #tpu.memory_space<vmem_shared>> -> memref<80x16xf32, #tpu.memory_space<vmem_shared>>
      %dma_wait3A_40 = arith.constant 0 : i32
      %dma_wait3A_41 = arith.constant 0 : i32
      %dma_wait3A_42 = tpu.memref_slice %arg9[%dma_wait3A_40, %dma_wait3A_41] : memref<128x16xf32, #tpu.memory_space<vmem>> -> memref<80x16xf32, #tpu.memory_space<vmem>>
      tpu.wait_dma2 semaphore(%run_scoped3A : memref<!tpu.dma_semaphore, #tpu.memory_space<semaphore_mem>>) src(%dma_wait3A_42 : memref<80x16xf32, #tpu.memory_space<vmem>>) dst(%dma_wait3A_39 : memref<80x16xf32, #tpu.memory_space<vmem_shared>>)
      tpu.yield
    }) : () -> ()
    %barrier3A = arith.constant 0 : index
    tpu.barrier barrier_id(%barrier3A)
    %scan3A_14 = arith.constant 0 : i32
    %scan3A_15 = arith.constant 0 : i32
    %scan3A_16 = arith.constant 25 : i32
    %scan3A_17 = arith.addi %scan3A_15, %scan3A_16 : i32
    %scan3A_18 = arith.constant 1 : i32
    scf.for %scan3A_25 = %scan3A_15 to %scan3A_17 step %scan3A_18  : i32 {
      %mul3A_26 = arith.constant 51200 : i32
      %mul3A_27 = arith.muli %arg1, %mul3A_26 : i32
      %mul3A_28 = arith.constant 2048 : i32
      %mul3A_29 = arith.muli %scan3A_25, %mul3A_28 : i32
      %add3A_30 = arith.addi %mul3A_27, %mul3A_29 : i32
      "tpu.region"() ({
        %run_scoped3A = tpu.sem_alloc : memref<!tpu.dma_semaphore, #tpu.memory_space<semaphore_mem>>
        %dma_start3A_41 = arith.constant 0 : i32
        %dma_start3A_42 = tpu.memref_slice %arg4[%arg0, %dma_start3A_41] : memref<2x819200xi32, #tpu.memory_space<hbm>> -> memref<1x819200xi32, #tpu.memory_space<hbm>>
        %dma_start3A_43 = tpu.memref_squeeze %dma_start3A_42 : memref<1x819200xi32, #tpu.memory_space<hbm>> -> memref<819200xi32, #tpu.memory_space<hbm>>
        %dma_start3A_44 = tpu.memref_slice %dma_start3A_43[%add3A_30] : memref<819200xi32, #tpu.memory_space<hbm>> -> memref<2048xi32, #tpu.memory_space<hbm>>
        %dma_start3A_45 = arith.constant 0 : i32
        %dma_start3A_46 = tpu.memref_slice %arg4[%arg0, %dma_start3A_45] : memref<2x819200xi32, #tpu.memory_space<hbm>> -> memref<1x819200xi32, #tpu.memory_space<hbm>>
        %dma_start3A_47 = tpu.memref_squeeze %dma_start3A_46 : memref<1x819200xi32, #tpu.memory_space<hbm>> -> memref<819200xi32, #tpu.memory_space<hbm>>
        %dma_start3A_48 = tpu.memref_slice %dma_start3A_47[%add3A_30] : memref<819200xi32, #tpu.memory_space<hbm>> -> memref<2048xi32, #tpu.memory_space<hbm>>
        tpu.enqueue_dma source(%dma_start3A_48 : memref<2048xi32, #tpu.memory_space<hbm>>) target(%arg7 : memref<2048xi32, #tpu.memory_space<vmem>>) target_semaphore(%run_scoped3A : memref<!tpu.dma_semaphore, #tpu.memory_space<semaphore_mem>>)
        %dma_wait3A_49 = arith.constant 0 : i32
        %dma_wait3A_50 = tpu.memref_slice %arg4[%arg0, %dma_wait3A_49] : memref<2x819200xi32, #tpu.memory_space<hbm>> -> memref<1x819200xi32, #tpu.memory_space<hbm>>
        %dma_wait3A_51 = tpu.memref_squeeze %dma_wait3A_50 : memref<1x819200xi32, #tpu.memory_space<hbm>> -> memref<819200xi32, #tpu.memory_space<hbm>>
        %dma_wait3A_52 = tpu.memref_slice %dma_wait3A_51[%add3A_30] : memref<819200xi32, #tpu.memory_space<hbm>> -> memref<2048xi32, #tpu.memory_space<hbm>>
        %dma_wait3A_53 = arith.constant 0 : i32
        %dma_wait3A_54 = tpu.memref_slice %arg4[%arg0, %dma_wait3A_53] : memref<2x819200xi32, #tpu.memory_space<hbm>> -> memref<1x819200xi32, #tpu.memory_space<hbm>>
        %dma_wait3A_55 = tpu.memref_squeeze %dma_wait3A_54 : memref<1x819200xi32, #tpu.memory_space<hbm>> -> memref<819200xi32, #tpu.memory_space<hbm>>
        %dma_wait3A_56 = tpu.memref_slice %dma_wait3A_55[%add3A_30] : memref<819200xi32, #tpu.memory_space<hbm>> -> memref<2048xi32, #tpu.memory_space<hbm>>
        tpu.wait_dma2 semaphore(%run_scoped3A : memref<!tpu.dma_semaphore, #tpu.memory_space<semaphore_mem>>) src(%dma_wait3A_56 : memref<2048xi32, #tpu.memory_space<hbm>>) dst(%arg7 : memref<2048xi32, #tpu.memory_space<vmem>>)
        tpu.yield
      }) : () -> ()
      "tpu.region"() ({
        %run_scoped3A = tpu.sem_alloc : memref<!tpu.dma_semaphore, #tpu.memory_space<semaphore_mem>>
        %dma_start3A_41 = tpu.memref_slice %arg3[%add3A_30] : memref<819200xi32, #tpu.memory_space<hbm>> -> memref<2048xi32, #tpu.memory_space<hbm>>
        %dma_start3A_42 = tpu.memref_slice %arg3[%add3A_30] : memref<819200xi32, #tpu.memory_space<hbm>> -> memref<2048xi32, #tpu.memory_space<hbm>>
        tpu.enqueue_dma source(%dma_start3A_42 : memref<2048xi32, #tpu.memory_space<hbm>>) target(%arg6 : memref<2048xi32, #tpu.memory_space<vmem>>) target_semaphore(%run_scoped3A : memref<!tpu.dma_semaphore, #tpu.memory_space<semaphore_mem>>)
        %dma_wait3A_43 = tpu.memref_slice %arg3[%add3A_30] : memref<819200xi32, #tpu.memory_space<hbm>> -> memref<2048xi32, #tpu.memory_space<hbm>>
        %dma_wait3A_44 = tpu.memref_slice %arg3[%add3A_30] : memref<819200xi32, #tpu.memory_space<hbm>> -> memref<2048xi32, #tpu.memory_space<hbm>>
        tpu.wait_dma2 semaphore(%run_scoped3A : memref<!tpu.dma_semaphore, #tpu.memory_space<semaphore_mem>>) src(%dma_wait3A_44 : memref<2048xi32, #tpu.memory_space<hbm>>) dst(%arg6 : memref<2048xi32, #tpu.memory_space<vmem>>)
        tpu.yield
      }) : () -> ()
      %dma_start3A = arith.constant 0 : i32
      %dma_start3A_31 = arith.constant 0 : i32
      %dma_start3A_32 = tpu.memref_slice %arg2[%dma_start3A, %dma_start3A_31] : memref<50000x16xf32, #tpu.memory_space<hbm>> -> memref<50000x16xf32, #tpu.memory_space<hbm>>
      tpu.enqueue_indirect_dma source(%dma_start3A_32 : memref<50000x16xf32, #tpu.memory_space<hbm>>) target(%arg8 : memref<2048x16xf32, #tpu.memory_space<vmem>>) offsets(%arg6 : memref<2048xi32, #tpu.memory_space<vmem>>) semaphore(%arg11 : memref<!tpu.dma_semaphore, #tpu.memory_space<semaphore_mem>>)
      %dma_wait3A = arith.constant 0 : i32
      %dma_wait3A_33 = arith.constant 0 : i32
      %dma_wait3A_34 = tpu.memref_slice %arg2[%dma_wait3A, %dma_wait3A_33] : memref<50000x16xf32, #tpu.memory_space<hbm>> -> memref<50000x16xf32, #tpu.memory_space<hbm>>
      tpu.wait_indirect_dma semaphore(%arg11 : memref<!tpu.dma_semaphore, #tpu.memory_space<semaphore_mem>>) src(%dma_wait3A_34 : memref<50000x16xf32, #tpu.memory_space<hbm>>) dst(%arg8 : memref<2048x16xf32, #tpu.memory_space<vmem>>)
      %dma_start3A_35 = arith.constant 0 : i32
      %dma_start3A_36 = arith.constant 0 : i32
      %dma_start3A_37 = tpu.memref_slice %arg10[%dma_start3A_35, %dma_start3A_36] : memref<75008x16xf32, #tpu.memory_space<vmem_shared>> -> memref<75008x16xf32, #tpu.memory_space<vmem_shared>>
      tpu.enqueue_indirect_dma source(%arg8 : memref<2048x16xf32, #tpu.memory_space<vmem>>) target(%dma_start3A_37 : memref<75008x16xf32, #tpu.memory_space<vmem_shared>>) offsets(%arg7 : memref<2048xi32, #tpu.memory_space<vmem>>) semaphore(%arg12 : memref<!tpu.dma_semaphore, #tpu.memory_space<semaphore_mem>>) {add = true}
      %dma_wait3A_38 = arith.constant 0 : i32
      %dma_wait3A_39 = arith.constant 0 : i32
      %dma_wait3A_40 = tpu.memref_slice %arg10[%dma_wait3A_38, %dma_wait3A_39] : memref<75008x16xf32, #tpu.memory_space<vmem_shared>> -> memref<75008x16xf32, #tpu.memory_space<vmem_shared>>
      tpu.wait_indirect_dma semaphore(%arg12 : memref<!tpu.dma_semaphore, #tpu.memory_space<semaphore_mem>>) src(%arg8 : memref<2048x16xf32, #tpu.memory_space<vmem>>) dst(%dma_wait3A_40 : memref<75008x16xf32, #tpu.memory_space<vmem_shared>>)
    }
    %scan3A_19 = arith.constant 25 : i32
    %barrier3A_20 = arith.constant 0 : index
    tpu.barrier barrier_id(%barrier3A_20)
    %mul3A_21 = arith.constant 4688 : i32
    %mul3A_22 = arith.muli %arg1, %mul3A_21 : i32
    %mul3A_23 = arith.constant 4688 : i32
    %mul3A_24 = arith.muli %arg1, %mul3A_23 : i32
    "tpu.region"() ({
      %run_scoped3A = tpu.sem_alloc : memref<!tpu.dma_semaphore, #tpu.memory_space<semaphore_mem>>
      %dma_start3A = arith.constant 0 : i32
      %dma_start3A_25 = arith.constant 0 : i32
      %dma_start3A_26 = tpu.memref_slice %arg5[%arg0, %dma_start3A, %dma_start3A_25] : memref<2x75008x16xf32, #tpu.memory_space<hbm>> -> memref<1x75008x16xf32, #tpu.memory_space<hbm>>
      %dma_start3A_27 = tpu.memref_squeeze %dma_start3A_26 : memref<1x75008x16xf32, #tpu.memory_space<hbm>> -> memref<75008x16xf32, #tpu.memory_space<hbm>>
      %dma_start3A_28 = arith.constant 0 : i32
      %dma_start3A_29 = tpu.memref_slice %dma_start3A_27[%mul3A_24, %dma_start3A_28] : memref<75008x16xf32, #tpu.memory_space<hbm>> -> memref<4688x16xf32, #tpu.memory_space<hbm>>
      %dma_start3A_30 = arith.constant 0 : i32
      %dma_start3A_31 = tpu.memref_slice %arg10[%mul3A_22, %dma_start3A_30] : memref<75008x16xf32, #tpu.memory_space<vmem_shared>> -> memref<4688x16xf32, #tpu.memory_space<vmem_shared>>
      tpu.enqueue_dma source(%dma_start3A_31 : memref<4688x16xf32, #tpu.memory_space<vmem_shared>>) target(%dma_start3A_29 : memref<4688x16xf32, #tpu.memory_space<hbm>>) target_semaphore(%run_scoped3A : memref<!tpu.dma_semaphore, #tpu.memory_space<semaphore_mem>>)
      %dma_wait3A = arith.constant 0 : i32
      %dma_wait3A_32 = arith.constant 0 : i32
      %dma_wait3A_33 = tpu.memref_slice %arg5[%arg0, %dma_wait3A, %dma_wait3A_32] : memref<2x75008x16xf32, #tpu.memory_space<hbm>> -> memref<1x75008x16xf32, #tpu.memory_space<hbm>>
      %dma_wait3A_34 = tpu.memref_squeeze %dma_wait3A_33 : memref<1x75008x16xf32, #tpu.memory_space<hbm>> -> memref<75008x16xf32, #tpu.memory_space<hbm>>
      %dma_wait3A_35 = arith.constant 0 : i32
      %dma_wait3A_36 = tpu.memref_slice %dma_wait3A_34[%mul3A_24, %dma_wait3A_35] : memref<75008x16xf32, #tpu.memory_space<hbm>> -> memref<4688x16xf32, #tpu.memory_space<hbm>>
      %dma_wait3A_37 = arith.constant 0 : i32
      %dma_wait3A_38 = tpu.memref_slice %arg10[%mul3A_22, %dma_wait3A_37] : memref<75008x16xf32, #tpu.memory_space<vmem_shared>> -> memref<4688x16xf32, #tpu.memory_space<vmem_shared>>
      tpu.wait_dma2 semaphore(%run_scoped3A : memref<!tpu.dma_semaphore, #tpu.memory_space<semaphore_mem>>) src(%dma_wait3A_38 : memref<4688x16xf32, #tpu.memory_space<vmem_shared>>) dst(%dma_wait3A_36 : memref<4688x16xf32, #tpu.memory_space<hbm>>)
      tpu.yield
    }) : () -> ()
    return
  }
}

#map = affine_map<(d0, d1) -> (0, 0)>
#map1 = affine_map<(d0, d1) -> (0)>
#map2 = affine_map<(d0, d1) -> (0, 0, 0)>
module attributes {stable_mosaic.version = 14 : i64} {
  func.func @agg(%arg0: i32, %arg1: i32, %arg2: memref<50000x16xf32, #tpu.memory_space<hbm>>, %arg3: memref<819200xi32, #tpu.memory_space<hbm>>, %arg4: memref<2x819200xi32, #tpu.memory_space<hbm>>, %arg5: memref<2x75008x16xf32, #tpu.memory_space<hbm>>, %arg6: memref<2048xi32, #tpu.memory_space<vmem>>, %arg7: memref<2048xi32, #tpu.memory_space<vmem>>, %arg8: memref<2048x16xf32, #tpu.memory_space<vmem>>, %arg9: memref<128x16xf32, #tpu.memory_space<vmem>>, %arg10: memref<75008x16xf32, #tpu.memory_space<vmem_shared>>, %arg11: memref<!tpu.dma_semaphore, #tpu.memory_space<semaphore_mem>>, %arg12: memref<!tpu.dma_semaphore, #tpu.memory_space<semaphore_mem>>) attributes {dimension_semantics = [#tpu.dimension_semantics<core_parallel>, #tpu.dimension_semantics<subcore_parallel>], iteration_bounds = array<i64: 2, 16>, scalar_prefetch = 0 : i64, scratch_operands = 7 : i64, tpu.core_type = #tpu.core_type<sc_vector_subcore>, window_params = [{transform_indices = #map}, {transform_indices = #map1}, {transform_indices = #map}, {transform_indices = #map2}]} {
    %scan3A = arith.constant 0 : i32
    %scan3A_0 = arith.constant 0 : i32
    %scan3A_1 = arith.constant 128 : i32
    %scan3A_2 = arith.addi %scan3A_0, %scan3A_1 : i32
    %scan3A_3 = arith.constant 1 : i32
    scf.for %scan3A_25 = %scan3A_0 to %scan3A_2 step %scan3A_3  : i32 {
      %broadcast_in_dim3A = arith.constant 0.000000e+00 : f32
      %broadcast_in_dim3A_26 = vector.broadcast %broadcast_in_dim3A : f32 to vector<16xf32>
      %swap3A = arith.index_cast %scan3A_25 : i32 to index
      %swap3A_27 = arith.constant 0 : index
      %swap3A_28 = tpu.vector_load %arg9[%swap3A, %swap3A_27] {strides = array<i32>} : memref<128x16xf32, #tpu.memory_space<vmem>>, vector<1x16xf32>,
      %swap3A_29 = vector.shape_cast %swap3A_28 : vector<1x16xf32> to vector<16xf32>
      %swap3A_30 = vector.shape_cast %broadcast_in_dim3A_26 : vector<16xf32> to vector<1x16xf32>
      tpu.vector_store %arg9[%swap3A, %swap3A_27], %swap3A_30 {strides = array<i32>} : memref<128x16xf32, #tpu.memory_space<vmem>>, vector<1x16xf32>,
    }
    %scan3A_4 = arith.constant 128 : i32
    %scan3A_5 = arith.constant 0 : i32
    %scan3A_6 = arith.constant 0 : i32
    %scan3A_7 = arith.constant 36 : i32
    %scan3A_8 = arith.addi %scan3A_6, %scan3A_7 : i32
    %scan3A_9 = arith.constant 1 : i32
    scf.for %scan3A_25 = %scan3A_6 to %scan3A_8 step %scan3A_9  : i32 {
      %mul3A_26 = arith.constant 4688 : i32
      %mul3A_27 = arith.muli %arg1, %mul3A_26 : i32
      %mul3A_28 = arith.constant 128 : i32
      %mul3A_29 = arith.muli %scan3A_25, %mul3A_28 : i32
      %add3A_30 = arith.addi %mul3A_27, %mul3A_29 : i32
      "tpu.region"() ({
        %run_scoped3A = tpu.sem_alloc : memref<!tpu.dma_semaphore, #tpu.memory_space<semaphore_mem>>
        %dma_start3A = arith.constant 0 : i32
        %dma_start3A_31 = tpu.memref_slice %arg10[%add3A_30, %dma_start3A] : memref<75008x16xf32, #tpu.memory_space<vmem_shared>> -> memref<128x16xf32, #tpu.memory_space<vmem_shared>>
        %dma_start3A_32 = arith.constant 0 : i32
        %dma_start3A_33 = tpu.memref_slice %arg10[%add3A_30, %dma_start3A_32] : memref<75008x16xf32, #tpu.memory_space<vmem_shared>> -> memref<128x16xf32, #tpu.memory_space<vmem_shared>>
        tpu.enqueue_dma source(%arg9 : memref<128x16xf32, #tpu.memory_space<vmem>>) target(%dma_start3A_33 : memref<128x16xf32, #tpu.memory_space<vmem_shared>>) target_semaphore(%run_scoped3A : memref<!tpu.dma_semaphore, #tpu.memory_space<semaphore_mem>>)
        %dma_wait3A = arith.constant 0 : i32
        %dma_wait3A_34 = tpu.memref_slice %arg10[%add3A_30, %dma_wait3A] : memref<75008x16xf32, #tpu.memory_space<vmem_shared>> -> memref<128x16xf32, #tpu.memory_space<vmem_shared>>
        %dma_wait3A_35 = arith.constant 0 : i32
        %dma_wait3A_36 = tpu.memref_slice %arg10[%add3A_30, %dma_wait3A_35] : memref<75008x16xf32, #tpu.memory_space<vmem_shared>> -> memref<128x16xf32, #tpu.memory_space<vmem_shared>>
        tpu.wait_dma2 semaphore(%run_scoped3A : memref<!tpu.dma_semaphore, #tpu.memory_space<semaphore_mem>>) src(%arg9 : memref<128x16xf32, #tpu.memory_space<vmem>>) dst(%dma_wait3A_36 : memref<128x16xf32, #tpu.memory_space<vmem_shared>>)
        tpu.yield
      }) : () -> ()
    }
    %scan3A_10 = arith.constant 36 : i32
    %mul3A = arith.constant 4688 : i32
    %mul3A_11 = arith.muli %arg1, %mul3A : i32
    %add3A = arith.constant 4688 : i32
    %add3A_12 = arith.addi %mul3A_11, %add3A : i32
    %sub3A = arith.constant 80 : i32
    %sub3A_13 = arith.subi %add3A_12, %sub3A : i32
    "tpu.region"() ({
      %run_scoped3A = tpu.sem_alloc : memref<!tpu.dma_semaphore, #tpu.memory_space<semaphore_mem>>
      %dma_start3A = arith.constant 0 : i32
      %dma_start3A_25 = arith.constant 0 : i32
      %dma_start3A_26 = tpu.memref_slice %arg9[%dma_start3A, %dma_start3A_25] : memref<128x16xf32, #tpu.memory_space<vmem>> -> memref<80x16xf32, #tpu.memory_space<vmem>>
      %dma_start3A_27 = arith.constant 0 : i32
      %dma_start3A_28 = tpu.memref_slice %arg10[%sub3A_13, %dma_start3A_27] : memref<75008x16xf32, #tpu.memory_space<vmem_shared>> -> memref<80x16xf32, #tpu.memory_space<vmem_shared>>
      %dma_start3A_29 = arith.constant 0 : i32
      %dma_start3A_30 = tpu.memref_slice %arg10[%sub3A_13, %dma_start3A_29] : memref<75008x16xf32, #tpu.memory_space<vmem_shared>> -> memref<80x16xf32, #tpu.memory_space<vmem_shared>>
      %dma_start3A_31 = arith.constant 0 : i32
      %dma_start3A_32 = arith.constant 0 : i32
      %dma_start3A_33 = tpu.memref_slice %arg9[%dma_start3A_31, %dma_start3A_32] : memref<128x16xf32, #tpu.memory_space<vmem>> -> memref<80x16xf32, #tpu.memory_space<vmem>>
      tpu.enqueue_dma source(%dma_start3A_33 : memref<80x16xf32, #tpu.memory_space<vmem>>) target(%dma_start3A_30 : memref<80x16xf32, #tpu.memory_space<vmem_shared>>) target_semaphore(%run_scoped3A : memref<!tpu.dma_semaphore, #tpu.memory_space<semaphore_mem>>)
      %dma_wait3A = arith.constant 0 : i32
      %dma_wait3A_34 = arith.constant 0 : i32
      %dma_wait3A_35 = tpu.memref_slice %arg9[%dma_wait3A, %dma_wait3A_34] : memref<128x16xf32, #tpu.memory_space<vmem>> -> memref<80x16xf32, #tpu.memory_space<vmem>>
      %dma_wait3A_36 = arith.constant 0 : i32
      %dma_wait3A_37 = tpu.memref_slice %arg10[%sub3A_13, %dma_wait3A_36] : memref<75008x16xf32, #tpu.memory_space<vmem_shared>> -> memref<80x16xf32, #tpu.memory_space<vmem_shared>>
      %dma_wait3A_38 = arith.constant 0 : i32
      %dma_wait3A_39 = tpu.memref_slice %arg10[%sub3A_13, %dma_wait3A_38] : memref<75008x16xf32, #tpu.memory_space<vmem_shared>> -> memref<80x16xf32, #tpu.memory_space<vmem_shared>>
      %dma_wait3A_40 = arith.constant 0 : i32
      %dma_wait3A_41 = arith.constant 0 : i32
      %dma_wait3A_42 = tpu.memref_slice %arg9[%dma_wait3A_40, %dma_wait3A_41] : memref<128x16xf32, #tpu.memory_space<vmem>> -> memref<80x16xf32, #tpu.memory_space<vmem>>
      tpu.wait_dma2 semaphore(%run_scoped3A : memref<!tpu.dma_semaphore, #tpu.memory_space<semaphore_mem>>) src(%dma_wait3A_42 : memref<80x16xf32, #tpu.memory_space<vmem>>) dst(%dma_wait3A_39 : memref<80x16xf32, #tpu.memory_space<vmem_shared>>)
      tpu.yield
    }) : () -> ()
    %barrier3A = arith.constant 0 : index
    tpu.barrier barrier_id(%barrier3A)
    %scan3A_14 = arith.constant 0 : i32
    %scan3A_15 = arith.constant 0 : i32
    %scan3A_16 = arith.constant 25 : i32
    %scan3A_17 = arith.addi %scan3A_15, %scan3A_16 : i32
    %scan3A_18 = arith.constant 1 : i32
    scf.for %scan3A_25 = %scan3A_15 to %scan3A_17 step %scan3A_18  : i32 {
      %mul3A_26 = arith.constant 51200 : i32
      %mul3A_27 = arith.muli %arg1, %mul3A_26 : i32
      %mul3A_28 = arith.constant 2048 : i32
      %mul3A_29 = arith.muli %scan3A_25, %mul3A_28 : i32
      %add3A_30 = arith.addi %mul3A_27, %mul3A_29 : i32
      "tpu.region"() ({
        %run_scoped3A = tpu.sem_alloc : memref<!tpu.dma_semaphore, #tpu.memory_space<semaphore_mem>>
        %dma_start3A_41 = arith.constant 0 : i32
        %dma_start3A_42 = tpu.memref_slice %arg4[%arg0, %dma_start3A_41] : memref<2x819200xi32, #tpu.memory_space<hbm>> -> memref<1x819200xi32, #tpu.memory_space<hbm>>
        %dma_start3A_43 = tpu.memref_squeeze %dma_start3A_42 : memref<1x819200xi32, #tpu.memory_space<hbm>> -> memref<819200xi32, #tpu.memory_space<hbm>>
        %dma_start3A_44 = tpu.memref_slice %dma_start3A_43[%add3A_30] : memref<819200xi32, #tpu.memory_space<hbm>> -> memref<2048xi32, #tpu.memory_space<hbm>>
        %dma_start3A_45 = arith.constant 0 : i32
        %dma_start3A_46 = tpu.memref_slice %arg4[%arg0, %dma_start3A_45] : memref<2x819200xi32, #tpu.memory_space<hbm>> -> memref<1x819200xi32, #tpu.memory_space<hbm>>
        %dma_start3A_47 = tpu.memref_squeeze %dma_start3A_46 : memref<1x819200xi32, #tpu.memory_space<hbm>> -> memref<819200xi32, #tpu.memory_space<hbm>>
        %dma_start3A_48 = tpu.memref_slice %dma_start3A_47[%add3A_30] : memref<819200xi32, #tpu.memory_space<hbm>> -> memref<2048xi32, #tpu.memory_space<hbm>>
        tpu.enqueue_dma source(%dma_start3A_48 : memref<2048xi32, #tpu.memory_space<hbm>>) target(%arg7 : memref<2048xi32, #tpu.memory_space<vmem>>) target_semaphore(%run_scoped3A : memref<!tpu.dma_semaphore, #tpu.memory_space<semaphore_mem>>)
        %dma_wait3A_49 = arith.constant 0 : i32
        %dma_wait3A_50 = tpu.memref_slice %arg4[%arg0, %dma_wait3A_49] : memref<2x819200xi32, #tpu.memory_space<hbm>> -> memref<1x819200xi32, #tpu.memory_space<hbm>>
        %dma_wait3A_51 = tpu.memref_squeeze %dma_wait3A_50 : memref<1x819200xi32, #tpu.memory_space<hbm>> -> memref<819200xi32, #tpu.memory_space<hbm>>
        %dma_wait3A_52 = tpu.memref_slice %dma_wait3A_51[%add3A_30] : memref<819200xi32, #tpu.memory_space<hbm>> -> memref<2048xi32, #tpu.memory_space<hbm>>
        %dma_wait3A_53 = arith.constant 0 : i32
        %dma_wait3A_54 = tpu.memref_slice %arg4[%arg0, %dma_wait3A_53] : memref<2x819200xi32, #tpu.memory_space<hbm>> -> memref<1x819200xi32, #tpu.memory_space<hbm>>
        %dma_wait3A_55 = tpu.memref_squeeze %dma_wait3A_54 : memref<1x819200xi32, #tpu.memory_space<hbm>> -> memref<819200xi32, #tpu.memory_space<hbm>>
        %dma_wait3A_56 = tpu.memref_slice %dma_wait3A_55[%add3A_30] : memref<819200xi32, #tpu.memory_space<hbm>> -> memref<2048xi32, #tpu.memory_space<hbm>>
        tpu.wait_dma2 semaphore(%run_scoped3A : memref<!tpu.dma_semaphore, #tpu.memory_space<semaphore_mem>>) src(%dma_wait3A_56 : memref<2048xi32, #tpu.memory_space<hbm>>) dst(%arg7 : memref<2048xi32, #tpu.memory_space<vmem>>)
        tpu.yield
      }) : () -> ()
      "tpu.region"() ({
        %run_scoped3A = tpu.sem_alloc : memref<!tpu.dma_semaphore, #tpu.memory_space<semaphore_mem>>
        %dma_start3A_41 = tpu.memref_slice %arg3[%add3A_30] : memref<819200xi32, #tpu.memory_space<hbm>> -> memref<2048xi32, #tpu.memory_space<hbm>>
        %dma_start3A_42 = tpu.memref_slice %arg3[%add3A_30] : memref<819200xi32, #tpu.memory_space<hbm>> -> memref<2048xi32, #tpu.memory_space<hbm>>
        tpu.enqueue_dma source(%dma_start3A_42 : memref<2048xi32, #tpu.memory_space<hbm>>) target(%arg6 : memref<2048xi32, #tpu.memory_space<vmem>>) target_semaphore(%run_scoped3A : memref<!tpu.dma_semaphore, #tpu.memory_space<semaphore_mem>>)
        %dma_wait3A_43 = tpu.memref_slice %arg3[%add3A_30] : memref<819200xi32, #tpu.memory_space<hbm>> -> memref<2048xi32, #tpu.memory_space<hbm>>
        %dma_wait3A_44 = tpu.memref_slice %arg3[%add3A_30] : memref<819200xi32, #tpu.memory_space<hbm>> -> memref<2048xi32, #tpu.memory_space<hbm>>
        tpu.wait_dma2 semaphore(%run_scoped3A : memref<!tpu.dma_semaphore, #tpu.memory_space<semaphore_mem>>) src(%dma_wait3A_44 : memref<2048xi32, #tpu.memory_space<hbm>>) dst(%arg6 : memref<2048xi32, #tpu.memory_space<vmem>>)
        tpu.yield
      }) : () -> ()
      %dma_start3A = arith.constant 0 : i32
      %dma_start3A_31 = arith.constant 0 : i32
      %dma_start3A_32 = tpu.memref_slice %arg2[%dma_start3A, %dma_start3A_31] : memref<50000x16xf32, #tpu.memory_space<hbm>> -> memref<50000x16xf32, #tpu.memory_space<hbm>>
      tpu.enqueue_indirect_dma source(%dma_start3A_32 : memref<50000x16xf32, #tpu.memory_space<hbm>>) target(%arg8 : memref<2048x16xf32, #tpu.memory_space<vmem>>) offsets(%arg6 : memref<2048xi32, #tpu.memory_space<vmem>>) semaphore(%arg11 : memref<!tpu.dma_semaphore, #tpu.memory_space<semaphore_mem>>)
      %dma_wait3A = arith.constant 0 : i32
      %dma_wait3A_33 = arith.constant 0 : i32
      %dma_wait3A_34 = tpu.memref_slice %arg2[%dma_wait3A, %dma_wait3A_33] : memref<50000x16xf32, #tpu.memory_space<hbm>> -> memref<50000x16xf32, #tpu.memory_space<hbm>>
      tpu.wait_indirect_dma semaphore(%arg11 : memref<!tpu.dma_semaphore, #tpu.memory_space<semaphore_mem>>) src(%dma_wait3A_34 : memref<50000x16xf32, #tpu.memory_space<hbm>>) dst(%arg8 : memref<2048x16xf32, #tpu.memory_space<vmem>>)
      %dma_start3A_35 = arith.constant 0 : i32
      %dma_start3A_36 = arith.constant 0 : i32
      %dma_start3A_37 = tpu.memref_slice %arg10[%dma_start3A_35, %dma_start3A_36] : memref<75008x16xf32, #tpu.memory_space<vmem_shared>> -> memref<75008x16xf32, #tpu.memory_space<vmem_shared>>
      tpu.enqueue_indirect_dma source(%arg8 : memref<2048x16xf32, #tpu.memory_space<vmem>>) target(%dma_start3A_37 : memref<75008x16xf32, #tpu.memory_space<vmem_shared>>) offsets(%arg7 : memref<2048xi32, #tpu.memory_space<vmem>>) semaphore(%arg12 : memref<!tpu.dma_semaphore, #tpu.memory_space<semaphore_mem>>) {add = true}
      %dma_wait3A_38 = arith.constant 0 : i32
      %dma_wait3A_39 = arith.constant 0 : i32
      %dma_wait3A_40 = tpu.memref_slice %arg10[%dma_wait3A_38, %dma_wait3A_39] : memref<75008x16xf32, #tpu.memory_space<vmem_shared>> -> memref<75008x16xf32, #tpu.memory_space<vmem_shared>>
      tpu.wait_indirect_dma semaphore(%arg12 : memref<!tpu.dma_semaphore, #tpu.memory_space<semaphore_mem>>) src(%arg8 : memref<2048x16xf32, #tpu.memory_space<vmem>>) dst(%dma_wait3A_40 : memref<75008x16xf32, #tpu.memory_space<vmem_shared>>)
    }
    %scan3A_19 = arith.constant 25 : i32
    %barrier3A_20 = arith.constant 0 : index
    tpu.barrier barrier_id(%barrier3A_20)
    %mul3A_21 = arith.constant 4688 : i32
    %mul3A_22 = arith.muli %arg1, %mul3A_21 : i32
    %mul3A_23 = arith.constant 4688 : i32
    %mul3A_24 = arith.muli %arg1, %mul3A_23 : i32
    "tpu.region"() ({
      %run_scoped3A = tpu.sem_alloc : memref<!tpu.dma_semaphore, #tpu.memory_space<semaphore_mem>>
      %dma_start3A = arith.constant 0 : i32
      %dma_start3A_25 = arith.constant 0 : i32
      %dma_start3A_26 = tpu.memref_slice %arg5[%arg0, %dma_start3A, %dma_start3A_25] : memref<2x75008x16xf32, #tpu.memory_space<hbm>> -> memref<1x75008x16xf32, #tpu.memory_space<hbm>>
      %dma_start3A_27 = tpu.memref_squeeze %dma_start3A_26 : memref<1x75008x16xf32, #tpu.memory_space<hbm>> -> memref<75008x16xf32, #tpu.memory_space<hbm>>
      %dma_start3A_28 = arith.constant 0 : i32
      %dma_start3A_29 = tpu.memref_slice %dma_start3A_27[%mul3A_24, %dma_start3A_28] : memref<75008x16xf32, #tpu.memory_space<hbm>> -> memref<4688x16xf32, #tpu.memory_space<hbm>>
      %dma_start3A_30 = arith.constant 0 : i32
      %dma_start3A_31 = tpu.memref_slice %arg10[%mul3A_22, %dma_start3A_30] : memref<75008x16xf32, #tpu.memory_space<vmem_shared>> -> memref<4688x16xf32, #tpu.memory_space<vmem_shared>>
      tpu.enqueue_dma source(%dma_start3A_31 : memref<4688x16xf32, #tpu.memory_space<vmem_shared>>) target(%dma_start3A_29 : memref<4688x16xf32, #tpu.memory_space<hbm>>) target_semaphore(%run_scoped3A : memref<!tpu.dma_semaphore, #tpu.memory_space<semaphore_mem>>)
      %dma_wait3A = arith.constant 0 : i32
      %dma_wait3A_32 = arith.constant 0 : i32
      %dma_wait3A_33 = tpu.memref_slice %arg5[%arg0, %dma_wait3A, %dma_wait3A_32] : memref<2x75008x16xf32, #tpu.memory_space<hbm>> -> memref<1x75008x16xf32, #tpu.memory_space<hbm>>
      %dma_wait3A_34 = tpu.memref_squeeze %dma_wait3A_33 : memref<1x75008x16xf32, #tpu.memory_space<hbm>> -> memref<75008x16xf32, #tpu.memory_space<hbm>>
      %dma_wait3A_35 = arith.constant 0 : i32
      %dma_wait3A_36 = tpu.memref_slice %dma_wait3A_34[%mul3A_24, %dma_wait3A_35] : memref<75008x16xf32, #tpu.memory_space<hbm>> -> memref<4688x16xf32, #tpu.memory_space<hbm>>
      %dma_wait3A_37 = arith.constant 0 : i32
      %dma_wait3A_38 = tpu.memref_slice %arg10[%mul3A_22, %dma_wait3A_37] : memref<75008x16xf32, #tpu.memory_space<vmem_shared>> -> memref<4688x16xf32, #tpu.memory_space<vmem_shared>>
      tpu.wait_dma2 semaphore(%run_scoped3A : memref<!tpu.dma_semaphore, #tpu.memory_space<semaphore_mem>>) src(%dma_wait3A_38 : memref<4688x16xf32, #tpu.memory_space<vmem_shared>>) dst(%dma_wait3A_36 : memref<4688x16xf32, #tpu.memory_space<hbm>>)
      tpu.yield
    }) : () -> ()
    return
  }
}

#map = affine_map<(d0, d1) -> (0, 0, 0)>
#map1 = affine_map<(d0, d1) -> (0, 0)>
module attributes {stable_mosaic.version = 14 : i64} {
  func.func @pool(%arg0: i32, %arg1: i32, %arg2: memref<416x128x64xf32, #tpu.memory_space<hbm>>, %arg3: memref<416x128xi32, #tpu.memory_space<hbm>>, %arg4: memref<2x2048x64xf32, #tpu.memory_space<hbm>>, %arg5: memref<2x2048x16xf32, #tpu.memory_space<hbm>>, %arg6: memref<13x128xi32, #tpu.memory_space<vmem>>, %arg7: memref<7x128x64xf32, #tpu.memory_space<vmem>>, %arg8: memref<128x64xf32, #tpu.memory_space<vmem>>, %arg9: memref<128x16xf32, #tpu.memory_space<vmem>>, %arg10: memref<2048x64xf32, #tpu.memory_space<vmem_shared>>, %arg11: memref<2048x16xf32, #tpu.memory_space<vmem_shared>>, %arg12: memref<!tpu.dma_semaphore, #tpu.memory_space<semaphore_mem>>, %arg13: memref<!tpu.dma_semaphore, #tpu.memory_space<semaphore_mem>>) attributes {dimension_semantics = [#tpu.dimension_semantics<core_parallel>, #tpu.dimension_semantics<subcore_parallel>], iteration_bounds = array<i64: 2, 16>, scalar_prefetch = 0 : i64, scratch_operands = 8 : i64, tpu.core_type = #tpu.core_type<sc_vector_subcore>, window_params = [{transform_indices = #map}, {transform_indices = #map1}, {transform_indices = #map}, {transform_indices = #map}]} {
    %mul3A = arith.constant 2 : i32
    %mul3A_0 = arith.muli %arg1, %mul3A : i32
    %add3A = arith.addi %mul3A_0, %arg0 : i32
    %scan3A = arith.constant 0 : i32
    %scan3A_1 = arith.constant 0 : i32
    %scan3A_2 = arith.constant 128 : i32
    %scan3A_3 = arith.addi %scan3A_1, %scan3A_2 : i32
    %scan3A_4 = arith.constant 1 : i32
    scf.for %scan3A_533 = %scan3A_1 to %scan3A_3 step %scan3A_4  : i32 {
      %broadcast_in_dim3A = arith.constant 0.000000e+00 : f32
      %broadcast_in_dim3A_534 = vector.broadcast %broadcast_in_dim3A : f32 to vector<16xf32>
      %swap3A = arith.index_cast %scan3A_533 : i32 to index
      %swap3A_535 = arith.constant 0 : index
      %swap3A_536 = tpu.vector_load %arg8[%swap3A, %swap3A_535] {strides = array<i32>} : memref<128x64xf32, #tpu.memory_space<vmem>>, vector<1x16xf32>,
      %swap3A_537 = vector.shape_cast %swap3A_536 : vector<1x16xf32> to vector<16xf32>
      %swap3A_538 = vector.shape_cast %broadcast_in_dim3A_534 : vector<16xf32> to vector<1x16xf32>
      tpu.vector_store %arg8[%swap3A, %swap3A_535], %swap3A_538 {strides = array<i32>} : memref<128x64xf32, #tpu.memory_space<vmem>>, vector<1x16xf32>,
      %broadcast_in_dim3A_539 = arith.constant 0.000000e+00 : f32
      %broadcast_in_dim3A_540 = vector.broadcast %broadcast_in_dim3A_539 : f32 to vector<16xf32>
      %swap3A_541 = arith.index_cast %scan3A_533 : i32 to index
      %swap3A_542 = arith.constant 16 : index
      %swap3A_543 = tpu.vector_load %arg8[%swap3A_541, %swap3A_542] {strides = array<i32>} : memref<128x64xf32, #tpu.memory_space<vmem>>, vector<1x16xf32>,
      %swap3A_544 = vector.shape_cast %swap3A_543 : vector<1x16xf32> to vector<16xf32>
      %swap3A_545 = vector.shape_cast %broadcast_in_dim3A_540 : vector<16xf32> to vector<1x16xf32>
      tpu.vector_store %arg8[%swap3A_541, %swap3A_542], %swap3A_545 {strides = array<i32>} : memref<128x64xf32, #tpu.memory_space<vmem>>, vector<1x16xf32>,
      %broadcast_in_dim3A_546 = arith.constant 0.000000e+00 : f32
      %broadcast_in_dim3A_547 = vector.broadcast %broadcast_in_dim3A_546 : f32 to vector<16xf32>
      %swap3A_548 = arith.index_cast %scan3A_533 : i32 to index
      %swap3A_549 = arith.constant 32 : index
      %swap3A_550 = tpu.vector_load %arg8[%swap3A_548, %swap3A_549] {strides = array<i32>} : memref<128x64xf32, #tpu.memory_space<vmem>>, vector<1x16xf32>,
      %swap3A_551 = vector.shape_cast %swap3A_550 : vector<1x16xf32> to vector<16xf32>
      %swap3A_552 = vector.shape_cast %broadcast_in_dim3A_547 : vector<16xf32> to vector<1x16xf32>
      tpu.vector_store %arg8[%swap3A_548, %swap3A_549], %swap3A_552 {strides = array<i32>} : memref<128x64xf32, #tpu.memory_space<vmem>>, vector<1x16xf32>,
      %broadcast_in_dim3A_553 = arith.constant 0.000000e+00 : f32
      %broadcast_in_dim3A_554 = vector.broadcast %broadcast_in_dim3A_553 : f32 to vector<16xf32>
      %swap3A_555 = arith.index_cast %scan3A_533 : i32 to index
      %swap3A_556 = arith.constant 48 : index
      %swap3A_557 = tpu.vector_load %arg8[%swap3A_555, %swap3A_556] {strides = array<i32>} : memref<128x64xf32, #tpu.memory_space<vmem>>, vector<1x16xf32>,
      %swap3A_558 = vector.shape_cast %swap3A_557 : vector<1x16xf32> to vector<16xf32>
      %swap3A_559 = vector.shape_cast %broadcast_in_dim3A_554 : vector<16xf32> to vector<1x16xf32>
      tpu.vector_store %arg8[%swap3A_555, %swap3A_556], %swap3A_559 {strides = array<i32>} : memref<128x64xf32, #tpu.memory_space<vmem>>, vector<1x16xf32>,
    }
    %scan3A_5 = arith.constant 128 : i32
    %scan3A_6 = arith.constant 0 : i32
    %scan3A_7 = arith.constant 0 : i32
    %scan3A_8 = arith.constant 128 : i32
    %scan3A_9 = arith.addi %scan3A_7, %scan3A_8 : i32
    %scan3A_10 = arith.constant 1 : i32
    scf.for %scan3A_533 = %scan3A_7 to %scan3A_9 step %scan3A_10  : i32 {
      %broadcast_in_dim3A = arith.constant 0.000000e+00 : f32
      %broadcast_in_dim3A_534 = vector.broadcast %broadcast_in_dim3A : f32 to vector<16xf32>
      %swap3A = arith.index_cast %scan3A_533 : i32 to index
      %swap3A_535 = arith.constant 0 : index
      %swap3A_536 = tpu.vector_load %arg9[%swap3A, %swap3A_535] {strides = array<i32>} : memref<128x16xf32, #tpu.memory_space<vmem>>, vector<1x16xf32>,
      %swap3A_537 = vector.shape_cast %swap3A_536 : vector<1x16xf32> to vector<16xf32>
      %swap3A_538 = vector.shape_cast %broadcast_in_dim3A_534 : vector<16xf32> to vector<1x16xf32>
      tpu.vector_store %arg9[%swap3A, %swap3A_535], %swap3A_538 {strides = array<i32>} : memref<128x16xf32, #tpu.memory_space<vmem>>, vector<1x16xf32>,
    }
    %scan3A_11 = arith.constant 128 : i32
    %mul3A_12 = arith.constant 128 : i32
    %mul3A_13 = arith.muli %arg1, %mul3A_12 : i32
    "tpu.region"() ({
      %run_scoped3A = tpu.sem_alloc : memref<!tpu.dma_semaphore, #tpu.memory_space<semaphore_mem>>
      %dma_start3A_533 = arith.constant 0 : i32
      %dma_start3A_534 = tpu.memref_slice %arg10[%mul3A_13, %dma_start3A_533] : memref<2048x64xf32, #tpu.memory_space<vmem_shared>> -> memref<128x64xf32, #tpu.memory_space<vmem_shared>>
      %dma_start3A_535 = arith.constant 0 : i32
      %dma_start3A_536 = tpu.memref_slice %arg10[%mul3A_13, %dma_start3A_535] : memref<2048x64xf32, #tpu.memory_space<vmem_shared>> -> memref<128x64xf32, #tpu.memory_space<vmem_shared>>
      tpu.enqueue_dma source(%arg8 : memref<128x64xf32, #tpu.memory_space<vmem>>) target(%dma_start3A_536 : memref<128x64xf32, #tpu.memory_space<vmem_shared>>) target_semaphore(%run_scoped3A : memref<!tpu.dma_semaphore, #tpu.memory_space<semaphore_mem>>)
      %dma_wait3A_537 = arith.constant 0 : i32
      %dma_wait3A_538 = tpu.memref_slice %arg10[%mul3A_13, %dma_wait3A_537] : memref<2048x64xf32, #tpu.memory_space<vmem_shared>> -> memref<128x64xf32, #tpu.memory_space<vmem_shared>>
      %dma_wait3A_539 = arith.constant 0 : i32
      %dma_wait3A_540 = tpu.memref_slice %arg10[%mul3A_13, %dma_wait3A_539] : memref<2048x64xf32, #tpu.memory_space<vmem_shared>> -> memref<128x64xf32, #tpu.memory_space<vmem_shared>>
      tpu.wait_dma2 semaphore(%run_scoped3A : memref<!tpu.dma_semaphore, #tpu.memory_space<semaphore_mem>>) src(%arg8 : memref<128x64xf32, #tpu.memory_space<vmem>>) dst(%dma_wait3A_540 : memref<128x64xf32, #tpu.memory_space<vmem_shared>>)
      tpu.yield
    }) : () -> ()
    %mul3A_14 = arith.constant 128 : i32
    %mul3A_15 = arith.muli %arg1, %mul3A_14 : i32
    "tpu.region"() ({
      %run_scoped3A = tpu.sem_alloc : memref<!tpu.dma_semaphore, #tpu.memory_space<semaphore_mem>>
      %dma_start3A_533 = arith.constant 0 : i32
      %dma_start3A_534 = tpu.memref_slice %arg11[%mul3A_15, %dma_start3A_533] : memref<2048x16xf32, #tpu.memory_space<vmem_shared>> -> memref<128x16xf32, #tpu.memory_space<vmem_shared>>
      %dma_start3A_535 = arith.constant 0 : i32
      %dma_start3A_536 = tpu.memref_slice %arg11[%mul3A_15, %dma_start3A_535] : memref<2048x16xf32, #tpu.memory_space<vmem_shared>> -> memref<128x16xf32, #tpu.memory_space<vmem_shared>>
      tpu.enqueue_dma source(%arg9 : memref<128x16xf32, #tpu.memory_space<vmem>>) target(%dma_start3A_536 : memref<128x16xf32, #tpu.memory_space<vmem_shared>>) target_semaphore(%run_scoped3A : memref<!tpu.dma_semaphore, #tpu.memory_space<semaphore_mem>>)
      %dma_wait3A_537 = arith.constant 0 : i32
      %dma_wait3A_538 = tpu.memref_slice %arg11[%mul3A_15, %dma_wait3A_537] : memref<2048x16xf32, #tpu.memory_space<vmem_shared>> -> memref<128x16xf32, #tpu.memory_space<vmem_shared>>
      %dma_wait3A_539 = arith.constant 0 : i32
      %dma_wait3A_540 = tpu.memref_slice %arg11[%mul3A_15, %dma_wait3A_539] : memref<2048x16xf32, #tpu.memory_space<vmem_shared>> -> memref<128x16xf32, #tpu.memory_space<vmem_shared>>
      tpu.wait_dma2 semaphore(%run_scoped3A : memref<!tpu.dma_semaphore, #tpu.memory_space<semaphore_mem>>) src(%arg9 : memref<128x16xf32, #tpu.memory_space<vmem>>) dst(%dma_wait3A_540 : memref<128x16xf32, #tpu.memory_space<vmem_shared>>)
      tpu.yield
    }) : () -> ()
    %scan3A_16 = arith.constant 0 : i32
    %scan3A_17 = arith.constant 0 : i32
    %scan3A_18 = arith.constant 128 : i32
    %scan3A_19 = arith.addi %scan3A_17, %scan3A_18 : i32
    %scan3A_20 = arith.constant 1 : i32
    scf.for %scan3A_533 = %scan3A_17 to %scan3A_19 step %scan3A_20  : i32 {
      %broadcast_in_dim3A = arith.constant 1.000000e+00 : f32
      %broadcast_in_dim3A_534 = vector.broadcast %broadcast_in_dim3A : f32 to vector<16xf32>
      %swap3A = arith.index_cast %scan3A_533 : i32 to index
      %swap3A_535 = arith.constant 0 : index
      %swap3A_536 = tpu.vector_load %arg9[%swap3A, %swap3A_535] {strides = array<i32>} : memref<128x16xf32, #tpu.memory_space<vmem>>, vector<1x16xf32>,
      %swap3A_537 = vector.shape_cast %swap3A_536 : vector<1x16xf32> to vector<16xf32>
      %swap3A_538 = vector.shape_cast %broadcast_in_dim3A_534 : vector<16xf32> to vector<1x16xf32>
      tpu.vector_store %arg9[%swap3A, %swap3A_535], %swap3A_538 {strides = array<i32>} : memref<128x16xf32, #tpu.memory_space<vmem>>, vector<1x16xf32>,
    }
    %scan3A_21 = arith.constant 128 : i32
    %barrier3A = arith.constant 0 : index
    tpu.barrier barrier_id(%barrier3A)
    %mul3A_22 = arith.constant 13 : i32
    %mul3A_23 = arith.muli %add3A, %mul3A_22 : i32
    "tpu.region"() ({
      %run_scoped3A = tpu.sem_alloc : memref<!tpu.dma_semaphore, #tpu.memory_space<semaphore_mem>>
      %dma_start3A_533 = arith.constant 0 : i32
      %dma_start3A_534 = tpu.memref_slice %arg3[%mul3A_23, %dma_start3A_533] : memref<416x128xi32, #tpu.memory_space<hbm>> -> memref<13x128xi32, #tpu.memory_space<hbm>>
      %dma_start3A_535 = arith.constant 0 : i32
      %dma_start3A_536 = tpu.memref_slice %arg3[%mul3A_23, %dma_start3A_535] : memref<416x128xi32, #tpu.memory_space<hbm>> -> memref<13x128xi32, #tpu.memory_space<hbm>>
      tpu.enqueue_dma source(%dma_start3A_536 : memref<13x128xi32, #tpu.memory_space<hbm>>) target(%arg6 : memref<13x128xi32, #tpu.memory_space<vmem>>) target_semaphore(%run_scoped3A : memref<!tpu.dma_semaphore, #tpu.memory_space<semaphore_mem>>)
      %dma_wait3A_537 = arith.constant 0 : i32
      %dma_wait3A_538 = tpu.memref_slice %arg3[%mul3A_23, %dma_wait3A_537] : memref<416x128xi32, #tpu.memory_space<hbm>> -> memref<13x128xi32, #tpu.memory_space<hbm>>
      %dma_wait3A_539 = arith.constant 0 : i32
      %dma_wait3A_540 = tpu.memref_slice %arg3[%mul3A_23, %dma_wait3A_539] : memref<416x128xi32, #tpu.memory_space<hbm>> -> memref<13x128xi32, #tpu.memory_space<hbm>>
      tpu.wait_dma2 semaphore(%run_scoped3A : memref<!tpu.dma_semaphore, #tpu.memory_space<semaphore_mem>>) src(%dma_wait3A_540 : memref<13x128xi32, #tpu.memory_space<hbm>>) dst(%arg6 : memref<13x128xi32, #tpu.memory_space<vmem>>)
      tpu.yield
    }) : () -> ()
    %mul3A_24 = arith.constant 13 : i32
    %mul3A_25 = arith.muli %add3A, %mul3A_24 : i32
    %add3A_26 = arith.constant 0 : i32
    %add3A_27 = arith.addi %mul3A_25, %add3A_26 : i32
    "tpu.region"() ({
      %run_scoped3A = tpu.sem_alloc : memref<!tpu.dma_semaphore, #tpu.memory_space<semaphore_mem>>
      %dma_start3A_533 = arith.constant 0 : i32
      %dma_start3A_534 = arith.constant 0 : i32
      %dma_start3A_535 = arith.constant 0 : i32
      %dma_start3A_536 = tpu.memref_slice %arg7[%dma_start3A_533, %dma_start3A_534, %dma_start3A_535] : memref<7x128x64xf32, #tpu.memory_space<vmem>> -> memref<7x128x64xf32, #tpu.memory_space<vmem>>
      %dma_start3A_537 = arith.constant 0 : i32
      %dma_start3A_538 = arith.constant 0 : i32
      %dma_start3A_539 = tpu.memref_slice %arg2[%add3A_27, %dma_start3A_537, %dma_start3A_538] : memref<416x128x64xf32, #tpu.memory_space<hbm>> -> memref<7x128x64xf32, #tpu.memory_space<hbm>>
      %dma_start3A_540 = arith.constant 0 : i32
      %dma_start3A_541 = arith.constant 0 : i32
      %dma_start3A_542 = arith.constant 0 : i32
      %dma_start3A_543 = tpu.memref_slice %arg7[%dma_start3A_540, %dma_start3A_541, %dma_start3A_542] : memref<7x128x64xf32, #tpu.memory_space<vmem>> -> memref<7x128x64xf32, #tpu.memory_space<vmem>>
      %dma_start3A_544 = arith.constant 0 : i32
      %dma_start3A_545 = arith.constant 0 : i32
      %dma_start3A_546 = tpu.memref_slice %arg2[%add3A_27, %dma_start3A_544, %dma_start3A_545] : memref<416x128x64xf32, #tpu.memory_space<hbm>> -> memref<7x128x64xf32, #tpu.memory_space<hbm>>
      tpu.enqueue_dma source(%dma_start3A_546 : memref<7x128x64xf32, #tpu.memory_space<hbm>>) target(%dma_start3A_543 : memref<7x128x64xf32, #tpu.memory_space<vmem>>) target_semaphore(%run_scoped3A : memref<!tpu.dma_semaphore, #tpu.memory_space<semaphore_mem>>)
      %dma_wait3A_547 = arith.constant 0 : i32
      %dma_wait3A_548 = arith.constant 0 : i32
      %dma_wait3A_549 = arith.constant 0 : i32
      %dma_wait3A_550 = tpu.memref_slice %arg7[%dma_wait3A_547, %dma_wait3A_548, %dma_wait3A_549] : memref<7x128x64xf32, #tpu.memory_space<vmem>> -> memref<7x128x64xf32, #tpu.memory_space<vmem>>
      %dma_wait3A_551 = arith.constant 0 : i32
      %dma_wait3A_552 = arith.constant 0 : i32
      %dma_wait3A_553 = tpu.memref_slice %arg2[%add3A_27, %dma_wait3A_551, %dma_wait3A_552] : memref<416x128x64xf32, #tpu.memory_space<hbm>> -> memref<7x128x64xf32, #tpu.memory_space<hbm>>
      %dma_wait3A_554 = arith.constant 0 : i32
      %dma_wait3A_555 = arith.constant 0 : i32
      %dma_wait3A_556 = arith.constant 0 : i32
      %dma_wait3A_557 = tpu.memref_slice %arg7[%dma_wait3A_554, %dma_wait3A_555, %dma_wait3A_556] : memref<7x128x64xf32, #tpu.memory_space<vmem>> -> memref<7x128x64xf32, #tpu.memory_space<vmem>>
      %dma_wait3A_558 = arith.constant 0 : i32
      %dma_wait3A_559 = arith.constant 0 : i32
      %dma_wait3A_560 = tpu.memref_slice %arg2[%add3A_27, %dma_wait3A_558, %dma_wait3A_559] : memref<416x128x64xf32, #tpu.memory_space<hbm>> -> memref<7x128x64xf32, #tpu.memory_space<hbm>>
      tpu.wait_dma2 semaphore(%run_scoped3A : memref<!tpu.dma_semaphore, #tpu.memory_space<semaphore_mem>>) src(%dma_wait3A_560 : memref<7x128x64xf32, #tpu.memory_space<hbm>>) dst(%dma_wait3A_557 : memref<7x128x64xf32, #tpu.memory_space<vmem>>)
      tpu.yield
    }) : () -> ()
    %dma_start3A = arith.constant 0 : i32
    %dma_start3A_28 = arith.constant 0 : i32
    %dma_start3A_29 = arith.constant 0 : i32
    %dma_start3A_30 = arith.constant 0 : i32
    %dma_start3A_31 = tpu.memref_slice %arg7[%dma_start3A, %dma_start3A_29, %dma_start3A_30] : memref<7x128x64xf32, #tpu.memory_space<vmem>> -> memref<1x128x64xf32, #tpu.memory_space<vmem>>
    %dma_start3A_32 = tpu.memref_squeeze %dma_start3A_31 : memref<1x128x64xf32, #tpu.memory_space<vmem>> -> memref<128x64xf32, #tpu.memory_space<vmem>>
    %dma_start3A_33 = arith.constant 0 : i32
    %dma_start3A_34 = tpu.memref_slice %arg6[%dma_start3A_28, %dma_start3A_33] : memref<13x128xi32, #tpu.memory_space<vmem>> -> memref<1x128xi32, #tpu.memory_space<vmem>>
    %dma_start3A_35 = tpu.memref_squeeze %dma_start3A_34 : memref<1x128xi32, #tpu.memory_space<vmem>> -> memref<128xi32, #tpu.memory_space<vmem>>
    %dma_start3A_36 = arith.constant 0 : i32
    %dma_start3A_37 = arith.constant 0 : i32
    %dma_start3A_38 = tpu.memref_slice %arg10[%dma_start3A_36, %dma_start3A_37] : memref<2048x64xf32, #tpu.memory_space<vmem_shared>> -> memref<2048x64xf32, #tpu.memory_space<vmem_shared>>
    tpu.enqueue_indirect_dma source(%dma_start3A_32 : memref<128x64xf32, #tpu.memory_space<vmem>>) target(%dma_start3A_38 : memref<2048x64xf32, #tpu.memory_space<vmem_shared>>) offsets(%dma_start3A_35 : memref<128xi32, #tpu.memory_space<vmem>>) semaphore(%arg12 : memref<!tpu.dma_semaphore, #tpu.memory_space<semaphore_mem>>) {add = true}
    %dma_start3A_39 = arith.constant 1 : i32
    %dma_start3A_40 = arith.constant 1 : i32
    %dma_start3A_41 = arith.constant 0 : i32
    %dma_start3A_42 = arith.constant 0 : i32
    %dma_start3A_43 = tpu.memref_slice %arg7[%dma_start3A_39, %dma_start3A_41, %dma_start3A_42] : memref<7x128x64xf32, #tpu.memory_space<vmem>> -> memref<1x128x64xf32, #tpu.memory_space<vmem>>
    %dma_start3A_44 = tpu.memref_squeeze %dma_start3A_43 : memref<1x128x64xf32, #tpu.memory_space<vmem>> -> memref<128x64xf32, #tpu.memory_space<vmem>>
    %dma_start3A_45 = arith.constant 0 : i32
    %dma_start3A_46 = tpu.memref_slice %arg6[%dma_start3A_40, %dma_start3A_45] : memref<13x128xi32, #tpu.memory_space<vmem>> -> memref<1x128xi32, #tpu.memory_space<vmem>>
    %dma_start3A_47 = tpu.memref_squeeze %dma_start3A_46 : memref<1x128xi32, #tpu.memory_space<vmem>> -> memref<128xi32, #tpu.memory_space<vmem>>
    %dma_start3A_48 = arith.constant 0 : i32
    %dma_start3A_49 = arith.constant 0 : i32
    %dma_start3A_50 = tpu.memref_slice %arg10[%dma_start3A_48, %dma_start3A_49] : memref<2048x64xf32, #tpu.memory_space<vmem_shared>> -> memref<2048x64xf32, #tpu.memory_space<vmem_shared>>
    tpu.enqueue_indirect_dma source(%dma_start3A_44 : memref<128x64xf32, #tpu.memory_space<vmem>>) target(%dma_start3A_50 : memref<2048x64xf32, #tpu.memory_space<vmem_shared>>) offsets(%dma_start3A_47 : memref<128xi32, #tpu.memory_space<vmem>>) semaphore(%arg12 : memref<!tpu.dma_semaphore, #tpu.memory_space<semaphore_mem>>) {add = true}
    %dma_start3A_51 = arith.constant 2 : i32
    %dma_start3A_52 = arith.constant 2 : i32
    %dma_start3A_53 = arith.constant 0 : i32
    %dma_start3A_54 = arith.constant 0 : i32
    %dma_start3A_55 = tpu.memref_slice %arg7[%dma_start3A_51, %dma_start3A_53, %dma_start3A_54] : memref<7x128x64xf32, #tpu.memory_space<vmem>> -> memref<1x128x64xf32, #tpu.memory_space<vmem>>
    %dma_start3A_56 = tpu.memref_squeeze %dma_start3A_55 : memref<1x128x64xf32, #tpu.memory_space<vmem>> -> memref<128x64xf32, #tpu.memory_space<vmem>>
    %dma_start3A_57 = arith.constant 0 : i32
    %dma_start3A_58 = tpu.memref_slice %arg6[%dma_start3A_52, %dma_start3A_57] : memref<13x128xi32, #tpu.memory_space<vmem>> -> memref<1x128xi32, #tpu.memory_space<vmem>>
    %dma_start3A_59 = tpu.memref_squeeze %dma_start3A_58 : memref<1x128xi32, #tpu.memory_space<vmem>> -> memref<128xi32, #tpu.memory_space<vmem>>
    %dma_start3A_60 = arith.constant 0 : i32
    %dma_start3A_61 = arith.constant 0 : i32
    %dma_start3A_62 = tpu.memref_slice %arg10[%dma_start3A_60, %dma_start3A_61] : memref<2048x64xf32, #tpu.memory_space<vmem_shared>> -> memref<2048x64xf32, #tpu.memory_space<vmem_shared>>
    tpu.enqueue_indirect_dma source(%dma_start3A_56 : memref<128x64xf32, #tpu.memory_space<vmem>>) target(%dma_start3A_62 : memref<2048x64xf32, #tpu.memory_space<vmem_shared>>) offsets(%dma_start3A_59 : memref<128xi32, #tpu.memory_space<vmem>>) semaphore(%arg12 : memref<!tpu.dma_semaphore, #tpu.memory_space<semaphore_mem>>) {add = true}
    %dma_start3A_63 = arith.constant 3 : i32
    %dma_start3A_64 = arith.constant 3 : i32
    %dma_start3A_65 = arith.constant 0 : i32
    %dma_start3A_66 = arith.constant 0 : i32
    %dma_start3A_67 = tpu.memref_slice %arg7[%dma_start3A_63, %dma_start3A_65, %dma_start3A_66] : memref<7x128x64xf32, #tpu.memory_space<vmem>> -> memref<1x128x64xf32, #tpu.memory_space<vmem>>
    %dma_start3A_68 = tpu.memref_squeeze %dma_start3A_67 : memref<1x128x64xf32, #tpu.memory_space<vmem>> -> memref<128x64xf32, #tpu.memory_space<vmem>>
    %dma_start3A_69 = arith.constant 0 : i32
    %dma_start3A_70 = tpu.memref_slice %arg6[%dma_start3A_64, %dma_start3A_69] : memref<13x128xi32, #tpu.memory_space<vmem>> -> memref<1x128xi32, #tpu.memory_space<vmem>>
    %dma_start3A_71 = tpu.memref_squeeze %dma_start3A_70 : memref<1x128xi32, #tpu.memory_space<vmem>> -> memref<128xi32, #tpu.memory_space<vmem>>
    %dma_start3A_72 = arith.constant 0 : i32
    %dma_start3A_73 = arith.constant 0 : i32
    %dma_start3A_74 = tpu.memref_slice %arg10[%dma_start3A_72, %dma_start3A_73] : memref<2048x64xf32, #tpu.memory_space<vmem_shared>> -> memref<2048x64xf32, #tpu.memory_space<vmem_shared>>
    tpu.enqueue_indirect_dma source(%dma_start3A_68 : memref<128x64xf32, #tpu.memory_space<vmem>>) target(%dma_start3A_74 : memref<2048x64xf32, #tpu.memory_space<vmem_shared>>) offsets(%dma_start3A_71 : memref<128xi32, #tpu.memory_space<vmem>>) semaphore(%arg12 : memref<!tpu.dma_semaphore, #tpu.memory_space<semaphore_mem>>) {add = true}
    %dma_start3A_75 = arith.constant 4 : i32
    %dma_start3A_76 = arith.constant 4 : i32
    %dma_start3A_77 = arith.constant 0 : i32
    %dma_start3A_78 = arith.constant 0 : i32
    %dma_start3A_79 = tpu.memref_slice %arg7[%dma_start3A_75, %dma_start3A_77, %dma_start3A_78] : memref<7x128x64xf32, #tpu.memory_space<vmem>> -> memref<1x128x64xf32, #tpu.memory_space<vmem>>
    %dma_start3A_80 = tpu.memref_squeeze %dma_start3A_79 : memref<1x128x64xf32, #tpu.memory_space<vmem>> -> memref<128x64xf32, #tpu.memory_space<vmem>>
    %dma_start3A_81 = arith.constant 0 : i32
    %dma_start3A_82 = tpu.memref_slice %arg6[%dma_start3A_76, %dma_start3A_81] : memref<13x128xi32, #tpu.memory_space<vmem>> -> memref<1x128xi32, #tpu.memory_space<vmem>>
    %dma_start3A_83 = tpu.memref_squeeze %dma_start3A_82 : memref<1x128xi32, #tpu.memory_space<vmem>> -> memref<128xi32, #tpu.memory_space<vmem>>
    %dma_start3A_84 = arith.constant 0 : i32
    %dma_start3A_85 = arith.constant 0 : i32
    %dma_start3A_86 = tpu.memref_slice %arg10[%dma_start3A_84, %dma_start3A_85] : memref<2048x64xf32, #tpu.memory_space<vmem_shared>> -> memref<2048x64xf32, #tpu.memory_space<vmem_shared>>
    tpu.enqueue_indirect_dma source(%dma_start3A_80 : memref<128x64xf32, #tpu.memory_space<vmem>>) target(%dma_start3A_86 : memref<2048x64xf32, #tpu.memory_space<vmem_shared>>) offsets(%dma_start3A_83 : memref<128xi32, #tpu.memory_space<vmem>>) semaphore(%arg12 : memref<!tpu.dma_semaphore, #tpu.memory_space<semaphore_mem>>) {add = true}
    %dma_start3A_87 = arith.constant 5 : i32
    %dma_start3A_88 = arith.constant 5 : i32
    %dma_start3A_89 = arith.constant 0 : i32
    %dma_start3A_90 = arith.constant 0 : i32
    %dma_start3A_91 = tpu.memref_slice %arg7[%dma_start3A_87, %dma_start3A_89, %dma_start3A_90] : memref<7x128x64xf32, #tpu.memory_space<vmem>> -> memref<1x128x64xf32, #tpu.memory_space<vmem>>
    %dma_start3A_92 = tpu.memref_squeeze %dma_start3A_91 : memref<1x128x64xf32, #tpu.memory_space<vmem>> -> memref<128x64xf32, #tpu.memory_space<vmem>>
    %dma_start3A_93 = arith.constant 0 : i32
    %dma_start3A_94 = tpu.memref_slice %arg6[%dma_start3A_88, %dma_start3A_93] : memref<13x128xi32, #tpu.memory_space<vmem>> -> memref<1x128xi32, #tpu.memory_space<vmem>>
    %dma_start3A_95 = tpu.memref_squeeze %dma_start3A_94 : memref<1x128xi32, #tpu.memory_space<vmem>> -> memref<128xi32, #tpu.memory_space<vmem>>
    %dma_start3A_96 = arith.constant 0 : i32
    %dma_start3A_97 = arith.constant 0 : i32
    %dma_start3A_98 = tpu.memref_slice %arg10[%dma_start3A_96, %dma_start3A_97] : memref<2048x64xf32, #tpu.memory_space<vmem_shared>> -> memref<2048x64xf32, #tpu.memory_space<vmem_shared>>
    tpu.enqueue_indirect_dma source(%dma_start3A_92 : memref<128x64xf32, #tpu.memory_space<vmem>>) target(%dma_start3A_98 : memref<2048x64xf32, #tpu.memory_space<vmem_shared>>) offsets(%dma_start3A_95 : memref<128xi32, #tpu.memory_space<vmem>>) semaphore(%arg12 : memref<!tpu.dma_semaphore, #tpu.memory_space<semaphore_mem>>) {add = true}
    %dma_start3A_99 = arith.constant 6 : i32
    %dma_start3A_100 = arith.constant 6 : i32
    %dma_start3A_101 = arith.constant 0 : i32
    %dma_start3A_102 = arith.constant 0 : i32
    %dma_start3A_103 = tpu.memref_slice %arg7[%dma_start3A_99, %dma_start3A_101, %dma_start3A_102] : memref<7x128x64xf32, #tpu.memory_space<vmem>> -> memref<1x128x64xf32, #tpu.memory_space<vmem>>
    %dma_start3A_104 = tpu.memref_squeeze %dma_start3A_103 : memref<1x128x64xf32, #tpu.memory_space<vmem>> -> memref<128x64xf32, #tpu.memory_space<vmem>>
    %dma_start3A_105 = arith.constant 0 : i32
    %dma_start3A_106 = tpu.memref_slice %arg6[%dma_start3A_100, %dma_start3A_105] : memref<13x128xi32, #tpu.memory_space<vmem>> -> memref<1x128xi32, #tpu.memory_space<vmem>>
    %dma_start3A_107 = tpu.memref_squeeze %dma_start3A_106 : memref<1x128xi32, #tpu.memory_space<vmem>> -> memref<128xi32, #tpu.memory_space<vmem>>
    %dma_start3A_108 = arith.constant 0 : i32
    %dma_start3A_109 = arith.constant 0 : i32
    %dma_start3A_110 = tpu.memref_slice %arg10[%dma_start3A_108, %dma_start3A_109] : memref<2048x64xf32, #tpu.memory_space<vmem_shared>> -> memref<2048x64xf32, #tpu.memory_space<vmem_shared>>
    tpu.enqueue_indirect_dma source(%dma_start3A_104 : memref<128x64xf32, #tpu.memory_space<vmem>>) target(%dma_start3A_110 : memref<2048x64xf32, #tpu.memory_space<vmem_shared>>) offsets(%dma_start3A_107 : memref<128xi32, #tpu.memory_space<vmem>>) semaphore(%arg12 : memref<!tpu.dma_semaphore, #tpu.memory_space<semaphore_mem>>) {add = true}
    %dma_start3A_111 = arith.constant 0 : i32
    %dma_start3A_112 = arith.constant 0 : i32
    %dma_start3A_113 = tpu.memref_slice %arg6[%dma_start3A_111, %dma_start3A_112] : memref<13x128xi32, #tpu.memory_space<vmem>> -> memref<1x128xi32, #tpu.memory_space<vmem>>
    %dma_start3A_114 = tpu.memref_squeeze %dma_start3A_113 : memref<1x128xi32, #tpu.memory_space<vmem>> -> memref<128xi32, #tpu.memory_space<vmem>>
    %dma_start3A_115 = arith.constant 0 : i32
    %dma_start3A_116 = arith.constant 0 : i32
    %dma_start3A_117 = tpu.memref_slice %arg11[%dma_start3A_115, %dma_start3A_116] : memref<2048x16xf32, #tpu.memory_space<vmem_shared>> -> memref<2048x16xf32, #tpu.memory_space<vmem_shared>>
    tpu.enqueue_indirect_dma source(%arg9 : memref<128x16xf32, #tpu.memory_space<vmem>>) target(%dma_start3A_117 : memref<2048x16xf32, #tpu.memory_space<vmem_shared>>) offsets(%dma_start3A_114 : memref<128xi32, #tpu.memory_space<vmem>>) semaphore(%arg13 : memref<!tpu.dma_semaphore, #tpu.memory_space<semaphore_mem>>) {add = true}
    %dma_start3A_118 = arith.constant 1 : i32
    %dma_start3A_119 = arith.constant 0 : i32
    %dma_start3A_120 = tpu.memref_slice %arg6[%dma_start3A_118, %dma_start3A_119] : memref<13x128xi32, #tpu.memory_space<vmem>> -> memref<1x128xi32, #tpu.memory_space<vmem>>
    %dma_start3A_121 = tpu.memref_squeeze %dma_start3A_120 : memref<1x128xi32, #tpu.memory_space<vmem>> -> memref<128xi32, #tpu.memory_space<vmem>>
    %dma_start3A_122 = arith.constant 0 : i32
    %dma_start3A_123 = arith.constant 0 : i32
    %dma_start3A_124 = tpu.memref_slice %arg11[%dma_start3A_122, %dma_start3A_123] : memref<2048x16xf32, #tpu.memory_space<vmem_shared>> -> memref<2048x16xf32, #tpu.memory_space<vmem_shared>>
    tpu.enqueue_indirect_dma source(%arg9 : memref<128x16xf32, #tpu.memory_space<vmem>>) target(%dma_start3A_124 : memref<2048x16xf32, #tpu.memory_space<vmem_shared>>) offsets(%dma_start3A_121 : memref<128xi32, #tpu.memory_space<vmem>>) semaphore(%arg13 : memref<!tpu.dma_semaphore, #tpu.memory_space<semaphore_mem>>) {add = true}
    %dma_start3A_125 = arith.constant 2 : i32
    %dma_start3A_126 = arith.constant 0 : i32
    %dma_start3A_127 = tpu.memref_slice %arg6[%dma_start3A_125, %dma_start3A_126] : memref<13x128xi32, #tpu.memory_space<vmem>> -> memref<1x128xi32, #tpu.memory_space<vmem>>
    %dma_start3A_128 = tpu.memref_squeeze %dma_start3A_127 : memref<1x128xi32, #tpu.memory_space<vmem>> -> memref<128xi32, #tpu.memory_space<vmem>>
    %dma_start3A_129 = arith.constant 0 : i32
    %dma_start3A_130 = arith.constant 0 : i32
    %dma_start3A_131 = tpu.memref_slice %arg11[%dma_start3A_129, %dma_start3A_130] : memref<2048x16xf32, #tpu.memory_space<vmem_shared>> -> memref<2048x16xf32, #tpu.memory_space<vmem_shared>>
    tpu.enqueue_indirect_dma source(%arg9 : memref<128x16xf32, #tpu.memory_space<vmem>>) target(%dma_start3A_131 : memref<2048x16xf32, #tpu.memory_space<vmem_shared>>) offsets(%dma_start3A_128 : memref<128xi32, #tpu.memory_space<vmem>>) semaphore(%arg13 : memref<!tpu.dma_semaphore, #tpu.memory_space<semaphore_mem>>) {add = true}
    %dma_start3A_132 = arith.constant 3 : i32
    %dma_start3A_133 = arith.constant 0 : i32
    %dma_start3A_134 = tpu.memref_slice %arg6[%dma_start3A_132, %dma_start3A_133] : memref<13x128xi32, #tpu.memory_space<vmem>> -> memref<1x128xi32, #tpu.memory_space<vmem>>
    %dma_start3A_135 = tpu.memref_squeeze %dma_start3A_134 : memref<1x128xi32, #tpu.memory_space<vmem>> -> memref<128xi32, #tpu.memory_space<vmem>>
    %dma_start3A_136 = arith.constant 0 : i32
    %dma_start3A_137 = arith.constant 0 : i32
    %dma_start3A_138 = tpu.memref_slice %arg11[%dma_start3A_136, %dma_start3A_137] : memref<2048x16xf32, #tpu.memory_space<vmem_shared>> -> memref<2048x16xf32, #tpu.memory_space<vmem_shared>>
    tpu.enqueue_indirect_dma source(%arg9 : memref<128x16xf32, #tpu.memory_space<vmem>>) target(%dma_start3A_138 : memref<2048x16xf32, #tpu.memory_space<vmem_shared>>) offsets(%dma_start3A_135 : memref<128xi32, #tpu.memory_space<vmem>>) semaphore(%arg13 : memref<!tpu.dma_semaphore, #tpu.memory_space<semaphore_mem>>) {add = true}
    %dma_start3A_139 = arith.constant 4 : i32
    %dma_start3A_140 = arith.constant 0 : i32
    %dma_start3A_141 = tpu.memref_slice %arg6[%dma_start3A_139, %dma_start3A_140] : memref<13x128xi32, #tpu.memory_space<vmem>> -> memref<1x128xi32, #tpu.memory_space<vmem>>
    %dma_start3A_142 = tpu.memref_squeeze %dma_start3A_141 : memref<1x128xi32, #tpu.memory_space<vmem>> -> memref<128xi32, #tpu.memory_space<vmem>>
    %dma_start3A_143 = arith.constant 0 : i32
    %dma_start3A_144 = arith.constant 0 : i32
    %dma_start3A_145 = tpu.memref_slice %arg11[%dma_start3A_143, %dma_start3A_144] : memref<2048x16xf32, #tpu.memory_space<vmem_shared>> -> memref<2048x16xf32, #tpu.memory_space<vmem_shared>>
    tpu.enqueue_indirect_dma source(%arg9 : memref<128x16xf32, #tpu.memory_space<vmem>>) target(%dma_start3A_145 : memref<2048x16xf32, #tpu.memory_space<vmem_shared>>) offsets(%dma_start3A_142 : memref<128xi32, #tpu.memory_space<vmem>>) semaphore(%arg13 : memref<!tpu.dma_semaphore, #tpu.memory_space<semaphore_mem>>) {add = true}
    %dma_start3A_146 = arith.constant 5 : i32
    %dma_start3A_147 = arith.constant 0 : i32
    %dma_start3A_148 = tpu.memref_slice %arg6[%dma_start3A_146, %dma_start3A_147] : memref<13x128xi32, #tpu.memory_space<vmem>> -> memref<1x128xi32, #tpu.memory_space<vmem>>
    %dma_start3A_149 = tpu.memref_squeeze %dma_start3A_148 : memref<1x128xi32, #tpu.memory_space<vmem>> -> memref<128xi32, #tpu.memory_space<vmem>>
    %dma_start3A_150 = arith.constant 0 : i32
    %dma_start3A_151 = arith.constant 0 : i32
    %dma_start3A_152 = tpu.memref_slice %arg11[%dma_start3A_150, %dma_start3A_151] : memref<2048x16xf32, #tpu.memory_space<vmem_shared>> -> memref<2048x16xf32, #tpu.memory_space<vmem_shared>>
    tpu.enqueue_indirect_dma source(%arg9 : memref<128x16xf32, #tpu.memory_space<vmem>>) target(%dma_start3A_152 : memref<2048x16xf32, #tpu.memory_space<vmem_shared>>) offsets(%dma_start3A_149 : memref<128xi32, #tpu.memory_space<vmem>>) semaphore(%arg13 : memref<!tpu.dma_semaphore, #tpu.memory_space<semaphore_mem>>) {add = true}
    %dma_start3A_153 = arith.constant 6 : i32
    %dma_start3A_154 = arith.constant 0 : i32
    %dma_start3A_155 = tpu.memref_slice %arg6[%dma_start3A_153, %dma_start3A_154] : memref<13x128xi32, #tpu.memory_space<vmem>> -> memref<1x128xi32, #tpu.memory_space<vmem>>
    %dma_start3A_156 = tpu.memref_squeeze %dma_start3A_155 : memref<1x128xi32, #tpu.memory_space<vmem>> -> memref<128xi32, #tpu.memory_space<vmem>>
    %dma_start3A_157 = arith.constant 0 : i32
    %dma_start3A_158 = arith.constant 0 : i32
    %dma_start3A_159 = tpu.memref_slice %arg11[%dma_start3A_157, %dma_start3A_158] : memref<2048x16xf32, #tpu.memory_space<vmem_shared>> -> memref<2048x16xf32, #tpu.memory_space<vmem_shared>>
    tpu.enqueue_indirect_dma source(%arg9 : memref<128x16xf32, #tpu.memory_space<vmem>>) target(%dma_start3A_159 : memref<2048x16xf32, #tpu.memory_space<vmem_shared>>) offsets(%dma_start3A_156 : memref<128xi32, #tpu.memory_space<vmem>>) semaphore(%arg13 : memref<!tpu.dma_semaphore, #tpu.memory_space<semaphore_mem>>) {add = true}
    %dma_wait3A = arith.constant 0 : i32
    %dma_wait3A_160 = arith.constant 0 : i32
    %dma_wait3A_161 = arith.constant 0 : i32
    %dma_wait3A_162 = arith.constant 0 : i32
    %dma_wait3A_163 = tpu.memref_slice %arg7[%dma_wait3A, %dma_wait3A_161, %dma_wait3A_162] : memref<7x128x64xf32, #tpu.memory_space<vmem>> -> memref<1x128x64xf32, #tpu.memory_space<vmem>>
    %dma_wait3A_164 = tpu.memref_squeeze %dma_wait3A_163 : memref<1x128x64xf32, #tpu.memory_space<vmem>> -> memref<128x64xf32, #tpu.memory_space<vmem>>
    %dma_wait3A_165 = arith.constant 0 : i32
    %dma_wait3A_166 = tpu.memref_slice %arg6[%dma_wait3A_160, %dma_wait3A_165] : memref<13x128xi32, #tpu.memory_space<vmem>> -> memref<1x128xi32, #tpu.memory_space<vmem>>
    %dma_wait3A_167 = tpu.memref_squeeze %dma_wait3A_166 : memref<1x128xi32, #tpu.memory_space<vmem>> -> memref<128xi32, #tpu.memory_space<vmem>>
    %dma_wait3A_168 = arith.constant 0 : i32
    %dma_wait3A_169 = arith.constant 0 : i32
    %dma_wait3A_170 = tpu.memref_slice %arg10[%dma_wait3A_168, %dma_wait3A_169] : memref<2048x64xf32, #tpu.memory_space<vmem_shared>> -> memref<2048x64xf32, #tpu.memory_space<vmem_shared>>
    tpu.wait_indirect_dma semaphore(%arg12 : memref<!tpu.dma_semaphore, #tpu.memory_space<semaphore_mem>>) src(%dma_wait3A_164 : memref<128x64xf32, #tpu.memory_space<vmem>>) dst(%dma_wait3A_170 : memref<2048x64xf32, #tpu.memory_space<vmem_shared>>)
    %dma_wait3A_171 = arith.constant 1 : i32
    %dma_wait3A_172 = arith.constant 1 : i32
    %dma_wait3A_173 = arith.constant 0 : i32
    %dma_wait3A_174 = arith.constant 0 : i32
    %dma_wait3A_175 = tpu.memref_slice %arg7[%dma_wait3A_171, %dma_wait3A_173, %dma_wait3A_174] : memref<7x128x64xf32, #tpu.memory_space<vmem>> -> memref<1x128x64xf32, #tpu.memory_space<vmem>>
    %dma_wait3A_176 = tpu.memref_squeeze %dma_wait3A_175 : memref<1x128x64xf32, #tpu.memory_space<vmem>> -> memref<128x64xf32, #tpu.memory_space<vmem>>
    %dma_wait3A_177 = arith.constant 0 : i32
    %dma_wait3A_178 = tpu.memref_slice %arg6[%dma_wait3A_172, %dma_wait3A_177] : memref<13x128xi32, #tpu.memory_space<vmem>> -> memref<1x128xi32, #tpu.memory_space<vmem>>
    %dma_wait3A_179 = tpu.memref_squeeze %dma_wait3A_178 : memref<1x128xi32, #tpu.memory_space<vmem>> -> memref<128xi32, #tpu.memory_space<vmem>>
    %dma_wait3A_180 = arith.constant 0 : i32
    %dma_wait3A_181 = arith.constant 0 : i32
    %dma_wait3A_182 = tpu.memref_slice %arg10[%dma_wait3A_180, %dma_wait3A_181] : memref<2048x64xf32, #tpu.memory_space<vmem_shared>> -> memref<2048x64xf32, #tpu.memory_space<vmem_shared>>
    tpu.wait_indirect_dma semaphore(%arg12 : memref<!tpu.dma_semaphore, #tpu.memory_space<semaphore_mem>>) src(%dma_wait3A_176 : memref<128x64xf32, #tpu.memory_space<vmem>>) dst(%dma_wait3A_182 : memref<2048x64xf32, #tpu.memory_space<vmem_shared>>)
    %dma_wait3A_183 = arith.constant 2 : i32
    %dma_wait3A_184 = arith.constant 2 : i32
    %dma_wait3A_185 = arith.constant 0 : i32
    %dma_wait3A_186 = arith.constant 0 : i32
    %dma_wait3A_187 = tpu.memref_slice %arg7[%dma_wait3A_183, %dma_wait3A_185, %dma_wait3A_186] : memref<7x128x64xf32, #tpu.memory_space<vmem>> -> memref<1x128x64xf32, #tpu.memory_space<vmem>>
    %dma_wait3A_188 = tpu.memref_squeeze %dma_wait3A_187 : memref<1x128x64xf32, #tpu.memory_space<vmem>> -> memref<128x64xf32, #tpu.memory_space<vmem>>
    %dma_wait3A_189 = arith.constant 0 : i32
    %dma_wait3A_190 = tpu.memref_slice %arg6[%dma_wait3A_184, %dma_wait3A_189] : memref<13x128xi32, #tpu.memory_space<vmem>> -> memref<1x128xi32, #tpu.memory_space<vmem>>
    %dma_wait3A_191 = tpu.memref_squeeze %dma_wait3A_190 : memref<1x128xi32, #tpu.memory_space<vmem>> -> memref<128xi32, #tpu.memory_space<vmem>>
    %dma_wait3A_192 = arith.constant 0 : i32
    %dma_wait3A_193 = arith.constant 0 : i32
    %dma_wait3A_194 = tpu.memref_slice %arg10[%dma_wait3A_192, %dma_wait3A_193] : memref<2048x64xf32, #tpu.memory_space<vmem_shared>> -> memref<2048x64xf32, #tpu.memory_space<vmem_shared>>
    tpu.wait_indirect_dma semaphore(%arg12 : memref<!tpu.dma_semaphore, #tpu.memory_space<semaphore_mem>>) src(%dma_wait3A_188 : memref<128x64xf32, #tpu.memory_space<vmem>>) dst(%dma_wait3A_194 : memref<2048x64xf32, #tpu.memory_space<vmem_shared>>)
    %dma_wait3A_195 = arith.constant 3 : i32
    %dma_wait3A_196 = arith.constant 3 : i32
    %dma_wait3A_197 = arith.constant 0 : i32
    %dma_wait3A_198 = arith.constant 0 : i32
    %dma_wait3A_199 = tpu.memref_slice %arg7[%dma_wait3A_195, %dma_wait3A_197, %dma_wait3A_198] : memref<7x128x64xf32, #tpu.memory_space<vmem>> -> memref<1x128x64xf32, #tpu.memory_space<vmem>>
    %dma_wait3A_200 = tpu.memref_squeeze %dma_wait3A_199 : memref<1x128x64xf32, #tpu.memory_space<vmem>> -> memref<128x64xf32, #tpu.memory_space<vmem>>
    %dma_wait3A_201 = arith.constant 0 : i32
    %dma_wait3A_202 = tpu.memref_slice %arg6[%dma_wait3A_196, %dma_wait3A_201] : memref<13x128xi32, #tpu.memory_space<vmem>> -> memref<1x128xi32, #tpu.memory_space<vmem>>
    %dma_wait3A_203 = tpu.memref_squeeze %dma_wait3A_202 : memref<1x128xi32, #tpu.memory_space<vmem>> -> memref<128xi32, #tpu.memory_space<vmem>>
    %dma_wait3A_204 = arith.constant 0 : i32
    %dma_wait3A_205 = arith.constant 0 : i32
    %dma_wait3A_206 = tpu.memref_slice %arg10[%dma_wait3A_204, %dma_wait3A_205] : memref<2048x64xf32, #tpu.memory_space<vmem_shared>> -> memref<2048x64xf32, #tpu.memory_space<vmem_shared>>
    tpu.wait_indirect_dma semaphore(%arg12 : memref<!tpu.dma_semaphore, #tpu.memory_space<semaphore_mem>>) src(%dma_wait3A_200 : memref<128x64xf32, #tpu.memory_space<vmem>>) dst(%dma_wait3A_206 : memref<2048x64xf32, #tpu.memory_space<vmem_shared>>)
    %dma_wait3A_207 = arith.constant 4 : i32
    %dma_wait3A_208 = arith.constant 4 : i32
    %dma_wait3A_209 = arith.constant 0 : i32
    %dma_wait3A_210 = arith.constant 0 : i32
    %dma_wait3A_211 = tpu.memref_slice %arg7[%dma_wait3A_207, %dma_wait3A_209, %dma_wait3A_210] : memref<7x128x64xf32, #tpu.memory_space<vmem>> -> memref<1x128x64xf32, #tpu.memory_space<vmem>>
    %dma_wait3A_212 = tpu.memref_squeeze %dma_wait3A_211 : memref<1x128x64xf32, #tpu.memory_space<vmem>> -> memref<128x64xf32, #tpu.memory_space<vmem>>
    %dma_wait3A_213 = arith.constant 0 : i32
    %dma_wait3A_214 = tpu.memref_slice %arg6[%dma_wait3A_208, %dma_wait3A_213] : memref<13x128xi32, #tpu.memory_space<vmem>> -> memref<1x128xi32, #tpu.memory_space<vmem>>
    %dma_wait3A_215 = tpu.memref_squeeze %dma_wait3A_214 : memref<1x128xi32, #tpu.memory_space<vmem>> -> memref<128xi32, #tpu.memory_space<vmem>>
    %dma_wait3A_216 = arith.constant 0 : i32
    %dma_wait3A_217 = arith.constant 0 : i32
    %dma_wait3A_218 = tpu.memref_slice %arg10[%dma_wait3A_216, %dma_wait3A_217] : memref<2048x64xf32, #tpu.memory_space<vmem_shared>> -> memref<2048x64xf32, #tpu.memory_space<vmem_shared>>
    tpu.wait_indirect_dma semaphore(%arg12 : memref<!tpu.dma_semaphore, #tpu.memory_space<semaphore_mem>>) src(%dma_wait3A_212 : memref<128x64xf32, #tpu.memory_space<vmem>>) dst(%dma_wait3A_218 : memref<2048x64xf32, #tpu.memory_space<vmem_shared>>)
    %dma_wait3A_219 = arith.constant 5 : i32
    %dma_wait3A_220 = arith.constant 5 : i32
    %dma_wait3A_221 = arith.constant 0 : i32
    %dma_wait3A_222 = arith.constant 0 : i32
    %dma_wait3A_223 = tpu.memref_slice %arg7[%dma_wait3A_219, %dma_wait3A_221, %dma_wait3A_222] : memref<7x128x64xf32, #tpu.memory_space<vmem>> -> memref<1x128x64xf32, #tpu.memory_space<vmem>>
    %dma_wait3A_224 = tpu.memref_squeeze %dma_wait3A_223 : memref<1x128x64xf32, #tpu.memory_space<vmem>> -> memref<128x64xf32, #tpu.memory_space<vmem>>
    %dma_wait3A_225 = arith.constant 0 : i32
    %dma_wait3A_226 = tpu.memref_slice %arg6[%dma_wait3A_220, %dma_wait3A_225] : memref<13x128xi32, #tpu.memory_space<vmem>> -> memref<1x128xi32, #tpu.memory_space<vmem>>
    %dma_wait3A_227 = tpu.memref_squeeze %dma_wait3A_226 : memref<1x128xi32, #tpu.memory_space<vmem>> -> memref<128xi32, #tpu.memory_space<vmem>>
    %dma_wait3A_228 = arith.constant 0 : i32
    %dma_wait3A_229 = arith.constant 0 : i32
    %dma_wait3A_230 = tpu.memref_slice %arg10[%dma_wait3A_228, %dma_wait3A_229] : memref<2048x64xf32, #tpu.memory_space<vmem_shared>> -> memref<2048x64xf32, #tpu.memory_space<vmem_shared>>
    tpu.wait_indirect_dma semaphore(%arg12 : memref<!tpu.dma_semaphore, #tpu.memory_space<semaphore_mem>>) src(%dma_wait3A_224 : memref<128x64xf32, #tpu.memory_space<vmem>>) dst(%dma_wait3A_230 : memref<2048x64xf32, #tpu.memory_space<vmem_shared>>)
    %dma_wait3A_231 = arith.constant 6 : i32
    %dma_wait3A_232 = arith.constant 6 : i32
    %dma_wait3A_233 = arith.constant 0 : i32
    %dma_wait3A_234 = arith.constant 0 : i32
    %dma_wait3A_235 = tpu.memref_slice %arg7[%dma_wait3A_231, %dma_wait3A_233, %dma_wait3A_234] : memref<7x128x64xf32, #tpu.memory_space<vmem>> -> memref<1x128x64xf32, #tpu.memory_space<vmem>>
    %dma_wait3A_236 = tpu.memref_squeeze %dma_wait3A_235 : memref<1x128x64xf32, #tpu.memory_space<vmem>> -> memref<128x64xf32, #tpu.memory_space<vmem>>
    %dma_wait3A_237 = arith.constant 0 : i32
    %dma_wait3A_238 = tpu.memref_slice %arg6[%dma_wait3A_232, %dma_wait3A_237] : memref<13x128xi32, #tpu.memory_space<vmem>> -> memref<1x128xi32, #tpu.memory_space<vmem>>
    %dma_wait3A_239 = tpu.memref_squeeze %dma_wait3A_238 : memref<1x128xi32, #tpu.memory_space<vmem>> -> memref<128xi32, #tpu.memory_space<vmem>>
    %dma_wait3A_240 = arith.constant 0 : i32
    %dma_wait3A_241 = arith.constant 0 : i32
    %dma_wait3A_242 = tpu.memref_slice %arg10[%dma_wait3A_240, %dma_wait3A_241] : memref<2048x64xf32, #tpu.memory_space<vmem_shared>> -> memref<2048x64xf32, #tpu.memory_space<vmem_shared>>
    tpu.wait_indirect_dma semaphore(%arg12 : memref<!tpu.dma_semaphore, #tpu.memory_space<semaphore_mem>>) src(%dma_wait3A_236 : memref<128x64xf32, #tpu.memory_space<vmem>>) dst(%dma_wait3A_242 : memref<2048x64xf32, #tpu.memory_space<vmem_shared>>)
    %dma_wait3A_243 = arith.constant 0 : i32
    %dma_wait3A_244 = arith.constant 0 : i32
    %dma_wait3A_245 = tpu.memref_slice %arg6[%dma_wait3A_243, %dma_wait3A_244] : memref<13x128xi32, #tpu.memory_space<vmem>> -> memref<1x128xi32, #tpu.memory_space<vmem>>
    %dma_wait3A_246 = tpu.memref_squeeze %dma_wait3A_245 : memref<1x128xi32, #tpu.memory_space<vmem>> -> memref<128xi32, #tpu.memory_space<vmem>>
    %dma_wait3A_247 = arith.constant 0 : i32
    %dma_wait3A_248 = arith.constant 0 : i32
    %dma_wait3A_249 = tpu.memref_slice %arg11[%dma_wait3A_247, %dma_wait3A_248] : memref<2048x16xf32, #tpu.memory_space<vmem_shared>> -> memref<2048x16xf32, #tpu.memory_space<vmem_shared>>
    tpu.wait_indirect_dma semaphore(%arg13 : memref<!tpu.dma_semaphore, #tpu.memory_space<semaphore_mem>>) src(%arg9 : memref<128x16xf32, #tpu.memory_space<vmem>>) dst(%dma_wait3A_249 : memref<2048x16xf32, #tpu.memory_space<vmem_shared>>)
    %dma_wait3A_250 = arith.constant 1 : i32
    %dma_wait3A_251 = arith.constant 0 : i32
    %dma_wait3A_252 = tpu.memref_slice %arg6[%dma_wait3A_250, %dma_wait3A_251] : memref<13x128xi32, #tpu.memory_space<vmem>> -> memref<1x128xi32, #tpu.memory_space<vmem>>
    %dma_wait3A_253 = tpu.memref_squeeze %dma_wait3A_252 : memref<1x128xi32, #tpu.memory_space<vmem>> -> memref<128xi32, #tpu.memory_space<vmem>>
    %dma_wait3A_254 = arith.constant 0 : i32
    %dma_wait3A_255 = arith.constant 0 : i32
    %dma_wait3A_256 = tpu.memref_slice %arg11[%dma_wait3A_254, %dma_wait3A_255] : memref<2048x16xf32, #tpu.memory_space<vmem_shared>> -> memref<2048x16xf32, #tpu.memory_space<vmem_shared>>
    tpu.wait_indirect_dma semaphore(%arg13 : memref<!tpu.dma_semaphore, #tpu.memory_space<semaphore_mem>>) src(%arg9 : memref<128x16xf32, #tpu.memory_space<vmem>>) dst(%dma_wait3A_256 : memref<2048x16xf32, #tpu.memory_space<vmem_shared>>)
    %dma_wait3A_257 = arith.constant 2 : i32
    %dma_wait3A_258 = arith.constant 0 : i32
    %dma_wait3A_259 = tpu.memref_slice %arg6[%dma_wait3A_257, %dma_wait3A_258] : memref<13x128xi32, #tpu.memory_space<vmem>> -> memref<1x128xi32, #tpu.memory_space<vmem>>
    %dma_wait3A_260 = tpu.memref_squeeze %dma_wait3A_259 : memref<1x128xi32, #tpu.memory_space<vmem>> -> memref<128xi32, #tpu.memory_space<vmem>>
    %dma_wait3A_261 = arith.constant 0 : i32
    %dma_wait3A_262 = arith.constant 0 : i32
    %dma_wait3A_263 = tpu.memref_slice %arg11[%dma_wait3A_261, %dma_wait3A_262] : memref<2048x16xf32, #tpu.memory_space<vmem_shared>> -> memref<2048x16xf32, #tpu.memory_space<vmem_shared>>
    tpu.wait_indirect_dma semaphore(%arg13 : memref<!tpu.dma_semaphore, #tpu.memory_space<semaphore_mem>>) src(%arg9 : memref<128x16xf32, #tpu.memory_space<vmem>>) dst(%dma_wait3A_263 : memref<2048x16xf32, #tpu.memory_space<vmem_shared>>)
    %dma_wait3A_264 = arith.constant 3 : i32
    %dma_wait3A_265 = arith.constant 0 : i32
    %dma_wait3A_266 = tpu.memref_slice %arg6[%dma_wait3A_264, %dma_wait3A_265] : memref<13x128xi32, #tpu.memory_space<vmem>> -> memref<1x128xi32, #tpu.memory_space<vmem>>
    %dma_wait3A_267 = tpu.memref_squeeze %dma_wait3A_266 : memref<1x128xi32, #tpu.memory_space<vmem>> -> memref<128xi32, #tpu.memory_space<vmem>>
    %dma_wait3A_268 = arith.constant 0 : i32
    %dma_wait3A_269 = arith.constant 0 : i32
    %dma_wait3A_270 = tpu.memref_slice %arg11[%dma_wait3A_268, %dma_wait3A_269] : memref<2048x16xf32, #tpu.memory_space<vmem_shared>> -> memref<2048x16xf32, #tpu.memory_space<vmem_shared>>
    tpu.wait_indirect_dma semaphore(%arg13 : memref<!tpu.dma_semaphore, #tpu.memory_space<semaphore_mem>>) src(%arg9 : memref<128x16xf32, #tpu.memory_space<vmem>>) dst(%dma_wait3A_270 : memref<2048x16xf32, #tpu.memory_space<vmem_shared>>)
    %dma_wait3A_271 = arith.constant 4 : i32
    %dma_wait3A_272 = arith.constant 0 : i32
    %dma_wait3A_273 = tpu.memref_slice %arg6[%dma_wait3A_271, %dma_wait3A_272] : memref<13x128xi32, #tpu.memory_space<vmem>> -> memref<1x128xi32, #tpu.memory_space<vmem>>
    %dma_wait3A_274 = tpu.memref_squeeze %dma_wait3A_273 : memref<1x128xi32, #tpu.memory_space<vmem>> -> memref<128xi32, #tpu.memory_space<vmem>>
    %dma_wait3A_275 = arith.constant 0 : i32
    %dma_wait3A_276 = arith.constant 0 : i32
    %dma_wait3A_277 = tpu.memref_slice %arg11[%dma_wait3A_275, %dma_wait3A_276] : memref<2048x16xf32, #tpu.memory_space<vmem_shared>> -> memref<2048x16xf32, #tpu.memory_space<vmem_shared>>
    tpu.wait_indirect_dma semaphore(%arg13 : memref<!tpu.dma_semaphore, #tpu.memory_space<semaphore_mem>>) src(%arg9 : memref<128x16xf32, #tpu.memory_space<vmem>>) dst(%dma_wait3A_277 : memref<2048x16xf32, #tpu.memory_space<vmem_shared>>)
    %dma_wait3A_278 = arith.constant 5 : i32
    %dma_wait3A_279 = arith.constant 0 : i32
    %dma_wait3A_280 = tpu.memref_slice %arg6[%dma_wait3A_278, %dma_wait3A_279] : memref<13x128xi32, #tpu.memory_space<vmem>> -> memref<1x128xi32, #tpu.memory_space<vmem>>
    %dma_wait3A_281 = tpu.memref_squeeze %dma_wait3A_280 : memref<1x128xi32, #tpu.memory_space<vmem>> -> memref<128xi32, #tpu.memory_space<vmem>>
    %dma_wait3A_282 = arith.constant 0 : i32
    %dma_wait3A_283 = arith.constant 0 : i32
    %dma_wait3A_284 = tpu.memref_slice %arg11[%dma_wait3A_282, %dma_wait3A_283] : memref<2048x16xf32, #tpu.memory_space<vmem_shared>> -> memref<2048x16xf32, #tpu.memory_space<vmem_shared>>
    tpu.wait_indirect_dma semaphore(%arg13 : memref<!tpu.dma_semaphore, #tpu.memory_space<semaphore_mem>>) src(%arg9 : memref<128x16xf32, #tpu.memory_space<vmem>>) dst(%dma_wait3A_284 : memref<2048x16xf32, #tpu.memory_space<vmem_shared>>)
    %dma_wait3A_285 = arith.constant 6 : i32
    %dma_wait3A_286 = arith.constant 0 : i32
    %dma_wait3A_287 = tpu.memref_slice %arg6[%dma_wait3A_285, %dma_wait3A_286] : memref<13x128xi32, #tpu.memory_space<vmem>> -> memref<1x128xi32, #tpu.memory_space<vmem>>
    %dma_wait3A_288 = tpu.memref_squeeze %dma_wait3A_287 : memref<1x128xi32, #tpu.memory_space<vmem>> -> memref<128xi32, #tpu.memory_space<vmem>>
    %dma_wait3A_289 = arith.constant 0 : i32
    %dma_wait3A_290 = arith.constant 0 : i32
    %dma_wait3A_291 = tpu.memref_slice %arg11[%dma_wait3A_289, %dma_wait3A_290] : memref<2048x16xf32, #tpu.memory_space<vmem_shared>> -> memref<2048x16xf32, #tpu.memory_space<vmem_shared>>
    tpu.wait_indirect_dma semaphore(%arg13 : memref<!tpu.dma_semaphore, #tpu.memory_space<semaphore_mem>>) src(%arg9 : memref<128x16xf32, #tpu.memory_space<vmem>>) dst(%dma_wait3A_291 : memref<2048x16xf32, #tpu.memory_space<vmem_shared>>)
    %mul3A_292 = arith.constant 13 : i32
    %mul3A_293 = arith.muli %add3A, %mul3A_292 : i32
    %add3A_294 = arith.constant 7 : i32
    %add3A_295 = arith.addi %mul3A_293, %add3A_294 : i32
    "tpu.region"() ({
      %run_scoped3A = tpu.sem_alloc : memref<!tpu.dma_semaphore, #tpu.memory_space<semaphore_mem>>
      %dma_start3A_533 = arith.constant 0 : i32
      %dma_start3A_534 = arith.constant 0 : i32
      %dma_start3A_535 = arith.constant 0 : i32
      %dma_start3A_536 = tpu.memref_slice %arg7[%dma_start3A_533, %dma_start3A_534, %dma_start3A_535] : memref<7x128x64xf32, #tpu.memory_space<vmem>> -> memref<6x128x64xf32, #tpu.memory_space<vmem>>
      %dma_start3A_537 = arith.constant 0 : i32
      %dma_start3A_538 = arith.constant 0 : i32
      %dma_start3A_539 = tpu.memref_slice %arg2[%add3A_295, %dma_start3A_537, %dma_start3A_538] : memref<416x128x64xf32, #tpu.memory_space<hbm>> -> memref<6x128x64xf32, #tpu.memory_space<hbm>>
      %dma_start3A_540 = arith.constant 0 : i32
      %dma_start3A_541 = arith.constant 0 : i32
      %dma_start3A_542 = arith.constant 0 : i32
      %dma_start3A_543 = tpu.memref_slice %arg7[%dma_start3A_540, %dma_start3A_541, %dma_start3A_542] : memref<7x128x64xf32, #tpu.memory_space<vmem>> -> memref<6x128x64xf32, #tpu.memory_space<vmem>>
      %dma_start3A_544 = arith.constant 0 : i32
      %dma_start3A_545 = arith.constant 0 : i32
      %dma_start3A_546 = tpu.memref_slice %arg2[%add3A_295, %dma_start3A_544, %dma_start3A_545] : memref<416x128x64xf32, #tpu.memory_space<hbm>> -> memref<6x128x64xf32, #tpu.memory_space<hbm>>
      tpu.enqueue_dma source(%dma_start3A_546 : memref<6x128x64xf32, #tpu.memory_space<hbm>>) target(%dma_start3A_543 : memref<6x128x64xf32, #tpu.memory_space<vmem>>) target_semaphore(%run_scoped3A : memref<!tpu.dma_semaphore, #tpu.memory_space<semaphore_mem>>)
      %dma_wait3A_547 = arith.constant 0 : i32
      %dma_wait3A_548 = arith.constant 0 : i32
      %dma_wait3A_549 = arith.constant 0 : i32
      %dma_wait3A_550 = tpu.memref_slice %arg7[%dma_wait3A_547, %dma_wait3A_548, %dma_wait3A_549] : memref<7x128x64xf32, #tpu.memory_space<vmem>> -> memref<6x128x64xf32, #tpu.memory_space<vmem>>
      %dma_wait3A_551 = arith.constant 0 : i32
      %dma_wait3A_552 = arith.constant 0 : i32
      %dma_wait3A_553 = tpu.memref_slice %arg2[%add3A_295, %dma_wait3A_551, %dma_wait3A_552] : memref<416x128x64xf32, #tpu.memory_space<hbm>> -> memref<6x128x64xf32, #tpu.memory_space<hbm>>
      %dma_wait3A_554 = arith.constant 0 : i32
      %dma_wait3A_555 = arith.constant 0 : i32
      %dma_wait3A_556 = arith.constant 0 : i32
      %dma_wait3A_557 = tpu.memref_slice %arg7[%dma_wait3A_554, %dma_wait3A_555, %dma_wait3A_556] : memref<7x128x64xf32, #tpu.memory_space<vmem>> -> memref<6x128x64xf32, #tpu.memory_space<vmem>>
      %dma_wait3A_558 = arith.constant 0 : i32
      %dma_wait3A_559 = arith.constant 0 : i32
      %dma_wait3A_560 = tpu.memref_slice %arg2[%add3A_295, %dma_wait3A_558, %dma_wait3A_559] : memref<416x128x64xf32, #tpu.memory_space<hbm>> -> memref<6x128x64xf32, #tpu.memory_space<hbm>>
      tpu.wait_dma2 semaphore(%run_scoped3A : memref<!tpu.dma_semaphore, #tpu.memory_space<semaphore_mem>>) src(%dma_wait3A_560 : memref<6x128x64xf32, #tpu.memory_space<hbm>>) dst(%dma_wait3A_557 : memref<6x128x64xf32, #tpu.memory_space<vmem>>)
      tpu.yield
    }) : () -> ()
    %dma_start3A_296 = arith.constant 0 : i32
    %dma_start3A_297 = arith.constant 7 : i32
    %dma_start3A_298 = arith.constant 0 : i32
    %dma_start3A_299 = arith.constant 0 : i32
    %dma_start3A_300 = tpu.memref_slice %arg7[%dma_start3A_296, %dma_start3A_298, %dma_start3A_299] : memref<7x128x64xf32, #tpu.memory_space<vmem>> -> memref<1x128x64xf32, #tpu.memory_space<vmem>>
    %dma_start3A_301 = tpu.memref_squeeze %dma_start3A_300 : memref<1x128x64xf32, #tpu.memory_space<vmem>> -> memref<128x64xf32, #tpu.memory_space<vmem>>
    %dma_start3A_302 = arith.constant 0 : i32
    %dma_start3A_303 = tpu.memref_slice %arg6[%dma_start3A_297, %dma_start3A_302] : memref<13x128xi32, #tpu.memory_space<vmem>> -> memref<1x128xi32, #tpu.memory_space<vmem>>
    %dma_start3A_304 = tpu.memref_squeeze %dma_start3A_303 : memref<1x128xi32, #tpu.memory_space<vmem>> -> memref<128xi32, #tpu.memory_space<vmem>>
    %dma_start3A_305 = arith.constant 0 : i32
    %dma_start3A_306 = arith.constant 0 : i32
    %dma_start3A_307 = tpu.memref_slice %arg10[%dma_start3A_305, %dma_start3A_306] : memref<2048x64xf32, #tpu.memory_space<vmem_shared>> -> memref<2048x64xf32, #tpu.memory_space<vmem_shared>>
    tpu.enqueue_indirect_dma source(%dma_start3A_301 : memref<128x64xf32, #tpu.memory_space<vmem>>) target(%dma_start3A_307 : memref<2048x64xf32, #tpu.memory_space<vmem_shared>>) offsets(%dma_start3A_304 : memref<128xi32, #tpu.memory_space<vmem>>) semaphore(%arg12 : memref<!tpu.dma_semaphore, #tpu.memory_space<semaphore_mem>>) {add = true}
    %dma_start3A_308 = arith.constant 1 : i32
    %dma_start3A_309 = arith.constant 8 : i32
    %dma_start3A_310 = arith.constant 0 : i32
    %dma_start3A_311 = arith.constant 0 : i32
    %dma_start3A_312 = tpu.memref_slice %arg7[%dma_start3A_308, %dma_start3A_310, %dma_start3A_311] : memref<7x128x64xf32, #tpu.memory_space<vmem>> -> memref<1x128x64xf32, #tpu.memory_space<vmem>>
    %dma_start3A_313 = tpu.memref_squeeze %dma_start3A_312 : memref<1x128x64xf32, #tpu.memory_space<vmem>> -> memref<128x64xf32, #tpu.memory_space<vmem>>
    %dma_start3A_314 = arith.constant 0 : i32
    %dma_start3A_315 = tpu.memref_slice %arg6[%dma_start3A_309, %dma_start3A_314] : memref<13x128xi32, #tpu.memory_space<vmem>> -> memref<1x128xi32, #tpu.memory_space<vmem>>
    %dma_start3A_316 = tpu.memref_squeeze %dma_start3A_315 : memref<1x128xi32, #tpu.memory_space<vmem>> -> memref<128xi32, #tpu.memory_space<vmem>>
    %dma_start3A_317 = arith.constant 0 : i32
    %dma_start3A_318 = arith.constant 0 : i32
    %dma_start3A_319 = tpu.memref_slice %arg10[%dma_start3A_317, %dma_start3A_318] : memref<2048x64xf32, #tpu.memory_space<vmem_shared>> -> memref<2048x64xf32, #tpu.memory_space<vmem_shared>>
    tpu.enqueue_indirect_dma source(%dma_start3A_313 : memref<128x64xf32, #tpu.memory_space<vmem>>) target(%dma_start3A_319 : memref<2048x64xf32, #tpu.memory_space<vmem_shared>>) offsets(%dma_start3A_316 : memref<128xi32, #tpu.memory_space<vmem>>) semaphore(%arg12 : memref<!tpu.dma_semaphore, #tpu.memory_space<semaphore_mem>>) {add = true}
    %dma_start3A_320 = arith.constant 2 : i32
    %dma_start3A_321 = arith.constant 9 : i32
    %dma_start3A_322 = arith.constant 0 : i32
    %dma_start3A_323 = arith.constant 0 : i32
    %dma_start3A_324 = tpu.memref_slice %arg7[%dma_start3A_320, %dma_start3A_322, %dma_start3A_323] : memref<7x128x64xf32, #tpu.memory_space<vmem>> -> memref<1x128x64xf32, #tpu.memory_space<vmem>>
    %dma_start3A_325 = tpu.memref_squeeze %dma_start3A_324 : memref<1x128x64xf32, #tpu.memory_space<vmem>> -> memref<128x64xf32, #tpu.memory_space<vmem>>
    %dma_start3A_326 = arith.constant 0 : i32
    %dma_start3A_327 = tpu.memref_slice %arg6[%dma_start3A_321, %dma_start3A_326] : memref<13x128xi32, #tpu.memory_space<vmem>> -> memref<1x128xi32, #tpu.memory_space<vmem>>
    %dma_start3A_328 = tpu.memref_squeeze %dma_start3A_327 : memref<1x128xi32, #tpu.memory_space<vmem>> -> memref<128xi32, #tpu.memory_space<vmem>>
    %dma_start3A_329 = arith.constant 0 : i32
    %dma_start3A_330 = arith.constant 0 : i32
    %dma_start3A_331 = tpu.memref_slice %arg10[%dma_start3A_329, %dma_start3A_330] : memref<2048x64xf32, #tpu.memory_space<vmem_shared>> -> memref<2048x64xf32, #tpu.memory_space<vmem_shared>>
    tpu.enqueue_indirect_dma source(%dma_start3A_325 : memref<128x64xf32, #tpu.memory_space<vmem>>) target(%dma_start3A_331 : memref<2048x64xf32, #tpu.memory_space<vmem_shared>>) offsets(%dma_start3A_328 : memref<128xi32, #tpu.memory_space<vmem>>) semaphore(%arg12 : memref<!tpu.dma_semaphore, #tpu.memory_space<semaphore_mem>>) {add = true}
    %dma_start3A_332 = arith.constant 3 : i32
    %dma_start3A_333 = arith.constant 10 : i32
    %dma_start3A_334 = arith.constant 0 : i32
    %dma_start3A_335 = arith.constant 0 : i32
    %dma_start3A_336 = tpu.memref_slice %arg7[%dma_start3A_332, %dma_start3A_334, %dma_start3A_335] : memref<7x128x64xf32, #tpu.memory_space<vmem>> -> memref<1x128x64xf32, #tpu.memory_space<vmem>>
    %dma_start3A_337 = tpu.memref_squeeze %dma_start3A_336 : memref<1x128x64xf32, #tpu.memory_space<vmem>> -> memref<128x64xf32, #tpu.memory_space<vmem>>
    %dma_start3A_338 = arith.constant 0 : i32
    %dma_start3A_339 = tpu.memref_slice %arg6[%dma_start3A_333, %dma_start3A_338] : memref<13x128xi32, #tpu.memory_space<vmem>> -> memref<1x128xi32, #tpu.memory_space<vmem>>
    %dma_start3A_340 = tpu.memref_squeeze %dma_start3A_339 : memref<1x128xi32, #tpu.memory_space<vmem>> -> memref<128xi32, #tpu.memory_space<vmem>>
    %dma_start3A_341 = arith.constant 0 : i32
    %dma_start3A_342 = arith.constant 0 : i32
    %dma_start3A_343 = tpu.memref_slice %arg10[%dma_start3A_341, %dma_start3A_342] : memref<2048x64xf32, #tpu.memory_space<vmem_shared>> -> memref<2048x64xf32, #tpu.memory_space<vmem_shared>>
    tpu.enqueue_indirect_dma source(%dma_start3A_337 : memref<128x64xf32, #tpu.memory_space<vmem>>) target(%dma_start3A_343 : memref<2048x64xf32, #tpu.memory_space<vmem_shared>>) offsets(%dma_start3A_340 : memref<128xi32, #tpu.memory_space<vmem>>) semaphore(%arg12 : memref<!tpu.dma_semaphore, #tpu.memory_space<semaphore_mem>>) {add = true}
    %dma_start3A_344 = arith.constant 4 : i32
    %dma_start3A_345 = arith.constant 11 : i32
    %dma_start3A_346 = arith.constant 0 : i32
    %dma_start3A_347 = arith.constant 0 : i32
    %dma_start3A_348 = tpu.memref_slice %arg7[%dma_start3A_344, %dma_start3A_346, %dma_start3A_347] : memref<7x128x64xf32, #tpu.memory_space<vmem>> -> memref<1x128x64xf32, #tpu.memory_space<vmem>>
    %dma_start3A_349 = tpu.memref_squeeze %dma_start3A_348 : memref<1x128x64xf32, #tpu.memory_space<vmem>> -> memref<128x64xf32, #tpu.memory_space<vmem>>
    %dma_start3A_350 = arith.constant 0 : i32
    %dma_start3A_351 = tpu.memref_slice %arg6[%dma_start3A_345, %dma_start3A_350] : memref<13x128xi32, #tpu.memory_space<vmem>> -> memref<1x128xi32, #tpu.memory_space<vmem>>
    %dma_start3A_352 = tpu.memref_squeeze %dma_start3A_351 : memref<1x128xi32, #tpu.memory_space<vmem>> -> memref<128xi32, #tpu.memory_space<vmem>>
    %dma_start3A_353 = arith.constant 0 : i32
    %dma_start3A_354 = arith.constant 0 : i32
    %dma_start3A_355 = tpu.memref_slice %arg10[%dma_start3A_353, %dma_start3A_354] : memref<2048x64xf32, #tpu.memory_space<vmem_shared>> -> memref<2048x64xf32, #tpu.memory_space<vmem_shared>>
    tpu.enqueue_indirect_dma source(%dma_start3A_349 : memref<128x64xf32, #tpu.memory_space<vmem>>) target(%dma_start3A_355 : memref<2048x64xf32, #tpu.memory_space<vmem_shared>>) offsets(%dma_start3A_352 : memref<128xi32, #tpu.memory_space<vmem>>) semaphore(%arg12 : memref<!tpu.dma_semaphore, #tpu.memory_space<semaphore_mem>>) {add = true}
    %dma_start3A_356 = arith.constant 5 : i32
    %dma_start3A_357 = arith.constant 12 : i32
    %dma_start3A_358 = arith.constant 0 : i32
    %dma_start3A_359 = arith.constant 0 : i32
    %dma_start3A_360 = tpu.memref_slice %arg7[%dma_start3A_356, %dma_start3A_358, %dma_start3A_359] : memref<7x128x64xf32, #tpu.memory_space<vmem>> -> memref<1x128x64xf32, #tpu.memory_space<vmem>>
    %dma_start3A_361 = tpu.memref_squeeze %dma_start3A_360 : memref<1x128x64xf32, #tpu.memory_space<vmem>> -> memref<128x64xf32, #tpu.memory_space<vmem>>
    %dma_start3A_362 = arith.constant 0 : i32
    %dma_start3A_363 = tpu.memref_slice %arg6[%dma_start3A_357, %dma_start3A_362] : memref<13x128xi32, #tpu.memory_space<vmem>> -> memref<1x128xi32, #tpu.memory_space<vmem>>
    %dma_start3A_364 = tpu.memref_squeeze %dma_start3A_363 : memref<1x128xi32, #tpu.memory_space<vmem>> -> memref<128xi32, #tpu.memory_space<vmem>>
    %dma_start3A_365 = arith.constant 0 : i32
    %dma_start3A_366 = arith.constant 0 : i32
    %dma_start3A_367 = tpu.memref_slice %arg10[%dma_start3A_365, %dma_start3A_366] : memref<2048x64xf32, #tpu.memory_space<vmem_shared>> -> memref<2048x64xf32, #tpu.memory_space<vmem_shared>>
    tpu.enqueue_indirect_dma source(%dma_start3A_361 : memref<128x64xf32, #tpu.memory_space<vmem>>) target(%dma_start3A_367 : memref<2048x64xf32, #tpu.memory_space<vmem_shared>>) offsets(%dma_start3A_364 : memref<128xi32, #tpu.memory_space<vmem>>) semaphore(%arg12 : memref<!tpu.dma_semaphore, #tpu.memory_space<semaphore_mem>>) {add = true}
    %dma_start3A_368 = arith.constant 7 : i32
    %dma_start3A_369 = arith.constant 0 : i32
    %dma_start3A_370 = tpu.memref_slice %arg6[%dma_start3A_368, %dma_start3A_369] : memref<13x128xi32, #tpu.memory_space<vmem>> -> memref<1x128xi32, #tpu.memory_space<vmem>>
    %dma_start3A_371 = tpu.memref_squeeze %dma_start3A_370 : memref<1x128xi32, #tpu.memory_space<vmem>> -> memref<128xi32, #tpu.memory_space<vmem>>
    %dma_start3A_372 = arith.constant 0 : i32
    %dma_start3A_373 = arith.constant 0 : i32
    %dma_start3A_374 = tpu.memref_slice %arg11[%dma_start3A_372, %dma_start3A_373] : memref<2048x16xf32, #tpu.memory_space<vmem_shared>> -> memref<2048x16xf32, #tpu.memory_space<vmem_shared>>
    tpu.enqueue_indirect_dma source(%arg9 : memref<128x16xf32, #tpu.memory_space<vmem>>) target(%dma_start3A_374 : memref<2048x16xf32, #tpu.memory_space<vmem_shared>>) offsets(%dma_start3A_371 : memref<128xi32, #tpu.memory_space<vmem>>) semaphore(%arg13 : memref<!tpu.dma_semaphore, #tpu.memory_space<semaphore_mem>>) {add = true}
    %dma_start3A_375 = arith.constant 8 : i32
    %dma_start3A_376 = arith.constant 0 : i32
    %dma_start3A_377 = tpu.memref_slice %arg6[%dma_start3A_375, %dma_start3A_376] : memref<13x128xi32, #tpu.memory_space<vmem>> -> memref<1x128xi32, #tpu.memory_space<vmem>>
    %dma_start3A_378 = tpu.memref_squeeze %dma_start3A_377 : memref<1x128xi32, #tpu.memory_space<vmem>> -> memref<128xi32, #tpu.memory_space<vmem>>
    %dma_start3A_379 = arith.constant 0 : i32
    %dma_start3A_380 = arith.constant 0 : i32
    %dma_start3A_381 = tpu.memref_slice %arg11[%dma_start3A_379, %dma_start3A_380] : memref<2048x16xf32, #tpu.memory_space<vmem_shared>> -> memref<2048x16xf32, #tpu.memory_space<vmem_shared>>
    tpu.enqueue_indirect_dma source(%arg9 : memref<128x16xf32, #tpu.memory_space<vmem>>) target(%dma_start3A_381 : memref<2048x16xf32, #tpu.memory_space<vmem_shared>>) offsets(%dma_start3A_378 : memref<128xi32, #tpu.memory_space<vmem>>) semaphore(%arg13 : memref<!tpu.dma_semaphore, #tpu.memory_space<semaphore_mem>>) {add = true}
    %dma_start3A_382 = arith.constant 9 : i32
    %dma_start3A_383 = arith.constant 0 : i32
    %dma_start3A_384 = tpu.memref_slice %arg6[%dma_start3A_382, %dma_start3A_383] : memref<13x128xi32, #tpu.memory_space<vmem>> -> memref<1x128xi32, #tpu.memory_space<vmem>>
    %dma_start3A_385 = tpu.memref_squeeze %dma_start3A_384 : memref<1x128xi32, #tpu.memory_space<vmem>> -> memref<128xi32, #tpu.memory_space<vmem>>
    %dma_start3A_386 = arith.constant 0 : i32
    %dma_start3A_387 = arith.constant 0 : i32
    %dma_start3A_388 = tpu.memref_slice %arg11[%dma_start3A_386, %dma_start3A_387] : memref<2048x16xf32, #tpu.memory_space<vmem_shared>> -> memref<2048x16xf32, #tpu.memory_space<vmem_shared>>
    tpu.enqueue_indirect_dma source(%arg9 : memref<128x16xf32, #tpu.memory_space<vmem>>) target(%dma_start3A_388 : memref<2048x16xf32, #tpu.memory_space<vmem_shared>>) offsets(%dma_start3A_385 : memref<128xi32, #tpu.memory_space<vmem>>) semaphore(%arg13 : memref<!tpu.dma_semaphore, #tpu.memory_space<semaphore_mem>>) {add = true}
    %dma_start3A_389 = arith.constant 10 : i32
    %dma_start3A_390 = arith.constant 0 : i32
    %dma_start3A_391 = tpu.memref_slice %arg6[%dma_start3A_389, %dma_start3A_390] : memref<13x128xi32, #tpu.memory_space<vmem>> -> memref<1x128xi32, #tpu.memory_space<vmem>>
    %dma_start3A_392 = tpu.memref_squeeze %dma_start3A_391 : memref<1x128xi32, #tpu.memory_space<vmem>> -> memref<128xi32, #tpu.memory_space<vmem>>
    %dma_start3A_393 = arith.constant 0 : i32
    %dma_start3A_394 = arith.constant 0 : i32
    %dma_start3A_395 = tpu.memref_slice %arg11[%dma_start3A_393, %dma_start3A_394] : memref<2048x16xf32, #tpu.memory_space<vmem_shared>> -> memref<2048x16xf32, #tpu.memory_space<vmem_shared>>
    tpu.enqueue_indirect_dma source(%arg9 : memref<128x16xf32, #tpu.memory_space<vmem>>) target(%dma_start3A_395 : memref<2048x16xf32, #tpu.memory_space<vmem_shared>>) offsets(%dma_start3A_392 : memref<128xi32, #tpu.memory_space<vmem>>) semaphore(%arg13 : memref<!tpu.dma_semaphore, #tpu.memory_space<semaphore_mem>>) {add = true}
    %dma_start3A_396 = arith.constant 11 : i32
    %dma_start3A_397 = arith.constant 0 : i32
    %dma_start3A_398 = tpu.memref_slice %arg6[%dma_start3A_396, %dma_start3A_397] : memref<13x128xi32, #tpu.memory_space<vmem>> -> memref<1x128xi32, #tpu.memory_space<vmem>>
    %dma_start3A_399 = tpu.memref_squeeze %dma_start3A_398 : memref<1x128xi32, #tpu.memory_space<vmem>> -> memref<128xi32, #tpu.memory_space<vmem>>
    %dma_start3A_400 = arith.constant 0 : i32
    %dma_start3A_401 = arith.constant 0 : i32
    %dma_start3A_402 = tpu.memref_slice %arg11[%dma_start3A_400, %dma_start3A_401] : memref<2048x16xf32, #tpu.memory_space<vmem_shared>> -> memref<2048x16xf32, #tpu.memory_space<vmem_shared>>
    tpu.enqueue_indirect_dma source(%arg9 : memref<128x16xf32, #tpu.memory_space<vmem>>) target(%dma_start3A_402 : memref<2048x16xf32, #tpu.memory_space<vmem_shared>>) offsets(%dma_start3A_399 : memref<128xi32, #tpu.memory_space<vmem>>) semaphore(%arg13 : memref<!tpu.dma_semaphore, #tpu.memory_space<semaphore_mem>>) {add = true}
    %dma_start3A_403 = arith.constant 12 : i32
    %dma_start3A_404 = arith.constant 0 : i32
    %dma_start3A_405 = tpu.memref_slice %arg6[%dma_start3A_403, %dma_start3A_404] : memref<13x128xi32, #tpu.memory_space<vmem>> -> memref<1x128xi32, #tpu.memory_space<vmem>>
    %dma_start3A_406 = tpu.memref_squeeze %dma_start3A_405 : memref<1x128xi32, #tpu.memory_space<vmem>> -> memref<128xi32, #tpu.memory_space<vmem>>
    %dma_start3A_407 = arith.constant 0 : i32
    %dma_start3A_408 = arith.constant 0 : i32
    %dma_start3A_409 = tpu.memref_slice %arg11[%dma_start3A_407, %dma_start3A_408] : memref<2048x16xf32, #tpu.memory_space<vmem_shared>> -> memref<2048x16xf32, #tpu.memory_space<vmem_shared>>
    tpu.enqueue_indirect_dma source(%arg9 : memref<128x16xf32, #tpu.memory_space<vmem>>) target(%dma_start3A_409 : memref<2048x16xf32, #tpu.memory_space<vmem_shared>>) offsets(%dma_start3A_406 : memref<128xi32, #tpu.memory_space<vmem>>) semaphore(%arg13 : memref<!tpu.dma_semaphore, #tpu.memory_space<semaphore_mem>>) {add = true}
    %dma_wait3A_410 = arith.constant 0 : i32
    %dma_wait3A_411 = arith.constant 7 : i32
    %dma_wait3A_412 = arith.constant 0 : i32
    %dma_wait3A_413 = arith.constant 0 : i32
    %dma_wait3A_414 = tpu.memref_slice %arg7[%dma_wait3A_410, %dma_wait3A_412, %dma_wait3A_413] : memref<7x128x64xf32, #tpu.memory_space<vmem>> -> memref<1x128x64xf32, #tpu.memory_space<vmem>>
    %dma_wait3A_415 = tpu.memref_squeeze %dma_wait3A_414 : memref<1x128x64xf32, #tpu.memory_space<vmem>> -> memref<128x64xf32, #tpu.memory_space<vmem>>
    %dma_wait3A_416 = arith.constant 0 : i32
    %dma_wait3A_417 = tpu.memref_slice %arg6[%dma_wait3A_411, %dma_wait3A_416] : memref<13x128xi32, #tpu.memory_space<vmem>> -> memref<1x128xi32, #tpu.memory_space<vmem>>
    %dma_wait3A_418 = tpu.memref_squeeze %dma_wait3A_417 : memref<1x128xi32, #tpu.memory_space<vmem>> -> memref<128xi32, #tpu.memory_space<vmem>>
    %dma_wait3A_419 = arith.constant 0 : i32
    %dma_wait3A_420 = arith.constant 0 : i32
    %dma_wait3A_421 = tpu.memref_slice %arg10[%dma_wait3A_419, %dma_wait3A_420] : memref<2048x64xf32, #tpu.memory_space<vmem_shared>> -> memref<2048x64xf32, #tpu.memory_space<vmem_shared>>
    tpu.wait_indirect_dma semaphore(%arg12 : memref<!tpu.dma_semaphore, #tpu.memory_space<semaphore_mem>>) src(%dma_wait3A_415 : memref<128x64xf32, #tpu.memory_space<vmem>>) dst(%dma_wait3A_421 : memref<2048x64xf32, #tpu.memory_space<vmem_shared>>)
    %dma_wait3A_422 = arith.constant 1 : i32
    %dma_wait3A_423 = arith.constant 8 : i32
    %dma_wait3A_424 = arith.constant 0 : i32
    %dma_wait3A_425 = arith.constant 0 : i32
    %dma_wait3A_426 = tpu.memref_slice %arg7[%dma_wait3A_422, %dma_wait3A_424, %dma_wait3A_425] : memref<7x128x64xf32, #tpu.memory_space<vmem>> -> memref<1x128x64xf32, #tpu.memory_space<vmem>>
    %dma_wait3A_427 = tpu.memref_squeeze %dma_wait3A_426 : memref<1x128x64xf32, #tpu.memory_space<vmem>> -> memref<128x64xf32, #tpu.memory_space<vmem>>
    %dma_wait3A_428 = arith.constant 0 : i32
    %dma_wait3A_429 = tpu.memref_slice %arg6[%dma_wait3A_423, %dma_wait3A_428] : memref<13x128xi32, #tpu.memory_space<vmem>> -> memref<1x128xi32, #tpu.memory_space<vmem>>
    %dma_wait3A_430 = tpu.memref_squeeze %dma_wait3A_429 : memref<1x128xi32, #tpu.memory_space<vmem>> -> memref<128xi32, #tpu.memory_space<vmem>>
    %dma_wait3A_431 = arith.constant 0 : i32
    %dma_wait3A_432 = arith.constant 0 : i32
    %dma_wait3A_433 = tpu.memref_slice %arg10[%dma_wait3A_431, %dma_wait3A_432] : memref<2048x64xf32, #tpu.memory_space<vmem_shared>> -> memref<2048x64xf32, #tpu.memory_space<vmem_shared>>
    tpu.wait_indirect_dma semaphore(%arg12 : memref<!tpu.dma_semaphore, #tpu.memory_space<semaphore_mem>>) src(%dma_wait3A_427 : memref<128x64xf32, #tpu.memory_space<vmem>>) dst(%dma_wait3A_433 : memref<2048x64xf32, #tpu.memory_space<vmem_shared>>)
    %dma_wait3A_434 = arith.constant 2 : i32
    %dma_wait3A_435 = arith.constant 9 : i32
    %dma_wait3A_436 = arith.constant 0 : i32
    %dma_wait3A_437 = arith.constant 0 : i32
    %dma_wait3A_438 = tpu.memref_slice %arg7[%dma_wait3A_434, %dma_wait3A_436, %dma_wait3A_437] : memref<7x128x64xf32, #tpu.memory_space<vmem>> -> memref<1x128x64xf32, #tpu.memory_space<vmem>>
    %dma_wait3A_439 = tpu.memref_squeeze %dma_wait3A_438 : memref<1x128x64xf32, #tpu.memory_space<vmem>> -> memref<128x64xf32, #tpu.memory_space<vmem>>
    %dma_wait3A_440 = arith.constant 0 : i32
    %dma_wait3A_441 = tpu.memref_slice %arg6[%dma_wait3A_435, %dma_wait3A_440] : memref<13x128xi32, #tpu.memory_space<vmem>> -> memref<1x128xi32, #tpu.memory_space<vmem>>
    %dma_wait3A_442 = tpu.memref_squeeze %dma_wait3A_441 : memref<1x128xi32, #tpu.memory_space<vmem>> -> memref<128xi32, #tpu.memory_space<vmem>>
    %dma_wait3A_443 = arith.constant 0 : i32
    %dma_wait3A_444 = arith.constant 0 : i32
    %dma_wait3A_445 = tpu.memref_slice %arg10[%dma_wait3A_443, %dma_wait3A_444] : memref<2048x64xf32, #tpu.memory_space<vmem_shared>> -> memref<2048x64xf32, #tpu.memory_space<vmem_shared>>
    tpu.wait_indirect_dma semaphore(%arg12 : memref<!tpu.dma_semaphore, #tpu.memory_space<semaphore_mem>>) src(%dma_wait3A_439 : memref<128x64xf32, #tpu.memory_space<vmem>>) dst(%dma_wait3A_445 : memref<2048x64xf32, #tpu.memory_space<vmem_shared>>)
    %dma_wait3A_446 = arith.constant 3 : i32
    %dma_wait3A_447 = arith.constant 10 : i32
    %dma_wait3A_448 = arith.constant 0 : i32
    %dma_wait3A_449 = arith.constant 0 : i32
    %dma_wait3A_450 = tpu.memref_slice %arg7[%dma_wait3A_446, %dma_wait3A_448, %dma_wait3A_449] : memref<7x128x64xf32, #tpu.memory_space<vmem>> -> memref<1x128x64xf32, #tpu.memory_space<vmem>>
    %dma_wait3A_451 = tpu.memref_squeeze %dma_wait3A_450 : memref<1x128x64xf32, #tpu.memory_space<vmem>> -> memref<128x64xf32, #tpu.memory_space<vmem>>
    %dma_wait3A_452 = arith.constant 0 : i32
    %dma_wait3A_453 = tpu.memref_slice %arg6[%dma_wait3A_447, %dma_wait3A_452] : memref<13x128xi32, #tpu.memory_space<vmem>> -> memref<1x128xi32, #tpu.memory_space<vmem>>
    %dma_wait3A_454 = tpu.memref_squeeze %dma_wait3A_453 : memref<1x128xi32, #tpu.memory_space<vmem>> -> memref<128xi32, #tpu.memory_space<vmem>>
    %dma_wait3A_455 = arith.constant 0 : i32
    %dma_wait3A_456 = arith.constant 0 : i32
    %dma_wait3A_457 = tpu.memref_slice %arg10[%dma_wait3A_455, %dma_wait3A_456] : memref<2048x64xf32, #tpu.memory_space<vmem_shared>> -> memref<2048x64xf32, #tpu.memory_space<vmem_shared>>
    tpu.wait_indirect_dma semaphore(%arg12 : memref<!tpu.dma_semaphore, #tpu.memory_space<semaphore_mem>>) src(%dma_wait3A_451 : memref<128x64xf32, #tpu.memory_space<vmem>>) dst(%dma_wait3A_457 : memref<2048x64xf32, #tpu.memory_space<vmem_shared>>)
    %dma_wait3A_458 = arith.constant 4 : i32
    %dma_wait3A_459 = arith.constant 11 : i32
    %dma_wait3A_460 = arith.constant 0 : i32
    %dma_wait3A_461 = arith.constant 0 : i32
    %dma_wait3A_462 = tpu.memref_slice %arg7[%dma_wait3A_458, %dma_wait3A_460, %dma_wait3A_461] : memref<7x128x64xf32, #tpu.memory_space<vmem>> -> memref<1x128x64xf32, #tpu.memory_space<vmem>>
    %dma_wait3A_463 = tpu.memref_squeeze %dma_wait3A_462 : memref<1x128x64xf32, #tpu.memory_space<vmem>> -> memref<128x64xf32, #tpu.memory_space<vmem>>
    %dma_wait3A_464 = arith.constant 0 : i32
    %dma_wait3A_465 = tpu.memref_slice %arg6[%dma_wait3A_459, %dma_wait3A_464] : memref<13x128xi32, #tpu.memory_space<vmem>> -> memref<1x128xi32, #tpu.memory_space<vmem>>
    %dma_wait3A_466 = tpu.memref_squeeze %dma_wait3A_465 : memref<1x128xi32, #tpu.memory_space<vmem>> -> memref<128xi32, #tpu.memory_space<vmem>>
    %dma_wait3A_467 = arith.constant 0 : i32
    %dma_wait3A_468 = arith.constant 0 : i32
    %dma_wait3A_469 = tpu.memref_slice %arg10[%dma_wait3A_467, %dma_wait3A_468] : memref<2048x64xf32, #tpu.memory_space<vmem_shared>> -> memref<2048x64xf32, #tpu.memory_space<vmem_shared>>
    tpu.wait_indirect_dma semaphore(%arg12 : memref<!tpu.dma_semaphore, #tpu.memory_space<semaphore_mem>>) src(%dma_wait3A_463 : memref<128x64xf32, #tpu.memory_space<vmem>>) dst(%dma_wait3A_469 : memref<2048x64xf32, #tpu.memory_space<vmem_shared>>)
    %dma_wait3A_470 = arith.constant 5 : i32
    %dma_wait3A_471 = arith.constant 12 : i32
    %dma_wait3A_472 = arith.constant 0 : i32
    %dma_wait3A_473 = arith.constant 0 : i32
    %dma_wait3A_474 = tpu.memref_slice %arg7[%dma_wait3A_470, %dma_wait3A_472, %dma_wait3A_473] : memref<7x128x64xf32, #tpu.memory_space<vmem>> -> memref<1x128x64xf32, #tpu.memory_space<vmem>>
    %dma_wait3A_475 = tpu.memref_squeeze %dma_wait3A_474 : memref<1x128x64xf32, #tpu.memory_space<vmem>> -> memref<128x64xf32, #tpu.memory_space<vmem>>
    %dma_wait3A_476 = arith.constant 0 : i32
    %dma_wait3A_477 = tpu.memref_slice %arg6[%dma_wait3A_471, %dma_wait3A_476] : memref<13x128xi32, #tpu.memory_space<vmem>> -> memref<1x128xi32, #tpu.memory_space<vmem>>
    %dma_wait3A_478 = tpu.memref_squeeze %dma_wait3A_477 : memref<1x128xi32, #tpu.memory_space<vmem>> -> memref<128xi32, #tpu.memory_space<vmem>>
    %dma_wait3A_479 = arith.constant 0 : i32
    %dma_wait3A_480 = arith.constant 0 : i32
    %dma_wait3A_481 = tpu.memref_slice %arg10[%dma_wait3A_479, %dma_wait3A_480] : memref<2048x64xf32, #tpu.memory_space<vmem_shared>> -> memref<2048x64xf32, #tpu.memory_space<vmem_shared>>
    tpu.wait_indirect_dma semaphore(%arg12 : memref<!tpu.dma_semaphore, #tpu.memory_space<semaphore_mem>>) src(%dma_wait3A_475 : memref<128x64xf32, #tpu.memory_space<vmem>>) dst(%dma_wait3A_481 : memref<2048x64xf32, #tpu.memory_space<vmem_shared>>)
    %dma_wait3A_482 = arith.constant 7 : i32
    %dma_wait3A_483 = arith.constant 0 : i32
    %dma_wait3A_484 = tpu.memref_slice %arg6[%dma_wait3A_482, %dma_wait3A_483] : memref<13x128xi32, #tpu.memory_space<vmem>> -> memref<1x128xi32, #tpu.memory_space<vmem>>
    %dma_wait3A_485 = tpu.memref_squeeze %dma_wait3A_484 : memref<1x128xi32, #tpu.memory_space<vmem>> -> memref<128xi32, #tpu.memory_space<vmem>>
    %dma_wait3A_486 = arith.constant 0 : i32
    %dma_wait3A_487 = arith.constant 0 : i32
    %dma_wait3A_488 = tpu.memref_slice %arg11[%dma_wait3A_486, %dma_wait3A_487] : memref<2048x16xf32, #tpu.memory_space<vmem_shared>> -> memref<2048x16xf32, #tpu.memory_space<vmem_shared>>
    tpu.wait_indirect_dma semaphore(%arg13 : memref<!tpu.dma_semaphore, #tpu.memory_space<semaphore_mem>>) src(%arg9 : memref<128x16xf32, #tpu.memory_space<vmem>>) dst(%dma_wait3A_488 : memref<2048x16xf32, #tpu.memory_space<vmem_shared>>)
    %dma_wait3A_489 = arith.constant 8 : i32
    %dma_wait3A_490 = arith.constant 0 : i32
    %dma_wait3A_491 = tpu.memref_slice %arg6[%dma_wait3A_489, %dma_wait3A_490] : memref<13x128xi32, #tpu.memory_space<vmem>> -> memref<1x128xi32, #tpu.memory_space<vmem>>
    %dma_wait3A_492 = tpu.memref_squeeze %dma_wait3A_491 : memref<1x128xi32, #tpu.memory_space<vmem>> -> memref<128xi32, #tpu.memory_space<vmem>>
    %dma_wait3A_493 = arith.constant 0 : i32
    %dma_wait3A_494 = arith.constant 0 : i32
    %dma_wait3A_495 = tpu.memref_slice %arg11[%dma_wait3A_493, %dma_wait3A_494] : memref<2048x16xf32, #tpu.memory_space<vmem_shared>> -> memref<2048x16xf32, #tpu.memory_space<vmem_shared>>
    tpu.wait_indirect_dma semaphore(%arg13 : memref<!tpu.dma_semaphore, #tpu.memory_space<semaphore_mem>>) src(%arg9 : memref<128x16xf32, #tpu.memory_space<vmem>>) dst(%dma_wait3A_495 : memref<2048x16xf32, #tpu.memory_space<vmem_shared>>)
    %dma_wait3A_496 = arith.constant 9 : i32
    %dma_wait3A_497 = arith.constant 0 : i32
    %dma_wait3A_498 = tpu.memref_slice %arg6[%dma_wait3A_496, %dma_wait3A_497] : memref<13x128xi32, #tpu.memory_space<vmem>> -> memref<1x128xi32, #tpu.memory_space<vmem>>
    %dma_wait3A_499 = tpu.memref_squeeze %dma_wait3A_498 : memref<1x128xi32, #tpu.memory_space<vmem>> -> memref<128xi32, #tpu.memory_space<vmem>>
    %dma_wait3A_500 = arith.constant 0 : i32
    %dma_wait3A_501 = arith.constant 0 : i32
    %dma_wait3A_502 = tpu.memref_slice %arg11[%dma_wait3A_500, %dma_wait3A_501] : memref<2048x16xf32, #tpu.memory_space<vmem_shared>> -> memref<2048x16xf32, #tpu.memory_space<vmem_shared>>
    tpu.wait_indirect_dma semaphore(%arg13 : memref<!tpu.dma_semaphore, #tpu.memory_space<semaphore_mem>>) src(%arg9 : memref<128x16xf32, #tpu.memory_space<vmem>>) dst(%dma_wait3A_502 : memref<2048x16xf32, #tpu.memory_space<vmem_shared>>)
    %dma_wait3A_503 = arith.constant 10 : i32
    %dma_wait3A_504 = arith.constant 0 : i32
    %dma_wait3A_505 = tpu.memref_slice %arg6[%dma_wait3A_503, %dma_wait3A_504] : memref<13x128xi32, #tpu.memory_space<vmem>> -> memref<1x128xi32, #tpu.memory_space<vmem>>
    %dma_wait3A_506 = tpu.memref_squeeze %dma_wait3A_505 : memref<1x128xi32, #tpu.memory_space<vmem>> -> memref<128xi32, #tpu.memory_space<vmem>>
    %dma_wait3A_507 = arith.constant 0 : i32
    %dma_wait3A_508 = arith.constant 0 : i32
    %dma_wait3A_509 = tpu.memref_slice %arg11[%dma_wait3A_507, %dma_wait3A_508] : memref<2048x16xf32, #tpu.memory_space<vmem_shared>> -> memref<2048x16xf32, #tpu.memory_space<vmem_shared>>
    tpu.wait_indirect_dma semaphore(%arg13 : memref<!tpu.dma_semaphore, #tpu.memory_space<semaphore_mem>>) src(%arg9 : memref<128x16xf32, #tpu.memory_space<vmem>>) dst(%dma_wait3A_509 : memref<2048x16xf32, #tpu.memory_space<vmem_shared>>)
    %dma_wait3A_510 = arith.constant 11 : i32
    %dma_wait3A_511 = arith.constant 0 : i32
    %dma_wait3A_512 = tpu.memref_slice %arg6[%dma_wait3A_510, %dma_wait3A_511] : memref<13x128xi32, #tpu.memory_space<vmem>> -> memref<1x128xi32, #tpu.memory_space<vmem>>
    %dma_wait3A_513 = tpu.memref_squeeze %dma_wait3A_512 : memref<1x128xi32, #tpu.memory_space<vmem>> -> memref<128xi32, #tpu.memory_space<vmem>>
    %dma_wait3A_514 = arith.constant 0 : i32
    %dma_wait3A_515 = arith.constant 0 : i32
    %dma_wait3A_516 = tpu.memref_slice %arg11[%dma_wait3A_514, %dma_wait3A_515] : memref<2048x16xf32, #tpu.memory_space<vmem_shared>> -> memref<2048x16xf32, #tpu.memory_space<vmem_shared>>
    tpu.wait_indirect_dma semaphore(%arg13 : memref<!tpu.dma_semaphore, #tpu.memory_space<semaphore_mem>>) src(%arg9 : memref<128x16xf32, #tpu.memory_space<vmem>>) dst(%dma_wait3A_516 : memref<2048x16xf32, #tpu.memory_space<vmem_shared>>)
    %dma_wait3A_517 = arith.constant 12 : i32
    %dma_wait3A_518 = arith.constant 0 : i32
    %dma_wait3A_519 = tpu.memref_slice %arg6[%dma_wait3A_517, %dma_wait3A_518] : memref<13x128xi32, #tpu.memory_space<vmem>> -> memref<1x128xi32, #tpu.memory_space<vmem>>
    %dma_wait3A_520 = tpu.memref_squeeze %dma_wait3A_519 : memref<1x128xi32, #tpu.memory_space<vmem>> -> memref<128xi32, #tpu.memory_space<vmem>>
    %dma_wait3A_521 = arith.constant 0 : i32
    %dma_wait3A_522 = arith.constant 0 : i32
    %dma_wait3A_523 = tpu.memref_slice %arg11[%dma_wait3A_521, %dma_wait3A_522] : memref<2048x16xf32, #tpu.memory_space<vmem_shared>> -> memref<2048x16xf32, #tpu.memory_space<vmem_shared>>
    tpu.wait_indirect_dma semaphore(%arg13 : memref<!tpu.dma_semaphore, #tpu.memory_space<semaphore_mem>>) src(%arg9 : memref<128x16xf32, #tpu.memory_space<vmem>>) dst(%dma_wait3A_523 : memref<2048x16xf32, #tpu.memory_space<vmem_shared>>)
    %barrier3A_524 = arith.constant 0 : index
    tpu.barrier barrier_id(%barrier3A_524)
    %mul3A_525 = arith.constant 128 : i32
    %mul3A_526 = arith.muli %arg1, %mul3A_525 : i32
    %mul3A_527 = arith.constant 128 : i32
    %mul3A_528 = arith.muli %arg1, %mul3A_527 : i32
    "tpu.region"() ({
      %run_scoped3A = tpu.sem_alloc : memref<!tpu.dma_semaphore, #tpu.memory_space<semaphore_mem>>
      %dma_start3A_533 = arith.constant 0 : i32
      %dma_start3A_534 = arith.constant 0 : i32
      %dma_start3A_535 = tpu.memref_slice %arg4[%arg0, %dma_start3A_533, %dma_start3A_534] : memref<2x2048x64xf32, #tpu.memory_space<hbm>> -> memref<1x2048x64xf32, #tpu.memory_space<hbm>>
      %dma_start3A_536 = tpu.memref_squeeze %dma_start3A_535 : memref<1x2048x64xf32, #tpu.memory_space<hbm>> -> memref<2048x64xf32, #tpu.memory_space<hbm>>
      %dma_start3A_537 = arith.constant 0 : i32
      %dma_start3A_538 = tpu.memref_slice %dma_start3A_536[%mul3A_528, %dma_start3A_537] : memref<2048x64xf32, #tpu.memory_space<hbm>> -> memref<128x64xf32, #tpu.memory_space<hbm>>
      %dma_start3A_539 = arith.constant 0 : i32
      %dma_start3A_540 = tpu.memref_slice %arg10[%mul3A_526, %dma_start3A_539] : memref<2048x64xf32, #tpu.memory_space<vmem_shared>> -> memref<128x64xf32, #tpu.memory_space<vmem_shared>>
      tpu.enqueue_dma source(%dma_start3A_540 : memref<128x64xf32, #tpu.memory_space<vmem_shared>>) target(%dma_start3A_538 : memref<128x64xf32, #tpu.memory_space<hbm>>) target_semaphore(%run_scoped3A : memref<!tpu.dma_semaphore, #tpu.memory_space<semaphore_mem>>)
      %dma_wait3A_541 = arith.constant 0 : i32
      %dma_wait3A_542 = arith.constant 0 : i32
      %dma_wait3A_543 = tpu.memref_slice %arg4[%arg0, %dma_wait3A_541, %dma_wait3A_542] : memref<2x2048x64xf32, #tpu.memory_space<hbm>> -> memref<1x2048x64xf32, #tpu.memory_space<hbm>>
      %dma_wait3A_544 = tpu.memref_squeeze %dma_wait3A_543 : memref<1x2048x64xf32, #tpu.memory_space<hbm>> -> memref<2048x64xf32, #tpu.memory_space<hbm>>
      %dma_wait3A_545 = arith.constant 0 : i32
      %dma_wait3A_546 = tpu.memref_slice %dma_wait3A_544[%mul3A_528, %dma_wait3A_545] : memref<2048x64xf32, #tpu.memory_space<hbm>> -> memref<128x64xf32, #tpu.memory_space<hbm>>
      %dma_wait3A_547 = arith.constant 0 : i32
      %dma_wait3A_548 = tpu.memref_slice %arg10[%mul3A_526, %dma_wait3A_547] : memref<2048x64xf32, #tpu.memory_space<vmem_shared>> -> memref<128x64xf32, #tpu.memory_space<vmem_shared>>
      tpu.wait_dma2 semaphore(%run_scoped3A : memref<!tpu.dma_semaphore, #tpu.memory_space<semaphore_mem>>) src(%dma_wait3A_548 : memref<128x64xf32, #tpu.memory_space<vmem_shared>>) dst(%dma_wait3A_546 : memref<128x64xf32, #tpu.memory_space<hbm>>)
      tpu.yield
    }) : () -> ()
    %mul3A_529 = arith.constant 128 : i32
    %mul3A_530 = arith.muli %arg1, %mul3A_529 : i32
    %mul3A_531 = arith.constant 128 : i32
    %mul3A_532 = arith.muli %arg1, %mul3A_531 : i32
    "tpu.region"() ({
      %run_scoped3A = tpu.sem_alloc : memref<!tpu.dma_semaphore, #tpu.memory_space<semaphore_mem>>
      %dma_start3A_533 = arith.constant 0 : i32
      %dma_start3A_534 = arith.constant 0 : i32
      %dma_start3A_535 = tpu.memref_slice %arg5[%arg0, %dma_start3A_533, %dma_start3A_534] : memref<2x2048x16xf32, #tpu.memory_space<hbm>> -> memref<1x2048x16xf32, #tpu.memory_space<hbm>>
      %dma_start3A_536 = tpu.memref_squeeze %dma_start3A_535 : memref<1x2048x16xf32, #tpu.memory_space<hbm>> -> memref<2048x16xf32, #tpu.memory_space<hbm>>
      %dma_start3A_537 = arith.constant 0 : i32
      %dma_start3A_538 = tpu.memref_slice %dma_start3A_536[%mul3A_532, %dma_start3A_537] : memref<2048x16xf32, #tpu.memory_space<hbm>> -> memref<128x16xf32, #tpu.memory_space<hbm>>
      %dma_start3A_539 = arith.constant 0 : i32
      %dma_start3A_540 = tpu.memref_slice %arg11[%mul3A_530, %dma_start3A_539] : memref<2048x16xf32, #tpu.memory_space<vmem_shared>> -> memref<128x16xf32, #tpu.memory_space<vmem_shared>>
      tpu.enqueue_dma source(%dma_start3A_540 : memref<128x16xf32, #tpu.memory_space<vmem_shared>>) target(%dma_start3A_538 : memref<128x16xf32, #tpu.memory_space<hbm>>) target_semaphore(%run_scoped3A : memref<!tpu.dma_semaphore, #tpu.memory_space<semaphore_mem>>)
      %dma_wait3A_541 = arith.constant 0 : i32
      %dma_wait3A_542 = arith.constant 0 : i32
      %dma_wait3A_543 = tpu.memref_slice %arg5[%arg0, %dma_wait3A_541, %dma_wait3A_542] : memref<2x2048x16xf32, #tpu.memory_space<hbm>> -> memref<1x2048x16xf32, #tpu.memory_space<hbm>>
      %dma_wait3A_544 = tpu.memref_squeeze %dma_wait3A_543 : memref<1x2048x16xf32, #tpu.memory_space<hbm>> -> memref<2048x16xf32, #tpu.memory_space<hbm>>
      %dma_wait3A_545 = arith.constant 0 : i32
      %dma_wait3A_546 = tpu.memref_slice %dma_wait3A_544[%mul3A_532, %dma_wait3A_545] : memref<2048x16xf32, #tpu.memory_space<hbm>> -> memref<128x16xf32, #tpu.memory_space<hbm>>
      %dma_wait3A_547 = arith.constant 0 : i32
      %dma_wait3A_548 = tpu.memref_slice %arg11[%mul3A_530, %dma_wait3A_547] : memref<2048x16xf32, #tpu.memory_space<vmem_shared>> -> memref<128x16xf32, #tpu.memory_space<vmem_shared>>
      tpu.wait_dma2 semaphore(%run_scoped3A : memref<!tpu.dma_semaphore, #tpu.memory_space<semaphore_mem>>) src(%dma_wait3A_548 : memref<128x16xf32, #tpu.memory_space<vmem_shared>>) dst(%dma_wait3A_546 : memref<128x16xf32, #tpu.memory_space<hbm>>)
      tpu.yield
    }) : () -> ()
    return
  }
}

module attributes {stable_mosaic.version = 14 : i64} {
  func.func @_embed_body(%arg0: i32, %arg1: memref<200x3xi32, #tpu.memory_space<vmem>>, %arg2: memref<8x32xf32, #tpu.memory_space<vmem>>, %arg3: memref<8x32xf32, #tpu.memory_space<vmem>>, %arg4: memref<32x32xf32, #tpu.memory_space<vmem>>, %arg5: memref<200x16xf32, #tpu.memory_space<vmem>>, %arg6: memref<200x16xf32, #tpu.memory_space<vmem>>) attributes {dimension_semantics = [#tpu.dimension_semantics<arbitrary>], iteration_bounds = array<i64: 250>, scalar_prefetch = 0 : i64, scratch_operands = 0 : i64, tpu.core_type = #tpu.core_type<tc>, window_params = [{transform_indices = @transform_0, window_bounds = array<i64: 200, 3>}, {pipeline_mode = #tpu.pipeline_mode<synchronous>, transform_indices = @transform_1, window_bounds = array<i64: 8, 32>}, {pipeline_mode = #tpu.pipeline_mode<synchronous>, transform_indices = @transform_2, window_bounds = array<i64: 8, 32>}, {pipeline_mode = #tpu.pipeline_mode<synchronous>, transform_indices = @transform_3, window_bounds = array<i64: 32, 32>}, {transform_indices = @transform_4, window_bounds = array<i64: 200, 16>}, {transform_indices = @transform_5, window_bounds = array<i64: 200, 16>}]} {
    %get3A = arith.constant 0 : index
    %get3A_0 = arith.constant 0 : index
    %get3A_1 = vector.load %arg1[%get3A, %get3A_0] : memref<200x3xi32, #tpu.memory_space<vmem>>, vector<200x3xi32>
    %slice3A = vector.extract_strided_slice %get3A_1 {offsets = [0, 0], sizes = [200, 1], strides = [1, 1]} : vector<200x3xi32> to vector<200x1xi32>
    %iota3A = tpu.iota {dimensions = array<i32: 1>} : vector<200x8xi32>
    %eq3A = vector.broadcast %slice3A : vector<200x1xi32> to vector<200x8xi32>
    %eq3A_2 = arith.cmpi eq, %eq3A, %iota3A : vector<200x8xi32>
    %convert_element_type3A = arith.extui %eq3A_2 : vector<200x8xi1> to vector<200x8xi32>
    %convert_element_type3A_3 = arith.sitofp %convert_element_type3A : vector<200x8xi32> to vector<200x8xf32>
    %slice3A_4 = vector.extract_strided_slice %get3A_1 {offsets = [0, 1], sizes = [200, 1], strides = [1, 1]} : vector<200x3xi32> to vector<200x1xi32>
    %iota3A_5 = tpu.iota {dimensions = array<i32: 1>} : vector<200x8xi32>
    %eq3A_6 = vector.broadcast %slice3A_4 : vector<200x1xi32> to vector<200x8xi32>
    %eq3A_7 = arith.cmpi eq, %eq3A_6, %iota3A_5 : vector<200x8xi32>
    %convert_element_type3A_8 = arith.extui %eq3A_7 : vector<200x8xi1> to vector<200x8xi32>
    %convert_element_type3A_9 = arith.sitofp %convert_element_type3A_8 : vector<200x8xi32> to vector<200x8xf32>
    %slice3A_10 = vector.extract_strided_slice %get3A_1 {offsets = [0, 2], sizes = [200, 1], strides = [1, 1]} : vector<200x3xi32> to vector<200x1xi32>
    %jit3A = arith.constant 0 : i32
    %jit3A_11 = arith.constant 24 : i32
    %max3A = vector.broadcast %jit3A : i32 to vector<200x1xi32>
    %max3A_12 = arith.maxsi %max3A, %slice3A_10 : vector<200x1xi32>
    %min3A = vector.broadcast %jit3A_11 : i32 to vector<200x1xi32>
    %min3A_13 = arith.minsi %min3A, %max3A_12 : vector<200x1xi32>
    %iota3A_14 = tpu.iota {dimensions = array<i32: 1>} : vector<200x32xi32>
    %eq3A_15 = vector.broadcast %min3A_13 : vector<200x1xi32> to vector<200x32xi32>
    %eq3A_16 = arith.cmpi eq, %eq3A_15, %iota3A_14 : vector<200x32xi32>
    %convert_element_type3A_17 = arith.extui %eq3A_16 : vector<200x32xi1> to vector<200x32xi32>
    %convert_element_type3A_18 = arith.sitofp %convert_element_type3A_17 : vector<200x32xi32> to vector<200x32xf32>
    %get3A_19 = arith.constant 0 : index
    %get3A_20 = arith.constant 0 : index
    %get3A_21 = vector.load %arg2[%get3A_19, %get3A_20] : memref<8x32xf32, #tpu.memory_space<vmem>>, vector<8x32xf32>
    %dot_general3A = arith.constant dense<0.000000e+00> : vector<200x32xf32>
    %dot_general3A_22 = tpu.matmul %convert_element_type3A_3, %get3A_21, %dot_general3A {dimension_numbers = #tpu.dot_dimension_numbers<[1], [0], [0], [1], [0, 0, 1, 1], [], []>, transpose_lhs_hint = false} : vector<200x8xf32>, vector<8x32xf32>, vector<200x32xf32> -> vector<200x32xf32>
    %get3A_23 = arith.constant 0 : index
    %get3A_24 = arith.constant 0 : index
    %get3A_25 = vector.load %arg3[%get3A_23, %get3A_24] : memref<8x32xf32, #tpu.memory_space<vmem>>, vector<8x32xf32>
    %dot_general3A_26 = arith.constant dense<0.000000e+00> : vector<200x32xf32>
    %dot_general3A_27 = tpu.matmul %convert_element_type3A_9, %get3A_25, %dot_general3A_26 {dimension_numbers = #tpu.dot_dimension_numbers<[1], [0], [0], [1], [0, 0, 1, 1], [], []>, transpose_lhs_hint = false} : vector<200x8xf32>, vector<8x32xf32>, vector<200x32xf32> -> vector<200x32xf32>
    %add3A = arith.addf %dot_general3A_22, %dot_general3A_27 : vector<200x32xf32>
    %get3A_28 = arith.constant 0 : index
    %get3A_29 = arith.constant 0 : index
    %get3A_30 = vector.load %arg4[%get3A_28, %get3A_29] : memref<32x32xf32, #tpu.memory_space<vmem>>, vector<32x32xf32>
    %dot_general3A_31 = arith.constant dense<0.000000e+00> : vector<200x32xf32>
    %dot_general3A_32 = tpu.matmul %convert_element_type3A_18, %get3A_30, %dot_general3A_31 {dimension_numbers = #tpu.dot_dimension_numbers<[1], [0], [0], [1], [0, 0, 1, 1], [], []>, transpose_lhs_hint = false} : vector<200x32xf32>, vector<32x32xf32>, vector<200x32xf32> -> vector<200x32xf32>
    %add3A_33 = arith.addf %add3A, %dot_general3A_32 : vector<200x32xf32>
    %slice3A_34 = vector.extract_strided_slice %add3A_33 {offsets = [0, 0], sizes = [200, 16], strides = [1, 1]} : vector<200x32xf32> to vector<200x16xf32>
    %swap3A = arith.constant 0 : index
    %swap3A_35 = arith.constant 0 : index
    %swap3A_36 = vector.load %arg5[%swap3A, %swap3A_35] : memref<200x16xf32, #tpu.memory_space<vmem>>, vector<200x16xf32>
    tpu.vector_store %arg5[%swap3A, %swap3A_35], %slice3A_34 {strides = array<i32>} : memref<200x16xf32, #tpu.memory_space<vmem>>, vector<200x16xf32>,
    %slice3A_37 = vector.extract_strided_slice %add3A_33 {offsets = [0, 16], sizes = [200, 16], strides = [1, 1]} : vector<200x32xf32> to vector<200x16xf32>
    %swap3A_38 = arith.constant 0 : index
    %swap3A_39 = arith.constant 0 : index
    %swap3A_40 = vector.load %arg6[%swap3A_38, %swap3A_39] : memref<200x16xf32, #tpu.memory_space<vmem>>, vector<200x16xf32>
    tpu.vector_store %arg6[%swap3A_38, %swap3A_39], %slice3A_37 {strides = array<i32>} : memref<200x16xf32, #tpu.memory_space<vmem>>, vector<200x16xf32>,
    return
  }
  func.func @transform_0(%arg0: i32) -> (i32, i32) {
    %c0_i32 = arith.constant 0 : i32
    %c0_i32_0 = arith.constant 0 : i32
    return %arg0, %c0_i32 : i32, i32
  }
  func.func @transform_1(%arg0: i32) -> (i32, i32) {
    %c0_i32 = arith.constant 0 : i32
    %c0_i32_0 = arith.constant 0 : i32
    %c0_i32_1 = arith.constant 0 : i32
    return %c0_i32, %c0_i32_0 : i32, i32
  }
  func.func @transform_2(%arg0: i32) -> (i32, i32) {
    %c0_i32 = arith.constant 0 : i32
    %c0_i32_0 = arith.constant 0 : i32
    %c0_i32_1 = arith.constant 0 : i32
    return %c0_i32, %c0_i32_0 : i32, i32
  }
  func.func @transform_3(%arg0: i32) -> (i32, i32) {
    %c0_i32 = arith.constant 0 : i32
    %c0_i32_0 = arith.constant 0 : i32
    %c0_i32_1 = arith.constant 0 : i32
    return %c0_i32, %c0_i32_0 : i32, i32
  }
  func.func @transform_4(%arg0: i32) -> (i32, i32) {
    %c0_i32 = arith.constant 0 : i32
    %c0_i32_0 = arith.constant 0 : i32
    return %arg0, %c0_i32 : i32, i32
  }
  func.func @transform_5(%arg0: i32) -> (i32, i32) {
    %c0_i32 = arith.constant 0 : i32
    %c0_i32_0 = arith.constant 0 : i32
    return %arg0, %c0_i32 : i32, i32
  }
}

module attributes {stable_mosaic.version = 14 : i64} {
  func.func @body(%arg0: i32, %arg1: memref<200x16xf32, #tpu.memory_space<vmem>>, %arg2: memref<200x16xf32, #tpu.memory_space<vmem>>, %arg3: memref<1x200x16xf32, #tpu.memory_space<vmem>>, %arg4: memref<1x200x16xf32, #tpu.memory_space<vmem>>, %arg5: memref<1x200x16xf32, #tpu.memory_space<vmem>>, %arg6: memref<1x200x16xf32, #tpu.memory_space<vmem>>, %arg7: memref<1x200x16xf32, #tpu.memory_space<vmem>>, %arg8: memref<1x200x16xf32, #tpu.memory_space<vmem>>, %arg9: memref<1x200x16xf32, #tpu.memory_space<vmem>>, %arg10: memref<1x200x16xf32, #tpu.memory_space<vmem>>, %arg11: memref<1x200x16xf32, #tpu.memory_space<vmem>>, %arg12: memref<3x32x64xf32, #tpu.memory_space<vmem>>, %arg13: memref<32x64xf32, #tpu.memory_space<vmem>>, %arg14: memref<200x64xf32, #tpu.memory_space<vmem>>, %arg15: memref<8x64xf32, #tpu.memory_space<vmem>>) attributes {dimension_semantics = [#tpu.dimension_semantics<arbitrary>], iteration_bounds = array<i64: 250>, scalar_prefetch = 0 : i64, scratch_operands = 0 : i64, tpu.core_type = #tpu.core_type<tc>, window_params = [{transform_indices = @transform_0, window_bounds = array<i64: 200, 16>}, {transform_indices = @transform_1, window_bounds = array<i64: 200, 16>}, {transform_indices = @transform_2, window_bounds = array<i64: 1, 200, 16>}, {transform_indices = @transform_3, window_bounds = array<i64: 1, 200, 16>}, {transform_indices = @transform_4, window_bounds = array<i64: 1, 200, 16>}, {transform_indices = @transform_5, window_bounds = array<i64: 1, 200, 16>}, {transform_indices = @transform_6, window_bounds = array<i64: 1, 200, 16>}, {transform_indices = @transform_7, window_bounds = array<i64: 1, 200, 16>}, {transform_indices = @transform_8, window_bounds = array<i64: 1, 200, 16>}, {transform_indices = @transform_9, window_bounds = array<i64: 1, 200, 16>}, {transform_indices = @transform_10, window_bounds = array<i64: 1, 200, 16>}, {pipeline_mode = #tpu.pipeline_mode<synchronous>, transform_indices = @transform_11, window_bounds = array<i64: 3, 32, 64>}, {pipeline_mode = #tpu.pipeline_mode<synchronous>, transform_indices = @transform_12, window_bounds = array<i64: 32, 64>}, {transform_indices = @transform_13, window_bounds = array<i64: 200, 64>}, {pipeline_mode = #tpu.pipeline_mode<synchronous>, transform_indices = @transform_14, window_bounds = array<i64: 8, 64>}]} {
    %get3A = arith.constant 0 : index
    %get3A_0 = arith.constant 0 : index
    %get3A_1 = vector.load %arg1[%get3A, %get3A_0] : memref<200x16xf32, #tpu.memory_space<vmem>>, vector<200x16xf32>
    %get3A_2 = arith.constant 0 : index
    %get3A_3 = arith.constant 0 : index
    %get3A_4 = vector.load %arg2[%get3A_2, %get3A_3] : memref<200x16xf32, #tpu.memory_space<vmem>>, vector<200x16xf32>
    %concatenate3A = tpu.concatenate %get3A_1, %get3A_4 in 1 : vector<200x16xf32>, vector<200x16xf32> -> vector<200x32xf32>
    %get3A_5 = arith.constant 0 : index
    %get3A_6 = arith.constant 0 : index
    %get3A_7 = vector.load %arg13[%get3A_5, %get3A_6] : memref<32x64xf32, #tpu.memory_space<vmem>>, vector<32x64xf32>
    %dot_general3A = arith.constant dense<0.000000e+00> : vector<200x64xf32>
    %dot_general3A_8 = tpu.matmul %concatenate3A, %get3A_7, %dot_general3A {dimension_numbers = #tpu.dot_dimension_numbers<[1], [0], [0], [1], [0, 0, 1, 1], [], []>, transpose_lhs_hint = false} : vector<200x32xf32>, vector<32x64xf32>, vector<200x64xf32> -> vector<200x64xf32>
    %broadcast_in_dim3A = arith.constant 0.000000e+00 : f32
    %broadcast_in_dim3A_9 = vector.broadcast %broadcast_in_dim3A : f32 to vector<200x64xf32>
    %get3A_10 = arith.constant 0 : index
    %get3A_11 = arith.constant 0 : index
    %get3A_12 = arith.constant 0 : index
    %get3A_13 = vector.load %arg3[%get3A_10, %get3A_11, %get3A_12] : memref<1x200x16xf32, #tpu.memory_space<vmem>>, vector<1x200x16xf32>
    %get3A_14 = vector.shape_cast %get3A_13 : vector<1x200x16xf32> to vector<200x16xf32>
    %get3A_15 = arith.constant 0 : index
    %get3A_16 = arith.constant 0 : index
    %get3A_17 = arith.constant 0 : index
    %get3A_18 = vector.load %arg12[%get3A_15, %get3A_16, %get3A_17] : memref<3x32x64xf32, #tpu.memory_space<vmem>>, vector<1x16x64xf32>
    %get3A_19 = vector.shape_cast %get3A_18 : vector<1x16x64xf32> to vector<16x64xf32>
    %dot_general3A_20 = arith.constant dense<0.000000e+00> : vector<200x64xf32>
    %dot_general3A_21 = tpu.matmul %get3A_14, %get3A_19, %dot_general3A_20 {dimension_numbers = #tpu.dot_dimension_numbers<[1], [0], [0], [1], [0, 0, 1, 1], [], []>, transpose_lhs_hint = false} : vector<200x16xf32>, vector<16x64xf32>, vector<200x64xf32> -> vector<200x64xf32>
    %add3A = arith.addf %broadcast_in_dim3A_9, %dot_general3A_21 : vector<200x64xf32>
    %get3A_22 = arith.constant 0 : index
    %get3A_23 = arith.constant 0 : index
    %get3A_24 = arith.constant 0 : index
    %get3A_25 = vector.load %arg4[%get3A_22, %get3A_23, %get3A_24] : memref<1x200x16xf32, #tpu.memory_space<vmem>>, vector<1x200x16xf32>
    %get3A_26 = vector.shape_cast %get3A_25 : vector<1x200x16xf32> to vector<200x16xf32>
    %get3A_27 = arith.constant 0 : index
    %get3A_28 = arith.constant 16 : index
    %get3A_29 = arith.constant 0 : index
    %get3A_30 = vector.load %arg12[%get3A_27, %get3A_28, %get3A_29] : memref<3x32x64xf32, #tpu.memory_space<vmem>>, vector<1x16x64xf32>
    %get3A_31 = vector.shape_cast %get3A_30 : vector<1x16x64xf32> to vector<16x64xf32>
    %dot_general3A_32 = arith.constant dense<0.000000e+00> : vector<200x64xf32>
    %dot_general3A_33 = tpu.matmul %get3A_26, %get3A_31, %dot_general3A_32 {dimension_numbers = #tpu.dot_dimension_numbers<[1], [0], [0], [1], [0, 0, 1, 1], [], []>, transpose_lhs_hint = false} : vector<200x16xf32>, vector<16x64xf32>, vector<200x64xf32> -> vector<200x64xf32>
    %add3A_34 = arith.addf %add3A, %dot_general3A_33 : vector<200x64xf32>
    %get3A_35 = arith.constant 0 : index
    %get3A_36 = arith.constant 0 : index
    %get3A_37 = arith.constant 0 : index
    %get3A_38 = vector.load %arg9[%get3A_35, %get3A_36, %get3A_37] : memref<1x200x16xf32, #tpu.memory_space<vmem>>, vector<1x200x16xf32>
    %get3A_39 = vector.shape_cast %get3A_38 : vector<1x200x16xf32> to vector<200x16xf32>
    %slice3A = vector.extract_strided_slice %get3A_39 {offsets = [0, 0], sizes = [200, 1], strides = [1, 1]} : vector<200x16xf32> to vector<200x1xf32>
    %squeeze3A = vector.shape_cast %slice3A : vector<200x1xf32> to vector<200xf32>
    %max3A = arith.constant 1.000000e+00 : f32
    %max3A_40 = vector.broadcast %max3A : f32 to vector<200xf32>
    %max3A_41 = arith.maximumf %squeeze3A, %max3A_40 : vector<200xf32>
    %broadcast_in_dim3A_42 = vector.shape_cast %max3A_41 : vector<200xf32> to vector<200x1xf32>
    %div3A = vector.broadcast %broadcast_in_dim3A_42 : vector<200x1xf32> to vector<200x64xf32>
    %div3A_43 = arith.divf %add3A_34, %div3A : vector<200x64xf32>
    %add3A_44 = arith.addf %dot_general3A_8, %div3A_43 : vector<200x64xf32>
    %broadcast_in_dim3A_45 = arith.constant 0.000000e+00 : f32
    %broadcast_in_dim3A_46 = vector.broadcast %broadcast_in_dim3A_45 : f32 to vector<200x64xf32>
    %get3A_47 = arith.constant 0 : index
    %get3A_48 = arith.constant 0 : index
    %get3A_49 = arith.constant 0 : index
    %get3A_50 = vector.load %arg5[%get3A_47, %get3A_48, %get3A_49] : memref<1x200x16xf32, #tpu.memory_space<vmem>>, vector<1x200x16xf32>
    %get3A_51 = vector.shape_cast %get3A_50 : vector<1x200x16xf32> to vector<200x16xf32>
    %get3A_52 = arith.constant 1 : index
    %get3A_53 = arith.constant 0 : index
    %get3A_54 = arith.constant 0 : index
    %get3A_55 = vector.load %arg12[%get3A_52, %get3A_53, %get3A_54] : memref<3x32x64xf32, #tpu.memory_space<vmem>>, vector<1x16x64xf32>
    %get3A_56 = vector.shape_cast %get3A_55 : vector<1x16x64xf32> to vector<16x64xf32>
    %dot_general3A_57 = arith.constant dense<0.000000e+00> : vector<200x64xf32>
    %dot_general3A_58 = tpu.matmul %get3A_51, %get3A_56, %dot_general3A_57 {dimension_numbers = #tpu.dot_dimension_numbers<[1], [0], [0], [1], [0, 0, 1, 1], [], []>, transpose_lhs_hint = false} : vector<200x16xf32>, vector<16x64xf32>, vector<200x64xf32> -> vector<200x64xf32>
    %add3A_59 = arith.addf %broadcast_in_dim3A_46, %dot_general3A_58 : vector<200x64xf32>
    %get3A_60 = arith.constant 0 : index
    %get3A_61 = arith.constant 0 : index
    %get3A_62 = arith.constant 0 : index
    %get3A_63 = vector.load %arg6[%get3A_60, %get3A_61, %get3A_62] : memref<1x200x16xf32, #tpu.memory_space<vmem>>, vector<1x200x16xf32>
    %get3A_64 = vector.shape_cast %get3A_63 : vector<1x200x16xf32> to vector<200x16xf32>
    %get3A_65 = arith.constant 1 : index
    %get3A_66 = arith.constant 16 : index
    %get3A_67 = arith.constant 0 : index
    %get3A_68 = vector.load %arg12[%get3A_65, %get3A_66, %get3A_67] : memref<3x32x64xf32, #tpu.memory_space<vmem>>, vector<1x16x64xf32>
    %get3A_69 = vector.shape_cast %get3A_68 : vector<1x16x64xf32> to vector<16x64xf32>
    %dot_general3A_70 = arith.constant dense<0.000000e+00> : vector<200x64xf32>
    %dot_general3A_71 = tpu.matmul %get3A_64, %get3A_69, %dot_general3A_70 {dimension_numbers = #tpu.dot_dimension_numbers<[1], [0], [0], [1], [0, 0, 1, 1], [], []>, transpose_lhs_hint = false} : vector<200x16xf32>, vector<16x64xf32>, vector<200x64xf32> -> vector<200x64xf32>
    %add3A_72 = arith.addf %add3A_59, %dot_general3A_71 : vector<200x64xf32>
    %get3A_73 = arith.constant 0 : index
    %get3A_74 = arith.constant 0 : index
    %get3A_75 = arith.constant 0 : index
    %get3A_76 = vector.load %arg10[%get3A_73, %get3A_74, %get3A_75] : memref<1x200x16xf32, #tpu.memory_space<vmem>>, vector<1x200x16xf32>
    %get3A_77 = vector.shape_cast %get3A_76 : vector<1x200x16xf32> to vector<200x16xf32>
    %slice3A_78 = vector.extract_strided_slice %get3A_77 {offsets = [0, 0], sizes = [200, 1], strides = [1, 1]} : vector<200x16xf32> to vector<200x1xf32>
    %squeeze3A_79 = vector.shape_cast %slice3A_78 : vector<200x1xf32> to vector<200xf32>
    %max3A_80 = arith.constant 1.000000e+00 : f32
    %max3A_81 = vector.broadcast %max3A_80 : f32 to vector<200xf32>
    %max3A_82 = arith.maximumf %squeeze3A_79, %max3A_81 : vector<200xf32>
    %broadcast_in_dim3A_83 = vector.shape_cast %max3A_82 : vector<200xf32> to vector<200x1xf32>
    %div3A_84 = vector.broadcast %broadcast_in_dim3A_83 : vector<200x1xf32> to vector<200x64xf32>
    %div3A_85 = arith.divf %add3A_72, %div3A_84 : vector<200x64xf32>
    %add3A_86 = arith.addf %add3A_44, %div3A_85 : vector<200x64xf32>
    %broadcast_in_dim3A_87 = arith.constant 0.000000e+00 : f32
    %broadcast_in_dim3A_88 = vector.broadcast %broadcast_in_dim3A_87 : f32 to vector<200x64xf32>
    %get3A_89 = arith.constant 0 : index
    %get3A_90 = arith.constant 0 : index
    %get3A_91 = arith.constant 0 : index
    %get3A_92 = vector.load %arg7[%get3A_89, %get3A_90, %get3A_91] : memref<1x200x16xf32, #tpu.memory_space<vmem>>, vector<1x200x16xf32>
    %get3A_93 = vector.shape_cast %get3A_92 : vector<1x200x16xf32> to vector<200x16xf32>
    %get3A_94 = arith.constant 2 : index
    %get3A_95 = arith.constant 0 : index
    %get3A_96 = arith.constant 0 : index
    %get3A_97 = vector.load %arg12[%get3A_94, %get3A_95, %get3A_96] : memref<3x32x64xf32, #tpu.memory_space<vmem>>, vector<1x16x64xf32>
    %get3A_98 = vector.shape_cast %get3A_97 : vector<1x16x64xf32> to vector<16x64xf32>
    %dot_general3A_99 = arith.constant dense<0.000000e+00> : vector<200x64xf32>
    %dot_general3A_100 = tpu.matmul %get3A_93, %get3A_98, %dot_general3A_99 {dimension_numbers = #tpu.dot_dimension_numbers<[1], [0], [0], [1], [0, 0, 1, 1], [], []>, transpose_lhs_hint = false} : vector<200x16xf32>, vector<16x64xf32>, vector<200x64xf32> -> vector<200x64xf32>
    %add3A_101 = arith.addf %broadcast_in_dim3A_88, %dot_general3A_100 : vector<200x64xf32>
    %get3A_102 = arith.constant 0 : index
    %get3A_103 = arith.constant 0 : index
    %get3A_104 = arith.constant 0 : index
    %get3A_105 = vector.load %arg8[%get3A_102, %get3A_103, %get3A_104] : memref<1x200x16xf32, #tpu.memory_space<vmem>>, vector<1x200x16xf32>
    %get3A_106 = vector.shape_cast %get3A_105 : vector<1x200x16xf32> to vector<200x16xf32>
    %get3A_107 = arith.constant 2 : index
    %get3A_108 = arith.constant 16 : index
    %get3A_109 = arith.constant 0 : index
    %get3A_110 = vector.load %arg12[%get3A_107, %get3A_108, %get3A_109] : memref<3x32x64xf32, #tpu.memory_space<vmem>>, vector<1x16x64xf32>
    %get3A_111 = vector.shape_cast %get3A_110 : vector<1x16x64xf32> to vector<16x64xf32>
    %dot_general3A_112 = arith.constant dense<0.000000e+00> : vector<200x64xf32>
    %dot_general3A_113 = tpu.matmul %get3A_106, %get3A_111, %dot_general3A_112 {dimension_numbers = #tpu.dot_dimension_numbers<[1], [0], [0], [1], [0, 0, 1, 1], [], []>, transpose_lhs_hint = false} : vector<200x16xf32>, vector<16x64xf32>, vector<200x64xf32> -> vector<200x64xf32>
    %add3A_114 = arith.addf %add3A_101, %dot_general3A_113 : vector<200x64xf32>
    %get3A_115 = arith.constant 0 : index
    %get3A_116 = arith.constant 0 : index
    %get3A_117 = arith.constant 0 : index
    %get3A_118 = vector.load %arg11[%get3A_115, %get3A_116, %get3A_117] : memref<1x200x16xf32, #tpu.memory_space<vmem>>, vector<1x200x16xf32>
    %get3A_119 = vector.shape_cast %get3A_118 : vector<1x200x16xf32> to vector<200x16xf32>
    %slice3A_120 = vector.extract_strided_slice %get3A_119 {offsets = [0, 0], sizes = [200, 1], strides = [1, 1]} : vector<200x16xf32> to vector<200x1xf32>
    %squeeze3A_121 = vector.shape_cast %slice3A_120 : vector<200x1xf32> to vector<200xf32>
    %max3A_122 = arith.constant 1.000000e+00 : f32
    %max3A_123 = vector.broadcast %max3A_122 : f32 to vector<200xf32>
    %max3A_124 = arith.maximumf %squeeze3A_121, %max3A_123 : vector<200xf32>
    %broadcast_in_dim3A_125 = vector.shape_cast %max3A_124 : vector<200xf32> to vector<200x1xf32>
    %div3A_126 = vector.broadcast %broadcast_in_dim3A_125 : vector<200x1xf32> to vector<200x64xf32>
    %div3A_127 = arith.divf %add3A_114, %div3A_126 : vector<200x64xf32>
    %add3A_128 = arith.addf %add3A_86, %div3A_127 : vector<200x64xf32>
    %swap3A = arith.constant 0 : index
    %swap3A_129 = arith.constant 0 : index
    %swap3A_130 = vector.load %arg14[%swap3A, %swap3A_129] : memref<200x64xf32, #tpu.memory_space<vmem>>, vector<200x64xf32>
    tpu.vector_store %arg14[%swap3A, %swap3A_129], %add3A_128 {strides = array<i32>} : memref<200x64xf32, #tpu.memory_space<vmem>>, vector<200x64xf32>,
    %eq3A = arith.constant 0 : i32
    %eq3A_131 = arith.cmpi eq, %arg0, %eq3A : i32
    %convert_element_type3A = arith.extui %eq3A_131 : i1 to i32
    %cond3A = arith.constant 0 : i32
    %cond3A_132 = arith.cmpi ne, %convert_element_type3A, %cond3A : i32
    scf.if %cond3A_132 {
      %broadcast_in_dim3A_152 = arith.constant 0.000000e+00 : f32
      %broadcast_in_dim3A_153 = vector.broadcast %broadcast_in_dim3A_152 : f32 to vector<8x64xf32>
      %swap3A_154 = arith.constant 0 : index
      %swap3A_155 = arith.constant 0 : index
      %swap3A_156 = vector.load %arg15[%swap3A_154, %swap3A_155] : memref<8x64xf32, #tpu.memory_space<vmem>>, vector<8x64xf32>
      tpu.vector_store %arg15[%swap3A_154, %swap3A_155], %broadcast_in_dim3A_153 {strides = array<i32>} : memref<8x64xf32, #tpu.memory_space<vmem>>, vector<8x64xf32>,
    } else {
    }
    %get3A_133 = arith.constant 0 : index
    %get3A_134 = arith.constant 0 : index
    %get3A_135 = vector.load %arg15[%get3A_133, %get3A_134] : memref<8x64xf32, #tpu.memory_space<vmem>>, vector<1x64xf32>
    %reduce_sum3A = arith.constant dense<0.000000e+00> : vector<64xf32>
    %reduce_sum3A_136 = vector.multi_reduction <add>, %add3A_128, %reduce_sum3A [0] : vector<200x64xf32> to vector<64xf32>
    %broadcast_in_dim3A_137 = vector.shape_cast %reduce_sum3A_136 : vector<64xf32> to vector<1x64xf32>
    %add3A_138 = arith.addf %get3A_135, %broadcast_in_dim3A_137 : vector<1x64xf32>
    %swap3A_139 = arith.constant 0 : index
    %swap3A_140 = arith.constant 0 : index
    %swap3A_141 = vector.load %arg15[%swap3A_139, %swap3A_140] : memref<8x64xf32, #tpu.memory_space<vmem>>, vector<1x64xf32>
    tpu.vector_store %arg15[%swap3A_139, %swap3A_140], %add3A_138 {strides = array<i32>} : memref<8x64xf32, #tpu.memory_space<vmem>>, vector<1x64xf32>,
    %get3A_142 = arith.constant 1 : index
    %get3A_143 = arith.constant 0 : index
    %get3A_144 = vector.load %arg15[%get3A_142, %get3A_143] : memref<8x64xf32, #tpu.memory_space<vmem>>, vector<1x64xf32>
    %mul3A = arith.mulf %add3A_128, %add3A_128 : vector<200x64xf32>
    %reduce_sum3A_145 = arith.constant dense<0.000000e+00> : vector<64xf32>
    %reduce_sum3A_146 = vector.multi_reduction <add>, %mul3A, %reduce_sum3A_145 [0] : vector<200x64xf32> to vector<64xf32>
    %broadcast_in_dim3A_147 = vector.shape_cast %reduce_sum3A_146 : vector<64xf32> to vector<1x64xf32>
    %add3A_148 = arith.addf %get3A_144, %broadcast_in_dim3A_147 : vector<1x64xf32>
    %swap3A_149 = arith.constant 1 : index
    %swap3A_150 = arith.constant 0 : index
    %swap3A_151 = vector.load %arg15[%swap3A_149, %swap3A_150] : memref<8x64xf32, #tpu.memory_space<vmem>>, vector<1x64xf32>
    tpu.vector_store %arg15[%swap3A_149, %swap3A_150], %add3A_148 {strides = array<i32>} : memref<8x64xf32, #tpu.memory_space<vmem>>, vector<1x64xf32>,
    return
  }
  func.func @transform_0(%arg0: i32) -> (i32, i32) {
    %c0_i32 = arith.constant 0 : i32
    %c0_i32_0 = arith.constant 0 : i32
    return %arg0, %c0_i32 : i32, i32
  }
  func.func @transform_1(%arg0: i32) -> (i32, i32) {
    %c0_i32 = arith.constant 0 : i32
    %c0_i32_0 = arith.constant 0 : i32
    return %arg0, %c0_i32 : i32, i32
  }
  func.func @transform_2(%arg0: i32) -> (i32, i32, i32) {
    %jit3A = arith.constant 125 : i32
    %div3A = arith.divsi %arg0, %jit3A : i32
    %sign3A = arith.constant 0 : i32
    %sign3A_0 = arith.cmpi sgt, %arg0, %sign3A : i32
    %sign3A_1 = arith.extui %sign3A_0 : i1 to i32
    %sign3A_2 = arith.constant 0 : i32
    %sign3A_3 = arith.cmpi slt, %arg0, %sign3A_2 : i32
    %sign3A_4 = arith.extui %sign3A_3 : i1 to i32
    %sign3A_5 = arith.subi %sign3A_1, %sign3A_4 : i32
    %sign3A_6 = arith.constant 0 : i32
    %sign3A_7 = arith.cmpi sgt, %jit3A, %sign3A_6 : i32
    %sign3A_8 = arith.extui %sign3A_7 : i1 to i32
    %sign3A_9 = arith.constant 0 : i32
    %sign3A_10 = arith.cmpi slt, %jit3A, %sign3A_9 : i32
    %sign3A_11 = arith.extui %sign3A_10 : i1 to i32
    %sign3A_12 = arith.subi %sign3A_8, %sign3A_11 : i32
    %ne3A = arith.cmpi ne, %sign3A_5, %sign3A_12 : i32
    %rem3A = arith.remsi %arg0, %jit3A : i32
    %ne3A_13 = arith.constant 0 : i32
    %ne3A_14 = arith.cmpi ne, %rem3A, %ne3A_13 : i32
    %and3A = arith.andi %ne3A, %ne3A_14 : i1
    %sub3A = arith.constant 1 : i32
    %sub3A_15 = arith.subi %div3A, %sub3A : i32
    %select_n3A = arith.select %and3A, %sub3A_15, %div3A : i32
    %jit3A_16 = arith.constant 125 : i32
    %eq3A = arith.constant 0 : i32
    %eq3A_17 = arith.cmpi eq, %jit3A_16, %eq3A : i32
    %jit3A_18 = arith.constant 1 : i32
    %select_n3A_19 = arith.select %eq3A_17, %jit3A_18, %jit3A_16 : i32
    %rem3A_20 = arith.remsi %arg0, %select_n3A_19 : i32
    %ne3A_21 = arith.constant 0 : i32
    %ne3A_22 = arith.cmpi ne, %rem3A_20, %ne3A_21 : i32
    %lt3A = arith.constant 0 : i32
    %lt3A_23 = arith.cmpi slt, %rem3A_20, %lt3A : i32
    %lt3A_24 = arith.constant 0 : i32
    %lt3A_25 = arith.cmpi slt, %select_n3A_19, %lt3A_24 : i32
    %ne3A_26 = arith.xori %lt3A_23, %lt3A_25 : i1
    %and3A_27 = arith.andi %ne3A_26, %ne3A_22 : i1
    %add3A = arith.addi %rem3A_20, %select_n3A_19 : i32
    %select_n3A_28 = arith.select %and3A_27, %add3A, %rem3A_20 : i32
    %add3A_29 = arith.constant 0 : i32
    %add3A_30 = arith.addi %add3A_29, %select_n3A_28 : i32
    %c0_i32 = arith.constant 0 : i32
    %c0_i32_31 = arith.constant 0 : i32
    return %select_n3A, %add3A_30, %c0_i32 : i32, i32, i32
  }
  func.func @transform_3(%arg0: i32) -> (i32, i32, i32) {
    %jit3A = arith.constant 125 : i32
    %div3A = arith.divsi %arg0, %jit3A : i32
    %sign3A = arith.constant 0 : i32
    %sign3A_0 = arith.cmpi sgt, %arg0, %sign3A : i32
    %sign3A_1 = arith.extui %sign3A_0 : i1 to i32
    %sign3A_2 = arith.constant 0 : i32
    %sign3A_3 = arith.cmpi slt, %arg0, %sign3A_2 : i32
    %sign3A_4 = arith.extui %sign3A_3 : i1 to i32
    %sign3A_5 = arith.subi %sign3A_1, %sign3A_4 : i32
    %sign3A_6 = arith.constant 0 : i32
    %sign3A_7 = arith.cmpi sgt, %jit3A, %sign3A_6 : i32
    %sign3A_8 = arith.extui %sign3A_7 : i1 to i32
    %sign3A_9 = arith.constant 0 : i32
    %sign3A_10 = arith.cmpi slt, %jit3A, %sign3A_9 : i32
    %sign3A_11 = arith.extui %sign3A_10 : i1 to i32
    %sign3A_12 = arith.subi %sign3A_8, %sign3A_11 : i32
    %ne3A = arith.cmpi ne, %sign3A_5, %sign3A_12 : i32
    %rem3A = arith.remsi %arg0, %jit3A : i32
    %ne3A_13 = arith.constant 0 : i32
    %ne3A_14 = arith.cmpi ne, %rem3A, %ne3A_13 : i32
    %and3A = arith.andi %ne3A, %ne3A_14 : i1
    %sub3A = arith.constant 1 : i32
    %sub3A_15 = arith.subi %div3A, %sub3A : i32
    %select_n3A = arith.select %and3A, %sub3A_15, %div3A : i32
    %jit3A_16 = arith.constant 125 : i32
    %eq3A = arith.constant 0 : i32
    %eq3A_17 = arith.cmpi eq, %jit3A_16, %eq3A : i32
    %jit3A_18 = arith.constant 1 : i32
    %select_n3A_19 = arith.select %eq3A_17, %jit3A_18, %jit3A_16 : i32
    %rem3A_20 = arith.remsi %arg0, %select_n3A_19 : i32
    %ne3A_21 = arith.constant 0 : i32
    %ne3A_22 = arith.cmpi ne, %rem3A_20, %ne3A_21 : i32
    %lt3A = arith.constant 0 : i32
    %lt3A_23 = arith.cmpi slt, %rem3A_20, %lt3A : i32
    %lt3A_24 = arith.constant 0 : i32
    %lt3A_25 = arith.cmpi slt, %select_n3A_19, %lt3A_24 : i32
    %ne3A_26 = arith.xori %lt3A_23, %lt3A_25 : i1
    %and3A_27 = arith.andi %ne3A_26, %ne3A_22 : i1
    %add3A = arith.addi %rem3A_20, %select_n3A_19 : i32
    %select_n3A_28 = arith.select %and3A_27, %add3A, %rem3A_20 : i32
    %add3A_29 = arith.constant 0 : i32
    %add3A_30 = arith.addi %add3A_29, %select_n3A_28 : i32
    %c0_i32 = arith.constant 0 : i32
    %c0_i32_31 = arith.constant 0 : i32
    return %select_n3A, %add3A_30, %c0_i32 : i32, i32, i32
  }
  func.func @transform_4(%arg0: i32) -> (i32, i32, i32) {
    %jit3A = arith.constant 125 : i32
    %div3A = arith.divsi %arg0, %jit3A : i32
    %sign3A = arith.constant 0 : i32
    %sign3A_0 = arith.cmpi sgt, %arg0, %sign3A : i32
    %sign3A_1 = arith.extui %sign3A_0 : i1 to i32
    %sign3A_2 = arith.constant 0 : i32
    %sign3A_3 = arith.cmpi slt, %arg0, %sign3A_2 : i32
    %sign3A_4 = arith.extui %sign3A_3 : i1 to i32
    %sign3A_5 = arith.subi %sign3A_1, %sign3A_4 : i32
    %sign3A_6 = arith.constant 0 : i32
    %sign3A_7 = arith.cmpi sgt, %jit3A, %sign3A_6 : i32
    %sign3A_8 = arith.extui %sign3A_7 : i1 to i32
    %sign3A_9 = arith.constant 0 : i32
    %sign3A_10 = arith.cmpi slt, %jit3A, %sign3A_9 : i32
    %sign3A_11 = arith.extui %sign3A_10 : i1 to i32
    %sign3A_12 = arith.subi %sign3A_8, %sign3A_11 : i32
    %ne3A = arith.cmpi ne, %sign3A_5, %sign3A_12 : i32
    %rem3A = arith.remsi %arg0, %jit3A : i32
    %ne3A_13 = arith.constant 0 : i32
    %ne3A_14 = arith.cmpi ne, %rem3A, %ne3A_13 : i32
    %and3A = arith.andi %ne3A, %ne3A_14 : i1
    %sub3A = arith.constant 1 : i32
    %sub3A_15 = arith.subi %div3A, %sub3A : i32
    %select_n3A = arith.select %and3A, %sub3A_15, %div3A : i32
    %jit3A_16 = arith.constant 125 : i32
    %eq3A = arith.constant 0 : i32
    %eq3A_17 = arith.cmpi eq, %jit3A_16, %eq3A : i32
    %jit3A_18 = arith.constant 1 : i32
    %select_n3A_19 = arith.select %eq3A_17, %jit3A_18, %jit3A_16 : i32
    %rem3A_20 = arith.remsi %arg0, %select_n3A_19 : i32
    %ne3A_21 = arith.constant 0 : i32
    %ne3A_22 = arith.cmpi ne, %rem3A_20, %ne3A_21 : i32
    %lt3A = arith.constant 0 : i32
    %lt3A_23 = arith.cmpi slt, %rem3A_20, %lt3A : i32
    %lt3A_24 = arith.constant 0 : i32
    %lt3A_25 = arith.cmpi slt, %select_n3A_19, %lt3A_24 : i32
    %ne3A_26 = arith.xori %lt3A_23, %lt3A_25 : i1
    %and3A_27 = arith.andi %ne3A_26, %ne3A_22 : i1
    %add3A = arith.addi %rem3A_20, %select_n3A_19 : i32
    %select_n3A_28 = arith.select %and3A_27, %add3A, %rem3A_20 : i32
    %add3A_29 = arith.constant 125 : i32
    %add3A_30 = arith.addi %add3A_29, %select_n3A_28 : i32
    %c0_i32 = arith.constant 0 : i32
    %c0_i32_31 = arith.constant 0 : i32
    return %select_n3A, %add3A_30, %c0_i32 : i32, i32, i32
  }
  func.func @transform_5(%arg0: i32) -> (i32, i32, i32) {
    %jit3A = arith.constant 125 : i32
    %div3A = arith.divsi %arg0, %jit3A : i32
    %sign3A = arith.constant 0 : i32
    %sign3A_0 = arith.cmpi sgt, %arg0, %sign3A : i32
    %sign3A_1 = arith.extui %sign3A_0 : i1 to i32
    %sign3A_2 = arith.constant 0 : i32
    %sign3A_3 = arith.cmpi slt, %arg0, %sign3A_2 : i32
    %sign3A_4 = arith.extui %sign3A_3 : i1 to i32
    %sign3A_5 = arith.subi %sign3A_1, %sign3A_4 : i32
    %sign3A_6 = arith.constant 0 : i32
    %sign3A_7 = arith.cmpi sgt, %jit3A, %sign3A_6 : i32
    %sign3A_8 = arith.extui %sign3A_7 : i1 to i32
    %sign3A_9 = arith.constant 0 : i32
    %sign3A_10 = arith.cmpi slt, %jit3A, %sign3A_9 : i32
    %sign3A_11 = arith.extui %sign3A_10 : i1 to i32
    %sign3A_12 = arith.subi %sign3A_8, %sign3A_11 : i32
    %ne3A = arith.cmpi ne, %sign3A_5, %sign3A_12 : i32
    %rem3A = arith.remsi %arg0, %jit3A : i32
    %ne3A_13 = arith.constant 0 : i32
    %ne3A_14 = arith.cmpi ne, %rem3A, %ne3A_13 : i32
    %and3A = arith.andi %ne3A, %ne3A_14 : i1
    %sub3A = arith.constant 1 : i32
    %sub3A_15 = arith.subi %div3A, %sub3A : i32
    %select_n3A = arith.select %and3A, %sub3A_15, %div3A : i32
    %jit3A_16 = arith.constant 125 : i32
    %eq3A = arith.constant 0 : i32
    %eq3A_17 = arith.cmpi eq, %jit3A_16, %eq3A : i32
    %jit3A_18 = arith.constant 1 : i32
    %select_n3A_19 = arith.select %eq3A_17, %jit3A_18, %jit3A_16 : i32
    %rem3A_20 = arith.remsi %arg0, %select_n3A_19 : i32
    %ne3A_21 = arith.constant 0 : i32
    %ne3A_22 = arith.cmpi ne, %rem3A_20, %ne3A_21 : i32
    %lt3A = arith.constant 0 : i32
    %lt3A_23 = arith.cmpi slt, %rem3A_20, %lt3A : i32
    %lt3A_24 = arith.constant 0 : i32
    %lt3A_25 = arith.cmpi slt, %select_n3A_19, %lt3A_24 : i32
    %ne3A_26 = arith.xori %lt3A_23, %lt3A_25 : i1
    %and3A_27 = arith.andi %ne3A_26, %ne3A_22 : i1
    %add3A = arith.addi %rem3A_20, %select_n3A_19 : i32
    %select_n3A_28 = arith.select %and3A_27, %add3A, %rem3A_20 : i32
    %add3A_29 = arith.constant 125 : i32
    %add3A_30 = arith.addi %add3A_29, %select_n3A_28 : i32
    %c0_i32 = arith.constant 0 : i32
    %c0_i32_31 = arith.constant 0 : i32
    return %select_n3A, %add3A_30, %c0_i32 : i32, i32, i32
  }
  func.func @transform_6(%arg0: i32) -> (i32, i32, i32) {
    %jit3A = arith.constant 125 : i32
    %div3A = arith.divsi %arg0, %jit3A : i32
    %sign3A = arith.constant 0 : i32
    %sign3A_0 = arith.cmpi sgt, %arg0, %sign3A : i32
    %sign3A_1 = arith.extui %sign3A_0 : i1 to i32
    %sign3A_2 = arith.constant 0 : i32
    %sign3A_3 = arith.cmpi slt, %arg0, %sign3A_2 : i32
    %sign3A_4 = arith.extui %sign3A_3 : i1 to i32
    %sign3A_5 = arith.subi %sign3A_1, %sign3A_4 : i32
    %sign3A_6 = arith.constant 0 : i32
    %sign3A_7 = arith.cmpi sgt, %jit3A, %sign3A_6 : i32
    %sign3A_8 = arith.extui %sign3A_7 : i1 to i32
    %sign3A_9 = arith.constant 0 : i32
    %sign3A_10 = arith.cmpi slt, %jit3A, %sign3A_9 : i32
    %sign3A_11 = arith.extui %sign3A_10 : i1 to i32
    %sign3A_12 = arith.subi %sign3A_8, %sign3A_11 : i32
    %ne3A = arith.cmpi ne, %sign3A_5, %sign3A_12 : i32
    %rem3A = arith.remsi %arg0, %jit3A : i32
    %ne3A_13 = arith.constant 0 : i32
    %ne3A_14 = arith.cmpi ne, %rem3A, %ne3A_13 : i32
    %and3A = arith.andi %ne3A, %ne3A_14 : i1
    %sub3A = arith.constant 1 : i32
    %sub3A_15 = arith.subi %div3A, %sub3A : i32
    %select_n3A = arith.select %and3A, %sub3A_15, %div3A : i32
    %jit3A_16 = arith.constant 125 : i32
    %eq3A = arith.constant 0 : i32
    %eq3A_17 = arith.cmpi eq, %jit3A_16, %eq3A : i32
    %jit3A_18 = arith.constant 1 : i32
    %select_n3A_19 = arith.select %eq3A_17, %jit3A_18, %jit3A_16 : i32
    %rem3A_20 = arith.remsi %arg0, %select_n3A_19 : i32
    %ne3A_21 = arith.constant 0 : i32
    %ne3A_22 = arith.cmpi ne, %rem3A_20, %ne3A_21 : i32
    %lt3A = arith.constant 0 : i32
    %lt3A_23 = arith.cmpi slt, %rem3A_20, %lt3A : i32
    %lt3A_24 = arith.constant 0 : i32
    %lt3A_25 = arith.cmpi slt, %select_n3A_19, %lt3A_24 : i32
    %ne3A_26 = arith.xori %lt3A_23, %lt3A_25 : i1
    %and3A_27 = arith.andi %ne3A_26, %ne3A_22 : i1
    %add3A = arith.addi %rem3A_20, %select_n3A_19 : i32
    %select_n3A_28 = arith.select %and3A_27, %add3A, %rem3A_20 : i32
    %add3A_29 = arith.constant 250 : i32
    %add3A_30 = arith.addi %add3A_29, %select_n3A_28 : i32
    %c0_i32 = arith.constant 0 : i32
    %c0_i32_31 = arith.constant 0 : i32
    return %select_n3A, %add3A_30, %c0_i32 : i32, i32, i32
  }
  func.func @transform_7(%arg0: i32) -> (i32, i32, i32) {
    %jit3A = arith.constant 125 : i32
    %div3A = arith.divsi %arg0, %jit3A : i32
    %sign3A = arith.constant 0 : i32
    %sign3A_0 = arith.cmpi sgt, %arg0, %sign3A : i32
    %sign3A_1 = arith.extui %sign3A_0 : i1 to i32
    %sign3A_2 = arith.constant 0 : i32
    %sign3A_3 = arith.cmpi slt, %arg0, %sign3A_2 : i32
    %sign3A_4 = arith.extui %sign3A_3 : i1 to i32
    %sign3A_5 = arith.subi %sign3A_1, %sign3A_4 : i32
    %sign3A_6 = arith.constant 0 : i32
    %sign3A_7 = arith.cmpi sgt, %jit3A, %sign3A_6 : i32
    %sign3A_8 = arith.extui %sign3A_7 : i1 to i32
    %sign3A_9 = arith.constant 0 : i32
    %sign3A_10 = arith.cmpi slt, %jit3A, %sign3A_9 : i32
    %sign3A_11 = arith.extui %sign3A_10 : i1 to i32
    %sign3A_12 = arith.subi %sign3A_8, %sign3A_11 : i32
    %ne3A = arith.cmpi ne, %sign3A_5, %sign3A_12 : i32
    %rem3A = arith.remsi %arg0, %jit3A : i32
    %ne3A_13 = arith.constant 0 : i32
    %ne3A_14 = arith.cmpi ne, %rem3A, %ne3A_13 : i32
    %and3A = arith.andi %ne3A, %ne3A_14 : i1
    %sub3A = arith.constant 1 : i32
    %sub3A_15 = arith.subi %div3A, %sub3A : i32
    %select_n3A = arith.select %and3A, %sub3A_15, %div3A : i32
    %jit3A_16 = arith.constant 125 : i32
    %eq3A = arith.constant 0 : i32
    %eq3A_17 = arith.cmpi eq, %jit3A_16, %eq3A : i32
    %jit3A_18 = arith.constant 1 : i32
    %select_n3A_19 = arith.select %eq3A_17, %jit3A_18, %jit3A_16 : i32
    %rem3A_20 = arith.remsi %arg0, %select_n3A_19 : i32
    %ne3A_21 = arith.constant 0 : i32
    %ne3A_22 = arith.cmpi ne, %rem3A_20, %ne3A_21 : i32
    %lt3A = arith.constant 0 : i32
    %lt3A_23 = arith.cmpi slt, %rem3A_20, %lt3A : i32
    %lt3A_24 = arith.constant 0 : i32
    %lt3A_25 = arith.cmpi slt, %select_n3A_19, %lt3A_24 : i32
    %ne3A_26 = arith.xori %lt3A_23, %lt3A_25 : i1
    %and3A_27 = arith.andi %ne3A_26, %ne3A_22 : i1
    %add3A = arith.addi %rem3A_20, %select_n3A_19 : i32
    %select_n3A_28 = arith.select %and3A_27, %add3A, %rem3A_20 : i32
    %add3A_29 = arith.constant 250 : i32
    %add3A_30 = arith.addi %add3A_29, %select_n3A_28 : i32
    %c0_i32 = arith.constant 0 : i32
    %c0_i32_31 = arith.constant 0 : i32
    return %select_n3A, %add3A_30, %c0_i32 : i32, i32, i32
  }
  func.func @transform_8(%arg0: i32) -> (i32, i32, i32) {
    %jit3A = arith.constant 125 : i32
    %div3A = arith.divsi %arg0, %jit3A : i32
    %sign3A = arith.constant 0 : i32
    %sign3A_0 = arith.cmpi sgt, %arg0, %sign3A : i32
    %sign3A_1 = arith.extui %sign3A_0 : i1 to i32
    %sign3A_2 = arith.constant 0 : i32
    %sign3A_3 = arith.cmpi slt, %arg0, %sign3A_2 : i32
    %sign3A_4 = arith.extui %sign3A_3 : i1 to i32
    %sign3A_5 = arith.subi %sign3A_1, %sign3A_4 : i32
    %sign3A_6 = arith.constant 0 : i32
    %sign3A_7 = arith.cmpi sgt, %jit3A, %sign3A_6 : i32
    %sign3A_8 = arith.extui %sign3A_7 : i1 to i32
    %sign3A_9 = arith.constant 0 : i32
    %sign3A_10 = arith.cmpi slt, %jit3A, %sign3A_9 : i32
    %sign3A_11 = arith.extui %sign3A_10 : i1 to i32
    %sign3A_12 = arith.subi %sign3A_8, %sign3A_11 : i32
    %ne3A = arith.cmpi ne, %sign3A_5, %sign3A_12 : i32
    %rem3A = arith.remsi %arg0, %jit3A : i32
    %ne3A_13 = arith.constant 0 : i32
    %ne3A_14 = arith.cmpi ne, %rem3A, %ne3A_13 : i32
    %and3A = arith.andi %ne3A, %ne3A_14 : i1
    %sub3A = arith.constant 1 : i32
    %sub3A_15 = arith.subi %div3A, %sub3A : i32
    %select_n3A = arith.select %and3A, %sub3A_15, %div3A : i32
    %jit3A_16 = arith.constant 125 : i32
    %eq3A = arith.constant 0 : i32
    %eq3A_17 = arith.cmpi eq, %jit3A_16, %eq3A : i32
    %jit3A_18 = arith.constant 1 : i32
    %select_n3A_19 = arith.select %eq3A_17, %jit3A_18, %jit3A_16 : i32
    %rem3A_20 = arith.remsi %arg0, %select_n3A_19 : i32
    %ne3A_21 = arith.constant 0 : i32
    %ne3A_22 = arith.cmpi ne, %rem3A_20, %ne3A_21 : i32
    %lt3A = arith.constant 0 : i32
    %lt3A_23 = arith.cmpi slt, %rem3A_20, %lt3A : i32
    %lt3A_24 = arith.constant 0 : i32
    %lt3A_25 = arith.cmpi slt, %select_n3A_19, %lt3A_24 : i32
    %ne3A_26 = arith.xori %lt3A_23, %lt3A_25 : i1
    %and3A_27 = arith.andi %ne3A_26, %ne3A_22 : i1
    %add3A = arith.addi %rem3A_20, %select_n3A_19 : i32
    %select_n3A_28 = arith.select %and3A_27, %add3A, %rem3A_20 : i32
    %add3A_29 = arith.constant 0 : i32
    %add3A_30 = arith.addi %add3A_29, %select_n3A_28 : i32
    %c0_i32 = arith.constant 0 : i32
    %c0_i32_31 = arith.constant 0 : i32
    return %select_n3A, %add3A_30, %c0_i32 : i32, i32, i32
  }
  func.func @transform_9(%arg0: i32) -> (i32, i32, i32) {
    %jit3A = arith.constant 125 : i32
    %div3A = arith.divsi %arg0, %jit3A : i32
    %sign3A = arith.constant 0 : i32
    %sign3A_0 = arith.cmpi sgt, %arg0, %sign3A : i32
    %sign3A_1 = arith.extui %sign3A_0 : i1 to i32
    %sign3A_2 = arith.constant 0 : i32
    %sign3A_3 = arith.cmpi slt, %arg0, %sign3A_2 : i32
    %sign3A_4 = arith.extui %sign3A_3 : i1 to i32
    %sign3A_5 = arith.subi %sign3A_1, %sign3A_4 : i32
    %sign3A_6 = arith.constant 0 : i32
    %sign3A_7 = arith.cmpi sgt, %jit3A, %sign3A_6 : i32
    %sign3A_8 = arith.extui %sign3A_7 : i1 to i32
    %sign3A_9 = arith.constant 0 : i32
    %sign3A_10 = arith.cmpi slt, %jit3A, %sign3A_9 : i32
    %sign3A_11 = arith.extui %sign3A_10 : i1 to i32
    %sign3A_12 = arith.subi %sign3A_8, %sign3A_11 : i32
    %ne3A = arith.cmpi ne, %sign3A_5, %sign3A_12 : i32
    %rem3A = arith.remsi %arg0, %jit3A : i32
    %ne3A_13 = arith.constant 0 : i32
    %ne3A_14 = arith.cmpi ne, %rem3A, %ne3A_13 : i32
    %and3A = arith.andi %ne3A, %ne3A_14 : i1
    %sub3A = arith.constant 1 : i32
    %sub3A_15 = arith.subi %div3A, %sub3A : i32
    %select_n3A = arith.select %and3A, %sub3A_15, %div3A : i32
    %jit3A_16 = arith.constant 125 : i32
    %eq3A = arith.constant 0 : i32
    %eq3A_17 = arith.cmpi eq, %jit3A_16, %eq3A : i32
    %jit3A_18 = arith.constant 1 : i32
    %select_n3A_19 = arith.select %eq3A_17, %jit3A_18, %jit3A_16 : i32
    %rem3A_20 = arith.remsi %arg0, %select_n3A_19 : i32
    %ne3A_21 = arith.constant 0 : i32
    %ne3A_22 = arith.cmpi ne, %rem3A_20, %ne3A_21 : i32
    %lt3A = arith.constant 0 : i32
    %lt3A_23 = arith.cmpi slt, %rem3A_20, %lt3A : i32
    %lt3A_24 = arith.constant 0 : i32
    %lt3A_25 = arith.cmpi slt, %select_n3A_19, %lt3A_24 : i32
    %ne3A_26 = arith.xori %lt3A_23, %lt3A_25 : i1
    %and3A_27 = arith.andi %ne3A_26, %ne3A_22 : i1
    %add3A = arith.addi %rem3A_20, %select_n3A_19 : i32
    %select_n3A_28 = arith.select %and3A_27, %add3A, %rem3A_20 : i32
    %add3A_29 = arith.constant 125 : i32
    %add3A_30 = arith.addi %add3A_29, %select_n3A_28 : i32
    %c0_i32 = arith.constant 0 : i32
    %c0_i32_31 = arith.constant 0 : i32
    return %select_n3A, %add3A_30, %c0_i32 : i32, i32, i32
  }
  func.func @transform_10(%arg0: i32) -> (i32, i32, i32) {
    %jit3A = arith.constant 125 : i32
    %div3A = arith.divsi %arg0, %jit3A : i32
    %sign3A = arith.constant 0 : i32
    %sign3A_0 = arith.cmpi sgt, %arg0, %sign3A : i32
    %sign3A_1 = arith.extui %sign3A_0 : i1 to i32
    %sign3A_2 = arith.constant 0 : i32
    %sign3A_3 = arith.cmpi slt, %arg0, %sign3A_2 : i32
    %sign3A_4 = arith.extui %sign3A_3 : i1 to i32
    %sign3A_5 = arith.subi %sign3A_1, %sign3A_4 : i32
    %sign3A_6 = arith.constant 0 : i32
    %sign3A_7 = arith.cmpi sgt, %jit3A, %sign3A_6 : i32
    %sign3A_8 = arith.extui %sign3A_7 : i1 to i32
    %sign3A_9 = arith.constant 0 : i32
    %sign3A_10 = arith.cmpi slt, %jit3A, %sign3A_9 : i32
    %sign3A_11 = arith.extui %sign3A_10 : i1 to i32
    %sign3A_12 = arith.subi %sign3A_8, %sign3A_11 : i32
    %ne3A = arith.cmpi ne, %sign3A_5, %sign3A_12 : i32
    %rem3A = arith.remsi %arg0, %jit3A : i32
    %ne3A_13 = arith.constant 0 : i32
    %ne3A_14 = arith.cmpi ne, %rem3A, %ne3A_13 : i32
    %and3A = arith.andi %ne3A, %ne3A_14 : i1
    %sub3A = arith.constant 1 : i32
    %sub3A_15 = arith.subi %div3A, %sub3A : i32
    %select_n3A = arith.select %and3A, %sub3A_15, %div3A : i32
    %jit3A_16 = arith.constant 125 : i32
    %eq3A = arith.constant 0 : i32
    %eq3A_17 = arith.cmpi eq, %jit3A_16, %eq3A : i32
    %jit3A_18 = arith.constant 1 : i32
    %select_n3A_19 = arith.select %eq3A_17, %jit3A_18, %jit3A_16 : i32
    %rem3A_20 = arith.remsi %arg0, %select_n3A_19 : i32
    %ne3A_21 = arith.constant 0 : i32
    %ne3A_22 = arith.cmpi ne, %rem3A_20, %ne3A_21 : i32
    %lt3A = arith.constant 0 : i32
    %lt3A_23 = arith.cmpi slt, %rem3A_20, %lt3A : i32
    %lt3A_24 = arith.constant 0 : i32
    %lt3A_25 = arith.cmpi slt, %select_n3A_19, %lt3A_24 : i32
    %ne3A_26 = arith.xori %lt3A_23, %lt3A_25 : i1
    %and3A_27 = arith.andi %ne3A_26, %ne3A_22 : i1
    %add3A = arith.addi %rem3A_20, %select_n3A_19 : i32
    %select_n3A_28 = arith.select %and3A_27, %add3A, %rem3A_20 : i32
    %add3A_29 = arith.constant 250 : i32
    %add3A_30 = arith.addi %add3A_29, %select_n3A_28 : i32
    %c0_i32 = arith.constant 0 : i32
    %c0_i32_31 = arith.constant 0 : i32
    return %select_n3A, %add3A_30, %c0_i32 : i32, i32, i32
  }
  func.func @transform_11(%arg0: i32) -> (i32, i32, i32) {
    %c0_i32 = arith.constant 0 : i32
    %c0_i32_0 = arith.constant 0 : i32
    %c0_i32_1 = arith.constant 0 : i32
    %c0_i32_2 = arith.constant 0 : i32
    return %c0_i32, %c0_i32_0, %c0_i32_1 : i32, i32, i32
  }
  func.func @transform_12(%arg0: i32) -> (i32, i32) {
    %c0_i32 = arith.constant 0 : i32
    %c0_i32_0 = arith.constant 0 : i32
    %c0_i32_1 = arith.constant 0 : i32
    return %c0_i32, %c0_i32_0 : i32, i32
  }
  func.func @transform_13(%arg0: i32) -> (i32, i32) {
    %c0_i32 = arith.constant 0 : i32
    %c0_i32_0 = arith.constant 0 : i32
    return %arg0, %c0_i32 : i32, i32
  }
  func.func @transform_14(%arg0: i32) -> (i32, i32) {
    %c0_i32 = arith.constant 0 : i32
    %c0_i32_0 = arith.constant 0 : i32
    %c0_i32_1 = arith.constant 0 : i32
    return %c0_i32, %c0_i32_0 : i32, i32
  }
}

module attributes {stable_mosaic.version = 14 : i64} {
  func.func @body(%arg0: i32, %arg1: memref<200x64xf32, #tpu.memory_space<vmem>>, %arg2: memref<8x64xf32, #tpu.memory_space<vmem>>, %arg3: memref<8x64xf32, #tpu.memory_space<vmem>>, %arg4: memref<200x16xf32, #tpu.memory_space<vmem>>, %arg5: memref<200x16xf32, #tpu.memory_space<vmem>>, %arg6: memref<200x16xf32, #tpu.memory_space<vmem>>, %arg7: memref<200x16xf32, #tpu.memory_space<vmem>>) attributes {dimension_semantics = [#tpu.dimension_semantics<arbitrary>], iteration_bounds = array<i64: 250>, scalar_prefetch = 0 : i64, scratch_operands = 0 : i64, tpu.core_type = #tpu.core_type<tc>, window_params = [{transform_indices = @transform_0, window_bounds = array<i64: 200, 64>}, {pipeline_mode = #tpu.pipeline_mode<synchronous>, transform_indices = @transform_1, window_bounds = array<i64: 8, 64>}, {pipeline_mode = #tpu.pipeline_mode<synchronous>, transform_indices = @transform_2, window_bounds = array<i64: 8, 64>}, {transform_indices = @transform_3, window_bounds = array<i64: 200, 16>}, {transform_indices = @transform_4, window_bounds = array<i64: 200, 16>}, {transform_indices = @transform_5, window_bounds = array<i64: 200, 16>}, {transform_indices = @transform_6, window_bounds = array<i64: 200, 16>}]} {
    %get3A = arith.constant 0 : index
    %get3A_0 = arith.constant 0 : index
    %get3A_1 = vector.load %arg1[%get3A, %get3A_0] : memref<200x64xf32, #tpu.memory_space<vmem>>, vector<200x64xf32>
    %get3A_2 = arith.constant 0 : index
    %get3A_3 = arith.constant 0 : index
    %get3A_4 = vector.load %arg2[%get3A_2, %get3A_3] : memref<8x64xf32, #tpu.memory_space<vmem>>, vector<1x64xf32>
    %get3A_5 = vector.shape_cast %get3A_4 : vector<1x64xf32> to vector<64xf32>
    %div3A = arith.constant 5.000000e+04 : f32
    %div3A_6 = vector.broadcast %div3A : f32 to vector<64xf32>
    %div3A_7 = arith.divf %get3A_5, %div3A_6 : vector<64xf32>
    %get3A_8 = arith.constant 1 : index
    %get3A_9 = arith.constant 0 : index
    %get3A_10 = vector.load %arg2[%get3A_8, %get3A_9] : memref<8x64xf32, #tpu.memory_space<vmem>>, vector<1x64xf32>
    %get3A_11 = vector.shape_cast %get3A_10 : vector<1x64xf32> to vector<64xf32>
    %div3A_12 = arith.constant 5.000000e+04 : f32
    %div3A_13 = vector.broadcast %div3A_12 : f32 to vector<64xf32>
    %div3A_14 = arith.divf %get3A_11, %div3A_13 : vector<64xf32>
    %mul3A = arith.mulf %div3A_7, %div3A_7 : vector<64xf32>
    %sub3A = arith.subf %div3A_14, %mul3A : vector<64xf32>
    %add3A = arith.constant 9.99999974E-6 : f32
    %add3A_15 = vector.broadcast %add3A : f32 to vector<64xf32>
    %add3A_16 = arith.addf %sub3A, %add3A_15 : vector<64xf32>
    %rsqrt3A = math.rsqrt %add3A_16 : vector<64xf32>
    %get3A_17 = arith.constant 0 : index
    %get3A_18 = arith.constant 0 : index
    %get3A_19 = vector.load %arg3[%get3A_17, %get3A_18] : memref<8x64xf32, #tpu.memory_space<vmem>>, vector<1x64xf32>
    %get3A_20 = vector.shape_cast %get3A_19 : vector<1x64xf32> to vector<64xf32>
    %broadcast_in_dim3A = vector.shape_cast %div3A_7 : vector<64xf32> to vector<1x64xf32>
    %sub3A_21 = vector.broadcast %broadcast_in_dim3A : vector<1x64xf32> to vector<200x64xf32>
    %sub3A_22 = arith.subf %get3A_1, %sub3A_21 : vector<200x64xf32>
    %broadcast_in_dim3A_23 = vector.shape_cast %get3A_20 : vector<64xf32> to vector<1x64xf32>
    %mul3A_24 = vector.broadcast %broadcast_in_dim3A_23 : vector<1x64xf32> to vector<200x64xf32>
    %mul3A_25 = arith.mulf %mul3A_24, %sub3A_22 : vector<200x64xf32>
    %broadcast_in_dim3A_26 = vector.shape_cast %rsqrt3A : vector<64xf32> to vector<1x64xf32>
    %mul3A_27 = vector.broadcast %broadcast_in_dim3A_26 : vector<1x64xf32> to vector<200x64xf32>
    %mul3A_28 = arith.mulf %mul3A_25, %mul3A_27 : vector<200x64xf32>
    %get3A_29 = arith.constant 1 : index
    %get3A_30 = arith.constant 0 : index
    %get3A_31 = vector.load %arg3[%get3A_29, %get3A_30] : memref<8x64xf32, #tpu.memory_space<vmem>>, vector<1x64xf32>
    %get3A_32 = vector.shape_cast %get3A_31 : vector<1x64xf32> to vector<64xf32>
    %broadcast_in_dim3A_33 = vector.shape_cast %get3A_32 : vector<64xf32> to vector<1x64xf32>
    %add3A_34 = vector.broadcast %broadcast_in_dim3A_33 : vector<1x64xf32> to vector<200x64xf32>
    %add3A_35 = arith.addf %mul3A_28, %add3A_34 : vector<200x64xf32>
    %max3A = arith.constant 0.000000e+00 : f32
    %max3A_36 = vector.broadcast %max3A : f32 to vector<200x64xf32>
    %max3A_37 = arith.maximumf %add3A_35, %max3A_36 : vector<200x64xf32>
    %slice3A = vector.extract_strided_slice %max3A_37 {offsets = [0, 0], sizes = [200, 16], strides = [1, 1]} : vector<200x64xf32> to vector<200x16xf32>
    %swap3A = arith.constant 0 : index
    %swap3A_38 = arith.constant 0 : index
    %swap3A_39 = vector.load %arg4[%swap3A, %swap3A_38] : memref<200x16xf32, #tpu.memory_space<vmem>>, vector<200x16xf32>
    tpu.vector_store %arg4[%swap3A, %swap3A_38], %slice3A {strides = array<i32>} : memref<200x16xf32, #tpu.memory_space<vmem>>, vector<200x16xf32>,
    %slice3A_40 = vector.extract_strided_slice %max3A_37 {offsets = [0, 16], sizes = [200, 16], strides = [1, 1]} : vector<200x64xf32> to vector<200x16xf32>
    %swap3A_41 = arith.constant 0 : index
    %swap3A_42 = arith.constant 0 : index
    %swap3A_43 = vector.load %arg5[%swap3A_41, %swap3A_42] : memref<200x16xf32, #tpu.memory_space<vmem>>, vector<200x16xf32>
    tpu.vector_store %arg5[%swap3A_41, %swap3A_42], %slice3A_40 {strides = array<i32>} : memref<200x16xf32, #tpu.memory_space<vmem>>, vector<200x16xf32>,
    %slice3A_44 = vector.extract_strided_slice %max3A_37 {offsets = [0, 32], sizes = [200, 16], strides = [1, 1]} : vector<200x64xf32> to vector<200x16xf32>
    %swap3A_45 = arith.constant 0 : index
    %swap3A_46 = arith.constant 0 : index
    %swap3A_47 = vector.load %arg6[%swap3A_45, %swap3A_46] : memref<200x16xf32, #tpu.memory_space<vmem>>, vector<200x16xf32>
    tpu.vector_store %arg6[%swap3A_45, %swap3A_46], %slice3A_44 {strides = array<i32>} : memref<200x16xf32, #tpu.memory_space<vmem>>, vector<200x16xf32>,
    %slice3A_48 = vector.extract_strided_slice %max3A_37 {offsets = [0, 48], sizes = [200, 16], strides = [1, 1]} : vector<200x64xf32> to vector<200x16xf32>
    %swap3A_49 = arith.constant 0 : index
    %swap3A_50 = arith.constant 0 : index
    %swap3A_51 = vector.load %arg7[%swap3A_49, %swap3A_50] : memref<200x16xf32, #tpu.memory_space<vmem>>, vector<200x16xf32>
    tpu.vector_store %arg7[%swap3A_49, %swap3A_50], %slice3A_48 {strides = array<i32>} : memref<200x16xf32, #tpu.memory_space<vmem>>, vector<200x16xf32>,
    return
  }
  func.func @transform_0(%arg0: i32) -> (i32, i32) {
    %c0_i32 = arith.constant 0 : i32
    %c0_i32_0 = arith.constant 0 : i32
    return %arg0, %c0_i32 : i32, i32
  }
  func.func @transform_1(%arg0: i32) -> (i32, i32) {
    %c0_i32 = arith.constant 0 : i32
    %c0_i32_0 = arith.constant 0 : i32
    %c0_i32_1 = arith.constant 0 : i32
    return %c0_i32, %c0_i32_0 : i32, i32
  }
  func.func @transform_2(%arg0: i32) -> (i32, i32) {
    %c0_i32 = arith.constant 0 : i32
    %c0_i32_0 = arith.constant 0 : i32
    %c0_i32_1 = arith.constant 0 : i32
    return %c0_i32, %c0_i32_0 : i32, i32
  }
  func.func @transform_3(%arg0: i32) -> (i32, i32) {
    %c0_i32 = arith.constant 0 : i32
    %c0_i32_0 = arith.constant 0 : i32
    return %arg0, %c0_i32 : i32, i32
  }
  func.func @transform_4(%arg0: i32) -> (i32, i32) {
    %c0_i32 = arith.constant 0 : i32
    %c0_i32_0 = arith.constant 0 : i32
    return %arg0, %c0_i32 : i32, i32
  }
  func.func @transform_5(%arg0: i32) -> (i32, i32) {
    %c0_i32 = arith.constant 0 : i32
    %c0_i32_0 = arith.constant 0 : i32
    return %arg0, %c0_i32 : i32, i32
  }
  func.func @transform_6(%arg0: i32) -> (i32, i32) {
    %c0_i32 = arith.constant 0 : i32
    %c0_i32_0 = arith.constant 0 : i32
    return %arg0, %c0_i32 : i32, i32
  }
}

module attributes {stable_mosaic.version = 14 : i64} {
  func.func @body(%arg0: i32, %arg1: memref<200x16xf32, #tpu.memory_space<vmem>>, %arg2: memref<200x16xf32, #tpu.memory_space<vmem>>, %arg3: memref<200x16xf32, #tpu.memory_space<vmem>>, %arg4: memref<200x16xf32, #tpu.memory_space<vmem>>, %arg5: memref<1x200x16xf32, #tpu.memory_space<vmem>>, %arg6: memref<1x200x16xf32, #tpu.memory_space<vmem>>, %arg7: memref<1x200x16xf32, #tpu.memory_space<vmem>>, %arg8: memref<1x200x16xf32, #tpu.memory_space<vmem>>, %arg9: memref<1x200x16xf32, #tpu.memory_space<vmem>>, %arg10: memref<1x200x16xf32, #tpu.memory_space<vmem>>, %arg11: memref<1x200x16xf32, #tpu.memory_space<vmem>>, %arg12: memref<1x200x16xf32, #tpu.memory_space<vmem>>, %arg13: memref<1x200x16xf32, #tpu.memory_space<vmem>>, %arg14: memref<1x200x16xf32, #tpu.memory_space<vmem>>, %arg15: memref<1x200x16xf32, #tpu.memory_space<vmem>>, %arg16: memref<1x200x16xf32, #tpu.memory_space<vmem>>, %arg17: memref<1x200x16xf32, #tpu.memory_space<vmem>>, %arg18: memref<1x200x16xf32, #tpu.memory_space<vmem>>, %arg19: memref<1x200x16xf32, #tpu.memory_space<vmem>>, %arg20: memref<3x64x64xf32, #tpu.memory_space<vmem>>, %arg21: memref<64x64xf32, #tpu.memory_space<vmem>>, %arg22: memref<200x64xf32, #tpu.memory_space<vmem>>, %arg23: memref<8x64xf32, #tpu.memory_space<vmem>>) attributes {dimension_semantics = [#tpu.dimension_semantics<arbitrary>], iteration_bounds = array<i64: 250>, scalar_prefetch = 0 : i64, scratch_operands = 0 : i64, tpu.core_type = #tpu.core_type<tc>, window_params = [{transform_indices = @transform_0, window_bounds = array<i64: 200, 16>}, {transform_indices = @transform_1, window_bounds = array<i64: 200, 16>}, {transform_indices = @transform_2, window_bounds = array<i64: 200, 16>}, {transform_indices = @transform_3, window_bounds = array<i64: 200, 16>}, {transform_indices = @transform_4, window_bounds = array<i64: 1, 200, 16>}, {transform_indices = @transform_5, window_bounds = array<i64: 1, 200, 16>}, {transform_indices = @transform_6, window_bounds = array<i64: 1, 200, 16>}, {transform_indices = @transform_7, window_bounds = array<i64: 1, 200, 16>}, {transform_indices = @transform_8, window_bounds = array<i64: 1, 200, 16>}, {transform_indices = @transform_9, window_bounds = array<i64: 1, 200, 16>}, {transform_indices = @transform_10, window_bounds = array<i64: 1, 200, 16>}, {transform_indices = @transform_11, window_bounds = array<i64: 1, 200, 16>}, {transform_indices = @transform_12, window_bounds = array<i64: 1, 200, 16>}, {transform_indices = @transform_13, window_bounds = array<i64: 1, 200, 16>}, {transform_indices = @transform_14, window_bounds = array<i64: 1, 200, 16>}, {transform_indices = @transform_15, window_bounds = array<i64: 1, 200, 16>}, {transform_indices = @transform_16, window_bounds = array<i64: 1, 200, 16>}, {transform_indices = @transform_17, window_bounds = array<i64: 1, 200, 16>}, {transform_indices = @transform_18, window_bounds = array<i64: 1, 200, 16>}, {pipeline_mode = #tpu.pipeline_mode<synchronous>, transform_indices = @transform_19, window_bounds = array<i64: 3, 64, 64>}, {pipeline_mode = #tpu.pipeline_mode<synchronous>, transform_indices = @transform_20, window_bounds = array<i64: 64, 64>}, {transform_indices = @transform_21, window_bounds = array<i64: 200, 64>}, {pipeline_mode = #tpu.pipeline_mode<synchronous>, transform_indices = @transform_22, window_bounds = array<i64: 8, 64>}]} {
    %get3A = arith.constant 0 : index
    %get3A_0 = arith.constant 0 : index
    %get3A_1 = vector.load %arg1[%get3A, %get3A_0] : memref<200x16xf32, #tpu.memory_space<vmem>>, vector<200x16xf32>
    %get3A_2 = arith.constant 0 : index
    %get3A_3 = arith.constant 0 : index
    %get3A_4 = vector.load %arg2[%get3A_2, %get3A_3] : memref<200x16xf32, #tpu.memory_space<vmem>>, vector<200x16xf32>
    %get3A_5 = arith.constant 0 : index
    %get3A_6 = arith.constant 0 : index
    %get3A_7 = vector.load %arg3[%get3A_5, %get3A_6] : memref<200x16xf32, #tpu.memory_space<vmem>>, vector<200x16xf32>
    %get3A_8 = arith.constant 0 : index
    %get3A_9 = arith.constant 0 : index
    %get3A_10 = vector.load %arg4[%get3A_8, %get3A_9] : memref<200x16xf32, #tpu.memory_space<vmem>>, vector<200x16xf32>
    %concatenate3A = tpu.concatenate %get3A_1, %get3A_4, %get3A_7, %get3A_10 in 1 : vector<200x16xf32>, vector<200x16xf32>, vector<200x16xf32>, vector<200x16xf32> -> vector<200x64xf32>
    %get3A_11 = arith.constant 0 : index
    %get3A_12 = arith.constant 0 : index
    %get3A_13 = vector.load %arg21[%get3A_11, %get3A_12] : memref<64x64xf32, #tpu.memory_space<vmem>>, vector<64x64xf32>
    %dot_general3A = arith.constant dense<0.000000e+00> : vector<200x64xf32>
    %dot_general3A_14 = tpu.matmul %concatenate3A, %get3A_13, %dot_general3A {dimension_numbers = #tpu.dot_dimension_numbers<[1], [0], [0], [1], [0, 0, 1, 1], [], []>, transpose_lhs_hint = false} : vector<200x64xf32>, vector<64x64xf32>, vector<200x64xf32> -> vector<200x64xf32>
    %broadcast_in_dim3A = arith.constant 0.000000e+00 : f32
    %broadcast_in_dim3A_15 = vector.broadcast %broadcast_in_dim3A : f32 to vector<200x64xf32>
    %get3A_16 = arith.constant 0 : index
    %get3A_17 = arith.constant 0 : index
    %get3A_18 = arith.constant 0 : index
    %get3A_19 = vector.load %arg5[%get3A_16, %get3A_17, %get3A_18] : memref<1x200x16xf32, #tpu.memory_space<vmem>>, vector<1x200x16xf32>
    %get3A_20 = vector.shape_cast %get3A_19 : vector<1x200x16xf32> to vector<200x16xf32>
    %get3A_21 = arith.constant 0 : index
    %get3A_22 = arith.constant 0 : index
    %get3A_23 = arith.constant 0 : index
    %get3A_24 = vector.load %arg20[%get3A_21, %get3A_22, %get3A_23] : memref<3x64x64xf32, #tpu.memory_space<vmem>>, vector<1x16x64xf32>
    %get3A_25 = vector.shape_cast %get3A_24 : vector<1x16x64xf32> to vector<16x64xf32>
    %dot_general3A_26 = arith.constant dense<0.000000e+00> : vector<200x64xf32>
    %dot_general3A_27 = tpu.matmul %get3A_20, %get3A_25, %dot_general3A_26 {dimension_numbers = #tpu.dot_dimension_numbers<[1], [0], [0], [1], [0, 0, 1, 1], [], []>, transpose_lhs_hint = false} : vector<200x16xf32>, vector<16x64xf32>, vector<200x64xf32> -> vector<200x64xf32>
    %add3A = arith.addf %broadcast_in_dim3A_15, %dot_general3A_27 : vector<200x64xf32>
    %get3A_28 = arith.constant 0 : index
    %get3A_29 = arith.constant 0 : index
    %get3A_30 = arith.constant 0 : index
    %get3A_31 = vector.load %arg6[%get3A_28, %get3A_29, %get3A_30] : memref<1x200x16xf32, #tpu.memory_space<vmem>>, vector<1x200x16xf32>
    %get3A_32 = vector.shape_cast %get3A_31 : vector<1x200x16xf32> to vector<200x16xf32>
    %get3A_33 = arith.constant 0 : index
    %get3A_34 = arith.constant 16 : index
    %get3A_35 = arith.constant 0 : index
    %get3A_36 = vector.load %arg20[%get3A_33, %get3A_34, %get3A_35] : memref<3x64x64xf32, #tpu.memory_space<vmem>>, vector<1x16x64xf32>
    %get3A_37 = vector.shape_cast %get3A_36 : vector<1x16x64xf32> to vector<16x64xf32>
    %dot_general3A_38 = arith.constant dense<0.000000e+00> : vector<200x64xf32>
    %dot_general3A_39 = tpu.matmul %get3A_32, %get3A_37, %dot_general3A_38 {dimension_numbers = #tpu.dot_dimension_numbers<[1], [0], [0], [1], [0, 0, 1, 1], [], []>, transpose_lhs_hint = false} : vector<200x16xf32>, vector<16x64xf32>, vector<200x64xf32> -> vector<200x64xf32>
    %add3A_40 = arith.addf %add3A, %dot_general3A_39 : vector<200x64xf32>
    %get3A_41 = arith.constant 0 : index
    %get3A_42 = arith.constant 0 : index
    %get3A_43 = arith.constant 0 : index
    %get3A_44 = vector.load %arg7[%get3A_41, %get3A_42, %get3A_43] : memref<1x200x16xf32, #tpu.memory_space<vmem>>, vector<1x200x16xf32>
    %get3A_45 = vector.shape_cast %get3A_44 : vector<1x200x16xf32> to vector<200x16xf32>
    %get3A_46 = arith.constant 0 : index
    %get3A_47 = arith.constant 32 : index
    %get3A_48 = arith.constant 0 : index
    %get3A_49 = vector.load %arg20[%get3A_46, %get3A_47, %get3A_48] : memref<3x64x64xf32, #tpu.memory_space<vmem>>, vector<1x16x64xf32>
    %get3A_50 = vector.shape_cast %get3A_49 : vector<1x16x64xf32> to vector<16x64xf32>
    %dot_general3A_51 = arith.constant dense<0.000000e+00> : vector<200x64xf32>
    %dot_general3A_52 = tpu.matmul %get3A_45, %get3A_50, %dot_general3A_51 {dimension_numbers = #tpu.dot_dimension_numbers<[1], [0], [0], [1], [0, 0, 1, 1], [], []>, transpose_lhs_hint = false} : vector<200x16xf32>, vector<16x64xf32>, vector<200x64xf32> -> vector<200x64xf32>
    %add3A_53 = arith.addf %add3A_40, %dot_general3A_52 : vector<200x64xf32>
    %get3A_54 = arith.constant 0 : index
    %get3A_55 = arith.constant 0 : index
    %get3A_56 = arith.constant 0 : index
    %get3A_57 = vector.load %arg8[%get3A_54, %get3A_55, %get3A_56] : memref<1x200x16xf32, #tpu.memory_space<vmem>>, vector<1x200x16xf32>
    %get3A_58 = vector.shape_cast %get3A_57 : vector<1x200x16xf32> to vector<200x16xf32>
    %get3A_59 = arith.constant 0 : index
    %get3A_60 = arith.constant 48 : index
    %get3A_61 = arith.constant 0 : index
    %get3A_62 = vector.load %arg20[%get3A_59, %get3A_60, %get3A_61] : memref<3x64x64xf32, #tpu.memory_space<vmem>>, vector<1x16x64xf32>
    %get3A_63 = vector.shape_cast %get3A_62 : vector<1x16x64xf32> to vector<16x64xf32>
    %dot_general3A_64 = arith.constant dense<0.000000e+00> : vector<200x64xf32>
    %dot_general3A_65 = tpu.matmul %get3A_58, %get3A_63, %dot_general3A_64 {dimension_numbers = #tpu.dot_dimension_numbers<[1], [0], [0], [1], [0, 0, 1, 1], [], []>, transpose_lhs_hint = false} : vector<200x16xf32>, vector<16x64xf32>, vector<200x64xf32> -> vector<200x64xf32>
    %add3A_66 = arith.addf %add3A_53, %dot_general3A_65 : vector<200x64xf32>
    %get3A_67 = arith.constant 0 : index
    %get3A_68 = arith.constant 0 : index
    %get3A_69 = arith.constant 0 : index
    %get3A_70 = vector.load %arg17[%get3A_67, %get3A_68, %get3A_69] : memref<1x200x16xf32, #tpu.memory_space<vmem>>, vector<1x200x16xf32>
    %get3A_71 = vector.shape_cast %get3A_70 : vector<1x200x16xf32> to vector<200x16xf32>
    %slice3A = vector.extract_strided_slice %get3A_71 {offsets = [0, 0], sizes = [200, 1], strides = [1, 1]} : vector<200x16xf32> to vector<200x1xf32>
    %squeeze3A = vector.shape_cast %slice3A : vector<200x1xf32> to vector<200xf32>
    %max3A = arith.constant 1.000000e+00 : f32
    %max3A_72 = vector.broadcast %max3A : f32 to vector<200xf32>
    %max3A_73 = arith.maximumf %squeeze3A, %max3A_72 : vector<200xf32>
    %broadcast_in_dim3A_74 = vector.shape_cast %max3A_73 : vector<200xf32> to vector<200x1xf32>
    %div3A = vector.broadcast %broadcast_in_dim3A_74 : vector<200x1xf32> to vector<200x64xf32>
    %div3A_75 = arith.divf %add3A_66, %div3A : vector<200x64xf32>
    %add3A_76 = arith.addf %dot_general3A_14, %div3A_75 : vector<200x64xf32>
    %broadcast_in_dim3A_77 = arith.constant 0.000000e+00 : f32
    %broadcast_in_dim3A_78 = vector.broadcast %broadcast_in_dim3A_77 : f32 to vector<200x64xf32>
    %get3A_79 = arith.constant 0 : index
    %get3A_80 = arith.constant 0 : index
    %get3A_81 = arith.constant 0 : index
    %get3A_82 = vector.load %arg9[%get3A_79, %get3A_80, %get3A_81] : memref<1x200x16xf32, #tpu.memory_space<vmem>>, vector<1x200x16xf32>
    %get3A_83 = vector.shape_cast %get3A_82 : vector<1x200x16xf32> to vector<200x16xf32>
    %get3A_84 = arith.constant 1 : index
    %get3A_85 = arith.constant 0 : index
    %get3A_86 = arith.constant 0 : index
    %get3A_87 = vector.load %arg20[%get3A_84, %get3A_85, %get3A_86] : memref<3x64x64xf32, #tpu.memory_space<vmem>>, vector<1x16x64xf32>
    %get3A_88 = vector.shape_cast %get3A_87 : vector<1x16x64xf32> to vector<16x64xf32>
    %dot_general3A_89 = arith.constant dense<0.000000e+00> : vector<200x64xf32>
    %dot_general3A_90 = tpu.matmul %get3A_83, %get3A_88, %dot_general3A_89 {dimension_numbers = #tpu.dot_dimension_numbers<[1], [0], [0], [1], [0, 0, 1, 1], [], []>, transpose_lhs_hint = false} : vector<200x16xf32>, vector<16x64xf32>, vector<200x64xf32> -> vector<200x64xf32>
    %add3A_91 = arith.addf %broadcast_in_dim3A_78, %dot_general3A_90 : vector<200x64xf32>
    %get3A_92 = arith.constant 0 : index
    %get3A_93 = arith.constant 0 : index
    %get3A_94 = arith.constant 0 : index
    %get3A_95 = vector.load %arg10[%get3A_92, %get3A_93, %get3A_94] : memref<1x200x16xf32, #tpu.memory_space<vmem>>, vector<1x200x16xf32>
    %get3A_96 = vector.shape_cast %get3A_95 : vector<1x200x16xf32> to vector<200x16xf32>
    %get3A_97 = arith.constant 1 : index
    %get3A_98 = arith.constant 16 : index
    %get3A_99 = arith.constant 0 : index
    %get3A_100 = vector.load %arg20[%get3A_97, %get3A_98, %get3A_99] : memref<3x64x64xf32, #tpu.memory_space<vmem>>, vector<1x16x64xf32>
    %get3A_101 = vector.shape_cast %get3A_100 : vector<1x16x64xf32> to vector<16x64xf32>
    %dot_general3A_102 = arith.constant dense<0.000000e+00> : vector<200x64xf32>
    %dot_general3A_103 = tpu.matmul %get3A_96, %get3A_101, %dot_general3A_102 {dimension_numbers = #tpu.dot_dimension_numbers<[1], [0], [0], [1], [0, 0, 1, 1], [], []>, transpose_lhs_hint = false} : vector<200x16xf32>, vector<16x64xf32>, vector<200x64xf32> -> vector<200x64xf32>
    %add3A_104 = arith.addf %add3A_91, %dot_general3A_103 : vector<200x64xf32>
    %get3A_105 = arith.constant 0 : index
    %get3A_106 = arith.constant 0 : index
    %get3A_107 = arith.constant 0 : index
    %get3A_108 = vector.load %arg11[%get3A_105, %get3A_106, %get3A_107] : memref<1x200x16xf32, #tpu.memory_space<vmem>>, vector<1x200x16xf32>
    %get3A_109 = vector.shape_cast %get3A_108 : vector<1x200x16xf32> to vector<200x16xf32>
    %get3A_110 = arith.constant 1 : index
    %get3A_111 = arith.constant 32 : index
    %get3A_112 = arith.constant 0 : index
    %get3A_113 = vector.load %arg20[%get3A_110, %get3A_111, %get3A_112] : memref<3x64x64xf32, #tpu.memory_space<vmem>>, vector<1x16x64xf32>
    %get3A_114 = vector.shape_cast %get3A_113 : vector<1x16x64xf32> to vector<16x64xf32>
    %dot_general3A_115 = arith.constant dense<0.000000e+00> : vector<200x64xf32>
    %dot_general3A_116 = tpu.matmul %get3A_109, %get3A_114, %dot_general3A_115 {dimension_numbers = #tpu.dot_dimension_numbers<[1], [0], [0], [1], [0, 0, 1, 1], [], []>, transpose_lhs_hint = false} : vector<200x16xf32>, vector<16x64xf32>, vector<200x64xf32> -> vector<200x64xf32>
    %add3A_117 = arith.addf %add3A_104, %dot_general3A_116 : vector<200x64xf32>
    %get3A_118 = arith.constant 0 : index
    %get3A_119 = arith.constant 0 : index
    %get3A_120 = arith.constant 0 : index
    %get3A_121 = vector.load %arg12[%get3A_118, %get3A_119, %get3A_120] : memref<1x200x16xf32, #tpu.memory_space<vmem>>, vector<1x200x16xf32>
    %get3A_122 = vector.shape_cast %get3A_121 : vector<1x200x16xf32> to vector<200x16xf32>
    %get3A_123 = arith.constant 1 : index
    %get3A_124 = arith.constant 48 : index
    %get3A_125 = arith.constant 0 : index
    %get3A_126 = vector.load %arg20[%get3A_123, %get3A_124, %get3A_125] : memref<3x64x64xf32, #tpu.memory_space<vmem>>, vector<1x16x64xf32>
    %get3A_127 = vector.shape_cast %get3A_126 : vector<1x16x64xf32> to vector<16x64xf32>
    %dot_general3A_128 = arith.constant dense<0.000000e+00> : vector<200x64xf32>
    %dot_general3A_129 = tpu.matmul %get3A_122, %get3A_127, %dot_general3A_128 {dimension_numbers = #tpu.dot_dimension_numbers<[1], [0], [0], [1], [0, 0, 1, 1], [], []>, transpose_lhs_hint = false} : vector<200x16xf32>, vector<16x64xf32>, vector<200x64xf32> -> vector<200x64xf32>
    %add3A_130 = arith.addf %add3A_117, %dot_general3A_129 : vector<200x64xf32>
    %get3A_131 = arith.constant 0 : index
    %get3A_132 = arith.constant 0 : index
    %get3A_133 = arith.constant 0 : index
    %get3A_134 = vector.load %arg18[%get3A_131, %get3A_132, %get3A_133] : memref<1x200x16xf32, #tpu.memory_space<vmem>>, vector<1x200x16xf32>
    %get3A_135 = vector.shape_cast %get3A_134 : vector<1x200x16xf32> to vector<200x16xf32>
    %slice3A_136 = vector.extract_strided_slice %get3A_135 {offsets = [0, 0], sizes = [200, 1], strides = [1, 1]} : vector<200x16xf32> to vector<200x1xf32>
    %squeeze3A_137 = vector.shape_cast %slice3A_136 : vector<200x1xf32> to vector<200xf32>
    %max3A_138 = arith.constant 1.000000e+00 : f32
    %max3A_139 = vector.broadcast %max3A_138 : f32 to vector<200xf32>
    %max3A_140 = arith.maximumf %squeeze3A_137, %max3A_139 : vector<200xf32>
    %broadcast_in_dim3A_141 = vector.shape_cast %max3A_140 : vector<200xf32> to vector<200x1xf32>
    %div3A_142 = vector.broadcast %broadcast_in_dim3A_141 : vector<200x1xf32> to vector<200x64xf32>
    %div3A_143 = arith.divf %add3A_130, %div3A_142 : vector<200x64xf32>
    %add3A_144 = arith.addf %add3A_76, %div3A_143 : vector<200x64xf32>
    %broadcast_in_dim3A_145 = arith.constant 0.000000e+00 : f32
    %broadcast_in_dim3A_146 = vector.broadcast %broadcast_in_dim3A_145 : f32 to vector<200x64xf32>
    %get3A_147 = arith.constant 0 : index
    %get3A_148 = arith.constant 0 : index
    %get3A_149 = arith.constant 0 : index
    %get3A_150 = vector.load %arg13[%get3A_147, %get3A_148, %get3A_149] : memref<1x200x16xf32, #tpu.memory_space<vmem>>, vector<1x200x16xf32>
    %get3A_151 = vector.shape_cast %get3A_150 : vector<1x200x16xf32> to vector<200x16xf32>
    %get3A_152 = arith.constant 2 : index
    %get3A_153 = arith.constant 0 : index
    %get3A_154 = arith.constant 0 : index
    %get3A_155 = vector.load %arg20[%get3A_152, %get3A_153, %get3A_154] : memref<3x64x64xf32, #tpu.memory_space<vmem>>, vector<1x16x64xf32>
    %get3A_156 = vector.shape_cast %get3A_155 : vector<1x16x64xf32> to vector<16x64xf32>
    %dot_general3A_157 = arith.constant dense<0.000000e+00> : vector<200x64xf32>
    %dot_general3A_158 = tpu.matmul %get3A_151, %get3A_156, %dot_general3A_157 {dimension_numbers = #tpu.dot_dimension_numbers<[1], [0], [0], [1], [0, 0, 1, 1], [], []>, transpose_lhs_hint = false} : vector<200x16xf32>, vector<16x64xf32>, vector<200x64xf32> -> vector<200x64xf32>
    %add3A_159 = arith.addf %broadcast_in_dim3A_146, %dot_general3A_158 : vector<200x64xf32>
    %get3A_160 = arith.constant 0 : index
    %get3A_161 = arith.constant 0 : index
    %get3A_162 = arith.constant 0 : index
    %get3A_163 = vector.load %arg14[%get3A_160, %get3A_161, %get3A_162] : memref<1x200x16xf32, #tpu.memory_space<vmem>>, vector<1x200x16xf32>
    %get3A_164 = vector.shape_cast %get3A_163 : vector<1x200x16xf32> to vector<200x16xf32>
    %get3A_165 = arith.constant 2 : index
    %get3A_166 = arith.constant 16 : index
    %get3A_167 = arith.constant 0 : index
    %get3A_168 = vector.load %arg20[%get3A_165, %get3A_166, %get3A_167] : memref<3x64x64xf32, #tpu.memory_space<vmem>>, vector<1x16x64xf32>
    %get3A_169 = vector.shape_cast %get3A_168 : vector<1x16x64xf32> to vector<16x64xf32>
    %dot_general3A_170 = arith.constant dense<0.000000e+00> : vector<200x64xf32>
    %dot_general3A_171 = tpu.matmul %get3A_164, %get3A_169, %dot_general3A_170 {dimension_numbers = #tpu.dot_dimension_numbers<[1], [0], [0], [1], [0, 0, 1, 1], [], []>, transpose_lhs_hint = false} : vector<200x16xf32>, vector<16x64xf32>, vector<200x64xf32> -> vector<200x64xf32>
    %add3A_172 = arith.addf %add3A_159, %dot_general3A_171 : vector<200x64xf32>
    %get3A_173 = arith.constant 0 : index
    %get3A_174 = arith.constant 0 : index
    %get3A_175 = arith.constant 0 : index
    %get3A_176 = vector.load %arg15[%get3A_173, %get3A_174, %get3A_175] : memref<1x200x16xf32, #tpu.memory_space<vmem>>, vector<1x200x16xf32>
    %get3A_177 = vector.shape_cast %get3A_176 : vector<1x200x16xf32> to vector<200x16xf32>
    %get3A_178 = arith.constant 2 : index
    %get3A_179 = arith.constant 32 : index
    %get3A_180 = arith.constant 0 : index
    %get3A_181 = vector.load %arg20[%get3A_178, %get3A_179, %get3A_180] : memref<3x64x64xf32, #tpu.memory_space<vmem>>, vector<1x16x64xf32>
    %get3A_182 = vector.shape_cast %get3A_181 : vector<1x16x64xf32> to vector<16x64xf32>
    %dot_general3A_183 = arith.constant dense<0.000000e+00> : vector<200x64xf32>
    %dot_general3A_184 = tpu.matmul %get3A_177, %get3A_182, %dot_general3A_183 {dimension_numbers = #tpu.dot_dimension_numbers<[1], [0], [0], [1], [0, 0, 1, 1], [], []>, transpose_lhs_hint = false} : vector<200x16xf32>, vector<16x64xf32>, vector<200x64xf32> -> vector<200x64xf32>
    %add3A_185 = arith.addf %add3A_172, %dot_general3A_184 : vector<200x64xf32>
    %get3A_186 = arith.constant 0 : index
    %get3A_187 = arith.constant 0 : index
    %get3A_188 = arith.constant 0 : index
    %get3A_189 = vector.load %arg16[%get3A_186, %get3A_187, %get3A_188] : memref<1x200x16xf32, #tpu.memory_space<vmem>>, vector<1x200x16xf32>
    %get3A_190 = vector.shape_cast %get3A_189 : vector<1x200x16xf32> to vector<200x16xf32>
    %get3A_191 = arith.constant 2 : index
    %get3A_192 = arith.constant 48 : index
    %get3A_193 = arith.constant 0 : index
    %get3A_194 = vector.load %arg20[%get3A_191, %get3A_192, %get3A_193] : memref<3x64x64xf32, #tpu.memory_space<vmem>>, vector<1x16x64xf32>
    %get3A_195 = vector.shape_cast %get3A_194 : vector<1x16x64xf32> to vector<16x64xf32>
    %dot_general3A_196 = arith.constant dense<0.000000e+00> : vector<200x64xf32>
    %dot_general3A_197 = tpu.matmul %get3A_190, %get3A_195, %dot_general3A_196 {dimension_numbers = #tpu.dot_dimension_numbers<[1], [0], [0], [1], [0, 0, 1, 1], [], []>, transpose_lhs_hint = false} : vector<200x16xf32>, vector<16x64xf32>, vector<200x64xf32> -> vector<200x64xf32>
    %add3A_198 = arith.addf %add3A_185, %dot_general3A_197 : vector<200x64xf32>
    %get3A_199 = arith.constant 0 : index
    %get3A_200 = arith.constant 0 : index
    %get3A_201 = arith.constant 0 : index
    %get3A_202 = vector.load %arg19[%get3A_199, %get3A_200, %get3A_201] : memref<1x200x16xf32, #tpu.memory_space<vmem>>, vector<1x200x16xf32>
    %get3A_203 = vector.shape_cast %get3A_202 : vector<1x200x16xf32> to vector<200x16xf32>
    %slice3A_204 = vector.extract_strided_slice %get3A_203 {offsets = [0, 0], sizes = [200, 1], strides = [1, 1]} : vector<200x16xf32> to vector<200x1xf32>
    %squeeze3A_205 = vector.shape_cast %slice3A_204 : vector<200x1xf32> to vector<200xf32>
    %max3A_206 = arith.constant 1.000000e+00 : f32
    %max3A_207 = vector.broadcast %max3A_206 : f32 to vector<200xf32>
    %max3A_208 = arith.maximumf %squeeze3A_205, %max3A_207 : vector<200xf32>
    %broadcast_in_dim3A_209 = vector.shape_cast %max3A_208 : vector<200xf32> to vector<200x1xf32>
    %div3A_210 = vector.broadcast %broadcast_in_dim3A_209 : vector<200x1xf32> to vector<200x64xf32>
    %div3A_211 = arith.divf %add3A_198, %div3A_210 : vector<200x64xf32>
    %add3A_212 = arith.addf %add3A_144, %div3A_211 : vector<200x64xf32>
    %swap3A = arith.constant 0 : index
    %swap3A_213 = arith.constant 0 : index
    %swap3A_214 = vector.load %arg22[%swap3A, %swap3A_213] : memref<200x64xf32, #tpu.memory_space<vmem>>, vector<200x64xf32>
    tpu.vector_store %arg22[%swap3A, %swap3A_213], %add3A_212 {strides = array<i32>} : memref<200x64xf32, #tpu.memory_space<vmem>>, vector<200x64xf32>,
    %eq3A = arith.constant 0 : i32
    %eq3A_215 = arith.cmpi eq, %arg0, %eq3A : i32
    %convert_element_type3A = arith.extui %eq3A_215 : i1 to i32
    %cond3A = arith.constant 0 : i32
    %cond3A_216 = arith.cmpi ne, %convert_element_type3A, %cond3A : i32
    scf.if %cond3A_216 {
      %broadcast_in_dim3A_236 = arith.constant 0.000000e+00 : f32
      %broadcast_in_dim3A_237 = vector.broadcast %broadcast_in_dim3A_236 : f32 to vector<8x64xf32>
      %swap3A_238 = arith.constant 0 : index
      %swap3A_239 = arith.constant 0 : index
      %swap3A_240 = vector.load %arg23[%swap3A_238, %swap3A_239] : memref<8x64xf32, #tpu.memory_space<vmem>>, vector<8x64xf32>
      tpu.vector_store %arg23[%swap3A_238, %swap3A_239], %broadcast_in_dim3A_237 {strides = array<i32>} : memref<8x64xf32, #tpu.memory_space<vmem>>, vector<8x64xf32>,
    } else {
    }
    %get3A_217 = arith.constant 0 : index
    %get3A_218 = arith.constant 0 : index
    %get3A_219 = vector.load %arg23[%get3A_217, %get3A_218] : memref<8x64xf32, #tpu.memory_space<vmem>>, vector<1x64xf32>
    %reduce_sum3A = arith.constant dense<0.000000e+00> : vector<64xf32>
    %reduce_sum3A_220 = vector.multi_reduction <add>, %add3A_212, %reduce_sum3A [0] : vector<200x64xf32> to vector<64xf32>
    %broadcast_in_dim3A_221 = vector.shape_cast %reduce_sum3A_220 : vector<64xf32> to vector<1x64xf32>
    %add3A_222 = arith.addf %get3A_219, %broadcast_in_dim3A_221 : vector<1x64xf32>
    %swap3A_223 = arith.constant 0 : index
    %swap3A_224 = arith.constant 0 : index
    %swap3A_225 = vector.load %arg23[%swap3A_223, %swap3A_224] : memref<8x64xf32, #tpu.memory_space<vmem>>, vector<1x64xf32>
    tpu.vector_store %arg23[%swap3A_223, %swap3A_224], %add3A_222 {strides = array<i32>} : memref<8x64xf32, #tpu.memory_space<vmem>>, vector<1x64xf32>,
    %get3A_226 = arith.constant 1 : index
    %get3A_227 = arith.constant 0 : index
    %get3A_228 = vector.load %arg23[%get3A_226, %get3A_227] : memref<8x64xf32, #tpu.memory_space<vmem>>, vector<1x64xf32>
    %mul3A = arith.mulf %add3A_212, %add3A_212 : vector<200x64xf32>
    %reduce_sum3A_229 = arith.constant dense<0.000000e+00> : vector<64xf32>
    %reduce_sum3A_230 = vector.multi_reduction <add>, %mul3A, %reduce_sum3A_229 [0] : vector<200x64xf32> to vector<64xf32>
    %broadcast_in_dim3A_231 = vector.shape_cast %reduce_sum3A_230 : vector<64xf32> to vector<1x64xf32>
    %add3A_232 = arith.addf %get3A_228, %broadcast_in_dim3A_231 : vector<1x64xf32>
    %swap3A_233 = arith.constant 1 : index
    %swap3A_234 = arith.constant 0 : index
    %swap3A_235 = vector.load %arg23[%swap3A_233, %swap3A_234] : memref<8x64xf32, #tpu.memory_space<vmem>>, vector<1x64xf32>
    tpu.vector_store %arg23[%swap3A_233, %swap3A_234], %add3A_232 {strides = array<i32>} : memref<8x64xf32, #tpu.memory_space<vmem>>, vector<1x64xf32>,
    return
  }
  func.func @transform_0(%arg0: i32) -> (i32, i32) {
    %c0_i32 = arith.constant 0 : i32
    %c0_i32_0 = arith.constant 0 : i32
    return %arg0, %c0_i32 : i32, i32
  }
  func.func @transform_1(%arg0: i32) -> (i32, i32) {
    %c0_i32 = arith.constant 0 : i32
    %c0_i32_0 = arith.constant 0 : i32
    return %arg0, %c0_i32 : i32, i32
  }
  func.func @transform_2(%arg0: i32) -> (i32, i32) {
    %c0_i32 = arith.constant 0 : i32
    %c0_i32_0 = arith.constant 0 : i32
    return %arg0, %c0_i32 : i32, i32
  }
  func.func @transform_3(%arg0: i32) -> (i32, i32) {
    %c0_i32 = arith.constant 0 : i32
    %c0_i32_0 = arith.constant 0 : i32
    return %arg0, %c0_i32 : i32, i32
  }
  func.func @transform_4(%arg0: i32) -> (i32, i32, i32) {
    %jit3A = arith.constant 125 : i32
    %div3A = arith.divsi %arg0, %jit3A : i32
    %sign3A = arith.constant 0 : i32
    %sign3A_0 = arith.cmpi sgt, %arg0, %sign3A : i32
    %sign3A_1 = arith.extui %sign3A_0 : i1 to i32
    %sign3A_2 = arith.constant 0 : i32
    %sign3A_3 = arith.cmpi slt, %arg0, %sign3A_2 : i32
    %sign3A_4 = arith.extui %sign3A_3 : i1 to i32
    %sign3A_5 = arith.subi %sign3A_1, %sign3A_4 : i32
    %sign3A_6 = arith.constant 0 : i32
    %sign3A_7 = arith.cmpi sgt, %jit3A, %sign3A_6 : i32
    %sign3A_8 = arith.extui %sign3A_7 : i1 to i32
    %sign3A_9 = arith.constant 0 : i32
    %sign3A_10 = arith.cmpi slt, %jit3A, %sign3A_9 : i32
    %sign3A_11 = arith.extui %sign3A_10 : i1 to i32
    %sign3A_12 = arith.subi %sign3A_8, %sign3A_11 : i32
    %ne3A = arith.cmpi ne, %sign3A_5, %sign3A_12 : i32
    %rem3A = arith.remsi %arg0, %jit3A : i32
    %ne3A_13 = arith.constant 0 : i32
    %ne3A_14 = arith.cmpi ne, %rem3A, %ne3A_13 : i32
    %and3A = arith.andi %ne3A, %ne3A_14 : i1
    %sub3A = arith.constant 1 : i32
    %sub3A_15 = arith.subi %div3A, %sub3A : i32
    %select_n3A = arith.select %and3A, %sub3A_15, %div3A : i32
    %jit3A_16 = arith.constant 125 : i32
    %eq3A = arith.constant 0 : i32
    %eq3A_17 = arith.cmpi eq, %jit3A_16, %eq3A : i32
    %jit3A_18 = arith.constant 1 : i32
    %select_n3A_19 = arith.select %eq3A_17, %jit3A_18, %jit3A_16 : i32
    %rem3A_20 = arith.remsi %arg0, %select_n3A_19 : i32
    %ne3A_21 = arith.constant 0 : i32
    %ne3A_22 = arith.cmpi ne, %rem3A_20, %ne3A_21 : i32
    %lt3A = arith.constant 0 : i32
    %lt3A_23 = arith.cmpi slt, %rem3A_20, %lt3A : i32
    %lt3A_24 = arith.constant 0 : i32
    %lt3A_25 = arith.cmpi slt, %select_n3A_19, %lt3A_24 : i32
    %ne3A_26 = arith.xori %lt3A_23, %lt3A_25 : i1
    %and3A_27 = arith.andi %ne3A_26, %ne3A_22 : i1
    %add3A = arith.addi %rem3A_20, %select_n3A_19 : i32
    %select_n3A_28 = arith.select %and3A_27, %add3A, %rem3A_20 : i32
    %add3A_29 = arith.constant 0 : i32
    %add3A_30 = arith.addi %add3A_29, %select_n3A_28 : i32
    %c0_i32 = arith.constant 0 : i32
    %c0_i32_31 = arith.constant 0 : i32
    return %select_n3A, %add3A_30, %c0_i32 : i32, i32, i32
  }
  func.func @transform_5(%arg0: i32) -> (i32, i32, i32) {
    %jit3A = arith.constant 125 : i32
    %div3A = arith.divsi %arg0, %jit3A : i32
    %sign3A = arith.constant 0 : i32
    %sign3A_0 = arith.cmpi sgt, %arg0, %sign3A : i32
    %sign3A_1 = arith.extui %sign3A_0 : i1 to i32
    %sign3A_2 = arith.constant 0 : i32
    %sign3A_3 = arith.cmpi slt, %arg0, %sign3A_2 : i32
    %sign3A_4 = arith.extui %sign3A_3 : i1 to i32
    %sign3A_5 = arith.subi %sign3A_1, %sign3A_4 : i32
    %sign3A_6 = arith.constant 0 : i32
    %sign3A_7 = arith.cmpi sgt, %jit3A, %sign3A_6 : i32
    %sign3A_8 = arith.extui %sign3A_7 : i1 to i32
    %sign3A_9 = arith.constant 0 : i32
    %sign3A_10 = arith.cmpi slt, %jit3A, %sign3A_9 : i32
    %sign3A_11 = arith.extui %sign3A_10 : i1 to i32
    %sign3A_12 = arith.subi %sign3A_8, %sign3A_11 : i32
    %ne3A = arith.cmpi ne, %sign3A_5, %sign3A_12 : i32
    %rem3A = arith.remsi %arg0, %jit3A : i32
    %ne3A_13 = arith.constant 0 : i32
    %ne3A_14 = arith.cmpi ne, %rem3A, %ne3A_13 : i32
    %and3A = arith.andi %ne3A, %ne3A_14 : i1
    %sub3A = arith.constant 1 : i32
    %sub3A_15 = arith.subi %div3A, %sub3A : i32
    %select_n3A = arith.select %and3A, %sub3A_15, %div3A : i32
    %jit3A_16 = arith.constant 125 : i32
    %eq3A = arith.constant 0 : i32
    %eq3A_17 = arith.cmpi eq, %jit3A_16, %eq3A : i32
    %jit3A_18 = arith.constant 1 : i32
    %select_n3A_19 = arith.select %eq3A_17, %jit3A_18, %jit3A_16 : i32
    %rem3A_20 = arith.remsi %arg0, %select_n3A_19 : i32
    %ne3A_21 = arith.constant 0 : i32
    %ne3A_22 = arith.cmpi ne, %rem3A_20, %ne3A_21 : i32
    %lt3A = arith.constant 0 : i32
    %lt3A_23 = arith.cmpi slt, %rem3A_20, %lt3A : i32
    %lt3A_24 = arith.constant 0 : i32
    %lt3A_25 = arith.cmpi slt, %select_n3A_19, %lt3A_24 : i32
    %ne3A_26 = arith.xori %lt3A_23, %lt3A_25 : i1
    %and3A_27 = arith.andi %ne3A_26, %ne3A_22 : i1
    %add3A = arith.addi %rem3A_20, %select_n3A_19 : i32
    %select_n3A_28 = arith.select %and3A_27, %add3A, %rem3A_20 : i32
    %add3A_29 = arith.constant 0 : i32
    %add3A_30 = arith.addi %add3A_29, %select_n3A_28 : i32
    %c0_i32 = arith.constant 0 : i32
    %c0_i32_31 = arith.constant 0 : i32
    return %select_n3A, %add3A_30, %c0_i32 : i32, i32, i32
  }
  func.func @transform_6(%arg0: i32) -> (i32, i32, i32) {
    %jit3A = arith.constant 125 : i32
    %div3A = arith.divsi %arg0, %jit3A : i32
    %sign3A = arith.constant 0 : i32
    %sign3A_0 = arith.cmpi sgt, %arg0, %sign3A : i32
    %sign3A_1 = arith.extui %sign3A_0 : i1 to i32
    %sign3A_2 = arith.constant 0 : i32
    %sign3A_3 = arith.cmpi slt, %arg0, %sign3A_2 : i32
    %sign3A_4 = arith.extui %sign3A_3 : i1 to i32
    %sign3A_5 = arith.subi %sign3A_1, %sign3A_4 : i32
    %sign3A_6 = arith.constant 0 : i32
    %sign3A_7 = arith.cmpi sgt, %jit3A, %sign3A_6 : i32
    %sign3A_8 = arith.extui %sign3A_7 : i1 to i32
    %sign3A_9 = arith.constant 0 : i32
    %sign3A_10 = arith.cmpi slt, %jit3A, %sign3A_9 : i32
    %sign3A_11 = arith.extui %sign3A_10 : i1 to i32
    %sign3A_12 = arith.subi %sign3A_8, %sign3A_11 : i32
    %ne3A = arith.cmpi ne, %sign3A_5, %sign3A_12 : i32
    %rem3A = arith.remsi %arg0, %jit3A : i32
    %ne3A_13 = arith.constant 0 : i32
    %ne3A_14 = arith.cmpi ne, %rem3A, %ne3A_13 : i32
    %and3A = arith.andi %ne3A, %ne3A_14 : i1
    %sub3A = arith.constant 1 : i32
    %sub3A_15 = arith.subi %div3A, %sub3A : i32
    %select_n3A = arith.select %and3A, %sub3A_15, %div3A : i32
    %jit3A_16 = arith.constant 125 : i32
    %eq3A = arith.constant 0 : i32
    %eq3A_17 = arith.cmpi eq, %jit3A_16, %eq3A : i32
    %jit3A_18 = arith.constant 1 : i32
    %select_n3A_19 = arith.select %eq3A_17, %jit3A_18, %jit3A_16 : i32
    %rem3A_20 = arith.remsi %arg0, %select_n3A_19 : i32
    %ne3A_21 = arith.constant 0 : i32
    %ne3A_22 = arith.cmpi ne, %rem3A_20, %ne3A_21 : i32
    %lt3A = arith.constant 0 : i32
    %lt3A_23 = arith.cmpi slt, %rem3A_20, %lt3A : i32
    %lt3A_24 = arith.constant 0 : i32
    %lt3A_25 = arith.cmpi slt, %select_n3A_19, %lt3A_24 : i32
    %ne3A_26 = arith.xori %lt3A_23, %lt3A_25 : i1
    %and3A_27 = arith.andi %ne3A_26, %ne3A_22 : i1
    %add3A = arith.addi %rem3A_20, %select_n3A_19 : i32
    %select_n3A_28 = arith.select %and3A_27, %add3A, %rem3A_20 : i32
    %add3A_29 = arith.constant 0 : i32
    %add3A_30 = arith.addi %add3A_29, %select_n3A_28 : i32
    %c0_i32 = arith.constant 0 : i32
    %c0_i32_31 = arith.constant 0 : i32
    return %select_n3A, %add3A_30, %c0_i32 : i32, i32, i32
  }
  func.func @transform_7(%arg0: i32) -> (i32, i32, i32) {
    %jit3A = arith.constant 125 : i32
    %div3A = arith.divsi %arg0, %jit3A : i32
    %sign3A = arith.constant 0 : i32
    %sign3A_0 = arith.cmpi sgt, %arg0, %sign3A : i32
    %sign3A_1 = arith.extui %sign3A_0 : i1 to i32
    %sign3A_2 = arith.constant 0 : i32
    %sign3A_3 = arith.cmpi slt, %arg0, %sign3A_2 : i32
    %sign3A_4 = arith.extui %sign3A_3 : i1 to i32
    %sign3A_5 = arith.subi %sign3A_1, %sign3A_4 : i32
    %sign3A_6 = arith.constant 0 : i32
    %sign3A_7 = arith.cmpi sgt, %jit3A, %sign3A_6 : i32
    %sign3A_8 = arith.extui %sign3A_7 : i1 to i32
    %sign3A_9 = arith.constant 0 : i32
    %sign3A_10 = arith.cmpi slt, %jit3A, %sign3A_9 : i32
    %sign3A_11 = arith.extui %sign3A_10 : i1 to i32
    %sign3A_12 = arith.subi %sign3A_8, %sign3A_11 : i32
    %ne3A = arith.cmpi ne, %sign3A_5, %sign3A_12 : i32
    %rem3A = arith.remsi %arg0, %jit3A : i32
    %ne3A_13 = arith.constant 0 : i32
    %ne3A_14 = arith.cmpi ne, %rem3A, %ne3A_13 : i32
    %and3A = arith.andi %ne3A, %ne3A_14 : i1
    %sub3A = arith.constant 1 : i32
    %sub3A_15 = arith.subi %div3A, %sub3A : i32
    %select_n3A = arith.select %and3A, %sub3A_15, %div3A : i32
    %jit3A_16 = arith.constant 125 : i32
    %eq3A = arith.constant 0 : i32
    %eq3A_17 = arith.cmpi eq, %jit3A_16, %eq3A : i32
    %jit3A_18 = arith.constant 1 : i32
    %select_n3A_19 = arith.select %eq3A_17, %jit3A_18, %jit3A_16 : i32
    %rem3A_20 = arith.remsi %arg0, %select_n3A_19 : i32
    %ne3A_21 = arith.constant 0 : i32
    %ne3A_22 = arith.cmpi ne, %rem3A_20, %ne3A_21 : i32
    %lt3A = arith.constant 0 : i32
    %lt3A_23 = arith.cmpi slt, %rem3A_20, %lt3A : i32
    %lt3A_24 = arith.constant 0 : i32
    %lt3A_25 = arith.cmpi slt, %select_n3A_19, %lt3A_24 : i32
    %ne3A_26 = arith.xori %lt3A_23, %lt3A_25 : i1
    %and3A_27 = arith.andi %ne3A_26, %ne3A_22 : i1
    %add3A = arith.addi %rem3A_20, %select_n3A_19 : i32
    %select_n3A_28 = arith.select %and3A_27, %add3A, %rem3A_20 : i32
    %add3A_29 = arith.constant 0 : i32
    %add3A_30 = arith.addi %add3A_29, %select_n3A_28 : i32
    %c0_i32 = arith.constant 0 : i32
    %c0_i32_31 = arith.constant 0 : i32
    return %select_n3A, %add3A_30, %c0_i32 : i32, i32, i32
  }
  func.func @transform_8(%arg0: i32) -> (i32, i32, i32) {
    %jit3A = arith.constant 125 : i32
    %div3A = arith.divsi %arg0, %jit3A : i32
    %sign3A = arith.constant 0 : i32
    %sign3A_0 = arith.cmpi sgt, %arg0, %sign3A : i32
    %sign3A_1 = arith.extui %sign3A_0 : i1 to i32
    %sign3A_2 = arith.constant 0 : i32
    %sign3A_3 = arith.cmpi slt, %arg0, %sign3A_2 : i32
    %sign3A_4 = arith.extui %sign3A_3 : i1 to i32
    %sign3A_5 = arith.subi %sign3A_1, %sign3A_4 : i32
    %sign3A_6 = arith.constant 0 : i32
    %sign3A_7 = arith.cmpi sgt, %jit3A, %sign3A_6 : i32
    %sign3A_8 = arith.extui %sign3A_7 : i1 to i32
    %sign3A_9 = arith.constant 0 : i32
    %sign3A_10 = arith.cmpi slt, %jit3A, %sign3A_9 : i32
    %sign3A_11 = arith.extui %sign3A_10 : i1 to i32
    %sign3A_12 = arith.subi %sign3A_8, %sign3A_11 : i32
    %ne3A = arith.cmpi ne, %sign3A_5, %sign3A_12 : i32
    %rem3A = arith.remsi %arg0, %jit3A : i32
    %ne3A_13 = arith.constant 0 : i32
    %ne3A_14 = arith.cmpi ne, %rem3A, %ne3A_13 : i32
    %and3A = arith.andi %ne3A, %ne3A_14 : i1
    %sub3A = arith.constant 1 : i32
    %sub3A_15 = arith.subi %div3A, %sub3A : i32
    %select_n3A = arith.select %and3A, %sub3A_15, %div3A : i32
    %jit3A_16 = arith.constant 125 : i32
    %eq3A = arith.constant 0 : i32
    %eq3A_17 = arith.cmpi eq, %jit3A_16, %eq3A : i32
    %jit3A_18 = arith.constant 1 : i32
    %select_n3A_19 = arith.select %eq3A_17, %jit3A_18, %jit3A_16 : i32
    %rem3A_20 = arith.remsi %arg0, %select_n3A_19 : i32
    %ne3A_21 = arith.constant 0 : i32
    %ne3A_22 = arith.cmpi ne, %rem3A_20, %ne3A_21 : i32
    %lt3A = arith.constant 0 : i32
    %lt3A_23 = arith.cmpi slt, %rem3A_20, %lt3A : i32
    %lt3A_24 = arith.constant 0 : i32
    %lt3A_25 = arith.cmpi slt, %select_n3A_19, %lt3A_24 : i32
    %ne3A_26 = arith.xori %lt3A_23, %lt3A_25 : i1
    %and3A_27 = arith.andi %ne3A_26, %ne3A_22 : i1
    %add3A = arith.addi %rem3A_20, %select_n3A_19 : i32
    %select_n3A_28 = arith.select %and3A_27, %add3A, %rem3A_20 : i32
    %add3A_29 = arith.constant 125 : i32
    %add3A_30 = arith.addi %add3A_29, %select_n3A_28 : i32
    %c0_i32 = arith.constant 0 : i32
    %c0_i32_31 = arith.constant 0 : i32
    return %select_n3A, %add3A_30, %c0_i32 : i32, i32, i32
  }
  func.func @transform_9(%arg0: i32) -> (i32, i32, i32) {
    %jit3A = arith.constant 125 : i32
    %div3A = arith.divsi %arg0, %jit3A : i32
    %sign3A = arith.constant 0 : i32
    %sign3A_0 = arith.cmpi sgt, %arg0, %sign3A : i32
    %sign3A_1 = arith.extui %sign3A_0 : i1 to i32
    %sign3A_2 = arith.constant 0 : i32
    %sign3A_3 = arith.cmpi slt, %arg0, %sign3A_2 : i32
    %sign3A_4 = arith.extui %sign3A_3 : i1 to i32
    %sign3A_5 = arith.subi %sign3A_1, %sign3A_4 : i32
    %sign3A_6 = arith.constant 0 : i32
    %sign3A_7 = arith.cmpi sgt, %jit3A, %sign3A_6 : i32
    %sign3A_8 = arith.extui %sign3A_7 : i1 to i32
    %sign3A_9 = arith.constant 0 : i32
    %sign3A_10 = arith.cmpi slt, %jit3A, %sign3A_9 : i32
    %sign3A_11 = arith.extui %sign3A_10 : i1 to i32
    %sign3A_12 = arith.subi %sign3A_8, %sign3A_11 : i32
    %ne3A = arith.cmpi ne, %sign3A_5, %sign3A_12 : i32
    %rem3A = arith.remsi %arg0, %jit3A : i32
    %ne3A_13 = arith.constant 0 : i32
    %ne3A_14 = arith.cmpi ne, %rem3A, %ne3A_13 : i32
    %and3A = arith.andi %ne3A, %ne3A_14 : i1
    %sub3A = arith.constant 1 : i32
    %sub3A_15 = arith.subi %div3A, %sub3A : i32
    %select_n3A = arith.select %and3A, %sub3A_15, %div3A : i32
    %jit3A_16 = arith.constant 125 : i32
    %eq3A = arith.constant 0 : i32
    %eq3A_17 = arith.cmpi eq, %jit3A_16, %eq3A : i32
    %jit3A_18 = arith.constant 1 : i32
    %select_n3A_19 = arith.select %eq3A_17, %jit3A_18, %jit3A_16 : i32
    %rem3A_20 = arith.remsi %arg0, %select_n3A_19 : i32
    %ne3A_21 = arith.constant 0 : i32
    %ne3A_22 = arith.cmpi ne, %rem3A_20, %ne3A_21 : i32
    %lt3A = arith.constant 0 : i32
    %lt3A_23 = arith.cmpi slt, %rem3A_20, %lt3A : i32
    %lt3A_24 = arith.constant 0 : i32
    %lt3A_25 = arith.cmpi slt, %select_n3A_19, %lt3A_24 : i32
    %ne3A_26 = arith.xori %lt3A_23, %lt3A_25 : i1
    %and3A_27 = arith.andi %ne3A_26, %ne3A_22 : i1
    %add3A = arith.addi %rem3A_20, %select_n3A_19 : i32
    %select_n3A_28 = arith.select %and3A_27, %add3A, %rem3A_20 : i32
    %add3A_29 = arith.constant 125 : i32
    %add3A_30 = arith.addi %add3A_29, %select_n3A_28 : i32
    %c0_i32 = arith.constant 0 : i32
    %c0_i32_31 = arith.constant 0 : i32
    return %select_n3A, %add3A_30, %c0_i32 : i32, i32, i32
  }
  func.func @transform_10(%arg0: i32) -> (i32, i32, i32) {
    %jit3A = arith.constant 125 : i32
    %div3A = arith.divsi %arg0, %jit3A : i32
    %sign3A = arith.constant 0 : i32
    %sign3A_0 = arith.cmpi sgt, %arg0, %sign3A : i32
    %sign3A_1 = arith.extui %sign3A_0 : i1 to i32
    %sign3A_2 = arith.constant 0 : i32
    %sign3A_3 = arith.cmpi slt, %arg0, %sign3A_2 : i32
    %sign3A_4 = arith.extui %sign3A_3 : i1 to i32
    %sign3A_5 = arith.subi %sign3A_1, %sign3A_4 : i32
    %sign3A_6 = arith.constant 0 : i32
    %sign3A_7 = arith.cmpi sgt, %jit3A, %sign3A_6 : i32
    %sign3A_8 = arith.extui %sign3A_7 : i1 to i32
    %sign3A_9 = arith.constant 0 : i32
    %sign3A_10 = arith.cmpi slt, %jit3A, %sign3A_9 : i32
    %sign3A_11 = arith.extui %sign3A_10 : i1 to i32
    %sign3A_12 = arith.subi %sign3A_8, %sign3A_11 : i32
    %ne3A = arith.cmpi ne, %sign3A_5, %sign3A_12 : i32
    %rem3A = arith.remsi %arg0, %jit3A : i32
    %ne3A_13 = arith.constant 0 : i32
    %ne3A_14 = arith.cmpi ne, %rem3A, %ne3A_13 : i32
    %and3A = arith.andi %ne3A, %ne3A_14 : i1
    %sub3A = arith.constant 1 : i32
    %sub3A_15 = arith.subi %div3A, %sub3A : i32
    %select_n3A = arith.select %and3A, %sub3A_15, %div3A : i32
    %jit3A_16 = arith.constant 125 : i32
    %eq3A = arith.constant 0 : i32
    %eq3A_17 = arith.cmpi eq, %jit3A_16, %eq3A : i32
    %jit3A_18 = arith.constant 1 : i32
    %select_n3A_19 = arith.select %eq3A_17, %jit3A_18, %jit3A_16 : i32
    %rem3A_20 = arith.remsi %arg0, %select_n3A_19 : i32
    %ne3A_21 = arith.constant 0 : i32
    %ne3A_22 = arith.cmpi ne, %rem3A_20, %ne3A_21 : i32
    %lt3A = arith.constant 0 : i32
    %lt3A_23 = arith.cmpi slt, %rem3A_20, %lt3A : i32
    %lt3A_24 = arith.constant 0 : i32
    %lt3A_25 = arith.cmpi slt, %select_n3A_19, %lt3A_24 : i32
    %ne3A_26 = arith.xori %lt3A_23, %lt3A_25 : i1
    %and3A_27 = arith.andi %ne3A_26, %ne3A_22 : i1
    %add3A = arith.addi %rem3A_20, %select_n3A_19 : i32
    %select_n3A_28 = arith.select %and3A_27, %add3A, %rem3A_20 : i32
    %add3A_29 = arith.constant 125 : i32
    %add3A_30 = arith.addi %add3A_29, %select_n3A_28 : i32
    %c0_i32 = arith.constant 0 : i32
    %c0_i32_31 = arith.constant 0 : i32
    return %select_n3A, %add3A_30, %c0_i32 : i32, i32, i32
  }
  func.func @transform_11(%arg0: i32) -> (i32, i32, i32) {
    %jit3A = arith.constant 125 : i32
    %div3A = arith.divsi %arg0, %jit3A : i32
    %sign3A = arith.constant 0 : i32
    %sign3A_0 = arith.cmpi sgt, %arg0, %sign3A : i32
    %sign3A_1 = arith.extui %sign3A_0 : i1 to i32
    %sign3A_2 = arith.constant 0 : i32
    %sign3A_3 = arith.cmpi slt, %arg0, %sign3A_2 : i32
    %sign3A_4 = arith.extui %sign3A_3 : i1 to i32
    %sign3A_5 = arith.subi %sign3A_1, %sign3A_4 : i32
    %sign3A_6 = arith.constant 0 : i32
    %sign3A_7 = arith.cmpi sgt, %jit3A, %sign3A_6 : i32
    %sign3A_8 = arith.extui %sign3A_7 : i1 to i32
    %sign3A_9 = arith.constant 0 : i32
    %sign3A_10 = arith.cmpi slt, %jit3A, %sign3A_9 : i32
    %sign3A_11 = arith.extui %sign3A_10 : i1 to i32
    %sign3A_12 = arith.subi %sign3A_8, %sign3A_11 : i32
    %ne3A = arith.cmpi ne, %sign3A_5, %sign3A_12 : i32
    %rem3A = arith.remsi %arg0, %jit3A : i32
    %ne3A_13 = arith.constant 0 : i32
    %ne3A_14 = arith.cmpi ne, %rem3A, %ne3A_13 : i32
    %and3A = arith.andi %ne3A, %ne3A_14 : i1
    %sub3A = arith.constant 1 : i32
    %sub3A_15 = arith.subi %div3A, %sub3A : i32
    %select_n3A = arith.select %and3A, %sub3A_15, %div3A : i32
    %jit3A_16 = arith.constant 125 : i32
    %eq3A = arith.constant 0 : i32
    %eq3A_17 = arith.cmpi eq, %jit3A_16, %eq3A : i32
    %jit3A_18 = arith.constant 1 : i32
    %select_n3A_19 = arith.select %eq3A_17, %jit3A_18, %jit3A_16 : i32
    %rem3A_20 = arith.remsi %arg0, %select_n3A_19 : i32
    %ne3A_21 = arith.constant 0 : i32
    %ne3A_22 = arith.cmpi ne, %rem3A_20, %ne3A_21 : i32
    %lt3A = arith.constant 0 : i32
    %lt3A_23 = arith.cmpi slt, %rem3A_20, %lt3A : i32
    %lt3A_24 = arith.constant 0 : i32
    %lt3A_25 = arith.cmpi slt, %select_n3A_19, %lt3A_24 : i32
    %ne3A_26 = arith.xori %lt3A_23, %lt3A_25 : i1
    %and3A_27 = arith.andi %ne3A_26, %ne3A_22 : i1
    %add3A = arith.addi %rem3A_20, %select_n3A_19 : i32
    %select_n3A_28 = arith.select %and3A_27, %add3A, %rem3A_20 : i32
    %add3A_29 = arith.constant 125 : i32
    %add3A_30 = arith.addi %add3A_29, %select_n3A_28 : i32
    %c0_i32 = arith.constant 0 : i32
    %c0_i32_31 = arith.constant 0 : i32
    return %select_n3A, %add3A_30, %c0_i32 : i32, i32, i32
  }
  func.func @transform_12(%arg0: i32) -> (i32, i32, i32) {
    %jit3A = arith.constant 125 : i32
    %div3A = arith.divsi %arg0, %jit3A : i32
    %sign3A = arith.constant 0 : i32
    %sign3A_0 = arith.cmpi sgt, %arg0, %sign3A : i32
    %sign3A_1 = arith.extui %sign3A_0 : i1 to i32
    %sign3A_2 = arith.constant 0 : i32
    %sign3A_3 = arith.cmpi slt, %arg0, %sign3A_2 : i32
    %sign3A_4 = arith.extui %sign3A_3 : i1 to i32
    %sign3A_5 = arith.subi %sign3A_1, %sign3A_4 : i32
    %sign3A_6 = arith.constant 0 : i32
    %sign3A_7 = arith.cmpi sgt, %jit3A, %sign3A_6 : i32
    %sign3A_8 = arith.extui %sign3A_7 : i1 to i32
    %sign3A_9 = arith.constant 0 : i32
    %sign3A_10 = arith.cmpi slt, %jit3A, %sign3A_9 : i32
    %sign3A_11 = arith.extui %sign3A_10 : i1 to i32
    %sign3A_12 = arith.subi %sign3A_8, %sign3A_11 : i32
    %ne3A = arith.cmpi ne, %sign3A_5, %sign3A_12 : i32
    %rem3A = arith.remsi %arg0, %jit3A : i32
    %ne3A_13 = arith.constant 0 : i32
    %ne3A_14 = arith.cmpi ne, %rem3A, %ne3A_13 : i32
    %and3A = arith.andi %ne3A, %ne3A_14 : i1
    %sub3A = arith.constant 1 : i32
    %sub3A_15 = arith.subi %div3A, %sub3A : i32
    %select_n3A = arith.select %and3A, %sub3A_15, %div3A : i32
    %jit3A_16 = arith.constant 125 : i32
    %eq3A = arith.constant 0 : i32
    %eq3A_17 = arith.cmpi eq, %jit3A_16, %eq3A : i32
    %jit3A_18 = arith.constant 1 : i32
    %select_n3A_19 = arith.select %eq3A_17, %jit3A_18, %jit3A_16 : i32
    %rem3A_20 = arith.remsi %arg0, %select_n3A_19 : i32
    %ne3A_21 = arith.constant 0 : i32
    %ne3A_22 = arith.cmpi ne, %rem3A_20, %ne3A_21 : i32
    %lt3A = arith.constant 0 : i32
    %lt3A_23 = arith.cmpi slt, %rem3A_20, %lt3A : i32
    %lt3A_24 = arith.constant 0 : i32
    %lt3A_25 = arith.cmpi slt, %select_n3A_19, %lt3A_24 : i32
    %ne3A_26 = arith.xori %lt3A_23, %lt3A_25 : i1
    %and3A_27 = arith.andi %ne3A_26, %ne3A_22 : i1
    %add3A = arith.addi %rem3A_20, %select_n3A_19 : i32
    %select_n3A_28 = arith.select %and3A_27, %add3A, %rem3A_20 : i32
    %add3A_29 = arith.constant 250 : i32
    %add3A_30 = arith.addi %add3A_29, %select_n3A_28 : i32
    %c0_i32 = arith.constant 0 : i32
    %c0_i32_31 = arith.constant 0 : i32
    return %select_n3A, %add3A_30, %c0_i32 : i32, i32, i32
  }
  func.func @transform_13(%arg0: i32) -> (i32, i32, i32) {
    %jit3A = arith.constant 125 : i32
    %div3A = arith.divsi %arg0, %jit3A : i32
    %sign3A = arith.constant 0 : i32
    %sign3A_0 = arith.cmpi sgt, %arg0, %sign3A : i32
    %sign3A_1 = arith.extui %sign3A_0 : i1 to i32
    %sign3A_2 = arith.constant 0 : i32
    %sign3A_3 = arith.cmpi slt, %arg0, %sign3A_2 : i32
    %sign3A_4 = arith.extui %sign3A_3 : i1 to i32
    %sign3A_5 = arith.subi %sign3A_1, %sign3A_4 : i32
    %sign3A_6 = arith.constant 0 : i32
    %sign3A_7 = arith.cmpi sgt, %jit3A, %sign3A_6 : i32
    %sign3A_8 = arith.extui %sign3A_7 : i1 to i32
    %sign3A_9 = arith.constant 0 : i32
    %sign3A_10 = arith.cmpi slt, %jit3A, %sign3A_9 : i32
    %sign3A_11 = arith.extui %sign3A_10 : i1 to i32
    %sign3A_12 = arith.subi %sign3A_8, %sign3A_11 : i32
    %ne3A = arith.cmpi ne, %sign3A_5, %sign3A_12 : i32
    %rem3A = arith.remsi %arg0, %jit3A : i32
    %ne3A_13 = arith.constant 0 : i32
    %ne3A_14 = arith.cmpi ne, %rem3A, %ne3A_13 : i32
    %and3A = arith.andi %ne3A, %ne3A_14 : i1
    %sub3A = arith.constant 1 : i32
    %sub3A_15 = arith.subi %div3A, %sub3A : i32
    %select_n3A = arith.select %and3A, %sub3A_15, %div3A : i32
    %jit3A_16 = arith.constant 125 : i32
    %eq3A = arith.constant 0 : i32
    %eq3A_17 = arith.cmpi eq, %jit3A_16, %eq3A : i32
    %jit3A_18 = arith.constant 1 : i32
    %select_n3A_19 = arith.select %eq3A_17, %jit3A_18, %jit3A_16 : i32
    %rem3A_20 = arith.remsi %arg0, %select_n3A_19 : i32
    %ne3A_21 = arith.constant 0 : i32
    %ne3A_22 = arith.cmpi ne, %rem3A_20, %ne3A_21 : i32
    %lt3A = arith.constant 0 : i32
    %lt3A_23 = arith.cmpi slt, %rem3A_20, %lt3A : i32
    %lt3A_24 = arith.constant 0 : i32
    %lt3A_25 = arith.cmpi slt, %select_n3A_19, %lt3A_24 : i32
    %ne3A_26 = arith.xori %lt3A_23, %lt3A_25 : i1
    %and3A_27 = arith.andi %ne3A_26, %ne3A_22 : i1
    %add3A = arith.addi %rem3A_20, %select_n3A_19 : i32
    %select_n3A_28 = arith.select %and3A_27, %add3A, %rem3A_20 : i32
    %add3A_29 = arith.constant 250 : i32
    %add3A_30 = arith.addi %add3A_29, %select_n3A_28 : i32
    %c0_i32 = arith.constant 0 : i32
    %c0_i32_31 = arith.constant 0 : i32
    return %select_n3A, %add3A_30, %c0_i32 : i32, i32, i32
  }
  func.func @transform_14(%arg0: i32) -> (i32, i32, i32) {
    %jit3A = arith.constant 125 : i32
    %div3A = arith.divsi %arg0, %jit3A : i32
    %sign3A = arith.constant 0 : i32
    %sign3A_0 = arith.cmpi sgt, %arg0, %sign3A : i32
    %sign3A_1 = arith.extui %sign3A_0 : i1 to i32
    %sign3A_2 = arith.constant 0 : i32
    %sign3A_3 = arith.cmpi slt, %arg0, %sign3A_2 : i32
    %sign3A_4 = arith.extui %sign3A_3 : i1 to i32
    %sign3A_5 = arith.subi %sign3A_1, %sign3A_4 : i32
    %sign3A_6 = arith.constant 0 : i32
    %sign3A_7 = arith.cmpi sgt, %jit3A, %sign3A_6 : i32
    %sign3A_8 = arith.extui %sign3A_7 : i1 to i32
    %sign3A_9 = arith.constant 0 : i32
    %sign3A_10 = arith.cmpi slt, %jit3A, %sign3A_9 : i32
    %sign3A_11 = arith.extui %sign3A_10 : i1 to i32
    %sign3A_12 = arith.subi %sign3A_8, %sign3A_11 : i32
    %ne3A = arith.cmpi ne, %sign3A_5, %sign3A_12 : i32
    %rem3A = arith.remsi %arg0, %jit3A : i32
    %ne3A_13 = arith.constant 0 : i32
    %ne3A_14 = arith.cmpi ne, %rem3A, %ne3A_13 : i32
    %and3A = arith.andi %ne3A, %ne3A_14 : i1
    %sub3A = arith.constant 1 : i32
    %sub3A_15 = arith.subi %div3A, %sub3A : i32
    %select_n3A = arith.select %and3A, %sub3A_15, %div3A : i32
    %jit3A_16 = arith.constant 125 : i32
    %eq3A = arith.constant 0 : i32
    %eq3A_17 = arith.cmpi eq, %jit3A_16, %eq3A : i32
    %jit3A_18 = arith.constant 1 : i32
    %select_n3A_19 = arith.select %eq3A_17, %jit3A_18, %jit3A_16 : i32
    %rem3A_20 = arith.remsi %arg0, %select_n3A_19 : i32
    %ne3A_21 = arith.constant 0 : i32
    %ne3A_22 = arith.cmpi ne, %rem3A_20, %ne3A_21 : i32
    %lt3A = arith.constant 0 : i32
    %lt3A_23 = arith.cmpi slt, %rem3A_20, %lt3A : i32
    %lt3A_24 = arith.constant 0 : i32
    %lt3A_25 = arith.cmpi slt, %select_n3A_19, %lt3A_24 : i32
    %ne3A_26 = arith.xori %lt3A_23, %lt3A_25 : i1
    %and3A_27 = arith.andi %ne3A_26, %ne3A_22 : i1
    %add3A = arith.addi %rem3A_20, %select_n3A_19 : i32
    %select_n3A_28 = arith.select %and3A_27, %add3A, %rem3A_20 : i32
    %add3A_29 = arith.constant 250 : i32
    %add3A_30 = arith.addi %add3A_29, %select_n3A_28 : i32
    %c0_i32 = arith.constant 0 : i32
    %c0_i32_31 = arith.constant 0 : i32
    return %select_n3A, %add3A_30, %c0_i32 : i32, i32, i32
  }
  func.func @transform_15(%arg0: i32) -> (i32, i32, i32) {
    %jit3A = arith.constant 125 : i32
    %div3A = arith.divsi %arg0, %jit3A : i32
    %sign3A = arith.constant 0 : i32
    %sign3A_0 = arith.cmpi sgt, %arg0, %sign3A : i32
    %sign3A_1 = arith.extui %sign3A_0 : i1 to i32
    %sign3A_2 = arith.constant 0 : i32
    %sign3A_3 = arith.cmpi slt, %arg0, %sign3A_2 : i32
    %sign3A_4 = arith.extui %sign3A_3 : i1 to i32
    %sign3A_5 = arith.subi %sign3A_1, %sign3A_4 : i32
    %sign3A_6 = arith.constant 0 : i32
    %sign3A_7 = arith.cmpi sgt, %jit3A, %sign3A_6 : i32
    %sign3A_8 = arith.extui %sign3A_7 : i1 to i32
    %sign3A_9 = arith.constant 0 : i32
    %sign3A_10 = arith.cmpi slt, %jit3A, %sign3A_9 : i32
    %sign3A_11 = arith.extui %sign3A_10 : i1 to i32
    %sign3A_12 = arith.subi %sign3A_8, %sign3A_11 : i32
    %ne3A = arith.cmpi ne, %sign3A_5, %sign3A_12 : i32
    %rem3A = arith.remsi %arg0, %jit3A : i32
    %ne3A_13 = arith.constant 0 : i32
    %ne3A_14 = arith.cmpi ne, %rem3A, %ne3A_13 : i32
    %and3A = arith.andi %ne3A, %ne3A_14 : i1
    %sub3A = arith.constant 1 : i32
    %sub3A_15 = arith.subi %div3A, %sub3A : i32
    %select_n3A = arith.select %and3A, %sub3A_15, %div3A : i32
    %jit3A_16 = arith.constant 125 : i32
    %eq3A = arith.constant 0 : i32
    %eq3A_17 = arith.cmpi eq, %jit3A_16, %eq3A : i32
    %jit3A_18 = arith.constant 1 : i32
    %select_n3A_19 = arith.select %eq3A_17, %jit3A_18, %jit3A_16 : i32
    %rem3A_20 = arith.remsi %arg0, %select_n3A_19 : i32
    %ne3A_21 = arith.constant 0 : i32
    %ne3A_22 = arith.cmpi ne, %rem3A_20, %ne3A_21 : i32
    %lt3A = arith.constant 0 : i32
    %lt3A_23 = arith.cmpi slt, %rem3A_20, %lt3A : i32
    %lt3A_24 = arith.constant 0 : i32
    %lt3A_25 = arith.cmpi slt, %select_n3A_19, %lt3A_24 : i32
    %ne3A_26 = arith.xori %lt3A_23, %lt3A_25 : i1
    %and3A_27 = arith.andi %ne3A_26, %ne3A_22 : i1
    %add3A = arith.addi %rem3A_20, %select_n3A_19 : i32
    %select_n3A_28 = arith.select %and3A_27, %add3A, %rem3A_20 : i32
    %add3A_29 = arith.constant 250 : i32
    %add3A_30 = arith.addi %add3A_29, %select_n3A_28 : i32
    %c0_i32 = arith.constant 0 : i32
    %c0_i32_31 = arith.constant 0 : i32
    return %select_n3A, %add3A_30, %c0_i32 : i32, i32, i32
  }
  func.func @transform_16(%arg0: i32) -> (i32, i32, i32) {
    %jit3A = arith.constant 125 : i32
    %div3A = arith.divsi %arg0, %jit3A : i32
    %sign3A = arith.constant 0 : i32
    %sign3A_0 = arith.cmpi sgt, %arg0, %sign3A : i32
    %sign3A_1 = arith.extui %sign3A_0 : i1 to i32
    %sign3A_2 = arith.constant 0 : i32
    %sign3A_3 = arith.cmpi slt, %arg0, %sign3A_2 : i32
    %sign3A_4 = arith.extui %sign3A_3 : i1 to i32
    %sign3A_5 = arith.subi %sign3A_1, %sign3A_4 : i32
    %sign3A_6 = arith.constant 0 : i32
    %sign3A_7 = arith.cmpi sgt, %jit3A, %sign3A_6 : i32
    %sign3A_8 = arith.extui %sign3A_7 : i1 to i32
    %sign3A_9 = arith.constant 0 : i32
    %sign3A_10 = arith.cmpi slt, %jit3A, %sign3A_9 : i32
    %sign3A_11 = arith.extui %sign3A_10 : i1 to i32
    %sign3A_12 = arith.subi %sign3A_8, %sign3A_11 : i32
    %ne3A = arith.cmpi ne, %sign3A_5, %sign3A_12 : i32
    %rem3A = arith.remsi %arg0, %jit3A : i32
    %ne3A_13 = arith.constant 0 : i32
    %ne3A_14 = arith.cmpi ne, %rem3A, %ne3A_13 : i32
    %and3A = arith.andi %ne3A, %ne3A_14 : i1
    %sub3A = arith.constant 1 : i32
    %sub3A_15 = arith.subi %div3A, %sub3A : i32
    %select_n3A = arith.select %and3A, %sub3A_15, %div3A : i32
    %jit3A_16 = arith.constant 125 : i32
    %eq3A = arith.constant 0 : i32
    %eq3A_17 = arith.cmpi eq, %jit3A_16, %eq3A : i32
    %jit3A_18 = arith.constant 1 : i32
    %select_n3A_19 = arith.select %eq3A_17, %jit3A_18, %jit3A_16 : i32
    %rem3A_20 = arith.remsi %arg0, %select_n3A_19 : i32
    %ne3A_21 = arith.constant 0 : i32
    %ne3A_22 = arith.cmpi ne, %rem3A_20, %ne3A_21 : i32
    %lt3A = arith.constant 0 : i32
    %lt3A_23 = arith.cmpi slt, %rem3A_20, %lt3A : i32
    %lt3A_24 = arith.constant 0 : i32
    %lt3A_25 = arith.cmpi slt, %select_n3A_19, %lt3A_24 : i32
    %ne3A_26 = arith.xori %lt3A_23, %lt3A_25 : i1
    %and3A_27 = arith.andi %ne3A_26, %ne3A_22 : i1
    %add3A = arith.addi %rem3A_20, %select_n3A_19 : i32
    %select_n3A_28 = arith.select %and3A_27, %add3A, %rem3A_20 : i32
    %add3A_29 = arith.constant 0 : i32
    %add3A_30 = arith.addi %add3A_29, %select_n3A_28 : i32
    %c0_i32 = arith.constant 0 : i32
    %c0_i32_31 = arith.constant 0 : i32
    return %select_n3A, %add3A_30, %c0_i32 : i32, i32, i32
  }
  func.func @transform_17(%arg0: i32) -> (i32, i32, i32) {
    %jit3A = arith.constant 125 : i32
    %div3A = arith.divsi %arg0, %jit3A : i32
    %sign3A = arith.constant 0 : i32
    %sign3A_0 = arith.cmpi sgt, %arg0, %sign3A : i32
    %sign3A_1 = arith.extui %sign3A_0 : i1 to i32
    %sign3A_2 = arith.constant 0 : i32
    %sign3A_3 = arith.cmpi slt, %arg0, %sign3A_2 : i32
    %sign3A_4 = arith.extui %sign3A_3 : i1 to i32
    %sign3A_5 = arith.subi %sign3A_1, %sign3A_4 : i32
    %sign3A_6 = arith.constant 0 : i32
    %sign3A_7 = arith.cmpi sgt, %jit3A, %sign3A_6 : i32
    %sign3A_8 = arith.extui %sign3A_7 : i1 to i32
    %sign3A_9 = arith.constant 0 : i32
    %sign3A_10 = arith.cmpi slt, %jit3A, %sign3A_9 : i32
    %sign3A_11 = arith.extui %sign3A_10 : i1 to i32
    %sign3A_12 = arith.subi %sign3A_8, %sign3A_11 : i32
    %ne3A = arith.cmpi ne, %sign3A_5, %sign3A_12 : i32
    %rem3A = arith.remsi %arg0, %jit3A : i32
    %ne3A_13 = arith.constant 0 : i32
    %ne3A_14 = arith.cmpi ne, %rem3A, %ne3A_13 : i32
    %and3A = arith.andi %ne3A, %ne3A_14 : i1
    %sub3A = arith.constant 1 : i32
    %sub3A_15 = arith.subi %div3A, %sub3A : i32
    %select_n3A = arith.select %and3A, %sub3A_15, %div3A : i32
    %jit3A_16 = arith.constant 125 : i32
    %eq3A = arith.constant 0 : i32
    %eq3A_17 = arith.cmpi eq, %jit3A_16, %eq3A : i32
    %jit3A_18 = arith.constant 1 : i32
    %select_n3A_19 = arith.select %eq3A_17, %jit3A_18, %jit3A_16 : i32
    %rem3A_20 = arith.remsi %arg0, %select_n3A_19 : i32
    %ne3A_21 = arith.constant 0 : i32
    %ne3A_22 = arith.cmpi ne, %rem3A_20, %ne3A_21 : i32
    %lt3A = arith.constant 0 : i32
    %lt3A_23 = arith.cmpi slt, %rem3A_20, %lt3A : i32
    %lt3A_24 = arith.constant 0 : i32
    %lt3A_25 = arith.cmpi slt, %select_n3A_19, %lt3A_24 : i32
    %ne3A_26 = arith.xori %lt3A_23, %lt3A_25 : i1
    %and3A_27 = arith.andi %ne3A_26, %ne3A_22 : i1
    %add3A = arith.addi %rem3A_20, %select_n3A_19 : i32
    %select_n3A_28 = arith.select %and3A_27, %add3A, %rem3A_20 : i32
    %add3A_29 = arith.constant 125 : i32
    %add3A_30 = arith.addi %add3A_29, %select_n3A_28 : i32
    %c0_i32 = arith.constant 0 : i32
    %c0_i32_31 = arith.constant 0 : i32
    return %select_n3A, %add3A_30, %c0_i32 : i32, i32, i32
  }
  func.func @transform_18(%arg0: i32) -> (i32, i32, i32) {
    %jit3A = arith.constant 125 : i32
    %div3A = arith.divsi %arg0, %jit3A : i32
    %sign3A = arith.constant 0 : i32
    %sign3A_0 = arith.cmpi sgt, %arg0, %sign3A : i32
    %sign3A_1 = arith.extui %sign3A_0 : i1 to i32
    %sign3A_2 = arith.constant 0 : i32
    %sign3A_3 = arith.cmpi slt, %arg0, %sign3A_2 : i32
    %sign3A_4 = arith.extui %sign3A_3 : i1 to i32
    %sign3A_5 = arith.subi %sign3A_1, %sign3A_4 : i32
    %sign3A_6 = arith.constant 0 : i32
    %sign3A_7 = arith.cmpi sgt, %jit3A, %sign3A_6 : i32
    %sign3A_8 = arith.extui %sign3A_7 : i1 to i32
    %sign3A_9 = arith.constant 0 : i32
    %sign3A_10 = arith.cmpi slt, %jit3A, %sign3A_9 : i32
    %sign3A_11 = arith.extui %sign3A_10 : i1 to i32
    %sign3A_12 = arith.subi %sign3A_8, %sign3A_11 : i32
    %ne3A = arith.cmpi ne, %sign3A_5, %sign3A_12 : i32
    %rem3A = arith.remsi %arg0, %jit3A : i32
    %ne3A_13 = arith.constant 0 : i32
    %ne3A_14 = arith.cmpi ne, %rem3A, %ne3A_13 : i32
    %and3A = arith.andi %ne3A, %ne3A_14 : i1
    %sub3A = arith.constant 1 : i32
    %sub3A_15 = arith.subi %div3A, %sub3A : i32
    %select_n3A = arith.select %and3A, %sub3A_15, %div3A : i32
    %jit3A_16 = arith.constant 125 : i32
    %eq3A = arith.constant 0 : i32
    %eq3A_17 = arith.cmpi eq, %jit3A_16, %eq3A : i32
    %jit3A_18 = arith.constant 1 : i32
    %select_n3A_19 = arith.select %eq3A_17, %jit3A_18, %jit3A_16 : i32
    %rem3A_20 = arith.remsi %arg0, %select_n3A_19 : i32
    %ne3A_21 = arith.constant 0 : i32
    %ne3A_22 = arith.cmpi ne, %rem3A_20, %ne3A_21 : i32
    %lt3A = arith.constant 0 : i32
    %lt3A_23 = arith.cmpi slt, %rem3A_20, %lt3A : i32
    %lt3A_24 = arith.constant 0 : i32
    %lt3A_25 = arith.cmpi slt, %select_n3A_19, %lt3A_24 : i32
    %ne3A_26 = arith.xori %lt3A_23, %lt3A_25 : i1
    %and3A_27 = arith.andi %ne3A_26, %ne3A_22 : i1
    %add3A = arith.addi %rem3A_20, %select_n3A_19 : i32
    %select_n3A_28 = arith.select %and3A_27, %add3A, %rem3A_20 : i32
    %add3A_29 = arith.constant 250 : i32
    %add3A_30 = arith.addi %add3A_29, %select_n3A_28 : i32
    %c0_i32 = arith.constant 0 : i32
    %c0_i32_31 = arith.constant 0 : i32
    return %select_n3A, %add3A_30, %c0_i32 : i32, i32, i32
  }
  func.func @transform_19(%arg0: i32) -> (i32, i32, i32) {
    %c0_i32 = arith.constant 0 : i32
    %c0_i32_0 = arith.constant 0 : i32
    %c0_i32_1 = arith.constant 0 : i32
    %c0_i32_2 = arith.constant 0 : i32
    return %c0_i32, %c0_i32_0, %c0_i32_1 : i32, i32, i32
  }
  func.func @transform_20(%arg0: i32) -> (i32, i32) {
    %c0_i32 = arith.constant 0 : i32
    %c0_i32_0 = arith.constant 0 : i32
    %c0_i32_1 = arith.constant 0 : i32
    return %c0_i32, %c0_i32_0 : i32, i32
  }
  func.func @transform_21(%arg0: i32) -> (i32, i32) {
    %c0_i32 = arith.constant 0 : i32
    %c0_i32_0 = arith.constant 0 : i32
    return %arg0, %c0_i32 : i32, i32
  }
  func.func @transform_22(%arg0: i32) -> (i32, i32) {
    %c0_i32 = arith.constant 0 : i32
    %c0_i32_0 = arith.constant 0 : i32
    %c0_i32_1 = arith.constant 0 : i32
    return %c0_i32, %c0_i32_0 : i32, i32
  }
}

module attributes {stable_mosaic.version = 14 : i64} {
  func.func @body(%arg0: i32, %arg1: memref<200x64xf32, #tpu.memory_space<vmem>>, %arg2: memref<8x64xf32, #tpu.memory_space<vmem>>, %arg3: memref<8x64xf32, #tpu.memory_space<vmem>>, %arg4: memref<200x64xf32, #tpu.memory_space<vmem>>) attributes {dimension_semantics = [#tpu.dimension_semantics<arbitrary>], iteration_bounds = array<i64: 250>, scalar_prefetch = 0 : i64, scratch_operands = 0 : i64, tpu.core_type = #tpu.core_type<tc>, window_params = [{transform_indices = @transform_0, window_bounds = array<i64: 200, 64>}, {pipeline_mode = #tpu.pipeline_mode<synchronous>, transform_indices = @transform_1, window_bounds = array<i64: 8, 64>}, {pipeline_mode = #tpu.pipeline_mode<synchronous>, transform_indices = @transform_2, window_bounds = array<i64: 8, 64>}, {transform_indices = @transform_3, window_bounds = array<i64: 200, 64>}]} {
    %get3A = arith.constant 0 : index
    %get3A_0 = arith.constant 0 : index
    %get3A_1 = vector.load %arg1[%get3A, %get3A_0] : memref<200x64xf32, #tpu.memory_space<vmem>>, vector<200x64xf32>
    %get3A_2 = arith.constant 0 : index
    %get3A_3 = arith.constant 0 : index
    %get3A_4 = vector.load %arg2[%get3A_2, %get3A_3] : memref<8x64xf32, #tpu.memory_space<vmem>>, vector<1x64xf32>
    %get3A_5 = vector.shape_cast %get3A_4 : vector<1x64xf32> to vector<64xf32>
    %div3A = arith.constant 5.000000e+04 : f32
    %div3A_6 = vector.broadcast %div3A : f32 to vector<64xf32>
    %div3A_7 = arith.divf %get3A_5, %div3A_6 : vector<64xf32>
    %get3A_8 = arith.constant 1 : index
    %get3A_9 = arith.constant 0 : index
    %get3A_10 = vector.load %arg2[%get3A_8, %get3A_9] : memref<8x64xf32, #tpu.memory_space<vmem>>, vector<1x64xf32>
    %get3A_11 = vector.shape_cast %get3A_10 : vector<1x64xf32> to vector<64xf32>
    %div3A_12 = arith.constant 5.000000e+04 : f32
    %div3A_13 = vector.broadcast %div3A_12 : f32 to vector<64xf32>
    %div3A_14 = arith.divf %get3A_11, %div3A_13 : vector<64xf32>
    %mul3A = arith.mulf %div3A_7, %div3A_7 : vector<64xf32>
    %sub3A = arith.subf %div3A_14, %mul3A : vector<64xf32>
    %add3A = arith.constant 9.99999974E-6 : f32
    %add3A_15 = vector.broadcast %add3A : f32 to vector<64xf32>
    %add3A_16 = arith.addf %sub3A, %add3A_15 : vector<64xf32>
    %rsqrt3A = math.rsqrt %add3A_16 : vector<64xf32>
    %get3A_17 = arith.constant 0 : index
    %get3A_18 = arith.constant 0 : index
    %get3A_19 = vector.load %arg3[%get3A_17, %get3A_18] : memref<8x64xf32, #tpu.memory_space<vmem>>, vector<1x64xf32>
    %get3A_20 = vector.shape_cast %get3A_19 : vector<1x64xf32> to vector<64xf32>
    %broadcast_in_dim3A = vector.shape_cast %div3A_7 : vector<64xf32> to vector<1x64xf32>
    %sub3A_21 = vector.broadcast %broadcast_in_dim3A : vector<1x64xf32> to vector<200x64xf32>
    %sub3A_22 = arith.subf %get3A_1, %sub3A_21 : vector<200x64xf32>
    %broadcast_in_dim3A_23 = vector.shape_cast %get3A_20 : vector<64xf32> to vector<1x64xf32>
    %mul3A_24 = vector.broadcast %broadcast_in_dim3A_23 : vector<1x64xf32> to vector<200x64xf32>
    %mul3A_25 = arith.mulf %mul3A_24, %sub3A_22 : vector<200x64xf32>
    %broadcast_in_dim3A_26 = vector.shape_cast %rsqrt3A : vector<64xf32> to vector<1x64xf32>
    %mul3A_27 = vector.broadcast %broadcast_in_dim3A_26 : vector<1x64xf32> to vector<200x64xf32>
    %mul3A_28 = arith.mulf %mul3A_25, %mul3A_27 : vector<200x64xf32>
    %get3A_29 = arith.constant 1 : index
    %get3A_30 = arith.constant 0 : index
    %get3A_31 = vector.load %arg3[%get3A_29, %get3A_30] : memref<8x64xf32, #tpu.memory_space<vmem>>, vector<1x64xf32>
    %get3A_32 = vector.shape_cast %get3A_31 : vector<1x64xf32> to vector<64xf32>
    %broadcast_in_dim3A_33 = vector.shape_cast %get3A_32 : vector<64xf32> to vector<1x64xf32>
    %add3A_34 = vector.broadcast %broadcast_in_dim3A_33 : vector<1x64xf32> to vector<200x64xf32>
    %add3A_35 = arith.addf %mul3A_28, %add3A_34 : vector<200x64xf32>
    %max3A = arith.constant 0.000000e+00 : f32
    %max3A_36 = vector.broadcast %max3A : f32 to vector<200x64xf32>
    %max3A_37 = arith.maximumf %add3A_35, %max3A_36 : vector<200x64xf32>
    %swap3A = arith.constant 0 : index
    %swap3A_38 = arith.constant 0 : index
    %swap3A_39 = vector.load %arg4[%swap3A, %swap3A_38] : memref<200x64xf32, #tpu.memory_space<vmem>>, vector<200x64xf32>
    tpu.vector_store %arg4[%swap3A, %swap3A_38], %max3A_37 {strides = array<i32>} : memref<200x64xf32, #tpu.memory_space<vmem>>, vector<200x64xf32>,
    return
  }
  func.func @transform_0(%arg0: i32) -> (i32, i32) {
    %c0_i32 = arith.constant 0 : i32
    %c0_i32_0 = arith.constant 0 : i32
    return %arg0, %c0_i32 : i32, i32
  }
  func.func @transform_1(%arg0: i32) -> (i32, i32) {
    %c0_i32 = arith.constant 0 : i32
    %c0_i32_0 = arith.constant 0 : i32
    %c0_i32_1 = arith.constant 0 : i32
    return %c0_i32, %c0_i32_0 : i32, i32
  }
  func.func @transform_2(%arg0: i32) -> (i32, i32) {
    %c0_i32 = arith.constant 0 : i32
    %c0_i32_0 = arith.constant 0 : i32
    %c0_i32_1 = arith.constant 0 : i32
    return %c0_i32, %c0_i32_0 : i32, i32
  }
  func.func @transform_3(%arg0: i32) -> (i32, i32) {
    %c0_i32 = arith.constant 0 : i32
    %c0_i32_0 = arith.constant 0 : i32
    return %arg0, %c0_i32 : i32, i32
  }
}

module attributes {stable_mosaic.version = 14 : i64} {
  func.func @body(%arg0: memref<2048x64xf32, #tpu.memory_space<vmem>>, %arg1: memref<2048x64xf32, #tpu.memory_space<vmem>>, %arg2: memref<2048x16xf32, #tpu.memory_space<vmem>>, %arg3: memref<2048x16xf32, #tpu.memory_space<vmem>>, %arg4: memref<64x16xf32, #tpu.memory_space<vmem>>, %arg5: memref<8x16xf32, #tpu.memory_space<vmem>>, %arg6: memref<2048x16xf32, #tpu.memory_space<vmem>>) attributes {dimension_semantics = [], scalar_prefetch = 0 : i64, scratch_operands = 0 : i64, tpu.core_type = #tpu.core_type<tc>} {
    %get3A = arith.constant 0 : index
    %get3A_0 = arith.constant 0 : index
    %get3A_1 = vector.load %arg0[%get3A, %get3A_0] : memref<2048x64xf32, #tpu.memory_space<vmem>>, vector<2048x64xf32>
    %get3A_2 = arith.constant 0 : index
    %get3A_3 = arith.constant 0 : index
    %get3A_4 = vector.load %arg1[%get3A_2, %get3A_3] : memref<2048x64xf32, #tpu.memory_space<vmem>>, vector<2048x64xf32>
    %add3A = arith.addf %get3A_1, %get3A_4 : vector<2048x64xf32>
    %get3A_5 = arith.constant 0 : index
    %get3A_6 = arith.constant 0 : index
    %get3A_7 = vector.load %arg2[%get3A_5, %get3A_6] : memref<2048x16xf32, #tpu.memory_space<vmem>>, vector<2048x16xf32>
    %slice3A = vector.extract_strided_slice %get3A_7 {offsets = [0, 0], sizes = [2048, 1], strides = [1, 1]} : vector<2048x16xf32> to vector<2048x1xf32>
    %get3A_8 = arith.constant 0 : index
    %get3A_9 = arith.constant 0 : index
    %get3A_10 = vector.load %arg3[%get3A_8, %get3A_9] : memref<2048x16xf32, #tpu.memory_space<vmem>>, vector<2048x16xf32>
    %slice3A_11 = vector.extract_strided_slice %get3A_10 {offsets = [0, 0], sizes = [2048, 1], strides = [1, 1]} : vector<2048x16xf32> to vector<2048x1xf32>
    %add3A_12 = arith.addf %slice3A, %slice3A_11 : vector<2048x1xf32>
    %max3A = arith.constant 1.000000e+00 : f32
    %max3A_13 = vector.broadcast %max3A : f32 to vector<2048x1xf32>
    %max3A_14 = arith.maximumf %add3A_12, %max3A_13 : vector<2048x1xf32>
    %div3A = vector.broadcast %max3A_14 : vector<2048x1xf32> to vector<2048x64xf32>
    %div3A_15 = arith.divf %add3A, %div3A : vector<2048x64xf32>
    %get3A_16 = arith.constant 0 : index
    %get3A_17 = arith.constant 0 : index
    %get3A_18 = vector.load %arg4[%get3A_16, %get3A_17] : memref<64x16xf32, #tpu.memory_space<vmem>>, vector<64x16xf32>
    %dot_general3A = arith.constant dense<0.000000e+00> : vector<2048x16xf32>
    %dot_general3A_19 = tpu.matmul %div3A_15, %get3A_18, %dot_general3A {dimension_numbers = #tpu.dot_dimension_numbers<[1], [0], [0], [1], [0, 0, 1, 1], [], []>, transpose_lhs_hint = false} : vector<2048x64xf32>, vector<64x16xf32>, vector<2048x16xf32> -> vector<2048x16xf32>
    %get3A_20 = arith.constant 0 : index
    %get3A_21 = arith.constant 0 : index
    %get3A_22 = vector.load %arg5[%get3A_20, %get3A_21] : memref<8x16xf32, #tpu.memory_space<vmem>>, vector<1x16xf32>
    %add3A_23 = vector.broadcast %get3A_22 : vector<1x16xf32> to vector<2048x16xf32>
    %add3A_24 = arith.addf %dot_general3A_19, %add3A_23 : vector<2048x16xf32>
    %swap3A = arith.constant 0 : index
    %swap3A_25 = arith.constant 0 : index
    %swap3A_26 = vector.load %arg6[%swap3A, %swap3A_25] : memref<2048x16xf32, #tpu.memory_space<vmem>>, vector<2048x16xf32>
    tpu.vector_store %arg6[%swap3A, %swap3A_25], %add3A_24 {strides = array<i32>} : memref<2048x16xf32, #tpu.memory_space<vmem>>, vector<2048x16xf32>,
    return
  }
}

</mosaic_0001>

<sc_bundles>
// kernel: kernel.16.cloned.1.call-start
scs
__scs_entry_jumppad:
0x0: {  	(pc) =	sbr.rel $0x88, $3  }
0x1: {  	(tag) =	ssettag $0x0;
	lr =	simm.s32 $0x1  }
0x2: {  	[smem:$0x3F90] =	sst lr;
	_ =	strace $0xD0000000  }
0x3: {  	_ = 	snop  }
0x4: {  	_ = 	snop  }
0x5: {  	_ = 	snop  }
0x6: {  	_ = 	snop  }
0x7: {  	_ = 	snop  }
__scs_overlays_trampoline_lowered:
0x8: {  	[smem:$0x3F9F] =	sst s0  }
0x9: {  	[smem:$0x3FA0] =	sst s1  }
0xa: {  	[smem:$0x3FA1] =	sst s2  }
0xb: {  	[smem:$0x3FA2] =	sst s3  }
0xc: {  	[smem:$0x3FA3] =	sst s4  }
0xd: {  	[smem:$0x3FA4] =	sst s5  }
0xe: {  	[smem:$0x3FA5] =	sst s6  }
0xf: {  	[smem:$0x3FA6] =	sst s7  }
0x10: {  	[smem:$0x3FA7] =	sst s8  }
0x11: {  	[smem:$0x3FA8] =	sst s9;
	s0 =	simm.s32 @!p0 $0x0  }
0x12: {  	s1 =	sld [smem:$0x3F8E];
	s0 =	simm.s32 @p0 $0x1  }
0x13: {  	[smem:$0x3FA9] =	sst s0;
	s0 =	simm.s32 @!p1 $0x0  }
0x14: {  	s2 =	sld [smem:$0x3F8D];
	s0 =	simm.s32 @p1 $0x1  }
0x15: {  	[smem:$0x3FAA] =	sst s0;
	s0 =	simm.s32 @!p2 $0x0  }
0x16: {  	s3 =	sld [smem:$0x3FDB];
	s0 =	simm.s32 @p2 $0x1  }
0x17: {  	s4 =	simm.s32 $0x1BF5;
	[smem:$0x3FAC] =	sst s0  }
0x18: {  	s0 =	sld [smem:$0x3F8F];
	_ =	swait.ge [sflag:s4], $0x0  }
0x19: {  	s7 =	sld [smem:$0x3F90]  }
0x1a: {  	s8 =	sadd.s32 $0xFFFFE003, lr  }
0x1b: {  	s9 =	sadd.s32 $0xFFFFFEF7, lr;
	s5 =	simm.s32 $0xFFFFFFFF;
	p2 =	slt.u32 s8, $0xFFFFF086  }
0x1c: {  	p1 =	slt.u32 s9, $0xF7A;
	s5 =	simm.s32 @!p2 $0x0  }
0x1d: {  	s5 =	simm.s32 @p1 $0x1;
	p0 =	seq.s32 s7, s2  }
0x1e: {  	s7 =	smul.u32 @!p0 $0xF7A, s2;
	p2 =	seq.s32 @!p0 s5, $0x0  }
0x1f: {  	s9 =	smul.u32 $0xF7A, s1;
	s8 =	simm.s32 @!p0 $0x1BF5;
	p2 =	por !p2, p0  }
0x20: {  	[sflag:s8] =	ssyncset.s32 @!p0 $0xFFFFF086;
	s6 =	sadd.s32 @!p0 s3, s7;
	s7 =	simm.s32 @!p0 $0x108  }
0x21: {  	s3 =	sadd.s32 s3, s9;
	s6 =	sadd.s32 @!p0 $0x88, s6;
	s7 =	simm.s32 @p2 $0x1082  }
0x22: {  	[simem:s7], [sflag:s8] =	dma.local @!p0 [hbm:s6], $0xF7A  }
0x23: {  	s9 =	sor.u32 $0xD0000000, s2;
	s6 =	simm.s32 $0x108;
	_ =	swait.ge @!p0 [sflag:s8], $0x0  }
0x24: {  	s3 =	sadd.s32 $0x88, s3;
	s6 =	simm.s32 @!p1 $0x1082;
	[sflag:s4] =	ssyncset.s32 $0xFFFFF086  }
0x25: {  	[simem:s6], [sflag:s4] =	dma.local [hbm:s3], $0xF7A  }
0x26: {  	[smem:$0x3F90] =	sst s1;
	(tag) =	ssettag s2;
	_ =	strace s9  }
0x27: {  	s1 =	sld [smem:$0x3FA0]  }
0x28: {  	s2 =	sld [smem:$0x3FA1]  }
0x29: {  	s4 =	sld [smem:$0x3FA3]  }
0x2a: {  	p0 =	seq.s32 s5, $0x0;
	s5 =	sld [smem:$0x3FA4]  }
0x2b: {  	s6 =	sld [smem:$0x3FA5]  }
0x2c: {  	s7 =	sld [smem:$0x3FA6]  }
0x2d: {  	s3 =	simm.s32 $0x108;
	s8 =	sld [smem:$0x3FA7]  }
0x2e: {  	s3 =	simm.s32 @!p0 $0x1082;
	s9 =	sld [smem:$0x3FA8]  }
0x2f: {  	lr =	sadd.s32 s0, s3;
	s0 =	sld [smem:$0x3F9F]  }
0x30: {  	s3 =	sld [smem:$0x3FA2]  }
0x31: {  	[smem:$0x3FAB] =	sst s10  }
0x32: {  	s10 =	sld [smem:$0x3FA9];
	_ =	sdelay $0x3  }
0x33: {  	p0 =	seq.s32 s10, $0x1;
	s10 =	sld [smem:$0x3FAB];
	_ =	sdelay $0x3  }
0x34: {  	[smem:$0x3FAB] =	sst s10  }
0x35: {  	s10 =	sld [smem:$0x3FAA];
	_ =	sdelay $0x3  }
0x36: {  	p1 =	seq.s32 s10, $0x1;
	s10 =	sld [smem:$0x3FAB];
	_ =	sdelay $0x3  }
0x37: {  	[smem:$0x3FAB] =	sst s10  }
0x38: {  	s10 =	sld [smem:$0x3FAC]  }
0x39: {  	_ = 	snop;
	(pc) =	sbr.ind lr, $3  }
0x3a: {  	_ = 	snop  }
0x3b: {  	_ = 	snop  }
0x3c: {  	p2 =	seq.s32 s10, $0x1;
	s10 =	sld [smem:$0x3FAB]  }
0x3d: {  	_ =	shalt  }
0x3e: {  	_ =	shalt  }
0x3f: {  	_ =	shalt  }
0x40: {  	_ =	shalt  }
0x41: {  	_ =	shalt  }
0x42: {  	_ =	shalt  }
0x43: {  	_ =	shalt  }
0x44: {  	_ =	shalt  }
0x45: {  	_ =	shalt  }
0x46: {  	_ =	shalt  }
0x47: {  	_ =	shalt  }
0x48: {  	_ =	shalt  }
0x49: {  	_ =	shalt  }
0x4a: {  	_ =	shalt  }
0x4b: {  	_ =	shalt  }
0x4c: {  	_ =	shalt  }
0x4d: {  	_ =	shalt  }
0x4e: {  	_ =	shalt  }
0x4f: {  	_ =	shalt  }
0x50: {  	_ =	shalt  }
0x51: {  	_ =	shalt  }
0x52: {  	_ =	shalt  }
0x53: {  	_ =	shalt  }
0x54: {  	_ =	shalt  }
0x55: {  	_ =	shalt  }
0x56: {  	_ =	shalt  }
0x57: {  	_ =	shalt  }
0x58: {  	_ =	shalt  }
0x59: {  	_ =	shalt  }
0x5a: {  	_ =	shalt  }
0x5b: {  	_ =	shalt  }
0x5c: {  	_ =	shalt  }
0x5d: {  	_ =	shalt  }
0x5e: {  	_ =	shalt  }
0x5f: {  	_ =	shalt  }
0x60: {  	_ =	shalt  }
0x61: {  	_ =	shalt  }
0x62: {  	_ =	shalt  }
0x63: {  	_ =	shalt  }
0x64: {  	_ =	shalt  }
0x65: {  	_ =	shalt  }
0x66: {  	_ =	shalt  }
0x67: {  	_ =	shalt  }
0x68: {  	_ =	shalt  }
0x69: {  	_ =	shalt  }
0x6a: {  	_ =	shalt  }
0x6b: {  	_ =	shalt  }
0x6c: {  	_ =	shalt  }
0x6d: {  	_ =	shalt  }
0x6e: {  	_ =	shalt  }
0x6f: {  	_ =	shalt  }
0x70: {  	_ =	shalt  }
0x71: {  	_ =	shalt  }
0x72: {  	_ =	shalt  }
0x73: {  	_ =	shalt  }
0x74: {  	_ =	shalt  }
0x75: {  	_ =	shalt  }
0x76: {  	_ =	shalt  }
0x77: {  	_ =	shalt  }
0x78: {  	_ =	shalt  }
0x79: {  	_ =	shalt  }
0x7a: {  	_ =	shalt  }
0x7b: {  	_ =	shalt  }
0x7c: {  	_ =	shalt  }
0x7d: {  	_ =	shalt  }
0x7e: {  	_ =	shalt  }
0x7f: {  	_ =	shalt  }
0x80: {  	_ =	shalt  }
0x81: {  	_ =	shalt  }
0x82: {  	_ =	shalt  }
0x83: {  	_ =	shalt  }
0x84: {  	_ =	shalt  }
0x85: {  	_ =	shalt  }
0x86: {  	_ =	shalt  }
0x87: {  	_ =	shalt  }
.Lfunc_end0:
.L_simem_size_0:
called_computation_lowered:
.L_overlay_start_0:
0x88: {  	s2 =	sld [smem:$0x3FD9]  }
0x89: {  	s3 =	sld [smem:$0x3FFE];
	_ =	sdelay $0x1  }
0x8a: {  	s1 =	srdreg.scid  }
0x8b: {  	s0 =	sand.u32 $0x1, s1  }
0x8c: {  	s17 =	sshll.u32 s0, $0xA;
	s2 =	sadd.s32 s3, s2  }
0x8d: {  	s2 =	sadd.s32 s2, s17  }
0x8e: {  	[smem:$0x3FB7] =	sst s2  }
0x8f: {  	_ = 	snop  }
0x90: {  	(tm) =	ssettm $0x1  }
0x91: {  	s18 =	sld [smem:$0x3FFB];
	_ =	sdelay $0x3  }
0x92: {  	_ =	strace s18  }
0x93: {  	s2 =	sld [smem:$0x3FFC];
	_ =	sdelay $0x3  }
0x94: {  	_ =	strace s2  }
0x95: {  	s2 =	sld [smem:$0x3FFD];
	_ =	sdelay $0x3  }
0x96: {  	_ =	strace s2  }
0x97: {  	_ =	strace $0x8FFFFFFF  }
0x98: {  	s19 =	sld [smem:$0x3FDB];
	_ =	sdelay $0x1  }
0x99: {  	s20 =	simm.s32 $_scs_section_size  }
0x9a: {  	s4 =	simm.s32 $_size__tile_overlayer_lowered;
	s5 =	simm.s32 $_tile_overlayer_lowered  }
0x9b: {  	s6 =	simm.s32 $0x1BFF;
	s21 =	sshll.u32 s5, $0x1;
	s3 =	sadd.s32 s20, s19  }
0x9c: {  	s22 =	simm.s32 $0x0;
	s4 =	sshll.u32 s4, $0x1;
	s5 =	sadd.s32 s21, s3  }
0x9d: {  	[timem:s22], [sflag:s6] =	dma.local [hbm:s5], s4  }
0x9e: {  	_ =	swait.ge [sflag:s6], s4  }
0x9f: {  	s4 =	ssub.s32 $0x0, s4;
	[sflag:s6] =	ssyncset.done $0x0  }
0xa0: {  	[sflag:s6] =	ssyncadd.s32 s4;
	_ =	sdelay $0x1  }
0xa1: {  	s23 =	simm.s32 $0x1B8B  }
0xa2: {  	_ =	swait.ge [sflag:s23], $0x1  }
0xa3: {  	[sflag:s23] =	ssyncset.done $0x0  }
0xa4: {  	[sflag:s23] =	ssyncadd.s32 $0xFFFFFFFF  }
0xa5: {  	s4 =	sld [smem:$0x0]  }
0xa6: {  	s5 =	sand.u32 $0xFFFFFFFE, s1  }
0xa7: {  	p0 =	sne.s32 s1, s5  }
0xa8: {  	s5 =	sshll.u32 @p0 s5, $0xE  }
0xa9: {  	s5 =	sadd.s32 @p0 $0x11B8D, s5;
	s6 =	sshll.u32 @p0 s4, $0x11  }
0xaa: {  	s5 =	sor.u32 @p0 s6, s5  }
0xab: {  	[sflag:s5] =	ssyncadd.remote.s32 @p0 $0x1;
	_ =	sdelay $0x1  }
0xac: {  	s5 =	simm.s32 @p0 $0x1B8D  }
0xad: {  	_ =	swait.eq @p0 [sflag:s5], $0x1  }
0xae: {  	[sflag:s5] =	ssyncadd.s32 @p0 $0xFFFFFFFF  }
0xaf: {  	s6 =	sshll.u32 @!p0 s1, $0xE  }
0xb0: {  	s6 =	sor.u32 @!p0 $0x4000, s6;
	s5 =	simm.s32 @!p0 $0x1B8D  }
0xb1: {  	s4 =	sshll.u32 @!p0 s4, $0x11;
	s6 =	sadd.s32 @!p0 $0x11B8D, s6;
	_ =	swait.eq @!p0 [sflag:s5], $0x1  }
0xb2: {  	s4 =	sor.u32 @!p0 s4, s6;
	[sflag:s5] =	ssyncadd.s32 @!p0 $0xFFFFFFFF  }
0xb3: {  	s25 =	simm.s32 $0x1B8E;
	s24 =	sld [smem:$0x3FFE];
	[sflag:s4] =	ssyncadd.remote.s32 @!p0 $0x1  }
0xb4: {  	s26 =	simm.s32 $execute0_lowered;
	[smem:$0x3FD2] =	sst s25  }
0xb5: {  	s5 =	sshll.u32 s26, $0x1;
	_ =	strace $0x8000004C;
	[dreg:$0x1] =	wrdreg $0xFFFFFFFF  }
0xb6: {  	s28 =	simm.s32 $_size_execute0_lowered;
	s3 =	sadd.s32 s3, s5;
	[dreg:$0x0] =	wrdreg $0x0  }
0xb7: {  	s5 =	sshll.u32 s28, $0x1;
	[dreg:$0x2] =	wrdreg s3  }
0xb8: {  	[dreg:$0x3] =	wrdreg s5  }
0xb9: {  	[dreg:$0x4] =	wrdreg $0xC0  }
0xba: {  	_ =	task [dreg:s22], $0x5FFFF  }
0xbb: {  	[dreg:$0x1] =	wrdreg $0xFFFFFFFF  }
0xbc: {  	[dreg:$0x0] =	wrdreg $0x60  }
0xbd: {  	[dreg:$0x2] =	wrdreg s24  }
0xbe: {  	[dreg:$0x3] =	wrdreg $0x90000  }
0xbf: {  	[dreg:$0x4] =	wrdreg $0x9  }
0xc0: {  	_ =	task.clear_ibuf [dreg:s22], $0x5FFFF;
	_ =	strace $0x9000004C  }
0xc1: {  	s29 =	simm.s32 $0x9;
	_ =	strace $0x8000004E  }
0xc2: {  	_ =	swait.ge [sflag:s29], $0x1  }
0xc3: {  	[sflag:s29] =	ssyncadd.s32 $0xFFFFFFFF  }
0xc4: {  	_ =	strace $0x9000004E  }
0xc5: {  	_ =	sfence  }
0xc6: {  	s30 =	sld [smem:$0x0];
	_ =	sdelay $0x2  }
0xc7: {  	s31 =	sshll.u32 s1, $0xD;
	s1 =	sshrl.u32 s1, $0x2  }
0xc8: {  	s4 =	sand.u32 $0x4000, s31;
	s1 =	sadd.s32 s1, s30  }
0xc9: {  	s0 =	sor.u32 s4, s0;
	s1 =	sshll.u32 s1, $0x11  }
0xca: {  	s0 =	sor.u32 s1, s0  }
0xcb: {  	s0 =	sadd.s32 $0x8F2B, s0  }
0xcc: {  	[sflag:s0] =	ssyncadd.remote.s32 $0x1  }
0xcd: {  	_ =	sfence.sel $0xFFFF  }
0xce: {  	[dreg:$0x0] =	wrdreg $0xFFFFFFFF;
	(pc) =	sbr.abs _section_cstart, $3  }
0xcf: {  	[dreg:$0x1] =	wrdreg $0xFFFFFFFF  }
0xd0: {  	_ =	task.clear_ibuf [dreg:s22], $0x2FFFF;
	_ =	strace $0x9FFFFFFF  }
0xd1: {  	(tm) =	ssettm $0x7FFFFFFF  }
tec
execute0_lowered:
.L_overlay_start_1:
0x0: {  	(tag) =	ssettag $0x1  }
0x1: {  	s4 =	rddreg [dreg:$0x0];
	s2 =	stileid.u32  }
0x2: {  	s0 =	srdreg.scid;
	s8 =	smul.u32 $0x49400, s2  }
0x3: {  	s1 =	rddreg [dreg:$0x1];
	s3 =	simm.s32 $0x0;
	s9 =	smul.u32 $0x12500, s2  }
0x4: {  	s5 =	sand.u32 $0x1, s0;
	s0 =	rddreg [dreg:$0x2];
	s11 =	smul.u32 $0x1900, s2  }
0x5: {  	s15 =	simm.s32 $0x0;
	[smem:$0x7FF] =	sst s3;
	s6 =	smul.u32 $0x19000, s5  }
0x6: {  	s31 =	sshll.u32 s2, $0x6;
	s7 =	smul.u32 $0x24A00, s5;
	s5 =	ssub.s32 $0x2, s5  }
0x7: {  	_ =	strace $0x8000004D;
	s29 =	sshrl.u32 s8, $0x2;
	s30 =	sshrl.u32 s5, $0x1  }
0x8: {  	s13 =	sshrl.u32 s9, $0x3;
	s14 =	sadd.s32 s9, s1;
	s6 =	sadd.s32 s6, s4  }
0x9: {  	s7 =	sadd.s32 s7, s4;
	s4 =	sadd.s32 s29, s1;
	s8 =	ssub.s32 s5, s30  }
0xa: {  	s14 =	sshrl.u32 s14, $0x3;
	s5 =	sadd.s32 $0x12000, s4;
	s10 =	sadd.s32 $0xBE00, s6  }
0xb: {  	s12 =	sadd.s32 $0x2D1400, s7;
	s6 =	smax.u32 s8, $0x1;
	s7 =	simm.s32 $0x8800  }
0xc: {  	s8 =	simm.s32 $0x2;
	s9 =	sadd.s32 s10, s11;
	s10 =	simm.s32 $0x800  }
0xd: {  	v0 =	vimm.f32 $0.0e+00;
	v1 =	vimm.f32 $1.000000000e+00;
	s11 =	simm.s32 $0x1;
	s12 =	sadd.s32 s13, s12;
	s13 =	sor.u32 $0x1C02, s31  }
.LBB2_1:
0xe: {  	s16 =	simm.s32 $0x0  }
.LBB2_2:
0xf: {  	p0 =	sne.s32 s16, $0x1FC0  }
.Ltmp0:
0x10: {  	_ = 	snop;
	(pc) =	sbr.rel @p0 .LBB2_2-.Ltmp0, $3  }
0x11: {  	_ =	sdelay $0x1  }
0x12: {  	s17 =	sshra.s32 s16, $0x2  }
0x13: {  	s16 =	sadd.s32 $0x40, s16;
	[tilespmem:s17+$0x8800] =	vst v0  }
0x14: {  	s16 =	sadd.s32 $0x0, s4  }
0x15: {  	[spmem:s16] =	stream.linear.scatter [tilespmem:s7], [sflag:$0x2], $0x800, $0x38;
	[tilespmem:$0x1B500] =	vst v63  }
0x16: {  	s16 =	simm.s32 $0x2000;
	_ =	swait.ge [sflag:s8], $0x800  }
.LBB2_4:
0x17: {  	s17 =	sshra.s32 s16, $0x2;
	[sflag:s8] =	ssyncset.done $0x0;
	p0 =	sne.s32 s16, $0x46000  }
.Ltmp1:
0x18: {  	s17 =	sadd.s32 s17, s4;
	[sflag:s8] =	ssyncadd.s32 $0xFFFFF800;
	(pc) =	sbr.rel @p0 .LBB2_4-.Ltmp1, $3  }
0x19: {  	[spmem:s17] =	stream.linear.scatter [tilespmem:s7], [sflag:$0x2], $0x800, $0x38;
	[tilespmem:$0x1B500] =	vst v63  }
0x1a: {  	s16 =	sadd.s32 $0x2000, s16;
	_ =	sdelay $0x1  }
0x1b: {  	_ =	swait.ge [sflag:s8], $0x800  }
0x1c: {  	[sflag:s8] =	ssyncset.done $0x0  }
0x1d: {  	[sflag:s8] =	ssyncadd.s32 $0xFFFFF800  }
0x1e: {  	[spmem:s5] =	stream.linear.scatter [tilespmem:s7], [sflag:$0x2], $0x500, $0x38;
	[tilespmem:$0x1B500] =	vst v63  }
0x1f: {  	_ =	swait.ge [sflag:s8], $0x500  }
0x20: {  	[sflag:s8] =	ssyncset.done $0x0  }
0x21: {  	s16 =	simm.s32 $0x40;
	s17 =	simm.s32 $0x0;
	[sflag:s8] =	ssyncadd.s32 $0xFFFFFB00  }
.LBB2_6:
0x22: {  	p0 =	sne.s32 s16, $0x1FFC0;
	[tilespmem:s17+$0x800] =	vst v1;
	s17 =	smov.u32 s16;
	s16 =	sadd.s32 $0x40, s16  }
.Ltmp2:
0x23: {  	(pc) =	sbr.rel @p0 .LBB2_6-.Ltmp2, $2  }
0x24: {  	_ =	sdelay $0x2  }
0x25: {  	s17 =	sshra.s32 s17, $0x2  }
0x26: {  	[tilespmem:s17+$0x800] =	vst v1  }
0x27: {  	s16 =	sadd.s32 $0x0, s9;
	[bflag:$0x0] =	sbarrier.arrive $0xFFFF  }
0x28: {  	[tilespmem:s3], [sflag:$0x2] =	stream.linear.gather [hbm4b:s16+s3], $0x800, $0x38;
	[tilespmem:$0x1B500] =	vst v63  }
0x29: {  	_ =	swait.ge [sflag:s8], $0x800  }
0x2a: {  	[sflag:s8] =	ssyncset.done $0x0  }
0x2b: {  	[sflag:s8] =	ssyncadd.s32 $0xFFFFF800  }
0x2c: {  	[spmem:s1] =	stream.indirect.scatter.add.f32 [tilespmem:s10], [sflag:$0x1], $0x10, s3, s10, $0xb8;
	[tilespmem:$0x1B500] =	vst v63  }
0x2d: {  	_ =	swait.ge [sflag:s11], $0x8000  }
0x2e: {  	s17 =	simm.s32 $0x200;
	s16 =	simm.s32 $0x100;
	[sflag:s11] =	ssyncset.done $0x0  }
.LBB2_8:
0x2f: {  	s18 =	sadd.s32 s16, s9  }
0x30: {  	[sflag:s11] =	ssyncadd.s32 $0xFFFF8000;
	s16 =	smov.u32 s17;
	s19 =	sadd.s32 $0x100, s17  }
0x31: {  	[tilespmem:s3], [sflag:$0x2] =	stream.linear.gather [hbm4b:s18+s3], $0x800, $0x38;
	[tilespmem:$0x1B500] =	vst v63  }
0x32: {  	p0 =	sne.s32 s17, $0x1800;
	_ =	swait.ge [sflag:s8], $0x800  }
.Ltmp3:
0x33: {  	[sflag:s8] =	ssyncset.done $0x0;
	(pc) =	sbr.rel @p0 .LBB2_8-.Ltmp3, $4  }
0x34: {  	[sflag:s8] =	ssyncadd.s32 $0xFFFFF800  }
0x35: {  	[spmem:s1] =	stream.indirect.scatter.add.f32 [tilespmem:s10], [sflag:$0x1], $0x10, s3, s10, $0xb8;
	[tilespmem:$0x1B500] =	vst v63  }
0x36: {  	_ =	swait.ge [sflag:s11], $0x8000  }
0x37: {  	s17 =	smov.u32 s19;
	[sflag:s11] =	ssyncset.done $0x0  }
0x38: {  	s16 =	sadd.s32 s16, s9;
	[sflag:s11] =	ssyncadd.s32 $0xFFFF8000  }
0x39: {  	[tilespmem:s3], [sflag:$0x2] =	stream.linear.gather [hbm4b:s16+s3], $0x800, $0x38;
	[tilespmem:$0x1B500] =	vst v63  }
0x3a: {  	_ =	swait.ge [sflag:s8], $0x800  }
0x3b: {  	[sflag:s8] =	ssyncset.done $0x0  }
0x3c: {  	[sflag:s8] =	ssyncadd.s32 $0xFFFFF800  }
0x3d: {  	[spmem:s1] =	stream.indirect.scatter.add.f32 [tilespmem:s10], [sflag:$0x1], $0x10, s3, s10, $0xb8;
	[tilespmem:$0x1B500] =	vst v63  }
0x3e: {  	_ =	swait.ge [sflag:s11], $0x8000  }
0x3f: {  	s15 =	sadd.s32 $0x1, s15;
	[sflag:s11] =	ssyncset.done $0x0  }
0x40: {  	p0 =	sne.s32 s15, s6;
	[sflag:s11] =	ssyncadd.s32 $0xFFFF8000  }
.Ltmp4:
0x41: {  	[bflag:$0x0] =	sbarrier.arrive $0xFFFF;
	(pc) =	sbr.rel @p0 .LBB2_1-.Ltmp4, $4  }
0x42: {  	[hbm:s12], [sflag:s13] =	dma.local [spmem:s14], $0x24A0  }
0x43: {  	_ =	swait.ge [sflag:s8], $0x24A0  }
0x44: {  	[sflag:s8] =	ssyncset.done $0x0  }
0x45: {  	[sflag:s8] =	ssyncadd.s32 $0xFFFFDB60  }
0x46: {  	_ =	sfence.sel $0x180000  }
0x47: {  	[bflag:$0x0] =	sbarrier.arrive $0xFFFF  }
0x48: {  	p0 =	sne.s32 s2, $0x0;
	_ =	strace $0x9000004D  }
0x49: {  	s0 =	sadd.s32 @!p0 $0x100000, s0;
	[bflag:$0x2] =	sbarrier.arrive $0xFFFF  }
0x4a: {  	[sflag:s0] =	ssyncadd.tile.s32 @!p0 $0x1;
	_ =	shalt  }
.Lfunc_end2:
_tile_overlayer_lowered:
.L_overlay_start_2:
0x4b: {  	(tag) =	ssettag $0x2  }
0x4c: {  	s0 =	rddreg [dreg:$0x0];
	s2 =	stileid.u32  }
0x4d: {  	s1 =	rddreg [dreg:$0x1];
	p0 =	sne.s32 s2, $0x0  }
0x4e: {  	s3 =	rddreg [dreg:$0x2];
	[bflag:$0x3] =	sbarrier.arrive $0xFFFF;
	s2 =	simm.s32 @!p0 $0x1C02  }
0x4f: {  	[timem:s3], [sflag:s2] =	dma.local @!p0 [hbm:s0], s1  }
0x50: {  	s0 =	simm.s32 @!p0 $0x2  }
0x51: {  	_ =	swait.ge @!p0 [sflag:s0], s1  }
0x52: {  	s1 =	ssub.s32 @!p0 $0x0, s1;
	[sflag:s0] =	ssyncset.done @!p0 $0x0  }
0x53: {  	[sflag:s0] =	ssyncadd.s32 @!p0 s1  }
0x54: {  	[bflag:$0x3] =	sbarrier.arrive $0xFFFF  }
0x55: {  	_ =	shalt  }

// kernel: kernel.19.cloned.1.call-start
scs
__scs_entry_jumppad:
0x0: {  	(pc) =	sbr.rel $0x88, $3  }
0x1: {  	(tag) =	ssettag $0x0;
	lr =	simm.s32 $0x1  }
0x2: {  	[smem:$0x3F90] =	sst lr;
	_ =	strace $0xD0000000  }
0x3: {  	_ = 	snop  }
0x4: {  	_ = 	snop  }
0x5: {  	_ = 	snop  }
0x6: {  	_ = 	snop  }
0x7: {  	_ = 	snop  }
__scs_overlays_trampoline_lowered:
0x8: {  	[smem:$0x3F9F] =	sst s0  }
0x9: {  	[smem:$0x3FA0] =	sst s1  }
0xa: {  	[smem:$0x3FA1] =	sst s2  }
0xb: {  	[smem:$0x3FA2] =	sst s3  }
0xc: {  	[smem:$0x3FA3] =	sst s4  }
0xd: {  	[smem:$0x3FA4] =	sst s5  }
0xe: {  	[smem:$0x3FA5] =	sst s6  }
0xf: {  	[smem:$0x3FA6] =	sst s7  }
0x10: {  	[smem:$0x3FA7] =	sst s8  }
0x11: {  	[smem:$0x3FA8] =	sst s9;
	s0 =	simm.s32 @!p0 $0x0  }
0x12: {  	s1 =	sld [smem:$0x3F8E];
	s0 =	simm.s32 @p0 $0x1  }
0x13: {  	[smem:$0x3FA9] =	sst s0;
	s0 =	simm.s32 @!p1 $0x0  }
0x14: {  	s2 =	sld [smem:$0x3F8D];
	s0 =	simm.s32 @p1 $0x1  }
0x15: {  	[smem:$0x3FAA] =	sst s0;
	s0 =	simm.s32 @!p2 $0x0  }
0x16: {  	s3 =	sld [smem:$0x3FDB];
	s0 =	simm.s32 @p2 $0x1  }
0x17: {  	s4 =	simm.s32 $0x1BF5;
	[smem:$0x3FAC] =	sst s0  }
0x18: {  	s0 =	sld [smem:$0x3F8F];
	_ =	swait.ge [sflag:s4], $0x0  }
0x19: {  	s7 =	sld [smem:$0x3F90]  }
0x1a: {  	s8 =	sadd.s32 $0xFFFFE003, lr  }
0x1b: {  	s9 =	sadd.s32 $0xFFFFFEF7, lr;
	s5 =	simm.s32 $0xFFFFFFFF;
	p2 =	slt.u32 s8, $0xFFFFF086  }
0x1c: {  	p1 =	slt.u32 s9, $0xF7A;
	s5 =	simm.s32 @!p2 $0x0  }
0x1d: {  	s5 =	simm.s32 @p1 $0x1;
	p0 =	seq.s32 s7, s2  }
0x1e: {  	s7 =	smul.u32 @!p0 $0xF7A, s2;
	p2 =	seq.s32 @!p0 s5, $0x0  }
0x1f: {  	s9 =	smul.u32 $0xF7A, s1;
	s8 =	simm.s32 @!p0 $0x1BF5;
	p2 =	por !p2, p0  }
0x20: {  	[sflag:s8] =	ssyncset.s32 @!p0 $0xFFFFF086;
	s6 =	sadd.s32 @!p0 s3, s7;
	s7 =	simm.s32 @!p0 $0x108  }
0x21: {  	s3 =	sadd.s32 s3, s9;
	s6 =	sadd.s32 @!p0 $0x88, s6;
	s7 =	simm.s32 @p2 $0x1082  }
0x22: {  	[simem:s7], [sflag:s8] =	dma.local @!p0 [hbm:s6], $0xF7A  }
0x23: {  	s9 =	sor.u32 $0xD0000000, s2;
	s6 =	simm.s32 $0x108;
	_ =	swait.ge @!p0 [sflag:s8], $0x0  }
0x24: {  	s3 =	sadd.s32 $0x88, s3;
	s6 =	simm.s32 @!p1 $0x1082;
	[sflag:s4] =	ssyncset.s32 $0xFFFFF086  }
0x25: {  	[simem:s6], [sflag:s4] =	dma.local [hbm:s3], $0xF7A  }
0x26: {  	[smem:$0x3F90] =	sst s1;
	(tag) =	ssettag s2;
	_ =	strace s9  }
0x27: {  	s1 =	sld [smem:$0x3FA0]  }
0x28: {  	s2 =	sld [smem:$0x3FA1]  }
0x29: {  	s4 =	sld [smem:$0x3FA3]  }
0x2a: {  	p0 =	seq.s32 s5, $0x0;
	s5 =	sld [smem:$0x3FA4]  }
0x2b: {  	s6 =	sld [smem:$0x3FA5]  }
0x2c: {  	s7 =	sld [smem:$0x3FA6]  }
0x2d: {  	s3 =	simm.s32 $0x108;
	s8 =	sld [smem:$0x3FA7]  }
0x2e: {  	s3 =	simm.s32 @!p0 $0x1082;
	s9 =	sld [smem:$0x3FA8]  }
0x2f: {  	lr =	sadd.s32 s0, s3;
	s0 =	sld [smem:$0x3F9F]  }
0x30: {  	s3 =	sld [smem:$0x3FA2]  }
0x31: {  	[smem:$0x3FAB] =	sst s10  }
0x32: {  	s10 =	sld [smem:$0x3FA9];
	_ =	sdelay $0x3  }
0x33: {  	p0 =	seq.s32 s10, $0x1;
	s10 =	sld [smem:$0x3FAB];
	_ =	sdelay $0x3  }
0x34: {  	[smem:$0x3FAB] =	sst s10  }
0x35: {  	s10 =	sld [smem:$0x3FAA];
	_ =	sdelay $0x3  }
0x36: {  	p1 =	seq.s32 s10, $0x1;
	s10 =	sld [smem:$0x3FAB];
	_ =	sdelay $0x3  }
0x37: {  	[smem:$0x3FAB] =	sst s10  }
0x38: {  	s10 =	sld [smem:$0x3FAC]  }
0x39: {  	_ = 	snop;
	(pc) =	sbr.ind lr, $3  }
0x3a: {  	_ = 	snop  }
0x3b: {  	_ = 	snop  }
0x3c: {  	p2 =	seq.s32 s10, $0x1;
	s10 =	sld [smem:$0x3FAB]  }
0x3d: {  	_ =	shalt  }
0x3e: {  	_ =	shalt  }
0x3f: {  	_ =	shalt  }
0x40: {  	_ =	shalt  }
0x41: {  	_ =	shalt  }
0x42: {  	_ =	shalt  }
0x43: {  	_ =	shalt  }
0x44: {  	_ =	shalt  }
0x45: {  	_ =	shalt  }
0x46: {  	_ =	shalt  }
0x47: {  	_ =	shalt  }
0x48: {  	_ =	shalt  }
0x49: {  	_ =	shalt  }
0x4a: {  	_ =	shalt  }
0x4b: {  	_ =	shalt  }
0x4c: {  	_ =	shalt  }
0x4d: {  	_ =	shalt  }
0x4e: {  	_ =	shalt  }
0x4f: {  	_ =	shalt  }
0x50: {  	_ =	shalt  }
0x51: {  	_ =	shalt  }
0x52: {  	_ =	shalt  }
0x53: {  	_ =	shalt  }
0x54: {  	_ =	shalt  }
0x55: {  	_ =	shalt  }
0x56: {  	_ =	shalt  }
0x57: {  	_ =	shalt  }
0x58: {  	_ =	shalt  }
0x59: {  	_ =	shalt  }
0x5a: {  	_ =	shalt  }
0x5b: {  	_ =	shalt  }
0x5c: {  	_ =	shalt  }
0x5d: {  	_ =	shalt  }
0x5e: {  	_ =	shalt  }
0x5f: {  	_ =	shalt  }
0x60: {  	_ =	shalt  }
0x61: {  	_ =	shalt  }
0x62: {  	_ =	shalt  }
0x63: {  	_ =	shalt  }
0x64: {  	_ =	shalt  }
0x65: {  	_ =	shalt  }
0x66: {  	_ =	shalt  }
0x67: {  	_ =	shalt  }
0x68: {  	_ =	shalt  }
0x69: {  	_ =	shalt  }
0x6a: {  	_ =	shalt  }
0x6b: {  	_ =	shalt  }
0x6c: {  	_ =	shalt  }
0x6d: {  	_ =	shalt  }
0x6e: {  	_ =	shalt  }
0x6f: {  	_ =	shalt  }
0x70: {  	_ =	shalt  }
0x71: {  	_ =	shalt  }
0x72: {  	_ =	shalt  }
0x73: {  	_ =	shalt  }
0x74: {  	_ =	shalt  }
0x75: {  	_ =	shalt  }
0x76: {  	_ =	shalt  }
0x77: {  	_ =	shalt  }
0x78: {  	_ =	shalt  }
0x79: {  	_ =	shalt  }
0x7a: {  	_ =	shalt  }
0x7b: {  	_ =	shalt  }
0x7c: {  	_ =	shalt  }
0x7d: {  	_ =	shalt  }
0x7e: {  	_ =	shalt  }
0x7f: {  	_ =	shalt  }
0x80: {  	_ =	shalt  }
0x81: {  	_ =	shalt  }
0x82: {  	_ =	shalt  }
0x83: {  	_ =	shalt  }
0x84: {  	_ =	shalt  }
0x85: {  	_ =	shalt  }
0x86: {  	_ =	shalt  }
0x87: {  	_ =	shalt  }
.Lfunc_end0:
.L_simem_size_0:
called_computation.1_lowered:
.L_overlay_start_0:
0x88: {  	s2 =	sld [smem:$0x3FD9]  }
0x89: {  	s3 =	sld [smem:$0x3FFE];
	_ =	sdelay $0x1  }
0x8a: {  	s1 =	srdreg.scid  }
0x8b: {  	s0 =	sand.u32 $0x1, s1  }
0x8c: {  	s17 =	sshll.u32 s0, $0xA;
	s2 =	sadd.s32 s3, s2  }
0x8d: {  	s2 =	sadd.s32 s2, s17  }
0x8e: {  	[smem:$0x3FB7] =	sst s2  }
0x8f: {  	_ = 	snop  }
0x90: {  	(tm) =	ssettm $0x1  }
0x91: {  	s18 =	sld [smem:$0x3FFB];
	_ =	sdelay $0x3  }
0x92: {  	_ =	strace s18  }
0x93: {  	s2 =	sld [smem:$0x3FFC];
	_ =	sdelay $0x3  }
0x94: {  	_ =	strace s2  }
0x95: {  	s2 =	sld [smem:$0x3FFD];
	_ =	sdelay $0x3  }
0x96: {  	_ =	strace s2  }
0x97: {  	_ =	strace $0x8FFFFFFF  }
0x98: {  	s19 =	sld [smem:$0x3FDB];
	_ =	sdelay $0x1  }
0x99: {  	s20 =	simm.s32 $_scs_section_size  }
0x9a: {  	s4 =	simm.s32 $_size__tile_overlayer_lowered;
	s5 =	simm.s32 $_tile_overlayer_lowered  }
0x9b: {  	s6 =	simm.s32 $0x1BFF;
	s21 =	sshll.u32 s5, $0x1;
	s3 =	sadd.s32 s20, s19  }
0x9c: {  	s22 =	simm.s32 $0x0;
	s4 =	sshll.u32 s4, $0x1;
	s5 =	sadd.s32 s21, s3  }
0x9d: {  	[timem:s22], [sflag:s6] =	dma.local [hbm:s5], s4  }
0x9e: {  	_ =	swait.ge [sflag:s6], s4  }
0x9f: {  	s4 =	ssub.s32 $0x0, s4;
	[sflag:s6] =	ssyncset.done $0x0  }
0xa0: {  	[sflag:s6] =	ssyncadd.s32 s4;
	_ =	sdelay $0x1  }
0xa1: {  	s23 =	simm.s32 $0x1B8B  }
0xa2: {  	_ =	swait.ge [sflag:s23], $0x1  }
0xa3: {  	[sflag:s23] =	ssyncset.done $0x0  }
0xa4: {  	[sflag:s23] =	ssyncadd.s32 $0xFFFFFFFF  }
0xa5: {  	s4 =	sld [smem:$0x0]  }
0xa6: {  	s5 =	sand.u32 $0xFFFFFFFE, s1  }
0xa7: {  	p0 =	sne.s32 s1, s5  }
0xa8: {  	s5 =	sshll.u32 @p0 s5, $0xE  }
0xa9: {  	s5 =	sadd.s32 @p0 $0x11B8D, s5;
	s6 =	sshll.u32 @p0 s4, $0x11  }
0xaa: {  	s5 =	sor.u32 @p0 s6, s5  }
0xab: {  	[sflag:s5] =	ssyncadd.remote.s32 @p0 $0x1;
	_ =	sdelay $0x1  }
0xac: {  	s5 =	simm.s32 @p0 $0x1B8D  }
0xad: {  	_ =	swait.eq @p0 [sflag:s5], $0x1  }
0xae: {  	[sflag:s5] =	ssyncadd.s32 @p0 $0xFFFFFFFF  }
0xaf: {  	s6 =	sshll.u32 @!p0 s1, $0xE  }
0xb0: {  	s6 =	sor.u32 @!p0 $0x4000, s6;
	s5 =	simm.s32 @!p0 $0x1B8D  }
0xb1: {  	s4 =	sshll.u32 @!p0 s4, $0x11;
	s6 =	sadd.s32 @!p0 $0x11B8D, s6;
	_ =	swait.eq @!p0 [sflag:s5], $0x1  }
0xb2: {  	s4 =	sor.u32 @!p0 s4, s6;
	[sflag:s5] =	ssyncadd.s32 @!p0 $0xFFFFFFFF  }
0xb3: {  	s25 =	simm.s32 $0x1B8E;
	s24 =	sld [smem:$0x3FFE];
	[sflag:s4] =	ssyncadd.remote.s32 @!p0 $0x1  }
0xb4: {  	s26 =	simm.s32 $execute0_lowered;
	[smem:$0x3FD2] =	sst s25  }
0xb5: {  	s5 =	sshll.u32 s26, $0x1;
	_ =	strace $0x80000049;
	[dreg:$0x1] =	wrdreg $0xFFFFFFFF  }
0xb6: {  	s28 =	simm.s32 $_size_execute0_lowered;
	s3 =	sadd.s32 s3, s5;
	[dreg:$0x0] =	wrdreg $0x0  }
0xb7: {  	s5 =	sshll.u32 s28, $0x1;
	[dreg:$0x2] =	wrdreg s3  }
0xb8: {  	[dreg:$0x3] =	wrdreg s5  }
0xb9: {  	[dreg:$0x4] =	wrdreg $0xC0  }
0xba: {  	_ =	task [dreg:s22], $0x5FFFF  }
0xbb: {  	[dreg:$0x1] =	wrdreg $0xFFFFFFFF  }
0xbc: {  	[dreg:$0x0] =	wrdreg $0x60  }
0xbd: {  	[dreg:$0x2] =	wrdreg s24  }
0xbe: {  	[dreg:$0x3] =	wrdreg $0x98000  }
0xbf: {  	[dreg:$0x4] =	wrdreg $0xA  }
0xc0: {  	_ =	task.clear_ibuf [dreg:s22], $0x5FFFF;
	_ =	strace $0x90000049  }
0xc1: {  	s29 =	simm.s32 $0xA;
	_ =	strace $0x8000004B  }
0xc2: {  	_ =	swait.ge [sflag:s29], $0x1  }
0xc3: {  	[sflag:s29] =	ssyncadd.s32 $0xFFFFFFFF  }
0xc4: {  	_ =	strace $0x9000004B  }
0xc5: {  	_ =	sfence  }
0xc6: {  	s30 =	sld [smem:$0x0];
	_ =	sdelay $0x2  }
0xc7: {  	s31 =	sshll.u32 s1, $0xD;
	s1 =	sshrl.u32 s1, $0x2  }
0xc8: {  	s4 =	sand.u32 $0x4000, s31;
	s1 =	sadd.s32 s1, s30  }
0xc9: {  	s0 =	sor.u32 s4, s0;
	s1 =	sshll.u32 s1, $0x11  }
0xca: {  	s0 =	sor.u32 s1, s0  }
0xcb: {  	s0 =	sadd.s32 $0x8F2B, s0  }
0xcc: {  	[sflag:s0] =	ssyncadd.remote.s32 $0x1  }
0xcd: {  	_ =	sfence.sel $0xFFFF  }
0xce: {  	[dreg:$0x0] =	wrdreg $0xFFFFFFFF;
	(pc) =	sbr.abs _section_cstart, $3  }
0xcf: {  	[dreg:$0x1] =	wrdreg $0xFFFFFFFF  }
0xd0: {  	_ =	task.clear_ibuf [dreg:s22], $0x2FFFF;
	_ =	strace $0x9FFFFFFF  }
0xd1: {  	(tm) =	ssettm $0x7FFFFFFF  }
tec
execute0_lowered:
.L_overlay_start_1:
0x0: {  	(tag) =	ssettag $0x1  }
0x1: {  	s6 =	rddreg [dreg:$0x0]  }
0x2: {  	s2 =	rddreg [dreg:$0x1]  }
0x3: {  	s0 =	rddreg [dreg:$0x2]  }
0x4: {  	s1 =	stileid.u32;
	s4 =	srdreg.scid;
	s3 =	simm.s32 $0x0  }
0x5: {  	s14 =	simm.s32 $0x1;
	s15 =	simm.s32 $0x2;
	s11 =	smul.u32 $0x1900, s1  }
0x6: {  	s19 =	simm.s32 $0x0;
	s5 =	sand.u32 $0x1, s4;
	s8 =	smul.u32 $0x49400, s1  }
0x7: {  	[smem:$0x7FF] =	sst s3;
	s4 =	sadd.s32 $0xB8A00, s6;
	s13 =	smul.u32 $0x12500, s1  }
0x8: {  	s31 =	sshll.u32 s1, $0x6;
	s7 =	smul.u32 $0x19000, s5;
	_ =	strace $0x8000004A  }
0x9: {  	s10 =	smul.u32 $0x24A00, s5;
	s12 =	ssub.s32 $0x2, s5;
	s9 =	sadd.s32 s11, s6  }
0xa: {  	s28 =	sshrl.u32 s8, $0x2;
	s29 =	sshrl.u32 s12, $0x1;
	s17 =	sshrl.u32 s13, $0x3  }
0xb: {  	s18 =	sadd.s32 s13, s2;
	s13 =	simm.s32 $0x1000;
	s7 =	sadd.s32 s7, s6  }
0xc: {  	s5 =	sadd.s32 s28, s2;
	s10 =	sadd.s32 s10, s6;
	s8 =	ssub.s32 s12, s29  }
0xd: {  	s12 =	simm.s32 $0x800;
	s18 =	sshrl.u32 s18, $0x3;
	s6 =	sadd.s32 $0x12000, s5  }
0xe: {  	s30 =	sadd.s32 $0xBE00, s7;
	s16 =	sadd.s32 $0x288000, s10;
	s7 =	smax.u32 s8, $0x1  }
0xf: {  	s8 =	sadd.s32 $0x56600, s9;
	s9 =	simm.s32 $0x9000;
	s10 =	simm.s32 $0x3  }
0x10: {  	v0 =	vimm.f32 $0.0e+00;
	s11 =	sadd.s32 s30, s11;
	s16 =	sadd.s32 s17, s16;
	s17 =	sor.u32 $0x1C03, s31  }
.LBB2_1:
0x11: {  	s20 =	simm.s32 $0x0  }
.LBB2_2:
0x12: {  	p0 =	sne.s32 s20, $0x1FC0  }
.Ltmp0:
0x13: {  	_ = 	snop;
	(pc) =	sbr.rel @p0 .LBB2_2-.Ltmp0, $3  }
0x14: {  	_ =	sdelay $0x1  }
0x15: {  	s21 =	sshra.s32 s20, $0x2  }
0x16: {  	s20 =	sadd.s32 $0x40, s20;
	[tilespmem:s21+$0x9000] =	vst v0  }
0x17: {  	s20 =	sadd.s32 $0x0, s5  }
0x18: {  	[spmem:s20] =	stream.linear.scatter [tilespmem:s9], [sflag:$0x3], $0x800, $0x38;
	[tilespmem:$0x1BD00] =	vst v63  }
0x19: {  	s20 =	simm.s32 $0x2000;
	_ =	swait.ge [sflag:s10], $0x800  }
.LBB2_4:
0x1a: {  	s21 =	sshra.s32 s20, $0x2;
	[sflag:s10] =	ssyncset.done $0x0;
	p0 =	sne.s32 s20, $0x46000  }
.Ltmp1:
0x1b: {  	s21 =	sadd.s32 s21, s5;
	[sflag:s10] =	ssyncadd.s32 $0xFFFFF800;
	(pc) =	sbr.rel @p0 .LBB2_4-.Ltmp1, $3  }
0x1c: {  	[spmem:s21] =	stream.linear.scatter [tilespmem:s9], [sflag:$0x3], $0x800, $0x38;
	[tilespmem:$0x1BD00] =	vst v63  }
0x1d: {  	s20 =	sadd.s32 $0x2000, s20;
	_ =	sdelay $0x1  }
0x1e: {  	_ =	swait.ge [sflag:s10], $0x800  }
0x1f: {  	[sflag:s10] =	ssyncset.done $0x0  }
0x20: {  	[sflag:s10] =	ssyncadd.s32 $0xFFFFF800  }
0x21: {  	[spmem:s6] =	stream.linear.scatter [tilespmem:s9], [sflag:$0x3], $0x500, $0x38;
	[tilespmem:$0x1BD00] =	vst v63  }
0x22: {  	_ =	swait.ge [sflag:s10], $0x500  }
0x23: {  	[sflag:s10] =	ssyncset.done $0x0  }
0x24: {  	[sflag:s10] =	ssyncadd.s32 $0xFFFFFB00  }
0x25: {  	s20 =	sadd.s32 $0x0, s11;
	[bflag:$0x0] =	sbarrier.arrive $0xFFFF  }
0x26: {  	[tilespmem:s12], [sflag:$0x3] =	stream.linear.gather [hbm4b:s20+s3], $0x800, $0x38;
	[tilespmem:$0x1BD00] =	vst v63  }
0x27: {  	_ =	swait.ge [sflag:s10], $0x800  }
0x28: {  	[sflag:s10] =	ssyncset.done $0x0  }
0x29: {  	s31 =	sadd.s32 $0x0, s8;
	[sflag:s10] =	ssyncadd.s32 $0xFFFFF800  }
0x2a: {  	[tilespmem:s3], [sflag:$0x3] =	stream.linear.gather [hbm4b:s31+s3], $0x800, $0x38;
	[tilespmem:$0x1BD00] =	vst v63  }
0x2b: {  	_ =	swait.ge [sflag:s10], $0x800  }
0x2c: {  	[sflag:s10] =	ssyncset.done $0x0  }
0x2d: {  	[sflag:s10] =	ssyncadd.s32 $0xFFFFF800  }
0x2e: {  	[tilespmem:s13], [sflag:$0x1] =	stream.indirect.gather [hbm4b:s4+s12], $0x10, s3, s12, $0xb8;
	[tilespmem:$0x1BD00] =	vst v63  }
0x2f: {  	_ =	swait.ge [sflag:s14], $0x8000  }
0x30: {  	[sflag:s14] =	ssyncset.done $0x0  }
0x31: {  	[sflag:s14] =	ssyncadd.s32 $0xFFFF8000  }
0x32: {  	[spmem:s2] =	stream.indirect.scatter.add.f32 [tilespmem:s13], [sflag:$0x2], $0x10, s12, s12, $0xb8;
	[tilespmem:$0x1BD00] =	vst v63  }
0x33: {  	_ =	swait.ge [sflag:s15], $0x8000  }
0x34: {  	s21 =	simm.s32 $0x200;
	s20 =	simm.s32 $0x100;
	[sflag:s15] =	ssyncset.done $0x0  }
.LBB2_6:
0x35: {  	s22 =	sadd.s32 s20, s11  }
0x36: {  	[sflag:s15] =	ssyncadd.s32 $0xFFFF8000;
	s23 =	smov.u32 s21;
	s24 =	sadd.s32 $0x100, s21  }
0x37: {  	[tilespmem:s12], [sflag:$0x3] =	stream.linear.gather [hbm4b:s22+s3], $0x800, $0x38;
	[tilespmem:$0x1BD00] =	vst v63  }
0x38: {  	p0 =	sne.s32 s21, $0x1800;
	_ =	swait.ge [sflag:s10], $0x800  }
0x39: {  	[sflag:s10] =	ssyncset.done $0x0  }
0x3a: {  	s21 =	sadd.s32 s20, s8;
	s20 =	smov.u32 s23;
	[sflag:s10] =	ssyncadd.s32 $0xFFFFF800  }
0x3b: {  	[tilespmem:s3], [sflag:$0x3] =	stream.linear.gather [hbm4b:s21+s3], $0x800, $0x38;
	[tilespmem:$0x1BD00] =	vst v63  }
0x3c: {  	_ =	swait.ge [sflag:s10], $0x800  }
0x3d: {  	[sflag:s10] =	ssyncset.done $0x0  }
0x3e: {  	[sflag:s10] =	ssyncadd.s32 $0xFFFFF800  }
0x3f: {  	[tilespmem:s13], [sflag:$0x1] =	stream.indirect.gather [hbm4b:s4+s12], $0x10, s3, s12, $0xb8;
	[tilespmem:$0x1BD00] =	vst v63  }
0x40: {  	_ =	swait.ge [sflag:s14], $0x8000  }
.Ltmp2:
0x41: {  	[sflag:s14] =	ssyncset.done $0x0;
	(pc) =	sbr.rel @p0 .LBB2_6-.Ltmp2, $4  }
0x42: {  	[sflag:s14] =	ssyncadd.s32 $0xFFFF8000  }
0x43: {  	[spmem:s2] =	stream.indirect.scatter.add.f32 [tilespmem:s13], [sflag:$0x2], $0x10, s12, s12, $0xb8;
	[tilespmem:$0x1BD00] =	vst v63  }
0x44: {  	_ =	swait.ge [sflag:s15], $0x8000  }
0x45: {  	s21 =	smov.u32 s24;
	[sflag:s15] =	ssyncset.done $0x0  }
0x46: {  	s21 =	sadd.s32 s20, s11;
	[sflag:s15] =	ssyncadd.s32 $0xFFFF8000  }
0x47: {  	[tilespmem:s12], [sflag:$0x3] =	stream.linear.gather [hbm4b:s21+s3], $0x800, $0x38;
	[tilespmem:$0x1BD00] =	vst v63  }
0x48: {  	_ =	swait.ge [sflag:s10], $0x800  }
0x49: {  	[sflag:s10] =	ssyncset.done $0x0  }
0x4a: {  	s31 =	sadd.s32 s20, s8;
	[sflag:s10] =	ssyncadd.s32 $0xFFFFF800  }
0x4b: {  	[tilespmem:s3], [sflag:$0x3] =	stream.linear.gather [hbm4b:s31+s3], $0x800, $0x38;
	[tilespmem:$0x1BD00] =	vst v63  }
0x4c: {  	_ =	swait.ge [sflag:s10], $0x800  }
0x4d: {  	[sflag:s10] =	ssyncset.done $0x0  }
0x4e: {  	[sflag:s10] =	ssyncadd.s32 $0xFFFFF800  }
0x4f: {  	[tilespmem:s13], [sflag:$0x1] =	stream.indirect.gather [hbm4b:s4+s12], $0x10, s3, s12, $0xb8;
	[tilespmem:$0x1BD00] =	vst v63  }
0x50: {  	_ =	swait.ge [sflag:s14], $0x8000  }
0x51: {  	[sflag:s14] =	ssyncset.done $0x0  }
0x52: {  	[sflag:s14] =	ssyncadd.s32 $0xFFFF8000  }
0x53: {  	[spmem:s2] =	stream.indirect.scatter.add.f32 [tilespmem:s13], [sflag:$0x2], $0x10, s12, s12, $0xb8;
	[tilespmem:$0x1BD00] =	vst v63  }
0x54: {  	_ =	swait.ge [sflag:s15], $0x8000  }
0x55: {  	s19 =	sadd.s32 $0x1, s19;
	[sflag:s15] =	ssyncset.done $0x0  }
0x56: {  	p0 =	sne.s32 s19, s7;
	[sflag:s15] =	ssyncadd.s32 $0xFFFF8000  }
.Ltmp3:
0x57: {  	[bflag:$0x0] =	sbarrier.arrive $0xFFFF;
	(pc) =	sbr.rel @p0 .LBB2_1-.Ltmp3, $4  }
0x58: {  	[hbm:s16], [sflag:s17] =	dma.local [spmem:s18], $0x24A0  }
0x59: {  	_ =	swait.ge [sflag:s10], $0x24A0  }
0x5a: {  	[sflag:s10] =	ssyncset.done $0x0  }
0x5b: {  	[sflag:s10] =	ssyncadd.s32 $0xFFFFDB60  }
0x5c: {  	_ =	sfence.sel $0x180000  }
0x5d: {  	[bflag:$0x0] =	sbarrier.arrive $0xFFFF  }
0x5e: {  	p0 =	sne.s32 s1, $0x0;
	_ =	strace $0x9000004A  }
0x5f: {  	s0 =	sadd.s32 @!p0 $0x100000, s0;
	[bflag:$0x2] =	sbarrier.arrive $0xFFFF  }
0x60: {  	[sflag:s0] =	ssyncadd.tile.s32 @!p0 $0x1;
	_ =	shalt  }
.Lfunc_end2:
_tile_overlayer_lowered:
.L_overlay_start_2:
0x61: {  	(tag) =	ssettag $0x2  }
0x62: {  	s0 =	rddreg [dreg:$0x0];
	s2 =	stileid.u32  }
0x63: {  	s1 =	rddreg [dreg:$0x1];
	p0 =	sne.s32 s2, $0x0  }
0x64: {  	s3 =	rddreg [dreg:$0x2];
	[bflag:$0x3] =	sbarrier.arrive $0xFFFF;
	s2 =	simm.s32 @!p0 $0x1C03  }
0x65: {  	[timem:s3], [sflag:s2] =	dma.local @!p0 [hbm:s0], s1  }
0x66: {  	s0 =	simm.s32 @!p0 $0x3  }
0x67: {  	_ =	swait.ge @!p0 [sflag:s0], s1  }
0x68: {  	s1 =	ssub.s32 @!p0 $0x0, s1;
	[sflag:s0] =	ssyncset.done @!p0 $0x0  }
0x69: {  	[sflag:s0] =	ssyncadd.s32 @!p0 s1  }
0x6a: {  	[bflag:$0x3] =	sbarrier.arrive $0xFFFF  }
0x6b: {  	_ =	shalt  }

// kernel: kernel.22.cloned.1.call-start
scs
__scs_entry_jumppad:
0x0: {  	(pc) =	sbr.rel $0x88, $3  }
0x1: {  	(tag) =	ssettag $0x0;
	lr =	simm.s32 $0x1  }
0x2: {  	[smem:$0x3F90] =	sst lr;
	_ =	strace $0xD0000000  }
0x3: {  	_ = 	snop  }
0x4: {  	_ = 	snop  }
0x5: {  	_ = 	snop  }
0x6: {  	_ = 	snop  }
0x7: {  	_ = 	snop  }
__scs_overlays_trampoline_lowered:
0x8: {  	[smem:$0x3F9F] =	sst s0  }
0x9: {  	[smem:$0x3FA0] =	sst s1  }
0xa: {  	[smem:$0x3FA1] =	sst s2  }
0xb: {  	[smem:$0x3FA2] =	sst s3  }
0xc: {  	[smem:$0x3FA3] =	sst s4  }
0xd: {  	[smem:$0x3FA4] =	sst s5  }
0xe: {  	[smem:$0x3FA5] =	sst s6  }
0xf: {  	[smem:$0x3FA6] =	sst s7  }
0x10: {  	[smem:$0x3FA7] =	sst s8  }
0x11: {  	[smem:$0x3FA8] =	sst s9;
	s0 =	simm.s32 @!p0 $0x0  }
0x12: {  	s1 =	sld [smem:$0x3F8E];
	s0 =	simm.s32 @p0 $0x1  }
0x13: {  	[smem:$0x3FA9] =	sst s0;
	s0 =	simm.s32 @!p1 $0x0  }
0x14: {  	s2 =	sld [smem:$0x3F8D];
	s0 =	simm.s32 @p1 $0x1  }
0x15: {  	[smem:$0x3FAA] =	sst s0;
	s0 =	simm.s32 @!p2 $0x0  }
0x16: {  	s3 =	sld [smem:$0x3FDB];
	s0 =	simm.s32 @p2 $0x1  }
0x17: {  	s4 =	simm.s32 $0x1BF5;
	[smem:$0x3FAC] =	sst s0  }
0x18: {  	s0 =	sld [smem:$0x3F8F];
	_ =	swait.ge [sflag:s4], $0x0  }
0x19: {  	s7 =	sld [smem:$0x3F90]  }
0x1a: {  	s8 =	sadd.s32 $0xFFFFE003, lr  }
0x1b: {  	s9 =	sadd.s32 $0xFFFFFEF7, lr;
	s5 =	simm.s32 $0xFFFFFFFF;
	p2 =	slt.u32 s8, $0xFFFFF086  }
0x1c: {  	p1 =	slt.u32 s9, $0xF7A;
	s5 =	simm.s32 @!p2 $0x0  }
0x1d: {  	s5 =	simm.s32 @p1 $0x1;
	p0 =	seq.s32 s7, s2  }
0x1e: {  	s7 =	smul.u32 @!p0 $0xF7A, s2;
	p2 =	seq.s32 @!p0 s5, $0x0  }
0x1f: {  	s9 =	smul.u32 $0xF7A, s1;
	s8 =	simm.s32 @!p0 $0x1BF5;
	p2 =	por !p2, p0  }
0x20: {  	[sflag:s8] =	ssyncset.s32 @!p0 $0xFFFFF086;
	s6 =	sadd.s32 @!p0 s3, s7;
	s7 =	simm.s32 @!p0 $0x108  }
0x21: {  	s3 =	sadd.s32 s3, s9;
	s6 =	sadd.s32 @!p0 $0x88, s6;
	s7 =	simm.s32 @p2 $0x1082  }
0x22: {  	[simem:s7], [sflag:s8] =	dma.local @!p0 [hbm:s6], $0xF7A  }
0x23: {  	s9 =	sor.u32 $0xD0000000, s2;
	s6 =	simm.s32 $0x108;
	_ =	swait.ge @!p0 [sflag:s8], $0x0  }
0x24: {  	s3 =	sadd.s32 $0x88, s3;
	s6 =	simm.s32 @!p1 $0x1082;
	[sflag:s4] =	ssyncset.s32 $0xFFFFF086  }
0x25: {  	[simem:s6], [sflag:s4] =	dma.local [hbm:s3], $0xF7A  }
0x26: {  	[smem:$0x3F90] =	sst s1;
	(tag) =	ssettag s2;
	_ =	strace s9  }
0x27: {  	s1 =	sld [smem:$0x3FA0]  }
0x28: {  	s2 =	sld [smem:$0x3FA1]  }
0x29: {  	s4 =	sld [smem:$0x3FA3]  }
0x2a: {  	p0 =	seq.s32 s5, $0x0;
	s5 =	sld [smem:$0x3FA4]  }
0x2b: {  	s6 =	sld [smem:$0x3FA5]  }
0x2c: {  	s7 =	sld [smem:$0x3FA6]  }
0x2d: {  	s3 =	simm.s32 $0x108;
	s8 =	sld [smem:$0x3FA7]  }
0x2e: {  	s3 =	simm.s32 @!p0 $0x1082;
	s9 =	sld [smem:$0x3FA8]  }
0x2f: {  	lr =	sadd.s32 s0, s3;
	s0 =	sld [smem:$0x3F9F]  }
0x30: {  	s3 =	sld [smem:$0x3FA2]  }
0x31: {  	[smem:$0x3FAB] =	sst s10  }
0x32: {  	s10 =	sld [smem:$0x3FA9];
	_ =	sdelay $0x3  }
0x33: {  	p0 =	seq.s32 s10, $0x1;
	s10 =	sld [smem:$0x3FAB];
	_ =	sdelay $0x3  }
0x34: {  	[smem:$0x3FAB] =	sst s10  }
0x35: {  	s10 =	sld [smem:$0x3FAA];
	_ =	sdelay $0x3  }
0x36: {  	p1 =	seq.s32 s10, $0x1;
	s10 =	sld [smem:$0x3FAB];
	_ =	sdelay $0x3  }
0x37: {  	[smem:$0x3FAB] =	sst s10  }
0x38: {  	s10 =	sld [smem:$0x3FAC]  }
0x39: {  	_ = 	snop;
	(pc) =	sbr.ind lr, $3  }
0x3a: {  	_ = 	snop  }
0x3b: {  	_ = 	snop  }
0x3c: {  	p2 =	seq.s32 s10, $0x1;
	s10 =	sld [smem:$0x3FAB]  }
0x3d: {  	_ =	shalt  }
0x3e: {  	_ =	shalt  }
0x3f: {  	_ =	shalt  }
0x40: {  	_ =	shalt  }
0x41: {  	_ =	shalt  }
0x42: {  	_ =	shalt  }
0x43: {  	_ =	shalt  }
0x44: {  	_ =	shalt  }
0x45: {  	_ =	shalt  }
0x46: {  	_ =	shalt  }
0x47: {  	_ =	shalt  }
0x48: {  	_ =	shalt  }
0x49: {  	_ =	shalt  }
0x4a: {  	_ =	shalt  }
0x4b: {  	_ =	shalt  }
0x4c: {  	_ =	shalt  }
0x4d: {  	_ =	shalt  }
0x4e: {  	_ =	shalt  }
0x4f: {  	_ =	shalt  }
0x50: {  	_ =	shalt  }
0x51: {  	_ =	shalt  }
0x52: {  	_ =	shalt  }
0x53: {  	_ =	shalt  }
0x54: {  	_ =	shalt  }
0x55: {  	_ =	shalt  }
0x56: {  	_ =	shalt  }
0x57: {  	_ =	shalt  }
0x58: {  	_ =	shalt  }
0x59: {  	_ =	shalt  }
0x5a: {  	_ =	shalt  }
0x5b: {  	_ =	shalt  }
0x5c: {  	_ =	shalt  }
0x5d: {  	_ =	shalt  }
0x5e: {  	_ =	shalt  }
0x5f: {  	_ =	shalt  }
0x60: {  	_ =	shalt  }
0x61: {  	_ =	shalt  }
0x62: {  	_ =	shalt  }
0x63: {  	_ =	shalt  }
0x64: {  	_ =	shalt  }
0x65: {  	_ =	shalt  }
0x66: {  	_ =	shalt  }
0x67: {  	_ =	shalt  }
0x68: {  	_ =	shalt  }
0x69: {  	_ =	shalt  }
0x6a: {  	_ =	shalt  }
0x6b: {  	_ =	shalt  }
0x6c: {  	_ =	shalt  }
0x6d: {  	_ =	shalt  }
0x6e: {  	_ =	shalt  }
0x6f: {  	_ =	shalt  }
0x70: {  	_ =	shalt  }
0x71: {  	_ =	shalt  }
0x72: {  	_ =	shalt  }
0x73: {  	_ =	shalt  }
0x74: {  	_ =	shalt  }
0x75: {  	_ =	shalt  }
0x76: {  	_ =	shalt  }
0x77: {  	_ =	shalt  }
0x78: {  	_ =	shalt  }
0x79: {  	_ =	shalt  }
0x7a: {  	_ =	shalt  }
0x7b: {  	_ =	shalt  }
0x7c: {  	_ =	shalt  }
0x7d: {  	_ =	shalt  }
0x7e: {  	_ =	shalt  }
0x7f: {  	_ =	shalt  }
0x80: {  	_ =	shalt  }
0x81: {  	_ =	shalt  }
0x82: {  	_ =	shalt  }
0x83: {  	_ =	shalt  }
0x84: {  	_ =	shalt  }
0x85: {  	_ =	shalt  }
0x86: {  	_ =	shalt  }
0x87: {  	_ =	shalt  }
.Lfunc_end0:
.L_simem_size_0:
called_computation.2_lowered:
.L_overlay_start_0:
0x88: {  	s2 =	sld [smem:$0x3FD9]  }
0x89: {  	s3 =	sld [smem:$0x3FFE];
	_ =	sdelay $0x1  }
0x8a: {  	s1 =	srdreg.scid  }
0x8b: {  	s0 =	sand.u32 $0x1, s1  }
0x8c: {  	s16 =	sshll.u32 s0, $0xA;
	s2 =	sadd.s32 s3, s2  }
0x8d: {  	s2 =	sadd.s32 s2, s16  }
0x8e: {  	[smem:$0x3FB7] =	sst s2  }
0x8f: {  	_ = 	snop  }
0x90: {  	(tm) =	ssettm $0x1  }
0x91: {  	s17 =	sld [smem:$0x3FFB];
	_ =	sdelay $0x3  }
0x92: {  	_ =	strace s17  }
0x93: {  	s2 =	sld [smem:$0x3FFC];
	_ =	sdelay $0x3  }
0x94: {  	_ =	strace s2  }
0x95: {  	s2 =	sld [smem:$0x3FFD];
	_ =	sdelay $0x3  }
0x96: {  	_ =	strace s2  }
0x97: {  	_ =	strace $0x8FFFFFFF  }
0x98: {  	s18 =	sld [smem:$0x3FDB];
	_ =	sdelay $0x1  }
0x99: {  	s19 =	simm.s32 $_scs_section_size  }
0x9a: {  	s4 =	simm.s32 $_size__tile_overlayer_lowered;
	s5 =	simm.s32 $_tile_overlayer_lowered  }
0x9b: {  	s22 =	simm.s32 $0x1BFF;
	s21 =	sshll.u32 s5, $0x1;
	s2 =	sadd.s32 s19, s18  }
0x9c: {  	s6 =	simm.s32 $0x0;
	s20 =	sshll.u32 s4, $0x1;
	s4 =	sadd.s32 s21, s2  }
0x9d: {  	[timem:s6], [sflag:s22] =	dma.local [hbm:s4], s20  }
0x9e: {  	_ =	swait.ge [sflag:s22], s20  }
0x9f: {  	s3 =	ssub.s32 $0x0, s20;
	[sflag:s22] =	ssyncset.done $0x0  }
0xa0: {  	[sflag:s22] =	ssyncadd.s32 s3;
	_ =	sdelay $0x1  }
0xa1: {  	s23 =	simm.s32 $0x1B8B  }
0xa2: {  	_ =	swait.ge [sflag:s23], $0x1  }
0xa3: {  	[sflag:s23] =	ssyncset.done $0x0  }
0xa4: {  	s25 =	simm.s32 $0x1B8E;
	s24 =	sld [smem:$0x3FFE];
	[sflag:s23] =	ssyncadd.s32 $0xFFFFFFFF  }
0xa5: {  	s26 =	simm.s32 $execute0_lowered;
	[smem:$0x3FD2] =	sst s25  }
0xa6: {  	s4 =	sshll.u32 s26, $0x1;
	_ =	strace $0x80000046;
	[dreg:$0x1] =	wrdreg $0xFFFFFFFF  }
0xa7: {  	s28 =	simm.s32 $_size_execute0_lowered;
	s2 =	sadd.s32 s2, s4;
	[dreg:$0x0] =	wrdreg $0x0  }
0xa8: {  	s4 =	sshll.u32 s28, $0x1;
	[dreg:$0x2] =	wrdreg s2  }
0xa9: {  	[dreg:$0x3] =	wrdreg s4  }
0xaa: {  	[dreg:$0x4] =	wrdreg $0xC0  }
0xab: {  	_ =	task [dreg:s6], $0x5FFFF  }
0xac: {  	[dreg:$0x1] =	wrdreg $0xFFFFFFFF  }
0xad: {  	[dreg:$0x0] =	wrdreg $0x60  }
0xae: {  	[dreg:$0x2] =	wrdreg s24  }
0xaf: {  	[dreg:$0x3] =	wrdreg $0x98000  }
0xb0: {  	[dreg:$0x4] =	wrdreg $0xB  }
0xb1: {  	_ =	task.clear_ibuf [dreg:s6], $0x5FFFF;
	_ =	strace $0x90000046  }
0xb2: {  	s29 =	simm.s32 $0xB;
	_ =	strace $0x80000048  }
0xb3: {  	_ =	swait.ge [sflag:s29], $0x1  }
0xb4: {  	[sflag:s29] =	ssyncadd.s32 $0xFFFFFFFF  }
0xb5: {  	_ =	strace $0x90000048  }
0xb6: {  	_ =	sfence  }
0xb7: {  	s30 =	sld [smem:$0x0];
	_ =	sdelay $0x2  }
0xb8: {  	s31 =	sshll.u32 s1, $0xD;
	s1 =	sshrl.u32 s1, $0x2  }
0xb9: {  	s3 =	sand.u32 $0x4000, s31;
	s1 =	sadd.s32 s1, s30  }
0xba: {  	s0 =	sor.u32 s3, s0;
	s1 =	sshll.u32 s1, $0x11  }
0xbb: {  	s0 =	sor.u32 s1, s0  }
0xbc: {  	s0 =	sadd.s32 $0x8F2B, s0  }
0xbd: {  	[sflag:s0] =	ssyncadd.remote.s32 $0x1  }
0xbe: {  	_ =	sfence.sel $0xFFFF  }
0xbf: {  	[dreg:$0x0] =	wrdreg $0xFFFFFFFF;
	(pc) =	sbr.abs _section_cstart, $3  }
0xc0: {  	[dreg:$0x1] =	wrdreg $0xFFFFFFFF  }
0xc1: {  	_ =	task.clear_ibuf [dreg:s6], $0x2FFFF;
	_ =	strace $0x9FFFFFFF  }
0xc2: {  	(tm) =	ssettm $0x7FFFFFFF  }
0xc3: {  	_ =	shalt  }
tec
execute0_lowered:
.L_overlay_start_1:
0x0: {  	(tag) =	ssettag $0x1  }
0x1: {  	s6 =	rddreg [dreg:$0x0]  }
0x2: {  	s2 =	rddreg [dreg:$0x1]  }
0x3: {  	s0 =	rddreg [dreg:$0x2]  }
0x4: {  	s1 =	stileid.u32;
	s4 =	srdreg.scid;
	s3 =	simm.s32 $0x0  }
0x5: {  	s14 =	simm.s32 $0x1;
	s15 =	simm.s32 $0x2;
	s11 =	smul.u32 $0x1900, s1  }
0x6: {  	s19 =	simm.s32 $0x0;
	s5 =	sand.u32 $0x1, s4;
	s8 =	smul.u32 $0x49400, s1  }
0x7: {  	[smem:$0x7FF] =	sst s3;
	s4 =	sadd.s32 $0x3DE00, s6;
	s13 =	smul.u32 $0x12500, s1  }
0x8: {  	s31 =	sshll.u32 s1, $0x6;
	s7 =	smul.u32 $0x19000, s5;
	_ =	strace $0x80000047  }
0x9: {  	s10 =	smul.u32 $0x24A00, s5;
	s12 =	ssub.s32 $0x2, s5;
	s9 =	sadd.s32 s11, s6  }
0xa: {  	s28 =	sshrl.u32 s8, $0x2;
	s29 =	sshrl.u32 s12, $0x1;
	s17 =	sshrl.u32 s13, $0x3  }
0xb: {  	s18 =	sadd.s32 s13, s2;
	s13 =	simm.s32 $0x1000;
	s7 =	sadd.s32 s7, s6  }
0xc: {  	s5 =	sadd.s32 s28, s2;
	s10 =	sadd.s32 s10, s6;
	s8 =	ssub.s32 s12, s29  }
0xd: {  	s12 =	simm.s32 $0x800;
	s18 =	sshrl.u32 s18, $0x3;
	s6 =	sadd.s32 $0x12000, s5  }
0xe: {  	s30 =	sadd.s32 $0xBE00, s7;
	s16 =	sadd.s32 $0x6F600, s10;
	s7 =	smax.u32 s8, $0x1  }
0xf: {  	s8 =	sadd.s32 $0x56600, s9;
	s9 =	simm.s32 $0x9000;
	s10 =	simm.s32 $0x3  }
0x10: {  	v0 =	vimm.f32 $0.0e+00;
	s11 =	sadd.s32 s30, s11;
	s16 =	sadd.s32 s17, s16;
	s17 =	sor.u32 $0x1C03, s31  }
.LBB2_1:
0x11: {  	s20 =	simm.s32 $0x0  }
.LBB2_2:
0x12: {  	p0 =	sne.s32 s20, $0x1FC0  }
.Ltmp0:
0x13: {  	_ = 	snop;
	(pc) =	sbr.rel @p0 .LBB2_2-.Ltmp0, $3  }
0x14: {  	_ =	sdelay $0x1  }
0x15: {  	s21 =	sshra.s32 s20, $0x2  }
0x16: {  	s20 =	sadd.s32 $0x40, s20;
	[tilespmem:s21+$0x9000] =	vst v0  }
0x17: {  	s20 =	sadd.s32 $0x0, s5  }
0x18: {  	[spmem:s20] =	stream.linear.scatter [tilespmem:s9], [sflag:$0x3], $0x800, $0x38;
	[tilespmem:$0x1BD00] =	vst v63  }
0x19: {  	s20 =	simm.s32 $0x2000;
	_ =	swait.ge [sflag:s10], $0x800  }
.LBB2_4:
0x1a: {  	s21 =	sshra.s32 s20, $0x2;
	[sflag:s10] =	ssyncset.done $0x0;
	p0 =	sne.s32 s20, $0x46000  }
.Ltmp1:
0x1b: {  	s21 =	sadd.s32 s21, s5;
	[sflag:s10] =	ssyncadd.s32 $0xFFFFF800;
	(pc) =	sbr.rel @p0 .LBB2_4-.Ltmp1, $3  }
0x1c: {  	[spmem:s21] =	stream.linear.scatter [tilespmem:s9], [sflag:$0x3], $0x800, $0x38;
	[tilespmem:$0x1BD00] =	vst v63  }
0x1d: {  	s20 =	sadd.s32 $0x2000, s20;
	_ =	sdelay $0x1  }
0x1e: {  	_ =	swait.ge [sflag:s10], $0x800  }
0x1f: {  	[sflag:s10] =	ssyncset.done $0x0  }
0x20: {  	[sflag:s10] =	ssyncadd.s32 $0xFFFFF800  }
0x21: {  	[spmem:s6] =	stream.linear.scatter [tilespmem:s9], [sflag:$0x3], $0x500, $0x38;
	[tilespmem:$0x1BD00] =	vst v63  }
0x22: {  	_ =	swait.ge [sflag:s10], $0x500  }
0x23: {  	[sflag:s10] =	ssyncset.done $0x0  }
0x24: {  	[sflag:s10] =	ssyncadd.s32 $0xFFFFFB00  }
0x25: {  	s20 =	sadd.s32 $0x0, s11;
	[bflag:$0x0] =	sbarrier.arrive $0xFFFF  }
0x26: {  	[tilespmem:s12], [sflag:$0x3] =	stream.linear.gather [hbm4b:s20+s3], $0x800, $0x38;
	[tilespmem:$0x1BD00] =	vst v63  }
0x27: {  	_ =	swait.ge [sflag:s10], $0x800  }
0x28: {  	[sflag:s10] =	ssyncset.done $0x0  }
0x29: {  	s31 =	sadd.s32 $0x0, s8;
	[sflag:s10] =	ssyncadd.s32 $0xFFFFF800  }
0x2a: {  	[tilespmem:s3], [sflag:$0x3] =	stream.linear.gather [hbm4b:s31+s3], $0x800, $0x38;
	[tilespmem:$0x1BD00] =	vst v63  }
0x2b: {  	_ =	swait.ge [sflag:s10], $0x800  }
0x2c: {  	[sflag:s10] =	ssyncset.done $0x0  }
0x2d: {  	[sflag:s10] =	ssyncadd.s32 $0xFFFFF800  }
0x2e: {  	[tilespmem:s13], [sflag:$0x1] =	stream.indirect.gather [hbm4b:s4+s12], $0x10, s3, s12, $0xb8;
	[tilespmem:$0x1BD00] =	vst v63  }
0x2f: {  	_ =	swait.ge [sflag:s14], $0x8000  }
0x30: {  	[sflag:s14] =	ssyncset.done $0x0  }
0x31: {  	[sflag:s14] =	ssyncadd.s32 $0xFFFF8000  }
0x32: {  	[spmem:s2] =	stream.indirect.scatter.add.f32 [tilespmem:s13], [sflag:$0x2], $0x10, s12, s12, $0xb8;
	[tilespmem:$0x1BD00] =	vst v63  }
0x33: {  	_ =	swait.ge [sflag:s15], $0x8000  }
0x34: {  	s21 =	simm.s32 $0x200;
	s20 =	simm.s32 $0x100;
	[sflag:s15] =	ssyncset.done $0x0  }
.LBB2_6:
0x35: {  	s22 =	sadd.s32 s20, s11  }
0x36: {  	[sflag:s15] =	ssyncadd.s32 $0xFFFF8000;
	s23 =	smov.u32 s21;
	s24 =	sadd.s32 $0x100, s21  }
0x37: {  	[tilespmem:s12], [sflag:$0x3] =	stream.linear.gather [hbm4b:s22+s3], $0x800, $0x38;
	[tilespmem:$0x1BD00] =	vst v63  }
0x38: {  	p0 =	sne.s32 s21, $0x1800;
	_ =	swait.ge [sflag:s10], $0x800  }
0x39: {  	[sflag:s10] =	ssyncset.done $0x0  }
0x3a: {  	s21 =	sadd.s32 s20, s8;
	s20 =	smov.u32 s23;
	[sflag:s10] =	ssyncadd.s32 $0xFFFFF800  }
0x3b: {  	[tilespmem:s3], [sflag:$0x3] =	stream.linear.gather [hbm4b:s21+s3], $0x800, $0x38;
	[tilespmem:$0x1BD00] =	vst v63  }
0x3c: {  	_ =	swait.ge [sflag:s10], $0x800  }
0x3d: {  	[sflag:s10] =	ssyncset.done $0x0  }
0x3e: {  	[sflag:s10] =	ssyncadd.s32 $0xFFFFF800  }
0x3f: {  	[tilespmem:s13], [sflag:$0x1] =	stream.indirect.gather [hbm4b:s4+s12], $0x10, s3, s12, $0xb8;
	[tilespmem:$0x1BD00] =	vst v63  }
0x40: {  	_ =	swait.ge [sflag:s14], $0x8000  }
.Ltmp2:
0x41: {  	[sflag:s14] =	ssyncset.done $0x0;
	(pc) =	sbr.rel @p0 .LBB2_6-.Ltmp2, $4  }
0x42: {  	[sflag:s14] =	ssyncadd.s32 $0xFFFF8000  }
0x43: {  	[spmem:s2] =	stream.indirect.scatter.add.f32 [tilespmem:s13], [sflag:$0x2], $0x10, s12, s12, $0xb8;
	[tilespmem:$0x1BD00] =	vst v63  }
0x44: {  	_ =	swait.ge [sflag:s15], $0x8000  }
0x45: {  	s21 =	smov.u32 s24;
	[sflag:s15] =	ssyncset.done $0x0  }
0x46: {  	s21 =	sadd.s32 s20, s11;
	[sflag:s15] =	ssyncadd.s32 $0xFFFF8000  }
0x47: {  	[tilespmem:s12], [sflag:$0x3] =	stream.linear.gather [hbm4b:s21+s3], $0x800, $0x38;
	[tilespmem:$0x1BD00] =	vst v63  }
0x48: {  	_ =	swait.ge [sflag:s10], $0x800  }
0x49: {  	[sflag:s10] =	ssyncset.done $0x0  }
0x4a: {  	s31 =	sadd.s32 s20, s8;
	[sflag:s10] =	ssyncadd.s32 $0xFFFFF800  }
0x4b: {  	[tilespmem:s3], [sflag:$0x3] =	stream.linear.gather [hbm4b:s31+s3], $0x800, $0x38;
	[tilespmem:$0x1BD00] =	vst v63  }
0x4c: {  	_ =	swait.ge [sflag:s10], $0x800  }
0x4d: {  	[sflag:s10] =	ssyncset.done $0x0  }
0x4e: {  	[sflag:s10] =	ssyncadd.s32 $0xFFFFF800  }
0x4f: {  	[tilespmem:s13], [sflag:$0x1] =	stream.indirect.gather [hbm4b:s4+s12], $0x10, s3, s12, $0xb8;
	[tilespmem:$0x1BD00] =	vst v63  }
0x50: {  	_ =	swait.ge [sflag:s14], $0x8000  }
0x51: {  	[sflag:s14] =	ssyncset.done $0x0  }
0x52: {  	[sflag:s14] =	ssyncadd.s32 $0xFFFF8000  }
0x53: {  	[spmem:s2] =	stream.indirect.scatter.add.f32 [tilespmem:s13], [sflag:$0x2], $0x10, s12, s12, $0xb8;
	[tilespmem:$0x1BD00] =	vst v63  }
0x54: {  	_ =	swait.ge [sflag:s15], $0x8000  }
0x55: {  	s19 =	sadd.s32 $0x1, s19;
	[sflag:s15] =	ssyncset.done $0x0  }
0x56: {  	p0 =	sne.s32 s19, s7;
	[sflag:s15] =	ssyncadd.s32 $0xFFFF8000  }
.Ltmp3:
0x57: {  	[bflag:$0x0] =	sbarrier.arrive $0xFFFF;
	(pc) =	sbr.rel @p0 .LBB2_1-.Ltmp3, $4  }
0x58: {  	[hbm:s16], [sflag:s17] =	dma.local [spmem:s18], $0x24A0  }
0x59: {  	_ =	swait.ge [sflag:s10], $0x24A0  }
0x5a: {  	[sflag:s10] =	ssyncset.done $0x0  }
0x5b: {  	[sflag:s10] =	ssyncadd.s32 $0xFFFFDB60  }
0x5c: {  	_ =	sfence.sel $0x180000  }
0x5d: {  	[bflag:$0x0] =	sbarrier.arrive $0xFFFF  }
0x5e: {  	p0 =	sne.s32 s1, $0x0;
	_ =	strace $0x90000047  }
0x5f: {  	s0 =	sadd.s32 @!p0 $0x100000, s0;
	[bflag:$0x2] =	sbarrier.arrive $0xFFFF  }
0x60: {  	[sflag:s0] =	ssyncadd.tile.s32 @!p0 $0x1;
	_ =	shalt  }
.Lfunc_end2:
_tile_overlayer_lowered:
.L_overlay_start_2:
0x61: {  	(tag) =	ssettag $0x2  }
0x62: {  	s0 =	rddreg [dreg:$0x0];
	s2 =	stileid.u32  }
0x63: {  	s1 =	rddreg [dreg:$0x1];
	p0 =	sne.s32 s2, $0x0  }
0x64: {  	s3 =	rddreg [dreg:$0x2];
	[bflag:$0x3] =	sbarrier.arrive $0xFFFF;
	s2 =	simm.s32 @!p0 $0x1C03  }
0x65: {  	[timem:s3], [sflag:s2] =	dma.local @!p0 [hbm:s0], s1  }
0x66: {  	s0 =	simm.s32 @!p0 $0x3  }
0x67: {  	_ =	swait.ge @!p0 [sflag:s0], s1  }
0x68: {  	s1 =	ssub.s32 @!p0 $0x0, s1;
	[sflag:s0] =	ssyncset.done @!p0 $0x0  }
0x69: {  	[sflag:s0] =	ssyncadd.s32 @!p0 s1  }
0x6a: {  	[bflag:$0x3] =	sbarrier.arrive $0xFFFF  }
0x6b: {  	_ =	shalt  }

// kernel: kernel.25.cloned.1.call-start
scs
__scs_entry_jumppad:
0x0: {  	(pc) =	sbr.rel $0x88, $3  }
0x1: {  	(tag) =	ssettag $0x0;
	lr =	simm.s32 $0x1  }
0x2: {  	[smem:$0x3F90] =	sst lr;
	_ =	strace $0xD0000000  }
0x3: {  	_ = 	snop  }
0x4: {  	_ = 	snop  }
0x5: {  	_ = 	snop  }
0x6: {  	_ = 	snop  }
0x7: {  	_ = 	snop  }
__scs_overlays_trampoline_lowered:
0x8: {  	[smem:$0x3F9F] =	sst s0  }
0x9: {  	[smem:$0x3FA0] =	sst s1  }
0xa: {  	[smem:$0x3FA1] =	sst s2  }
0xb: {  	[smem:$0x3FA2] =	sst s3  }
0xc: {  	[smem:$0x3FA3] =	sst s4  }
0xd: {  	[smem:$0x3FA4] =	sst s5  }
0xe: {  	[smem:$0x3FA5] =	sst s6  }
0xf: {  	[smem:$0x3FA6] =	sst s7  }
0x10: {  	[smem:$0x3FA7] =	sst s8  }
0x11: {  	[smem:$0x3FA8] =	sst s9;
	s0 =	simm.s32 @!p0 $0x0  }
0x12: {  	s1 =	sld [smem:$0x3F8E];
	s0 =	simm.s32 @p0 $0x1  }
0x13: {  	[smem:$0x3FA9] =	sst s0;
	s0 =	simm.s32 @!p1 $0x0  }
0x14: {  	s2 =	sld [smem:$0x3F8D];
	s0 =	simm.s32 @p1 $0x1  }
0x15: {  	[smem:$0x3FAA] =	sst s0;
	s0 =	simm.s32 @!p2 $0x0  }
0x16: {  	s3 =	sld [smem:$0x3FDB];
	s0 =	simm.s32 @p2 $0x1  }
0x17: {  	s4 =	simm.s32 $0x1BF5;
	[smem:$0x3FAC] =	sst s0  }
0x18: {  	s0 =	sld [smem:$0x3F8F];
	_ =	swait.ge [sflag:s4], $0x0  }
0x19: {  	s7 =	sld [smem:$0x3F90]  }
0x1a: {  	s8 =	sadd.s32 $0xFFFFE003, lr  }
0x1b: {  	s9 =	sadd.s32 $0xFFFFFEF7, lr;
	s5 =	simm.s32 $0xFFFFFFFF;
	p2 =	slt.u32 s8, $0xFFFFF086  }
0x1c: {  	p1 =	slt.u32 s9, $0xF7A;
	s5 =	simm.s32 @!p2 $0x0  }
0x1d: {  	s5 =	simm.s32 @p1 $0x1;
	p0 =	seq.s32 s7, s2  }
0x1e: {  	s7 =	smul.u32 @!p0 $0xF7A, s2;
	p2 =	seq.s32 @!p0 s5, $0x0  }
0x1f: {  	s9 =	smul.u32 $0xF7A, s1;
	s8 =	simm.s32 @!p0 $0x1BF5;
	p2 =	por !p2, p0  }
0x20: {  	[sflag:s8] =	ssyncset.s32 @!p0 $0xFFFFF086;
	s6 =	sadd.s32 @!p0 s3, s7;
	s7 =	simm.s32 @!p0 $0x108  }
0x21: {  	s3 =	sadd.s32 s3, s9;
	s6 =	sadd.s32 @!p0 $0x88, s6;
	s7 =	simm.s32 @p2 $0x1082  }
0x22: {  	[simem:s7], [sflag:s8] =	dma.local @!p0 [hbm:s6], $0xF7A  }
0x23: {  	s9 =	sor.u32 $0xD0000000, s2;
	s6 =	simm.s32 $0x108;
	_ =	swait.ge @!p0 [sflag:s8], $0x0  }
0x24: {  	s3 =	sadd.s32 $0x88, s3;
	s6 =	simm.s32 @!p1 $0x1082;
	[sflag:s4] =	ssyncset.s32 $0xFFFFF086  }
0x25: {  	[simem:s6], [sflag:s4] =	dma.local [hbm:s3], $0xF7A  }
0x26: {  	[smem:$0x3F90] =	sst s1;
	(tag) =	ssettag s2;
	_ =	strace s9  }
0x27: {  	s1 =	sld [smem:$0x3FA0]  }
0x28: {  	s2 =	sld [smem:$0x3FA1]  }
0x29: {  	s4 =	sld [smem:$0x3FA3]  }
0x2a: {  	p0 =	seq.s32 s5, $0x0;
	s5 =	sld [smem:$0x3FA4]  }
0x2b: {  	s6 =	sld [smem:$0x3FA5]  }
0x2c: {  	s7 =	sld [smem:$0x3FA6]  }
0x2d: {  	s3 =	simm.s32 $0x108;
	s8 =	sld [smem:$0x3FA7]  }
0x2e: {  	s3 =	simm.s32 @!p0 $0x1082;
	s9 =	sld [smem:$0x3FA8]  }
0x2f: {  	lr =	sadd.s32 s0, s3;
	s0 =	sld [smem:$0x3F9F]  }
0x30: {  	s3 =	sld [smem:$0x3FA2]  }
0x31: {  	[smem:$0x3FAB] =	sst s10  }
0x32: {  	s10 =	sld [smem:$0x3FA9];
	_ =	sdelay $0x3  }
0x33: {  	p0 =	seq.s32 s10, $0x1;
	s10 =	sld [smem:$0x3FAB];
	_ =	sdelay $0x3  }
0x34: {  	[smem:$0x3FAB] =	sst s10  }
0x35: {  	s10 =	sld [smem:$0x3FAA];
	_ =	sdelay $0x3  }
0x36: {  	p1 =	seq.s32 s10, $0x1;
	s10 =	sld [smem:$0x3FAB];
	_ =	sdelay $0x3  }
0x37: {  	[smem:$0x3FAB] =	sst s10  }
0x38: {  	s10 =	sld [smem:$0x3FAC]  }
0x39: {  	_ = 	snop;
	(pc) =	sbr.ind lr, $3  }
0x3a: {  	_ = 	snop  }
0x3b: {  	_ = 	snop  }
0x3c: {  	p2 =	seq.s32 s10, $0x1;
	s10 =	sld [smem:$0x3FAB]  }
0x3d: {  	_ =	shalt  }
0x3e: {  	_ =	shalt  }
0x3f: {  	_ =	shalt  }
0x40: {  	_ =	shalt  }
0x41: {  	_ =	shalt  }
0x42: {  	_ =	shalt  }
0x43: {  	_ =	shalt  }
0x44: {  	_ =	shalt  }
0x45: {  	_ =	shalt  }
0x46: {  	_ =	shalt  }
0x47: {  	_ =	shalt  }
0x48: {  	_ =	shalt  }
0x49: {  	_ =	shalt  }
0x4a: {  	_ =	shalt  }
0x4b: {  	_ =	shalt  }
0x4c: {  	_ =	shalt  }
0x4d: {  	_ =	shalt  }
0x4e: {  	_ =	shalt  }
0x4f: {  	_ =	shalt  }
0x50: {  	_ =	shalt  }
0x51: {  	_ =	shalt  }
0x52: {  	_ =	shalt  }
0x53: {  	_ =	shalt  }
0x54: {  	_ =	shalt  }
0x55: {  	_ =	shalt  }
0x56: {  	_ =	shalt  }
0x57: {  	_ =	shalt  }
0x58: {  	_ =	shalt  }
0x59: {  	_ =	shalt  }
0x5a: {  	_ =	shalt  }
0x5b: {  	_ =	shalt  }
0x5c: {  	_ =	shalt  }
0x5d: {  	_ =	shalt  }
0x5e: {  	_ =	shalt  }
0x5f: {  	_ =	shalt  }
0x60: {  	_ =	shalt  }
0x61: {  	_ =	shalt  }
0x62: {  	_ =	shalt  }
0x63: {  	_ =	shalt  }
0x64: {  	_ =	shalt  }
0x65: {  	_ =	shalt  }
0x66: {  	_ =	shalt  }
0x67: {  	_ =	shalt  }
0x68: {  	_ =	shalt  }
0x69: {  	_ =	shalt  }
0x6a: {  	_ =	shalt  }
0x6b: {  	_ =	shalt  }
0x6c: {  	_ =	shalt  }
0x6d: {  	_ =	shalt  }
0x6e: {  	_ =	shalt  }
0x6f: {  	_ =	shalt  }
0x70: {  	_ =	shalt  }
0x71: {  	_ =	shalt  }
0x72: {  	_ =	shalt  }
0x73: {  	_ =	shalt  }
0x74: {  	_ =	shalt  }
0x75: {  	_ =	shalt  }
0x76: {  	_ =	shalt  }
0x77: {  	_ =	shalt  }
0x78: {  	_ =	shalt  }
0x79: {  	_ =	shalt  }
0x7a: {  	_ =	shalt  }
0x7b: {  	_ =	shalt  }
0x7c: {  	_ =	shalt  }
0x7d: {  	_ =	shalt  }
0x7e: {  	_ =	shalt  }
0x7f: {  	_ =	shalt  }
0x80: {  	_ =	shalt  }
0x81: {  	_ =	shalt  }
0x82: {  	_ =	shalt  }
0x83: {  	_ =	shalt  }
0x84: {  	_ =	shalt  }
0x85: {  	_ =	shalt  }
0x86: {  	_ =	shalt  }
0x87: {  	_ =	shalt  }
.Lfunc_end0:
.L_simem_size_0:
called_computation.3_lowered:
.L_overlay_start_0:
0x88: {  	s2 =	sld [smem:$0x3FD9]  }
0x89: {  	s3 =	sld [smem:$0x3FFE];
	_ =	sdelay $0x1  }
0x8a: {  	s1 =	srdreg.scid  }
0x8b: {  	s0 =	sand.u32 $0x1, s1  }
0x8c: {  	s17 =	sshll.u32 s0, $0xA;
	s2 =	sadd.s32 s3, s2  }
0x8d: {  	s2 =	sadd.s32 s2, s17  }
0x8e: {  	[smem:$0x3FB7] =	sst s2  }
0x8f: {  	_ = 	snop  }
0x90: {  	(tm) =	ssettm $0x1  }
0x91: {  	s18 =	sld [smem:$0x3FFB];
	_ =	sdelay $0x3  }
0x92: {  	_ =	strace s18  }
0x93: {  	s2 =	sld [smem:$0x3FFC];
	_ =	sdelay $0x3  }
0x94: {  	_ =	strace s2  }
0x95: {  	s2 =	sld [smem:$0x3FFD];
	_ =	sdelay $0x3  }
0x96: {  	_ =	strace s2  }
0x97: {  	_ =	strace $0x8FFFFFFF  }
0x98: {  	s19 =	sld [smem:$0x3FDB];
	_ =	sdelay $0x1  }
0x99: {  	s20 =	simm.s32 $_scs_section_size  }
0x9a: {  	s4 =	simm.s32 $_size__tile_overlayer_lowered;
	s5 =	simm.s32 $_tile_overlayer_lowered  }
0x9b: {  	s6 =	simm.s32 $0x1BFF;
	s21 =	sshll.u32 s5, $0x1;
	s3 =	sadd.s32 s20, s19  }
0x9c: {  	s22 =	simm.s32 $0x0;
	s4 =	sshll.u32 s4, $0x1;
	s5 =	sadd.s32 s21, s3  }
0x9d: {  	[timem:s22], [sflag:s6] =	dma.local [hbm:s5], s4  }
0x9e: {  	_ =	swait.ge [sflag:s6], s4  }
0x9f: {  	s4 =	ssub.s32 $0x0, s4;
	[sflag:s6] =	ssyncset.done $0x0  }
0xa0: {  	[sflag:s6] =	ssyncadd.s32 s4;
	_ =	sdelay $0x1  }
0xa1: {  	s23 =	simm.s32 $0x1B8B  }
0xa2: {  	_ =	swait.ge [sflag:s23], $0x1  }
0xa3: {  	[sflag:s23] =	ssyncset.done $0x0  }
0xa4: {  	[sflag:s23] =	ssyncadd.s32 $0xFFFFFFFF  }
0xa5: {  	s4 =	sld [smem:$0x0]  }
0xa6: {  	s5 =	sand.u32 $0xFFFFFFFE, s1  }
0xa7: {  	p0 =	sne.s32 s1, s5  }
0xa8: {  	s5 =	sshll.u32 @p0 s5, $0xE  }
0xa9: {  	s5 =	sadd.s32 @p0 $0x11B8D, s5;
	s6 =	sshll.u32 @p0 s4, $0x11  }
0xaa: {  	s5 =	sor.u32 @p0 s6, s5  }
0xab: {  	[sflag:s5] =	ssyncadd.remote.s32 @p0 $0x1;
	_ =	sdelay $0x1  }
0xac: {  	s5 =	simm.s32 @p0 $0x1B8D  }
0xad: {  	_ =	swait.eq @p0 [sflag:s5], $0x1  }
0xae: {  	[sflag:s5] =	ssyncadd.s32 @p0 $0xFFFFFFFF  }
0xaf: {  	s6 =	sshll.u32 @!p0 s1, $0xE  }
0xb0: {  	s6 =	sor.u32 @!p0 $0x4000, s6;
	s5 =	simm.s32 @!p0 $0x1B8D  }
0xb1: {  	s4 =	sshll.u32 @!p0 s4, $0x11;
	s6 =	sadd.s32 @!p0 $0x11B8D, s6;
	_ =	swait.eq @!p0 [sflag:s5], $0x1  }
0xb2: {  	s4 =	sor.u32 @!p0 s4, s6;
	[sflag:s5] =	ssyncadd.s32 @!p0 $0xFFFFFFFF  }
0xb3: {  	s25 =	simm.s32 $0x1B8E;
	s24 =	sld [smem:$0x3FFE];
	[sflag:s4] =	ssyncadd.remote.s32 @!p0 $0x1  }
0xb4: {  	s26 =	simm.s32 $execute0_lowered;
	[smem:$0x3FD2] =	sst s25  }
0xb5: {  	s5 =	sshll.u32 s26, $0x1;
	_ =	strace $0x80000058;
	[dreg:$0x1] =	wrdreg $0xFFFFFFFF  }
0xb6: {  	s28 =	simm.s32 $_size_execute0_lowered;
	s3 =	sadd.s32 s3, s5;
	[dreg:$0x0] =	wrdreg $0x0  }
0xb7: {  	s5 =	sshll.u32 s28, $0x1;
	[dreg:$0x2] =	wrdreg s3  }
0xb8: {  	[dreg:$0x3] =	wrdreg s5  }
0xb9: {  	[dreg:$0x4] =	wrdreg $0xC0  }
0xba: {  	_ =	task [dreg:s22], $0x5FFFF  }
0xbb: {  	[dreg:$0x1] =	wrdreg $0xFFFFFFFF  }
0xbc: {  	[dreg:$0x0] =	wrdreg $0x60  }
0xbd: {  	[dreg:$0x2] =	wrdreg s24  }
0xbe: {  	[dreg:$0x3] =	wrdreg $0x98000  }
0xbf: {  	[dreg:$0x4] =	wrdreg $0x9  }
0xc0: {  	_ =	task.clear_ibuf [dreg:s22], $0x5FFFF;
	_ =	strace $0x90000058  }
0xc1: {  	s29 =	simm.s32 $0x9;
	_ =	strace $0x8000005A  }
0xc2: {  	_ =	swait.ge [sflag:s29], $0x1  }
0xc3: {  	[sflag:s29] =	ssyncadd.s32 $0xFFFFFFFF  }
0xc4: {  	_ =	strace $0x9000005A  }
0xc5: {  	_ =	sfence  }
0xc6: {  	s30 =	sld [smem:$0x0];
	_ =	sdelay $0x2  }
0xc7: {  	s31 =	sshll.u32 s1, $0xD;
	s1 =	sshrl.u32 s1, $0x2  }
0xc8: {  	s4 =	sand.u32 $0x4000, s31;
	s1 =	sadd.s32 s1, s30  }
0xc9: {  	s0 =	sor.u32 s4, s0;
	s1 =	sshll.u32 s1, $0x11  }
0xca: {  	s0 =	sor.u32 s1, s0  }
0xcb: {  	s0 =	sadd.s32 $0x8F2B, s0  }
0xcc: {  	[sflag:s0] =	ssyncadd.remote.s32 $0x1  }
0xcd: {  	_ =	sfence.sel $0xFFFF  }
0xce: {  	[dreg:$0x0] =	wrdreg $0xFFFFFFFF;
	(pc) =	sbr.abs _section_cstart, $3  }
0xcf: {  	[dreg:$0x1] =	wrdreg $0xFFFFFFFF  }
0xd0: {  	_ =	task.clear_ibuf [dreg:s22], $0x2FFFF;
	_ =	strace $0x9FFFFFFF  }
0xd1: {  	(tm) =	ssettm $0x7FFFFFFF  }
tec
execute0_lowered:
.L_overlay_start_1:
0x0: {  	(tag) =	ssettag $0x1  }
0x1: {  	s6 =	rddreg [dreg:$0x0]  }
0x2: {  	s2 =	rddreg [dreg:$0x1]  }
0x3: {  	s0 =	rddreg [dreg:$0x2]  }
0x4: {  	s1 =	stileid.u32;
	s4 =	srdreg.scid;
	s3 =	simm.s32 $0x0  }
0x5: {  	s14 =	simm.s32 $0x1;
	s15 =	simm.s32 $0x2;
	s11 =	smul.u32 $0x1900, s1  }
0x6: {  	s19 =	simm.s32 $0x0;
	s5 =	sand.u32 $0x1, s4;
	s8 =	smul.u32 $0x49400, s1  }
0x7: {  	[smem:$0x7FF] =	sst s3;
	s4 =	sadd.s32 $0x489A00, s6;
	s13 =	smul.u32 $0x12500, s1  }
0x8: {  	s31 =	sshll.u32 s1, $0x6;
	s7 =	smul.u32 $0x19000, s5;
	_ =	strace $0x80000059  }
0x9: {  	s10 =	smul.u32 $0x24A00, s5;
	s12 =	ssub.s32 $0x2, s5;
	s9 =	sadd.s32 s11, s6  }
0xa: {  	s28 =	sshrl.u32 s8, $0x2;
	s29 =	sshrl.u32 s12, $0x1;
	s17 =	sshrl.u32 s13, $0x3  }
0xb: {  	s18 =	sadd.s32 s13, s2;
	s13 =	simm.s32 $0x1000;
	s7 =	sadd.s32 s7, s6  }
0xc: {  	s5 =	sadd.s32 s28, s2;
	s10 =	sadd.s32 s10, s6;
	s8 =	ssub.s32 s12, s29  }
0xd: {  	s12 =	simm.s32 $0x800;
	s18 =	sshrl.u32 s18, $0x3;
	s6 =	sadd.s32 $0x12000, s5  }
0xe: {  	s30 =	sadd.s32 $0xBE00, s7;
	s16 =	sadd.s32 $0x4A2200, s10;
	s7 =	smax.u32 s8, $0x1  }
0xf: {  	s8 =	sadd.s32 $0x56600, s9;
	s9 =	simm.s32 $0x9000;
	s10 =	simm.s32 $0x3  }
0x10: {  	v0 =	vimm.f32 $0.0e+00;
	s11 =	sadd.s32 s30, s11;
	s16 =	sadd.s32 s17, s16;
	s17 =	sor.u32 $0x1C03, s31  }
.LBB2_1:
0x11: {  	s20 =	simm.s32 $0x0  }
.LBB2_2:
0x12: {  	p0 =	sne.s32 s20, $0x1FC0  }
.Ltmp0:
0x13: {  	_ = 	snop;
	(pc) =	sbr.rel @p0 .LBB2_2-.Ltmp0, $3  }
0x14: {  	_ =	sdelay $0x1  }
0x15: {  	s21 =	sshra.s32 s20, $0x2  }
0x16: {  	s20 =	sadd.s32 $0x40, s20;
	[tilespmem:s21+$0x9000] =	vst v0  }
0x17: {  	s20 =	sadd.s32 $0x0, s5  }
0x18: {  	[spmem:s20] =	stream.linear.scatter [tilespmem:s9], [sflag:$0x3], $0x800, $0x38;
	[tilespmem:$0x1BD00] =	vst v63  }
0x19: {  	s20 =	simm.s32 $0x2000;
	_ =	swait.ge [sflag:s10], $0x800  }
.LBB2_4:
0x1a: {  	s21 =	sshra.s32 s20, $0x2;
	[sflag:s10] =	ssyncset.done $0x0;
	p0 =	sne.s32 s20, $0x46000  }
.Ltmp1:
0x1b: {  	s21 =	sadd.s32 s21, s5;
	[sflag:s10] =	ssyncadd.s32 $0xFFFFF800;
	(pc) =	sbr.rel @p0 .LBB2_4-.Ltmp1, $3  }
0x1c: {  	[spmem:s21] =	stream.linear.scatter [tilespmem:s9], [sflag:$0x3], $0x800, $0x38;
	[tilespmem:$0x1BD00] =	vst v63  }
0x1d: {  	s20 =	sadd.s32 $0x2000, s20;
	_ =	sdelay $0x1  }
0x1e: {  	_ =	swait.ge [sflag:s10], $0x800  }
0x1f: {  	[sflag:s10] =	ssyncset.done $0x0  }
0x20: {  	[sflag:s10] =	ssyncadd.s32 $0xFFFFF800  }
0x21: {  	[spmem:s6] =	stream.linear.scatter [tilespmem:s9], [sflag:$0x3], $0x500, $0x38;
	[tilespmem:$0x1BD00] =	vst v63  }
0x22: {  	_ =	swait.ge [sflag:s10], $0x500  }
0x23: {  	[sflag:s10] =	ssyncset.done $0x0  }
0x24: {  	[sflag:s10] =	ssyncadd.s32 $0xFFFFFB00  }
0x25: {  	s20 =	sadd.s32 $0x0, s11;
	[bflag:$0x0] =	sbarrier.arrive $0xFFFF  }
0x26: {  	[tilespmem:s12], [sflag:$0x3] =	stream.linear.gather [hbm4b:s20+s3], $0x800, $0x38;
	[tilespmem:$0x1BD00] =	vst v63  }
0x27: {  	_ =	swait.ge [sflag:s10], $0x800  }
0x28: {  	[sflag:s10] =	ssyncset.done $0x0  }
0x29: {  	s31 =	sadd.s32 $0x0, s8;
	[sflag:s10] =	ssyncadd.s32 $0xFFFFF800  }
0x2a: {  	[tilespmem:s3], [sflag:$0x3] =	stream.linear.gather [hbm4b:s31+s3], $0x800, $0x38;
	[tilespmem:$0x1BD00] =	vst v63  }
0x2b: {  	_ =	swait.ge [sflag:s10], $0x800  }
0x2c: {  	[sflag:s10] =	ssyncset.done $0x0  }
0x2d: {  	[sflag:s10] =	ssyncadd.s32 $0xFFFFF800  }
0x2e: {  	[tilespmem:s13], [sflag:$0x1] =	stream.indirect.gather [hbm4b:s4+s12], $0x10, s3, s12, $0xb8;
	[tilespmem:$0x1BD00] =	vst v63  }
0x2f: {  	_ =	swait.ge [sflag:s14], $0x8000  }
0x30: {  	[sflag:s14] =	ssyncset.done $0x0  }
0x31: {  	[sflag:s14] =	ssyncadd.s32 $0xFFFF8000  }
0x32: {  	[spmem:s2] =	stream.indirect.scatter.add.f32 [tilespmem:s13], [sflag:$0x2], $0x10, s12, s12, $0xb8;
	[tilespmem:$0x1BD00] =	vst v63  }
0x33: {  	_ =	swait.ge [sflag:s15], $0x8000  }
0x34: {  	s21 =	simm.s32 $0x200;
	s20 =	simm.s32 $0x100;
	[sflag:s15] =	ssyncset.done $0x0  }
.LBB2_6:
0x35: {  	s22 =	sadd.s32 s20, s11  }
0x36: {  	[sflag:s15] =	ssyncadd.s32 $0xFFFF8000;
	s23 =	smov.u32 s21;
	s24 =	sadd.s32 $0x100, s21  }
0x37: {  	[tilespmem:s12], [sflag:$0x3] =	stream.linear.gather [hbm4b:s22+s3], $0x800, $0x38;
	[tilespmem:$0x1BD00] =	vst v63  }
0x38: {  	p0 =	sne.s32 s21, $0x1800;
	_ =	swait.ge [sflag:s10], $0x800  }
0x39: {  	[sflag:s10] =	ssyncset.done $0x0  }
0x3a: {  	s21 =	sadd.s32 s20, s8;
	s20 =	smov.u32 s23;
	[sflag:s10] =	ssyncadd.s32 $0xFFFFF800  }
0x3b: {  	[tilespmem:s3], [sflag:$0x3] =	stream.linear.gather [hbm4b:s21+s3], $0x800, $0x38;
	[tilespmem:$0x1BD00] =	vst v63  }
0x3c: {  	_ =	swait.ge [sflag:s10], $0x800  }
0x3d: {  	[sflag:s10] =	ssyncset.done $0x0  }
0x3e: {  	[sflag:s10] =	ssyncadd.s32 $0xFFFFF800  }
0x3f: {  	[tilespmem:s13], [sflag:$0x1] =	stream.indirect.gather [hbm4b:s4+s12], $0x10, s3, s12, $0xb8;
	[tilespmem:$0x1BD00] =	vst v63  }
0x40: {  	_ =	swait.ge [sflag:s14], $0x8000  }
.Ltmp2:
0x41: {  	[sflag:s14] =	ssyncset.done $0x0;
	(pc) =	sbr.rel @p0 .LBB2_6-.Ltmp2, $4  }
0x42: {  	[sflag:s14] =	ssyncadd.s32 $0xFFFF8000  }
0x43: {  	[spmem:s2] =	stream.indirect.scatter.add.f32 [tilespmem:s13], [sflag:$0x2], $0x10, s12, s12, $0xb8;
	[tilespmem:$0x1BD00] =	vst v63  }
0x44: {  	_ =	swait.ge [sflag:s15], $0x8000  }
0x45: {  	s21 =	smov.u32 s24;
	[sflag:s15] =	ssyncset.done $0x0  }
0x46: {  	s21 =	sadd.s32 s20, s11;
	[sflag:s15] =	ssyncadd.s32 $0xFFFF8000  }
0x47: {  	[tilespmem:s12], [sflag:$0x3] =	stream.linear.gather [hbm4b:s21+s3], $0x800, $0x38;
	[tilespmem:$0x1BD00] =	vst v63  }
0x48: {  	_ =	swait.ge [sflag:s10], $0x800  }
0x49: {  	[sflag:s10] =	ssyncset.done $0x0  }
0x4a: {  	s31 =	sadd.s32 s20, s8;
	[sflag:s10] =	ssyncadd.s32 $0xFFFFF800  }
0x4b: {  	[tilespmem:s3], [sflag:$0x3] =	stream.linear.gather [hbm4b:s31+s3], $0x800, $0x38;
	[tilespmem:$0x1BD00] =	vst v63  }
0x4c: {  	_ =	swait.ge [sflag:s10], $0x800  }
0x4d: {  	[sflag:s10] =	ssyncset.done $0x0  }
0x4e: {  	[sflag:s10] =	ssyncadd.s32 $0xFFFFF800  }
0x4f: {  	[tilespmem:s13], [sflag:$0x1] =	stream.indirect.gather [hbm4b:s4+s12], $0x10, s3, s12, $0xb8;
	[tilespmem:$0x1BD00] =	vst v63  }
0x50: {  	_ =	swait.ge [sflag:s14], $0x8000  }
0x51: {  	[sflag:s14] =	ssyncset.done $0x0  }
0x52: {  	[sflag:s14] =	ssyncadd.s32 $0xFFFF8000  }
0x53: {  	[spmem:s2] =	stream.indirect.scatter.add.f32 [tilespmem:s13], [sflag:$0x2], $0x10, s12, s12, $0xb8;
	[tilespmem:$0x1BD00] =	vst v63  }
0x54: {  	_ =	swait.ge [sflag:s15], $0x8000  }
0x55: {  	s19 =	sadd.s32 $0x1, s19;
	[sflag:s15] =	ssyncset.done $0x0  }
0x56: {  	p0 =	sne.s32 s19, s7;
	[sflag:s15] =	ssyncadd.s32 $0xFFFF8000  }
.Ltmp3:
0x57: {  	[bflag:$0x0] =	sbarrier.arrive $0xFFFF;
	(pc) =	sbr.rel @p0 .LBB2_1-.Ltmp3, $4  }
0x58: {  	[hbm:s16], [sflag:s17] =	dma.local [spmem:s18], $0x24A0  }
0x59: {  	_ =	swait.ge [sflag:s10], $0x24A0  }
0x5a: {  	[sflag:s10] =	ssyncset.done $0x0  }
0x5b: {  	[sflag:s10] =	ssyncadd.s32 $0xFFFFDB60  }
0x5c: {  	_ =	sfence.sel $0x180000  }
0x5d: {  	[bflag:$0x0] =	sbarrier.arrive $0xFFFF  }
0x5e: {  	p0 =	sne.s32 s1, $0x0;
	_ =	strace $0x90000059  }
0x5f: {  	s0 =	sadd.s32 @!p0 $0x100000, s0;
	[bflag:$0x2] =	sbarrier.arrive $0xFFFF  }
0x60: {  	[sflag:s0] =	ssyncadd.tile.s32 @!p0 $0x1;
	_ =	shalt  }
.Lfunc_end2:
_tile_overlayer_lowered:
.L_overlay_start_2:
0x61: {  	(tag) =	ssettag $0x2  }
0x62: {  	s0 =	rddreg [dreg:$0x0];
	s2 =	stileid.u32  }
0x63: {  	s1 =	rddreg [dreg:$0x1];
	p0 =	sne.s32 s2, $0x0  }
0x64: {  	s3 =	rddreg [dreg:$0x2];
	[bflag:$0x3] =	sbarrier.arrive $0xFFFF;
	s2 =	simm.s32 @!p0 $0x1C03  }
0x65: {  	[timem:s3], [sflag:s2] =	dma.local @!p0 [hbm:s0], s1  }
0x66: {  	s0 =	simm.s32 @!p0 $0x3  }
0x67: {  	_ =	swait.ge @!p0 [sflag:s0], s1  }
0x68: {  	s1 =	ssub.s32 @!p0 $0x0, s1;
	[sflag:s0] =	ssyncset.done @!p0 $0x0  }
0x69: {  	[sflag:s0] =	ssyncadd.s32 @!p0 s1  }
0x6a: {  	[bflag:$0x3] =	sbarrier.arrive $0xFFFF  }
0x6b: {  	_ =	shalt  }

// kernel: kernel.28.cloned.1.call-start
scs
__scs_entry_jumppad:
0x0: {  	(pc) =	sbr.rel $0x88, $3  }
0x1: {  	(tag) =	ssettag $0x0;
	lr =	simm.s32 $0x1  }
0x2: {  	[smem:$0x3F90] =	sst lr;
	_ =	strace $0xD0000000  }
0x3: {  	_ = 	snop  }
0x4: {  	_ = 	snop  }
0x5: {  	_ = 	snop  }
0x6: {  	_ = 	snop  }
0x7: {  	_ = 	snop  }
__scs_overlays_trampoline_lowered:
0x8: {  	[smem:$0x3F9F] =	sst s0  }
0x9: {  	[smem:$0x3FA0] =	sst s1  }
0xa: {  	[smem:$0x3FA1] =	sst s2  }
0xb: {  	[smem:$0x3FA2] =	sst s3  }
0xc: {  	[smem:$0x3FA3] =	sst s4  }
0xd: {  	[smem:$0x3FA4] =	sst s5  }
0xe: {  	[smem:$0x3FA5] =	sst s6  }
0xf: {  	[smem:$0x3FA6] =	sst s7  }
0x10: {  	[smem:$0x3FA7] =	sst s8  }
0x11: {  	[smem:$0x3FA8] =	sst s9;
	s0 =	simm.s32 @!p0 $0x0  }
0x12: {  	s1 =	sld [smem:$0x3F8E];
	s0 =	simm.s32 @p0 $0x1  }
0x13: {  	[smem:$0x3FA9] =	sst s0;
	s0 =	simm.s32 @!p1 $0x0  }
0x14: {  	s2 =	sld [smem:$0x3F8D];
	s0 =	simm.s32 @p1 $0x1  }
0x15: {  	[smem:$0x3FAA] =	sst s0;
	s0 =	simm.s32 @!p2 $0x0  }
0x16: {  	s3 =	sld [smem:$0x3FDB];
	s0 =	simm.s32 @p2 $0x1  }
0x17: {  	s4 =	simm.s32 $0x1BF5;
	[smem:$0x3FAC] =	sst s0  }
0x18: {  	s0 =	sld [smem:$0x3F8F];
	_ =	swait.ge [sflag:s4], $0x0  }
0x19: {  	s7 =	sld [smem:$0x3F90]  }
0x1a: {  	s8 =	sadd.s32 $0xFFFFE003, lr  }
0x1b: {  	s9 =	sadd.s32 $0xFFFFFEF7, lr;
	s5 =	simm.s32 $0xFFFFFFFF;
	p2 =	slt.u32 s8, $0xFFFFF086  }
0x1c: {  	p1 =	slt.u32 s9, $0xF7A;
	s5 =	simm.s32 @!p2 $0x0  }
0x1d: {  	s5 =	simm.s32 @p1 $0x1;
	p0 =	seq.s32 s7, s2  }
0x1e: {  	s7 =	smul.u32 @!p0 $0xF7A, s2;
	p2 =	seq.s32 @!p0 s5, $0x0  }
0x1f: {  	s9 =	smul.u32 $0xF7A, s1;
	s8 =	simm.s32 @!p0 $0x1BF5;
	p2 =	por !p2, p0  }
0x20: {  	[sflag:s8] =	ssyncset.s32 @!p0 $0xFFFFF086;
	s6 =	sadd.s32 @!p0 s3, s7;
	s7 =	simm.s32 @!p0 $0x108  }
0x21: {  	s3 =	sadd.s32 s3, s9;
	s6 =	sadd.s32 @!p0 $0x88, s6;
	s7 =	simm.s32 @p2 $0x1082  }
0x22: {  	[simem:s7], [sflag:s8] =	dma.local @!p0 [hbm:s6], $0xF7A  }
0x23: {  	s9 =	sor.u32 $0xD0000000, s2;
	s6 =	simm.s32 $0x108;
	_ =	swait.ge @!p0 [sflag:s8], $0x0  }
0x24: {  	s3 =	sadd.s32 $0x88, s3;
	s6 =	simm.s32 @!p1 $0x1082;
	[sflag:s4] =	ssyncset.s32 $0xFFFFF086  }
0x25: {  	[simem:s6], [sflag:s4] =	dma.local [hbm:s3], $0xF7A  }
0x26: {  	[smem:$0x3F90] =	sst s1;
	(tag) =	ssettag s2;
	_ =	strace s9  }
0x27: {  	s1 =	sld [smem:$0x3FA0]  }
0x28: {  	s2 =	sld [smem:$0x3FA1]  }
0x29: {  	s4 =	sld [smem:$0x3FA3]  }
0x2a: {  	p0 =	seq.s32 s5, $0x0;
	s5 =	sld [smem:$0x3FA4]  }
0x2b: {  	s6 =	sld [smem:$0x3FA5]  }
0x2c: {  	s7 =	sld [smem:$0x3FA6]  }
0x2d: {  	s3 =	simm.s32 $0x108;
	s8 =	sld [smem:$0x3FA7]  }
0x2e: {  	s3 =	simm.s32 @!p0 $0x1082;
	s9 =	sld [smem:$0x3FA8]  }
0x2f: {  	lr =	sadd.s32 s0, s3;
	s0 =	sld [smem:$0x3F9F]  }
0x30: {  	s3 =	sld [smem:$0x3FA2]  }
0x31: {  	[smem:$0x3FAB] =	sst s10  }
0x32: {  	s10 =	sld [smem:$0x3FA9];
	_ =	sdelay $0x3  }
0x33: {  	p0 =	seq.s32 s10, $0x1;
	s10 =	sld [smem:$0x3FAB];
	_ =	sdelay $0x3  }
0x34: {  	[smem:$0x3FAB] =	sst s10  }
0x35: {  	s10 =	sld [smem:$0x3FAA];
	_ =	sdelay $0x3  }
0x36: {  	p1 =	seq.s32 s10, $0x1;
	s10 =	sld [smem:$0x3FAB];
	_ =	sdelay $0x3  }
0x37: {  	[smem:$0x3FAB] =	sst s10  }
0x38: {  	s10 =	sld [smem:$0x3FAC]  }
0x39: {  	_ = 	snop;
	(pc) =	sbr.ind lr, $3  }
0x3a: {  	_ = 	snop  }
0x3b: {  	_ = 	snop  }
0x3c: {  	p2 =	seq.s32 s10, $0x1;
	s10 =	sld [smem:$0x3FAB]  }
0x3d: {  	_ =	shalt  }
0x3e: {  	_ =	shalt  }
0x3f: {  	_ =	shalt  }
0x40: {  	_ =	shalt  }
0x41: {  	_ =	shalt  }
0x42: {  	_ =	shalt  }
0x43: {  	_ =	shalt  }
0x44: {  	_ =	shalt  }
0x45: {  	_ =	shalt  }
0x46: {  	_ =	shalt  }
0x47: {  	_ =	shalt  }
0x48: {  	_ =	shalt  }
0x49: {  	_ =	shalt  }
0x4a: {  	_ =	shalt  }
0x4b: {  	_ =	shalt  }
0x4c: {  	_ =	shalt  }
0x4d: {  	_ =	shalt  }
0x4e: {  	_ =	shalt  }
0x4f: {  	_ =	shalt  }
0x50: {  	_ =	shalt  }
0x51: {  	_ =	shalt  }
0x52: {  	_ =	shalt  }
0x53: {  	_ =	shalt  }
0x54: {  	_ =	shalt  }
0x55: {  	_ =	shalt  }
0x56: {  	_ =	shalt  }
0x57: {  	_ =	shalt  }
0x58: {  	_ =	shalt  }
0x59: {  	_ =	shalt  }
0x5a: {  	_ =	shalt  }
0x5b: {  	_ =	shalt  }
0x5c: {  	_ =	shalt  }
0x5d: {  	_ =	shalt  }
0x5e: {  	_ =	shalt  }
0x5f: {  	_ =	shalt  }
0x60: {  	_ =	shalt  }
0x61: {  	_ =	shalt  }
0x62: {  	_ =	shalt  }
0x63: {  	_ =	shalt  }
0x64: {  	_ =	shalt  }
0x65: {  	_ =	shalt  }
0x66: {  	_ =	shalt  }
0x67: {  	_ =	shalt  }
0x68: {  	_ =	shalt  }
0x69: {  	_ =	shalt  }
0x6a: {  	_ =	shalt  }
0x6b: {  	_ =	shalt  }
0x6c: {  	_ =	shalt  }
0x6d: {  	_ =	shalt  }
0x6e: {  	_ =	shalt  }
0x6f: {  	_ =	shalt  }
0x70: {  	_ =	shalt  }
0x71: {  	_ =	shalt  }
0x72: {  	_ =	shalt  }
0x73: {  	_ =	shalt  }
0x74: {  	_ =	shalt  }
0x75: {  	_ =	shalt  }
0x76: {  	_ =	shalt  }
0x77: {  	_ =	shalt  }
0x78: {  	_ =	shalt  }
0x79: {  	_ =	shalt  }
0x7a: {  	_ =	shalt  }
0x7b: {  	_ =	shalt  }
0x7c: {  	_ =	shalt  }
0x7d: {  	_ =	shalt  }
0x7e: {  	_ =	shalt  }
0x7f: {  	_ =	shalt  }
0x80: {  	_ =	shalt  }
0x81: {  	_ =	shalt  }
0x82: {  	_ =	shalt  }
0x83: {  	_ =	shalt  }
0x84: {  	_ =	shalt  }
0x85: {  	_ =	shalt  }
0x86: {  	_ =	shalt  }
0x87: {  	_ =	shalt  }
.Lfunc_end0:
.L_simem_size_0:
called_computation.4_lowered:
.L_overlay_start_0:
0x88: {  	s2 =	sld [smem:$0x3FD9]  }
0x89: {  	s3 =	sld [smem:$0x3FFE];
	_ =	sdelay $0x1  }
0x8a: {  	s1 =	srdreg.scid  }
0x8b: {  	s0 =	sand.u32 $0x1, s1  }
0x8c: {  	s17 =	sshll.u32 s0, $0xA;
	s2 =	sadd.s32 s3, s2  }
0x8d: {  	s2 =	sadd.s32 s2, s17  }
0x8e: {  	[smem:$0x3FB7] =	sst s2  }
0x8f: {  	_ = 	snop  }
0x90: {  	(tm) =	ssettm $0x1  }
0x91: {  	s18 =	sld [smem:$0x3FFB];
	_ =	sdelay $0x3  }
0x92: {  	_ =	strace s18  }
0x93: {  	s2 =	sld [smem:$0x3FFC];
	_ =	sdelay $0x3  }
0x94: {  	_ =	strace s2  }
0x95: {  	s2 =	sld [smem:$0x3FFD];
	_ =	sdelay $0x3  }
0x96: {  	_ =	strace s2  }
0x97: {  	_ =	strace $0x8FFFFFFF  }
0x98: {  	s19 =	sld [smem:$0x3FDB];
	_ =	sdelay $0x1  }
0x99: {  	s20 =	simm.s32 $_scs_section_size  }
0x9a: {  	s4 =	simm.s32 $_size__tile_overlayer_lowered;
	s5 =	simm.s32 $_tile_overlayer_lowered  }
0x9b: {  	s6 =	simm.s32 $0x1BFF;
	s21 =	sshll.u32 s5, $0x1;
	s3 =	sadd.s32 s20, s19  }
0x9c: {  	s22 =	simm.s32 $0x0;
	s4 =	sshll.u32 s4, $0x1;
	s5 =	sadd.s32 s21, s3  }
0x9d: {  	[timem:s22], [sflag:s6] =	dma.local [hbm:s5], s4  }
0x9e: {  	_ =	swait.ge [sflag:s6], s4  }
0x9f: {  	s4 =	ssub.s32 $0x0, s4;
	[sflag:s6] =	ssyncset.done $0x0  }
0xa0: {  	[sflag:s6] =	ssyncadd.s32 s4;
	_ =	sdelay $0x1  }
0xa1: {  	s23 =	simm.s32 $0x1B8B  }
0xa2: {  	_ =	swait.ge [sflag:s23], $0x1  }
0xa3: {  	[sflag:s23] =	ssyncset.done $0x0  }
0xa4: {  	[sflag:s23] =	ssyncadd.s32 $0xFFFFFFFF  }
0xa5: {  	s4 =	sld [smem:$0x0]  }
0xa6: {  	s5 =	sand.u32 $0xFFFFFFFE, s1  }
0xa7: {  	p0 =	sne.s32 s1, s5  }
0xa8: {  	s5 =	sshll.u32 @p0 s5, $0xE  }
0xa9: {  	s5 =	sadd.s32 @p0 $0x11B8D, s5;
	s6 =	sshll.u32 @p0 s4, $0x11  }
0xaa: {  	s5 =	sor.u32 @p0 s6, s5  }
0xab: {  	[sflag:s5] =	ssyncadd.remote.s32 @p0 $0x1;
	_ =	sdelay $0x1  }
0xac: {  	s5 =	simm.s32 @p0 $0x1B8D  }
0xad: {  	_ =	swait.eq @p0 [sflag:s5], $0x1  }
0xae: {  	[sflag:s5] =	ssyncadd.s32 @p0 $0xFFFFFFFF  }
0xaf: {  	s6 =	sshll.u32 @!p0 s1, $0xE  }
0xb0: {  	s6 =	sor.u32 @!p0 $0x4000, s6;
	s5 =	simm.s32 @!p0 $0x1B8D  }
0xb1: {  	s4 =	sshll.u32 @!p0 s4, $0x11;
	s6 =	sadd.s32 @!p0 $0x11B8D, s6;
	_ =	swait.eq @!p0 [sflag:s5], $0x1  }
0xb2: {  	s4 =	sor.u32 @!p0 s4, s6;
	[sflag:s5] =	ssyncadd.s32 @!p0 $0xFFFFFFFF  }
0xb3: {  	s25 =	simm.s32 $0x1B8E;
	s24 =	sld [smem:$0x3FFE];
	[sflag:s4] =	ssyncadd.remote.s32 @!p0 $0x1  }
0xb4: {  	s26 =	simm.s32 $execute0_lowered;
	[smem:$0x3FD2] =	sst s25  }
0xb5: {  	s5 =	sshll.u32 s26, $0x1;
	_ =	strace $0x80000055;
	[dreg:$0x1] =	wrdreg $0xFFFFFFFF  }
0xb6: {  	s28 =	simm.s32 $_size_execute0_lowered;
	s3 =	sadd.s32 s3, s5;
	[dreg:$0x0] =	wrdreg $0x0  }
0xb7: {  	s5 =	sshll.u32 s28, $0x1;
	[dreg:$0x2] =	wrdreg s3  }
0xb8: {  	[dreg:$0x3] =	wrdreg s5  }
0xb9: {  	[dreg:$0x4] =	wrdreg $0xC0  }
0xba: {  	_ =	task [dreg:s22], $0x5FFFF  }
0xbb: {  	[dreg:$0x1] =	wrdreg $0xFFFFFFFF  }
0xbc: {  	[dreg:$0x0] =	wrdreg $0x60  }
0xbd: {  	[dreg:$0x2] =	wrdreg s24  }
0xbe: {  	[dreg:$0x3] =	wrdreg $0x98000  }
0xbf: {  	[dreg:$0x4] =	wrdreg $0xA  }
0xc0: {  	_ =	task.clear_ibuf [dreg:s22], $0x5FFFF;
	_ =	strace $0x90000055  }
0xc1: {  	s29 =	simm.s32 $0xA;
	_ =	strace $0x80000057  }
0xc2: {  	_ =	swait.ge [sflag:s29], $0x1  }
0xc3: {  	[sflag:s29] =	ssyncadd.s32 $0xFFFFFFFF  }
0xc4: {  	_ =	strace $0x90000057  }
0xc5: {  	_ =	sfence  }
0xc6: {  	s30 =	sld [smem:$0x0];
	_ =	sdelay $0x2  }
0xc7: {  	s31 =	sshll.u32 s1, $0xD;
	s1 =	sshrl.u32 s1, $0x2  }
0xc8: {  	s4 =	sand.u32 $0x4000, s31;
	s1 =	sadd.s32 s1, s30  }
0xc9: {  	s0 =	sor.u32 s4, s0;
	s1 =	sshll.u32 s1, $0x11  }
0xca: {  	s0 =	sor.u32 s1, s0  }
0xcb: {  	s0 =	sadd.s32 $0x8F2B, s0  }
0xcc: {  	[sflag:s0] =	ssyncadd.remote.s32 $0x1  }
0xcd: {  	_ =	sfence.sel $0xFFFF  }
0xce: {  	[dreg:$0x0] =	wrdreg $0xFFFFFFFF;
	(pc) =	sbr.abs _section_cstart, $3  }
0xcf: {  	[dreg:$0x1] =	wrdreg $0xFFFFFFFF  }
0xd0: {  	_ =	task.clear_ibuf [dreg:s22], $0x2FFFF;
	_ =	strace $0x9FFFFFFF  }
0xd1: {  	(tm) =	ssettm $0x7FFFFFFF  }
tec
execute0_lowered:
.L_overlay_start_1:
0x0: {  	(tag) =	ssettag $0x1  }
0x1: {  	s6 =	rddreg [dreg:$0x0]  }
0x2: {  	s2 =	rddreg [dreg:$0x1]  }
0x3: {  	s0 =	rddreg [dreg:$0x2]  }
0x4: {  	s1 =	stileid.u32;
	s4 =	srdreg.scid;
	s3 =	simm.s32 $0x0  }
0x5: {  	s14 =	simm.s32 $0x1;
	s15 =	simm.s32 $0x2;
	s11 =	smul.u32 $0x1900, s1  }
0x6: {  	s19 =	simm.s32 $0x0;
	s5 =	sand.u32 $0x1, s4;
	s8 =	smul.u32 $0x49400, s1  }
0x7: {  	[smem:$0x7FF] =	sst s3;
	s4 =	sadd.s32 $0x427E00, s6;
	s13 =	smul.u32 $0x12500, s1  }
0x8: {  	s31 =	sshll.u32 s1, $0x6;
	s7 =	smul.u32 $0x19000, s5;
	_ =	strace $0x80000056  }
0x9: {  	s10 =	smul.u32 $0x24A00, s5;
	s12 =	ssub.s32 $0x2, s5;
	s9 =	sadd.s32 s11, s6  }
0xa: {  	s28 =	sshrl.u32 s8, $0x2;
	s29 =	sshrl.u32 s12, $0x1;
	s17 =	sshrl.u32 s13, $0x3  }
0xb: {  	s18 =	sadd.s32 s13, s2;
	s13 =	simm.s32 $0x1000;
	s7 =	sadd.s32 s7, s6  }
0xc: {  	s5 =	sadd.s32 s28, s2;
	s10 =	sadd.s32 s10, s6;
	s8 =	ssub.s32 s12, s29  }
0xd: {  	s12 =	simm.s32 $0x800;
	s18 =	sshrl.u32 s18, $0x3;
	s6 =	sadd.s32 $0x12000, s5  }
0xe: {  	s30 =	sadd.s32 $0xBE00, s7;
	s16 =	sadd.s32 $0x440600, s10;
	s7 =	smax.u32 s8, $0x1  }
0xf: {  	s8 =	sadd.s32 $0x56600, s9;
	s9 =	simm.s32 $0x9000;
	s10 =	simm.s32 $0x3  }
0x10: {  	v0 =	vimm.f32 $0.0e+00;
	s11 =	sadd.s32 s30, s11;
	s16 =	sadd.s32 s17, s16;
	s17 =	sor.u32 $0x1C03, s31  }
.LBB2_1:
0x11: {  	s20 =	simm.s32 $0x0  }
.LBB2_2:
0x12: {  	p0 =	sne.s32 s20, $0x1FC0  }
.Ltmp0:
0x13: {  	_ = 	snop;
	(pc) =	sbr.rel @p0 .LBB2_2-.Ltmp0, $3  }
0x14: {  	_ =	sdelay $0x1  }
0x15: {  	s21 =	sshra.s32 s20, $0x2  }
0x16: {  	s20 =	sadd.s32 $0x40, s20;
	[tilespmem:s21+$0x9000] =	vst v0  }
0x17: {  	s20 =	sadd.s32 $0x0, s5  }
0x18: {  	[spmem:s20] =	stream.linear.scatter [tilespmem:s9], [sflag:$0x3], $0x800, $0x38;
	[tilespmem:$0x1BD00] =	vst v63  }
0x19: {  	s20 =	simm.s32 $0x2000;
	_ =	swait.ge [sflag:s10], $0x800  }
.LBB2_4:
0x1a: {  	s21 =	sshra.s32 s20, $0x2;
	[sflag:s10] =	ssyncset.done $0x0;
	p0 =	sne.s32 s20, $0x46000  }
.Ltmp1:
0x1b: {  	s21 =	sadd.s32 s21, s5;
	[sflag:s10] =	ssyncadd.s32 $0xFFFFF800;
	(pc) =	sbr.rel @p0 .LBB2_4-.Ltmp1, $3  }
0x1c: {  	[spmem:s21] =	stream.linear.scatter [tilespmem:s9], [sflag:$0x3], $0x800, $0x38;
	[tilespmem:$0x1BD00] =	vst v63  }
0x1d: {  	s20 =	sadd.s32 $0x2000, s20;
	_ =	sdelay $0x1  }
0x1e: {  	_ =	swait.ge [sflag:s10], $0x800  }
0x1f: {  	[sflag:s10] =	ssyncset.done $0x0  }
0x20: {  	[sflag:s10] =	ssyncadd.s32 $0xFFFFF800  }
0x21: {  	[spmem:s6] =	stream.linear.scatter [tilespmem:s9], [sflag:$0x3], $0x500, $0x38;
	[tilespmem:$0x1BD00] =	vst v63  }
0x22: {  	_ =	swait.ge [sflag:s10], $0x500  }
0x23: {  	[sflag:s10] =	ssyncset.done $0x0  }
0x24: {  	[sflag:s10] =	ssyncadd.s32 $0xFFFFFB00  }
0x25: {  	s20 =	sadd.s32 $0x0, s11;
	[bflag:$0x0] =	sbarrier.arrive $0xFFFF  }
0x26: {  	[tilespmem:s12], [sflag:$0x3] =	stream.linear.gather [hbm4b:s20+s3], $0x800, $0x38;
	[tilespmem:$0x1BD00] =	vst v63  }
0x27: {  	_ =	swait.ge [sflag:s10], $0x800  }
0x28: {  	[sflag:s10] =	ssyncset.done $0x0  }
0x29: {  	s31 =	sadd.s32 $0x0, s8;
	[sflag:s10] =	ssyncadd.s32 $0xFFFFF800  }
0x2a: {  	[tilespmem:s3], [sflag:$0x3] =	stream.linear.gather [hbm4b:s31+s3], $0x800, $0x38;
	[tilespmem:$0x1BD00] =	vst v63  }
0x2b: {  	_ =	swait.ge [sflag:s10], $0x800  }
0x2c: {  	[sflag:s10] =	ssyncset.done $0x0  }
0x2d: {  	[sflag:s10] =	ssyncadd.s32 $0xFFFFF800  }
0x2e: {  	[tilespmem:s13], [sflag:$0x1] =	stream.indirect.gather [hbm4b:s4+s12], $0x10, s3, s12, $0xb8;
	[tilespmem:$0x1BD00] =	vst v63  }
0x2f: {  	_ =	swait.ge [sflag:s14], $0x8000  }
0x30: {  	[sflag:s14] =	ssyncset.done $0x0  }
0x31: {  	[sflag:s14] =	ssyncadd.s32 $0xFFFF8000  }
0x32: {  	[spmem:s2] =	stream.indirect.scatter.add.f32 [tilespmem:s13], [sflag:$0x2], $0x10, s12, s12, $0xb8;
	[tilespmem:$0x1BD00] =	vst v63  }
0x33: {  	_ =	swait.ge [sflag:s15], $0x8000  }
0x34: {  	s21 =	simm.s32 $0x200;
	s20 =	simm.s32 $0x100;
	[sflag:s15] =	ssyncset.done $0x0  }
.LBB2_6:
0x35: {  	s22 =	sadd.s32 s20, s11  }
0x36: {  	[sflag:s15] =	ssyncadd.s32 $0xFFFF8000;
	s23 =	smov.u32 s21;
	s24 =	sadd.s32 $0x100, s21  }
0x37: {  	[tilespmem:s12], [sflag:$0x3] =	stream.linear.gather [hbm4b:s22+s3], $0x800, $0x38;
	[tilespmem:$0x1BD00] =	vst v63  }
0x38: {  	p0 =	sne.s32 s21, $0x1800;
	_ =	swait.ge [sflag:s10], $0x800  }
0x39: {  	[sflag:s10] =	ssyncset.done $0x0  }
0x3a: {  	s21 =	sadd.s32 s20, s8;
	s20 =	smov.u32 s23;
	[sflag:s10] =	ssyncadd.s32 $0xFFFFF800  }
0x3b: {  	[tilespmem:s3], [sflag:$0x3] =	stream.linear.gather [hbm4b:s21+s3], $0x800, $0x38;
	[tilespmem:$0x1BD00] =	vst v63  }
0x3c: {  	_ =	swait.ge [sflag:s10], $0x800  }
0x3d: {  	[sflag:s10] =	ssyncset.done $0x0  }
0x3e: {  	[sflag:s10] =	ssyncadd.s32 $0xFFFFF800  }
0x3f: {  	[tilespmem:s13], [sflag:$0x1] =	stream.indirect.gather [hbm4b:s4+s12], $0x10, s3, s12, $0xb8;
	[tilespmem:$0x1BD00] =	vst v63  }
0x40: {  	_ =	swait.ge [sflag:s14], $0x8000  }
.Ltmp2:
0x41: {  	[sflag:s14] =	ssyncset.done $0x0;
	(pc) =	sbr.rel @p0 .LBB2_6-.Ltmp2, $4  }
0x42: {  	[sflag:s14] =	ssyncadd.s32 $0xFFFF8000  }
0x43: {  	[spmem:s2] =	stream.indirect.scatter.add.f32 [tilespmem:s13], [sflag:$0x2], $0x10, s12, s12, $0xb8;
	[tilespmem:$0x1BD00] =	vst v63  }
0x44: {  	_ =	swait.ge [sflag:s15], $0x8000  }
0x45: {  	s21 =	smov.u32 s24;
	[sflag:s15] =	ssyncset.done $0x0  }
0x46: {  	s21 =	sadd.s32 s20, s11;
	[sflag:s15] =	ssyncadd.s32 $0xFFFF8000  }
0x47: {  	[tilespmem:s12], [sflag:$0x3] =	stream.linear.gather [hbm4b:s21+s3], $0x800, $0x38;
	[tilespmem:$0x1BD00] =	vst v63  }
0x48: {  	_ =	swait.ge [sflag:s10], $0x800  }
0x49: {  	[sflag:s10] =	ssyncset.done $0x0  }
0x4a: {  	s31 =	sadd.s32 s20, s8;
	[sflag:s10] =	ssyncadd.s32 $0xFFFFF800  }
0x4b: {  	[tilespmem:s3], [sflag:$0x3] =	stream.linear.gather [hbm4b:s31+s3], $0x800, $0x38;
	[tilespmem:$0x1BD00] =	vst v63  }
0x4c: {  	_ =	swait.ge [sflag:s10], $0x800  }
0x4d: {  	[sflag:s10] =	ssyncset.done $0x0  }
0x4e: {  	[sflag:s10] =	ssyncadd.s32 $0xFFFFF800  }
0x4f: {  	[tilespmem:s13], [sflag:$0x1] =	stream.indirect.gather [hbm4b:s4+s12], $0x10, s3, s12, $0xb8;
	[tilespmem:$0x1BD00] =	vst v63  }
0x50: {  	_ =	swait.ge [sflag:s14], $0x8000  }
0x51: {  	[sflag:s14] =	ssyncset.done $0x0  }
0x52: {  	[sflag:s14] =	ssyncadd.s32 $0xFFFF8000  }
0x53: {  	[spmem:s2] =	stream.indirect.scatter.add.f32 [tilespmem:s13], [sflag:$0x2], $0x10, s12, s12, $0xb8;
	[tilespmem:$0x1BD00] =	vst v63  }
0x54: {  	_ =	swait.ge [sflag:s15], $0x8000  }
0x55: {  	s19 =	sadd.s32 $0x1, s19;
	[sflag:s15] =	ssyncset.done $0x0  }
0x56: {  	p0 =	sne.s32 s19, s7;
	[sflag:s15] =	ssyncadd.s32 $0xFFFF8000  }
.Ltmp3:
0x57: {  	[bflag:$0x0] =	sbarrier.arrive $0xFFFF;
	(pc) =	sbr.rel @p0 .LBB2_1-.Ltmp3, $4  }
0x58: {  	[hbm:s16], [sflag:s17] =	dma.local [spmem:s18], $0x24A0  }
0x59: {  	_ =	swait.ge [sflag:s10], $0x24A0  }
0x5a: {  	[sflag:s10] =	ssyncset.done $0x0  }
0x5b: {  	[sflag:s10] =	ssyncadd.s32 $0xFFFFDB60  }
0x5c: {  	_ =	sfence.sel $0x180000  }
0x5d: {  	[bflag:$0x0] =	sbarrier.arrive $0xFFFF  }
0x5e: {  	p0 =	sne.s32 s1, $0x0;
	_ =	strace $0x90000056  }
0x5f: {  	s0 =	sadd.s32 @!p0 $0x100000, s0;
	[bflag:$0x2] =	sbarrier.arrive $0xFFFF  }
0x60: {  	[sflag:s0] =	ssyncadd.tile.s32 @!p0 $0x1;
	_ =	shalt  }
.Lfunc_end2:
_tile_overlayer_lowered:
.L_overlay_start_2:
0x61: {  	(tag) =	ssettag $0x2  }
0x62: {  	s0 =	rddreg [dreg:$0x0];
	s2 =	stileid.u32  }
0x63: {  	s1 =	rddreg [dreg:$0x1];
	p0 =	sne.s32 s2, $0x0  }
0x64: {  	s3 =	rddreg [dreg:$0x2];
	[bflag:$0x3] =	sbarrier.arrive $0xFFFF;
	s2 =	simm.s32 @!p0 $0x1C03  }
0x65: {  	[timem:s3], [sflag:s2] =	dma.local @!p0 [hbm:s0], s1  }
0x66: {  	s0 =	simm.s32 @!p0 $0x3  }
0x67: {  	_ =	swait.ge @!p0 [sflag:s0], s1  }
0x68: {  	s1 =	ssub.s32 @!p0 $0x0, s1;
	[sflag:s0] =	ssyncset.done @!p0 $0x0  }
0x69: {  	[sflag:s0] =	ssyncadd.s32 @!p0 s1  }
0x6a: {  	[bflag:$0x3] =	sbarrier.arrive $0xFFFF  }
0x6b: {  	_ =	shalt  }

// kernel: kernel.31.cloned.1.call-start
scs
__scs_entry_jumppad:
0x0: {  	(pc) =	sbr.rel $0x88, $3  }
0x1: {  	(tag) =	ssettag $0x0;
	lr =	simm.s32 $0x1  }
0x2: {  	[smem:$0x3F90] =	sst lr;
	_ =	strace $0xD0000000  }
0x3: {  	_ = 	snop  }
0x4: {  	_ = 	snop  }
0x5: {  	_ = 	snop  }
0x6: {  	_ = 	snop  }
0x7: {  	_ = 	snop  }
__scs_overlays_trampoline_lowered:
0x8: {  	[smem:$0x3F9F] =	sst s0  }
0x9: {  	[smem:$0x3FA0] =	sst s1  }
0xa: {  	[smem:$0x3FA1] =	sst s2  }
0xb: {  	[smem:$0x3FA2] =	sst s3  }
0xc: {  	[smem:$0x3FA3] =	sst s4  }
0xd: {  	[smem:$0x3FA4] =	sst s5  }
0xe: {  	[smem:$0x3FA5] =	sst s6  }
0xf: {  	[smem:$0x3FA6] =	sst s7  }
0x10: {  	[smem:$0x3FA7] =	sst s8  }
0x11: {  	[smem:$0x3FA8] =	sst s9;
	s0 =	simm.s32 @!p0 $0x0  }
0x12: {  	s1 =	sld [smem:$0x3F8E];
	s0 =	simm.s32 @p0 $0x1  }
0x13: {  	[smem:$0x3FA9] =	sst s0;
	s0 =	simm.s32 @!p1 $0x0  }
0x14: {  	s2 =	sld [smem:$0x3F8D];
	s0 =	simm.s32 @p1 $0x1  }
0x15: {  	[smem:$0x3FAA] =	sst s0;
	s0 =	simm.s32 @!p2 $0x0  }
0x16: {  	s3 =	sld [smem:$0x3FDB];
	s0 =	simm.s32 @p2 $0x1  }
0x17: {  	s4 =	simm.s32 $0x1BF5;
	[smem:$0x3FAC] =	sst s0  }
0x18: {  	s0 =	sld [smem:$0x3F8F];
	_ =	swait.ge [sflag:s4], $0x0  }
0x19: {  	s7 =	sld [smem:$0x3F90]  }
0x1a: {  	s8 =	sadd.s32 $0xFFFFE003, lr  }
0x1b: {  	s9 =	sadd.s32 $0xFFFFFEF7, lr;
	s5 =	simm.s32 $0xFFFFFFFF;
	p2 =	slt.u32 s8, $0xFFFFF086  }
0x1c: {  	p1 =	slt.u32 s9, $0xF7A;
	s5 =	simm.s32 @!p2 $0x0  }
0x1d: {  	s5 =	simm.s32 @p1 $0x1;
	p0 =	seq.s32 s7, s2  }
0x1e: {  	s7 =	smul.u32 @!p0 $0xF7A, s2;
	p2 =	seq.s32 @!p0 s5, $0x0  }
0x1f: {  	s9 =	smul.u32 $0xF7A, s1;
	s8 =	simm.s32 @!p0 $0x1BF5;
	p2 =	por !p2, p0  }
0x20: {  	[sflag:s8] =	ssyncset.s32 @!p0 $0xFFFFF086;
	s6 =	sadd.s32 @!p0 s3, s7;
	s7 =	simm.s32 @!p0 $0x108  }
0x21: {  	s3 =	sadd.s32 s3, s9;
	s6 =	sadd.s32 @!p0 $0x88, s6;
	s7 =	simm.s32 @p2 $0x1082  }
0x22: {  	[simem:s7], [sflag:s8] =	dma.local @!p0 [hbm:s6], $0xF7A  }
0x23: {  	s9 =	sor.u32 $0xD0000000, s2;
	s6 =	simm.s32 $0x108;
	_ =	swait.ge @!p0 [sflag:s8], $0x0  }
0x24: {  	s3 =	sadd.s32 $0x88, s3;
	s6 =	simm.s32 @!p1 $0x1082;
	[sflag:s4] =	ssyncset.s32 $0xFFFFF086  }
0x25: {  	[simem:s6], [sflag:s4] =	dma.local [hbm:s3], $0xF7A  }
0x26: {  	[smem:$0x3F90] =	sst s1;
	(tag) =	ssettag s2;
	_ =	strace s9  }
0x27: {  	s1 =	sld [smem:$0x3FA0]  }
0x28: {  	s2 =	sld [smem:$0x3FA1]  }
0x29: {  	s4 =	sld [smem:$0x3FA3]  }
0x2a: {  	p0 =	seq.s32 s5, $0x0;
	s5 =	sld [smem:$0x3FA4]  }
0x2b: {  	s6 =	sld [smem:$0x3FA5]  }
0x2c: {  	s7 =	sld [smem:$0x3FA6]  }
0x2d: {  	s3 =	simm.s32 $0x108;
	s8 =	sld [smem:$0x3FA7]  }
0x2e: {  	s3 =	simm.s32 @!p0 $0x1082;
	s9 =	sld [smem:$0x3FA8]  }
0x2f: {  	lr =	sadd.s32 s0, s3;
	s0 =	sld [smem:$0x3F9F]  }
0x30: {  	s3 =	sld [smem:$0x3FA2]  }
0x31: {  	[smem:$0x3FAB] =	sst s10  }
0x32: {  	s10 =	sld [smem:$0x3FA9];
	_ =	sdelay $0x3  }
0x33: {  	p0 =	seq.s32 s10, $0x1;
	s10 =	sld [smem:$0x3FAB];
	_ =	sdelay $0x3  }
0x34: {  	[smem:$0x3FAB] =	sst s10  }
0x35: {  	s10 =	sld [smem:$0x3FAA];
	_ =	sdelay $0x3  }
0x36: {  	p1 =	seq.s32 s10, $0x1;
	s10 =	sld [smem:$0x3FAB];
	_ =	sdelay $0x3  }
0x37: {  	[smem:$0x3FAB] =	sst s10  }
0x38: {  	s10 =	sld [smem:$0x3FAC]  }
0x39: {  	_ = 	snop;
	(pc) =	sbr.ind lr, $3  }
0x3a: {  	_ = 	snop  }
0x3b: {  	_ = 	snop  }
0x3c: {  	p2 =	seq.s32 s10, $0x1;
	s10 =	sld [smem:$0x3FAB]  }
0x3d: {  	_ =	shalt  }
0x3e: {  	_ =	shalt  }
0x3f: {  	_ =	shalt  }
0x40: {  	_ =	shalt  }
0x41: {  	_ =	shalt  }
0x42: {  	_ =	shalt  }
0x43: {  	_ =	shalt  }
0x44: {  	_ =	shalt  }
0x45: {  	_ =	shalt  }
0x46: {  	_ =	shalt  }
0x47: {  	_ =	shalt  }
0x48: {  	_ =	shalt  }
0x49: {  	_ =	shalt  }
0x4a: {  	_ =	shalt  }
0x4b: {  	_ =	shalt  }
0x4c: {  	_ =	shalt  }
0x4d: {  	_ =	shalt  }
0x4e: {  	_ =	shalt  }
0x4f: {  	_ =	shalt  }
0x50: {  	_ =	shalt  }
0x51: {  	_ =	shalt  }
0x52: {  	_ =	shalt  }
0x53: {  	_ =	shalt  }
0x54: {  	_ =	shalt  }
0x55: {  	_ =	shalt  }
0x56: {  	_ =	shalt  }
0x57: {  	_ =	shalt  }
0x58: {  	_ =	shalt  }
0x59: {  	_ =	shalt  }
0x5a: {  	_ =	shalt  }
0x5b: {  	_ =	shalt  }
0x5c: {  	_ =	shalt  }
0x5d: {  	_ =	shalt  }
0x5e: {  	_ =	shalt  }
0x5f: {  	_ =	shalt  }
0x60: {  	_ =	shalt  }
0x61: {  	_ =	shalt  }
0x62: {  	_ =	shalt  }
0x63: {  	_ =	shalt  }
0x64: {  	_ =	shalt  }
0x65: {  	_ =	shalt  }
0x66: {  	_ =	shalt  }
0x67: {  	_ =	shalt  }
0x68: {  	_ =	shalt  }
0x69: {  	_ =	shalt  }
0x6a: {  	_ =	shalt  }
0x6b: {  	_ =	shalt  }
0x6c: {  	_ =	shalt  }
0x6d: {  	_ =	shalt  }
0x6e: {  	_ =	shalt  }
0x6f: {  	_ =	shalt  }
0x70: {  	_ =	shalt  }
0x71: {  	_ =	shalt  }
0x72: {  	_ =	shalt  }
0x73: {  	_ =	shalt  }
0x74: {  	_ =	shalt  }
0x75: {  	_ =	shalt  }
0x76: {  	_ =	shalt  }
0x77: {  	_ =	shalt  }
0x78: {  	_ =	shalt  }
0x79: {  	_ =	shalt  }
0x7a: {  	_ =	shalt  }
0x7b: {  	_ =	shalt  }
0x7c: {  	_ =	shalt  }
0x7d: {  	_ =	shalt  }
0x7e: {  	_ =	shalt  }
0x7f: {  	_ =	shalt  }
0x80: {  	_ =	shalt  }
0x81: {  	_ =	shalt  }
0x82: {  	_ =	shalt  }
0x83: {  	_ =	shalt  }
0x84: {  	_ =	shalt  }
0x85: {  	_ =	shalt  }
0x86: {  	_ =	shalt  }
0x87: {  	_ =	shalt  }
.Lfunc_end0:
.L_simem_size_0:
called_computation.5_lowered:
.L_overlay_start_0:
0x88: {  	s2 =	sld [smem:$0x3FD9]  }
0x89: {  	s3 =	sld [smem:$0x3FFE];
	_ =	sdelay $0x1  }
0x8a: {  	s1 =	srdreg.scid  }
0x8b: {  	s0 =	sand.u32 $0x1, s1  }
0x8c: {  	s17 =	sshll.u32 s0, $0xA;
	s2 =	sadd.s32 s3, s2  }
0x8d: {  	s2 =	sadd.s32 s2, s17  }
0x8e: {  	[smem:$0x3FB7] =	sst s2  }
0x8f: {  	_ = 	snop  }
0x90: {  	(tm) =	ssettm $0x1  }
0x91: {  	s18 =	sld [smem:$0x3FFB];
	_ =	sdelay $0x3  }
0x92: {  	_ =	strace s18  }
0x93: {  	s2 =	sld [smem:$0x3FFC];
	_ =	sdelay $0x3  }
0x94: {  	_ =	strace s2  }
0x95: {  	s2 =	sld [smem:$0x3FFD];
	_ =	sdelay $0x3  }
0x96: {  	_ =	strace s2  }
0x97: {  	_ =	strace $0x8FFFFFFF  }
0x98: {  	s19 =	sld [smem:$0x3FDB];
	_ =	sdelay $0x1  }
0x99: {  	s20 =	simm.s32 $_scs_section_size  }
0x9a: {  	s4 =	simm.s32 $_size__tile_overlayer_lowered;
	s5 =	simm.s32 $_tile_overlayer_lowered  }
0x9b: {  	s6 =	simm.s32 $0x1BFF;
	s21 =	sshll.u32 s5, $0x1;
	s3 =	sadd.s32 s20, s19  }
0x9c: {  	s22 =	simm.s32 $0x0;
	s4 =	sshll.u32 s4, $0x1;
	s5 =	sadd.s32 s21, s3  }
0x9d: {  	[timem:s22], [sflag:s6] =	dma.local [hbm:s5], s4  }
0x9e: {  	_ =	swait.ge [sflag:s6], s4  }
0x9f: {  	s4 =	ssub.s32 $0x0, s4;
	[sflag:s6] =	ssyncset.done $0x0  }
0xa0: {  	[sflag:s6] =	ssyncadd.s32 s4;
	_ =	sdelay $0x1  }
0xa1: {  	s23 =	simm.s32 $0x1B8B  }
0xa2: {  	_ =	swait.ge [sflag:s23], $0x1  }
0xa3: {  	[sflag:s23] =	ssyncset.done $0x0  }
0xa4: {  	[sflag:s23] =	ssyncadd.s32 $0xFFFFFFFF  }
0xa5: {  	s4 =	sld [smem:$0x0]  }
0xa6: {  	s5 =	sand.u32 $0xFFFFFFFE, s1  }
0xa7: {  	p0 =	sne.s32 s1, s5  }
0xa8: {  	s5 =	sshll.u32 @p0 s5, $0xE  }
0xa9: {  	s5 =	sadd.s32 @p0 $0x11B8D, s5;
	s6 =	sshll.u32 @p0 s4, $0x11  }
0xaa: {  	s5 =	sor.u32 @p0 s6, s5  }
0xab: {  	[sflag:s5] =	ssyncadd.remote.s32 @p0 $0x1;
	_ =	sdelay $0x1  }
0xac: {  	s5 =	simm.s32 @p0 $0x1B8D  }
0xad: {  	_ =	swait.eq @p0 [sflag:s5], $0x1  }
0xae: {  	[sflag:s5] =	ssyncadd.s32 @p0 $0xFFFFFFFF  }
0xaf: {  	s6 =	sshll.u32 @!p0 s1, $0xE  }
0xb0: {  	s6 =	sor.u32 @!p0 $0x4000, s6;
	s5 =	simm.s32 @!p0 $0x1B8D  }
0xb1: {  	s4 =	sshll.u32 @!p0 s4, $0x11;
	s6 =	sadd.s32 @!p0 $0x11B8D, s6;
	_ =	swait.eq @!p0 [sflag:s5], $0x1  }
0xb2: {  	s4 =	sor.u32 @!p0 s4, s6;
	[sflag:s5] =	ssyncadd.s32 @!p0 $0xFFFFFFFF  }
0xb3: {  	s25 =	simm.s32 $0x1B8E;
	s24 =	sld [smem:$0x3FFE];
	[sflag:s4] =	ssyncadd.remote.s32 @!p0 $0x1  }
0xb4: {  	s26 =	simm.s32 $execute0_lowered;
	[smem:$0x3FD2] =	sst s25  }
0xb5: {  	s5 =	sshll.u32 s26, $0x1;
	_ =	strace $0x80000052;
	[dreg:$0x1] =	wrdreg $0xFFFFFFFF  }
0xb6: {  	s28 =	simm.s32 $_size_execute0_lowered;
	s3 =	sadd.s32 s3, s5;
	[dreg:$0x0] =	wrdreg $0x0  }
0xb7: {  	s5 =	sshll.u32 s28, $0x1;
	[dreg:$0x2] =	wrdreg s3  }
0xb8: {  	[dreg:$0x3] =	wrdreg s5  }
0xb9: {  	[dreg:$0x4] =	wrdreg $0xC0  }
0xba: {  	_ =	task [dreg:s22], $0x5FFFF  }
0xbb: {  	[dreg:$0x1] =	wrdreg $0xFFFFFFFF  }
0xbc: {  	[dreg:$0x0] =	wrdreg $0x60  }
0xbd: {  	[dreg:$0x2] =	wrdreg s24  }
0xbe: {  	[dreg:$0x3] =	wrdreg $0x98000  }
0xbf: {  	[dreg:$0x4] =	wrdreg $0xB  }
0xc0: {  	_ =	task.clear_ibuf [dreg:s22], $0x5FFFF;
	_ =	strace $0x90000052  }
0xc1: {  	s29 =	simm.s32 $0xB;
	_ =	strace $0x80000054  }
0xc2: {  	_ =	swait.ge [sflag:s29], $0x1  }
0xc3: {  	[sflag:s29] =	ssyncadd.s32 $0xFFFFFFFF  }
0xc4: {  	_ =	strace $0x90000054  }
0xc5: {  	_ =	sfence  }
0xc6: {  	s30 =	sld [smem:$0x0];
	_ =	sdelay $0x2  }
0xc7: {  	s31 =	sshll.u32 s1, $0xD;
	s1 =	sshrl.u32 s1, $0x2  }
0xc8: {  	s4 =	sand.u32 $0x4000, s31;
	s1 =	sadd.s32 s1, s30  }
0xc9: {  	s0 =	sor.u32 s4, s0;
	s1 =	sshll.u32 s1, $0x11  }
0xca: {  	s0 =	sor.u32 s1, s0  }
0xcb: {  	s0 =	sadd.s32 $0x8F2B, s0  }
0xcc: {  	[sflag:s0] =	ssyncadd.remote.s32 $0x1  }
0xcd: {  	_ =	sfence.sel $0xFFFF  }
0xce: {  	[dreg:$0x0] =	wrdreg $0xFFFFFFFF;
	(pc) =	sbr.abs _section_cstart, $3  }
0xcf: {  	[dreg:$0x1] =	wrdreg $0xFFFFFFFF  }
0xd0: {  	_ =	task.clear_ibuf [dreg:s22], $0x2FFFF;
	_ =	strace $0x9FFFFFFF  }
0xd1: {  	(tm) =	ssettm $0x7FFFFFFF  }
tec
execute0_lowered:
.L_overlay_start_1:
0x0: {  	(tag) =	ssettag $0x1  }
0x1: {  	s6 =	rddreg [dreg:$0x0]  }
0x2: {  	s2 =	rddreg [dreg:$0x1]  }
0x3: {  	s0 =	rddreg [dreg:$0x2]  }
0x4: {  	s1 =	stileid.u32;
	s4 =	srdreg.scid;
	s3 =	simm.s32 $0x0  }
0x5: {  	s14 =	simm.s32 $0x1;
	s15 =	simm.s32 $0x2;
	s11 =	smul.u32 $0x1900, s1  }
0x6: {  	s19 =	simm.s32 $0x0;
	s5 =	sand.u32 $0x1, s4;
	s8 =	smul.u32 $0x49400, s1  }
0x7: {  	[smem:$0x7FF] =	sst s3;
	s4 =	sadd.s32 $0x3C6200, s6;
	s13 =	smul.u32 $0x12500, s1  }
0x8: {  	s31 =	sshll.u32 s1, $0x6;
	s7 =	smul.u32 $0x19000, s5;
	_ =	strace $0x80000053  }
0x9: {  	s10 =	smul.u32 $0x24A00, s5;
	s12 =	ssub.s32 $0x2, s5;
	s9 =	sadd.s32 s11, s6  }
0xa: {  	s28 =	sshrl.u32 s8, $0x2;
	s29 =	sshrl.u32 s12, $0x1;
	s17 =	sshrl.u32 s13, $0x3  }
0xb: {  	s18 =	sadd.s32 s13, s2;
	s13 =	simm.s32 $0x1000;
	s7 =	sadd.s32 s7, s6  }
0xc: {  	s5 =	sadd.s32 s28, s2;
	s10 =	sadd.s32 s10, s6;
	s8 =	ssub.s32 s12, s29  }
0xd: {  	s12 =	simm.s32 $0x800;
	s18 =	sshrl.u32 s18, $0x3;
	s6 =	sadd.s32 $0x12000, s5  }
0xe: {  	s30 =	sadd.s32 $0xBE00, s7;
	s16 =	sadd.s32 $0x3DEA00, s10;
	s7 =	smax.u32 s8, $0x1  }
0xf: {  	s8 =	sadd.s32 $0x56600, s9;
	s9 =	simm.s32 $0x9000;
	s10 =	simm.s32 $0x3  }
0x10: {  	v0 =	vimm.f32 $0.0e+00;
	s11 =	sadd.s32 s30, s11;
	s16 =	sadd.s32 s17, s16;
	s17 =	sor.u32 $0x1C03, s31  }
.LBB2_1:
0x11: {  	s20 =	simm.s32 $0x0  }
.LBB2_2:
0x12: {  	p0 =	sne.s32 s20, $0x1FC0  }
.Ltmp0:
0x13: {  	_ = 	snop;
	(pc) =	sbr.rel @p0 .LBB2_2-.Ltmp0, $3  }
0x14: {  	_ =	sdelay $0x1  }
0x15: {  	s21 =	sshra.s32 s20, $0x2  }
0x16: {  	s20 =	sadd.s32 $0x40, s20;
	[tilespmem:s21+$0x9000] =	vst v0  }
0x17: {  	s20 =	sadd.s32 $0x0, s5  }
0x18: {  	[spmem:s20] =	stream.linear.scatter [tilespmem:s9], [sflag:$0x3], $0x800, $0x38;
	[tilespmem:$0x1BD00] =	vst v63  }
0x19: {  	s20 =	simm.s32 $0x2000;
	_ =	swait.ge [sflag:s10], $0x800  }
.LBB2_4:
0x1a: {  	s21 =	sshra.s32 s20, $0x2;
	[sflag:s10] =	ssyncset.done $0x0;
	p0 =	sne.s32 s20, $0x46000  }
.Ltmp1:
0x1b: {  	s21 =	sadd.s32 s21, s5;
	[sflag:s10] =	ssyncadd.s32 $0xFFFFF800;
	(pc) =	sbr.rel @p0 .LBB2_4-.Ltmp1, $3  }
0x1c: {  	[spmem:s21] =	stream.linear.scatter [tilespmem:s9], [sflag:$0x3], $0x800, $0x38;
	[tilespmem:$0x1BD00] =	vst v63  }
0x1d: {  	s20 =	sadd.s32 $0x2000, s20;
	_ =	sdelay $0x1  }
0x1e: {  	_ =	swait.ge [sflag:s10], $0x800  }
0x1f: {  	[sflag:s10] =	ssyncset.done $0x0  }
0x20: {  	[sflag:s10] =	ssyncadd.s32 $0xFFFFF800  }
0x21: {  	[spmem:s6] =	stream.linear.scatter [tilespmem:s9], [sflag:$0x3], $0x500, $0x38;
	[tilespmem:$0x1BD00] =	vst v63  }
0x22: {  	_ =	swait.ge [sflag:s10], $0x500  }
0x23: {  	[sflag:s10] =	ssyncset.done $0x0  }
0x24: {  	[sflag:s10] =	ssyncadd.s32 $0xFFFFFB00  }
0x25: {  	s20 =	sadd.s32 $0x0, s11;
	[bflag:$0x0] =	sbarrier.arrive $0xFFFF  }
0x26: {  	[tilespmem:s12], [sflag:$0x3] =	stream.linear.gather [hbm4b:s20+s3], $0x800, $0x38;
	[tilespmem:$0x1BD00] =	vst v63  }
0x27: {  	_ =	swait.ge [sflag:s10], $0x800  }
0x28: {  	[sflag:s10] =	ssyncset.done $0x0  }
0x29: {  	s31 =	sadd.s32 $0x0, s8;
	[sflag:s10] =	ssyncadd.s32 $0xFFFFF800  }
0x2a: {  	[tilespmem:s3], [sflag:$0x3] =	stream.linear.gather [hbm4b:s31+s3], $0x800, $0x38;
	[tilespmem:$0x1BD00] =	vst v63  }
0x2b: {  	_ =	swait.ge [sflag:s10], $0x800  }
0x2c: {  	[sflag:s10] =	ssyncset.done $0x0  }
0x2d: {  	[sflag:s10] =	ssyncadd.s32 $0xFFFFF800  }
0x2e: {  	[tilespmem:s13], [sflag:$0x1] =	stream.indirect.gather [hbm4b:s4+s12], $0x10, s3, s12, $0xb8;
	[tilespmem:$0x1BD00] =	vst v63  }
0x2f: {  	_ =	swait.ge [sflag:s14], $0x8000  }
0x30: {  	[sflag:s14] =	ssyncset.done $0x0  }
0x31: {  	[sflag:s14] =	ssyncadd.s32 $0xFFFF8000  }
0x32: {  	[spmem:s2] =	stream.indirect.scatter.add.f32 [tilespmem:s13], [sflag:$0x2], $0x10, s12, s12, $0xb8;
	[tilespmem:$0x1BD00] =	vst v63  }
0x33: {  	_ =	swait.ge [sflag:s15], $0x8000  }
0x34: {  	s21 =	simm.s32 $0x200;
	s20 =	simm.s32 $0x100;
	[sflag:s15] =	ssyncset.done $0x0  }
.LBB2_6:
0x35: {  	s22 =	sadd.s32 s20, s11  }
0x36: {  	[sflag:s15] =	ssyncadd.s32 $0xFFFF8000;
	s23 =	smov.u32 s21;
	s24 =	sadd.s32 $0x100, s21  }
0x37: {  	[tilespmem:s12], [sflag:$0x3] =	stream.linear.gather [hbm4b:s22+s3], $0x800, $0x38;
	[tilespmem:$0x1BD00] =	vst v63  }
0x38: {  	p0 =	sne.s32 s21, $0x1800;
	_ =	swait.ge [sflag:s10], $0x800  }
0x39: {  	[sflag:s10] =	ssyncset.done $0x0  }
0x3a: {  	s21 =	sadd.s32 s20, s8;
	s20 =	smov.u32 s23;
	[sflag:s10] =	ssyncadd.s32 $0xFFFFF800  }
0x3b: {  	[tilespmem:s3], [sflag:$0x3] =	stream.linear.gather [hbm4b:s21+s3], $0x800, $0x38;
	[tilespmem:$0x1BD00] =	vst v63  }
0x3c: {  	_ =	swait.ge [sflag:s10], $0x800  }
0x3d: {  	[sflag:s10] =	ssyncset.done $0x0  }
0x3e: {  	[sflag:s10] =	ssyncadd.s32 $0xFFFFF800  }
0x3f: {  	[tilespmem:s13], [sflag:$0x1] =	stream.indirect.gather [hbm4b:s4+s12], $0x10, s3, s12, $0xb8;
	[tilespmem:$0x1BD00] =	vst v63  }
0x40: {  	_ =	swait.ge [sflag:s14], $0x8000  }
.Ltmp2:
0x41: {  	[sflag:s14] =	ssyncset.done $0x0;
	(pc) =	sbr.rel @p0 .LBB2_6-.Ltmp2, $4  }
0x42: {  	[sflag:s14] =	ssyncadd.s32 $0xFFFF8000  }
0x43: {  	[spmem:s2] =	stream.indirect.scatter.add.f32 [tilespmem:s13], [sflag:$0x2], $0x10, s12, s12, $0xb8;
	[tilespmem:$0x1BD00] =	vst v63  }
0x44: {  	_ =	swait.ge [sflag:s15], $0x8000  }
0x45: {  	s21 =	smov.u32 s24;
	[sflag:s15] =	ssyncset.done $0x0  }
0x46: {  	s21 =	sadd.s32 s20, s11;
	[sflag:s15] =	ssyncadd.s32 $0xFFFF8000  }
0x47: {  	[tilespmem:s12], [sflag:$0x3] =	stream.linear.gather [hbm4b:s21+s3], $0x800, $0x38;
	[tilespmem:$0x1BD00] =	vst v63  }
0x48: {  	_ =	swait.ge [sflag:s10], $0x800  }
0x49: {  	[sflag:s10] =	ssyncset.done $0x0  }
0x4a: {  	s31 =	sadd.s32 s20, s8;
	[sflag:s10] =	ssyncadd.s32 $0xFFFFF800  }
0x4b: {  	[tilespmem:s3], [sflag:$0x3] =	stream.linear.gather [hbm4b:s31+s3], $0x800, $0x38;
	[tilespmem:$0x1BD00] =	vst v63  }
0x4c: {  	_ =	swait.ge [sflag:s10], $0x800  }
0x4d: {  	[sflag:s10] =	ssyncset.done $0x0  }
0x4e: {  	[sflag:s10] =	ssyncadd.s32 $0xFFFFF800  }
0x4f: {  	[tilespmem:s13], [sflag:$0x1] =	stream.indirect.gather [hbm4b:s4+s12], $0x10, s3, s12, $0xb8;
	[tilespmem:$0x1BD00] =	vst v63  }
0x50: {  	_ =	swait.ge [sflag:s14], $0x8000  }
0x51: {  	[sflag:s14] =	ssyncset.done $0x0  }
0x52: {  	[sflag:s14] =	ssyncadd.s32 $0xFFFF8000  }
0x53: {  	[spmem:s2] =	stream.indirect.scatter.add.f32 [tilespmem:s13], [sflag:$0x2], $0x10, s12, s12, $0xb8;
	[tilespmem:$0x1BD00] =	vst v63  }
0x54: {  	_ =	swait.ge [sflag:s15], $0x8000  }
0x55: {  	s19 =	sadd.s32 $0x1, s19;
	[sflag:s15] =	ssyncset.done $0x0  }
0x56: {  	p0 =	sne.s32 s19, s7;
	[sflag:s15] =	ssyncadd.s32 $0xFFFF8000  }
.Ltmp3:
0x57: {  	[bflag:$0x0] =	sbarrier.arrive $0xFFFF;
	(pc) =	sbr.rel @p0 .LBB2_1-.Ltmp3, $4  }
0x58: {  	[hbm:s16], [sflag:s17] =	dma.local [spmem:s18], $0x24A0  }
0x59: {  	_ =	swait.ge [sflag:s10], $0x24A0  }
0x5a: {  	[sflag:s10] =	ssyncset.done $0x0  }
0x5b: {  	[sflag:s10] =	ssyncadd.s32 $0xFFFFDB60  }
0x5c: {  	_ =	sfence.sel $0x180000  }
0x5d: {  	[bflag:$0x0] =	sbarrier.arrive $0xFFFF  }
0x5e: {  	p0 =	sne.s32 s1, $0x0;
	_ =	strace $0x90000053  }
0x5f: {  	s0 =	sadd.s32 @!p0 $0x100000, s0;
	[bflag:$0x2] =	sbarrier.arrive $0xFFFF  }
0x60: {  	[sflag:s0] =	ssyncadd.tile.s32 @!p0 $0x1;
	_ =	shalt  }
.Lfunc_end2:
_tile_overlayer_lowered:
.L_overlay_start_2:
0x61: {  	(tag) =	ssettag $0x2  }
0x62: {  	s0 =	rddreg [dreg:$0x0];
	s2 =	stileid.u32  }
0x63: {  	s1 =	rddreg [dreg:$0x1];
	p0 =	sne.s32 s2, $0x0  }
0x64: {  	s3 =	rddreg [dreg:$0x2];
	[bflag:$0x3] =	sbarrier.arrive $0xFFFF;
	s2 =	simm.s32 @!p0 $0x1C03  }
0x65: {  	[timem:s3], [sflag:s2] =	dma.local @!p0 [hbm:s0], s1  }
0x66: {  	s0 =	simm.s32 @!p0 $0x3  }
0x67: {  	_ =	swait.ge @!p0 [sflag:s0], s1  }
0x68: {  	s1 =	ssub.s32 @!p0 $0x0, s1;
	[sflag:s0] =	ssyncset.done @!p0 $0x0  }
0x69: {  	[sflag:s0] =	ssyncadd.s32 @!p0 s1  }
0x6a: {  	[bflag:$0x3] =	sbarrier.arrive $0xFFFF  }
0x6b: {  	_ =	shalt  }

// kernel: kernel.34.cloned.1.call-start
scs
__scs_entry_jumppad:
0x0: {  	(pc) =	sbr.rel $0x88, $3  }
0x1: {  	(tag) =	ssettag $0x0;
	lr =	simm.s32 $0x1  }
0x2: {  	[smem:$0x3F90] =	sst lr;
	_ =	strace $0xD0000000  }
0x3: {  	_ = 	snop  }
0x4: {  	_ = 	snop  }
0x5: {  	_ = 	snop  }
0x6: {  	_ = 	snop  }
0x7: {  	_ = 	snop  }
__scs_overlays_trampoline_lowered:
0x8: {  	[smem:$0x3F9F] =	sst s0  }
0x9: {  	[smem:$0x3FA0] =	sst s1  }
0xa: {  	[smem:$0x3FA1] =	sst s2  }
0xb: {  	[smem:$0x3FA2] =	sst s3  }
0xc: {  	[smem:$0x3FA3] =	sst s4  }
0xd: {  	[smem:$0x3FA4] =	sst s5  }
0xe: {  	[smem:$0x3FA5] =	sst s6  }
0xf: {  	[smem:$0x3FA6] =	sst s7  }
0x10: {  	[smem:$0x3FA7] =	sst s8  }
0x11: {  	[smem:$0x3FA8] =	sst s9;
	s0 =	simm.s32 @!p0 $0x0  }
0x12: {  	s1 =	sld [smem:$0x3F8E];
	s0 =	simm.s32 @p0 $0x1  }
0x13: {  	[smem:$0x3FA9] =	sst s0;
	s0 =	simm.s32 @!p1 $0x0  }
0x14: {  	s2 =	sld [smem:$0x3F8D];
	s0 =	simm.s32 @p1 $0x1  }
0x15: {  	[smem:$0x3FAA] =	sst s0;
	s0 =	simm.s32 @!p2 $0x0  }
0x16: {  	s3 =	sld [smem:$0x3FDB];
	s0 =	simm.s32 @p2 $0x1  }
0x17: {  	s4 =	simm.s32 $0x1BF5;
	[smem:$0x3FAC] =	sst s0  }
0x18: {  	s0 =	sld [smem:$0x3F8F];
	_ =	swait.ge [sflag:s4], $0x0  }
0x19: {  	s7 =	sld [smem:$0x3F90]  }
0x1a: {  	s8 =	sadd.s32 $0xFFFFE003, lr  }
0x1b: {  	s9 =	sadd.s32 $0xFFFFFEF7, lr;
	s5 =	simm.s32 $0xFFFFFFFF;
	p2 =	slt.u32 s8, $0xFFFFF086  }
0x1c: {  	p1 =	slt.u32 s9, $0xF7A;
	s5 =	simm.s32 @!p2 $0x0  }
0x1d: {  	s5 =	simm.s32 @p1 $0x1;
	p0 =	seq.s32 s7, s2  }
0x1e: {  	s7 =	smul.u32 @!p0 $0xF7A, s2;
	p2 =	seq.s32 @!p0 s5, $0x0  }
0x1f: {  	s9 =	smul.u32 $0xF7A, s1;
	s8 =	simm.s32 @!p0 $0x1BF5;
	p2 =	por !p2, p0  }
0x20: {  	[sflag:s8] =	ssyncset.s32 @!p0 $0xFFFFF086;
	s6 =	sadd.s32 @!p0 s3, s7;
	s7 =	simm.s32 @!p0 $0x108  }
0x21: {  	s3 =	sadd.s32 s3, s9;
	s6 =	sadd.s32 @!p0 $0x88, s6;
	s7 =	simm.s32 @p2 $0x1082  }
0x22: {  	[simem:s7], [sflag:s8] =	dma.local @!p0 [hbm:s6], $0xF7A  }
0x23: {  	s9 =	sor.u32 $0xD0000000, s2;
	s6 =	simm.s32 $0x108;
	_ =	swait.ge @!p0 [sflag:s8], $0x0  }
0x24: {  	s3 =	sadd.s32 $0x88, s3;
	s6 =	simm.s32 @!p1 $0x1082;
	[sflag:s4] =	ssyncset.s32 $0xFFFFF086  }
0x25: {  	[simem:s6], [sflag:s4] =	dma.local [hbm:s3], $0xF7A  }
0x26: {  	[smem:$0x3F90] =	sst s1;
	(tag) =	ssettag s2;
	_ =	strace s9  }
0x27: {  	s1 =	sld [smem:$0x3FA0]  }
0x28: {  	s2 =	sld [smem:$0x3FA1]  }
0x29: {  	s4 =	sld [smem:$0x3FA3]  }
0x2a: {  	p0 =	seq.s32 s5, $0x0;
	s5 =	sld [smem:$0x3FA4]  }
0x2b: {  	s6 =	sld [smem:$0x3FA5]  }
0x2c: {  	s7 =	sld [smem:$0x3FA6]  }
0x2d: {  	s3 =	simm.s32 $0x108;
	s8 =	sld [smem:$0x3FA7]  }
0x2e: {  	s3 =	simm.s32 @!p0 $0x1082;
	s9 =	sld [smem:$0x3FA8]  }
0x2f: {  	lr =	sadd.s32 s0, s3;
	s0 =	sld [smem:$0x3F9F]  }
0x30: {  	s3 =	sld [smem:$0x3FA2]  }
0x31: {  	[smem:$0x3FAB] =	sst s10  }
0x32: {  	s10 =	sld [smem:$0x3FA9];
	_ =	sdelay $0x3  }
0x33: {  	p0 =	seq.s32 s10, $0x1;
	s10 =	sld [smem:$0x3FAB];
	_ =	sdelay $0x3  }
0x34: {  	[smem:$0x3FAB] =	sst s10  }
0x35: {  	s10 =	sld [smem:$0x3FAA];
	_ =	sdelay $0x3  }
0x36: {  	p1 =	seq.s32 s10, $0x1;
	s10 =	sld [smem:$0x3FAB];
	_ =	sdelay $0x3  }
0x37: {  	[smem:$0x3FAB] =	sst s10  }
0x38: {  	s10 =	sld [smem:$0x3FAC]  }
0x39: {  	_ = 	snop;
	(pc) =	sbr.ind lr, $3  }
0x3a: {  	_ = 	snop  }
0x3b: {  	_ = 	snop  }
0x3c: {  	p2 =	seq.s32 s10, $0x1;
	s10 =	sld [smem:$0x3FAB]  }
0x3d: {  	_ =	shalt  }
0x3e: {  	_ =	shalt  }
0x3f: {  	_ =	shalt  }
0x40: {  	_ =	shalt  }
0x41: {  	_ =	shalt  }
0x42: {  	_ =	shalt  }
0x43: {  	_ =	shalt  }
0x44: {  	_ =	shalt  }
0x45: {  	_ =	shalt  }
0x46: {  	_ =	shalt  }
0x47: {  	_ =	shalt  }
0x48: {  	_ =	shalt  }
0x49: {  	_ =	shalt  }
0x4a: {  	_ =	shalt  }
0x4b: {  	_ =	shalt  }
0x4c: {  	_ =	shalt  }
0x4d: {  	_ =	shalt  }
0x4e: {  	_ =	shalt  }
0x4f: {  	_ =	shalt  }
0x50: {  	_ =	shalt  }
0x51: {  	_ =	shalt  }
0x52: {  	_ =	shalt  }
0x53: {  	_ =	shalt  }
0x54: {  	_ =	shalt  }
0x55: {  	_ =	shalt  }
0x56: {  	_ =	shalt  }
0x57: {  	_ =	shalt  }
0x58: {  	_ =	shalt  }
0x59: {  	_ =	shalt  }
0x5a: {  	_ =	shalt  }
0x5b: {  	_ =	shalt  }
0x5c: {  	_ =	shalt  }
0x5d: {  	_ =	shalt  }
0x5e: {  	_ =	shalt  }
0x5f: {  	_ =	shalt  }
0x60: {  	_ =	shalt  }
0x61: {  	_ =	shalt  }
0x62: {  	_ =	shalt  }
0x63: {  	_ =	shalt  }
0x64: {  	_ =	shalt  }
0x65: {  	_ =	shalt  }
0x66: {  	_ =	shalt  }
0x67: {  	_ =	shalt  }
0x68: {  	_ =	shalt  }
0x69: {  	_ =	shalt  }
0x6a: {  	_ =	shalt  }
0x6b: {  	_ =	shalt  }
0x6c: {  	_ =	shalt  }
0x6d: {  	_ =	shalt  }
0x6e: {  	_ =	shalt  }
0x6f: {  	_ =	shalt  }
0x70: {  	_ =	shalt  }
0x71: {  	_ =	shalt  }
0x72: {  	_ =	shalt  }
0x73: {  	_ =	shalt  }
0x74: {  	_ =	shalt  }
0x75: {  	_ =	shalt  }
0x76: {  	_ =	shalt  }
0x77: {  	_ =	shalt  }
0x78: {  	_ =	shalt  }
0x79: {  	_ =	shalt  }
0x7a: {  	_ =	shalt  }
0x7b: {  	_ =	shalt  }
0x7c: {  	_ =	shalt  }
0x7d: {  	_ =	shalt  }
0x7e: {  	_ =	shalt  }
0x7f: {  	_ =	shalt  }
0x80: {  	_ =	shalt  }
0x81: {  	_ =	shalt  }
0x82: {  	_ =	shalt  }
0x83: {  	_ =	shalt  }
0x84: {  	_ =	shalt  }
0x85: {  	_ =	shalt  }
0x86: {  	_ =	shalt  }
0x87: {  	_ =	shalt  }
.Lfunc_end0:
.L_simem_size_0:
called_computation.6_lowered:
.L_overlay_start_0:
0x88: {  	s2 =	sld [smem:$0x3FD9]  }
0x89: {  	s3 =	sld [smem:$0x3FFE];
	_ =	sdelay $0x1  }
0x8a: {  	s1 =	srdreg.scid  }
0x8b: {  	s0 =	sand.u32 $0x1, s1  }
0x8c: {  	s16 =	sshll.u32 s0, $0xA;
	s2 =	sadd.s32 s3, s2  }
0x8d: {  	s2 =	sadd.s32 s2, s16  }
0x8e: {  	[smem:$0x3FB7] =	sst s2  }
0x8f: {  	_ = 	snop  }
0x90: {  	(tm) =	ssettm $0x1  }
0x91: {  	s17 =	sld [smem:$0x3FFB];
	_ =	sdelay $0x3  }
0x92: {  	_ =	strace s17  }
0x93: {  	s2 =	sld [smem:$0x3FFC];
	_ =	sdelay $0x3  }
0x94: {  	_ =	strace s2  }
0x95: {  	s2 =	sld [smem:$0x3FFD];
	_ =	sdelay $0x3  }
0x96: {  	_ =	strace s2  }
0x97: {  	_ =	strace $0x8FFFFFFF  }
0x98: {  	s18 =	sld [smem:$0x3FDB];
	_ =	sdelay $0x1  }
0x99: {  	s19 =	simm.s32 $_scs_section_size  }
0x9a: {  	s4 =	simm.s32 $_size__tile_overlayer_lowered;
	s5 =	simm.s32 $_tile_overlayer_lowered  }
0x9b: {  	s22 =	simm.s32 $0x1BFF;
	s21 =	sshll.u32 s5, $0x1;
	s2 =	sadd.s32 s19, s18  }
0x9c: {  	s6 =	simm.s32 $0x0;
	s20 =	sshll.u32 s4, $0x1;
	s4 =	sadd.s32 s21, s2  }
0x9d: {  	[timem:s6], [sflag:s22] =	dma.local [hbm:s4], s20  }
0x9e: {  	_ =	swait.ge [sflag:s22], s20  }
0x9f: {  	s3 =	ssub.s32 $0x0, s20;
	[sflag:s22] =	ssyncset.done $0x0  }
0xa0: {  	[sflag:s22] =	ssyncadd.s32 s3;
	_ =	sdelay $0x1  }
0xa1: {  	s23 =	simm.s32 $0x1B8B  }
0xa2: {  	_ =	swait.ge [sflag:s23], $0x1  }
0xa3: {  	[sflag:s23] =	ssyncset.done $0x0  }
0xa4: {  	s25 =	simm.s32 $0x1B8E;
	s24 =	sld [smem:$0x3FFE];
	[sflag:s23] =	ssyncadd.s32 $0xFFFFFFFF  }
0xa5: {  	s26 =	simm.s32 $execute0_lowered;
	[smem:$0x3FD2] =	sst s25  }
0xa6: {  	s4 =	sshll.u32 s26, $0x1;
	_ =	strace $0x8000004F;
	[dreg:$0x1] =	wrdreg $0xFFFFFFFF  }
0xa7: {  	s28 =	simm.s32 $_size_execute0_lowered;
	s2 =	sadd.s32 s2, s4;
	[dreg:$0x0] =	wrdreg $0x0  }
0xa8: {  	s4 =	sshll.u32 s28, $0x1;
	[dreg:$0x2] =	wrdreg s2  }
0xa9: {  	[dreg:$0x3] =	wrdreg s4  }
0xaa: {  	[dreg:$0x4] =	wrdreg $0xC0  }
0xab: {  	_ =	task [dreg:s6], $0x5FFFF  }
0xac: {  	[dreg:$0x1] =	wrdreg $0xFFFFFFFF  }
0xad: {  	[dreg:$0x0] =	wrdreg $0x60  }
0xae: {  	[dreg:$0x2] =	wrdreg s24  }
0xaf: {  	[dreg:$0x3] =	wrdreg $0x98000  }
0xb0: {  	[dreg:$0x4] =	wrdreg $0xC  }
0xb1: {  	_ =	task.clear_ibuf [dreg:s6], $0x5FFFF;
	_ =	strace $0x9000004F  }
0xb2: {  	s29 =	simm.s32 $0xC;
	_ =	strace $0x80000051  }
0xb3: {  	_ =	swait.ge [sflag:s29], $0x1  }
0xb4: {  	[sflag:s29] =	ssyncadd.s32 $0xFFFFFFFF  }
0xb5: {  	_ =	strace $0x90000051  }
0xb6: {  	_ =	sfence  }
0xb7: {  	s30 =	sld [smem:$0x0];
	_ =	sdelay $0x2  }
0xb8: {  	s31 =	sshll.u32 s1, $0xD;
	s1 =	sshrl.u32 s1, $0x2  }
0xb9: {  	s3 =	sand.u32 $0x4000, s31;
	s1 =	sadd.s32 s1, s30  }
0xba: {  	s0 =	sor.u32 s3, s0;
	s1 =	sshll.u32 s1, $0x11  }
0xbb: {  	s0 =	sor.u32 s1, s0  }
0xbc: {  	s0 =	sadd.s32 $0x8F2B, s0  }
0xbd: {  	[sflag:s0] =	ssyncadd.remote.s32 $0x1  }
0xbe: {  	_ =	sfence.sel $0xFFFF  }
0xbf: {  	[dreg:$0x0] =	wrdreg $0xFFFFFFFF;
	(pc) =	sbr.abs _section_cstart, $3  }
0xc0: {  	[dreg:$0x1] =	wrdreg $0xFFFFFFFF  }
0xc1: {  	_ =	task.clear_ibuf [dreg:s6], $0x2FFFF;
	_ =	strace $0x9FFFFFFF  }
0xc2: {  	(tm) =	ssettm $0x7FFFFFFF  }
0xc3: {  	_ =	shalt  }
tec
execute0_lowered:
.L_overlay_start_1:
0x0: {  	(tag) =	ssettag $0x1  }
0x1: {  	s6 =	rddreg [dreg:$0x0]  }
0x2: {  	s2 =	rddreg [dreg:$0x1]  }
0x3: {  	s0 =	rddreg [dreg:$0x2]  }
0x4: {  	s1 =	stileid.u32;
	s4 =	srdreg.scid;
	s3 =	simm.s32 $0x0  }
0x5: {  	s14 =	simm.s32 $0x1;
	s15 =	simm.s32 $0x2;
	s11 =	smul.u32 $0x1900, s1  }
0x6: {  	s19 =	simm.s32 $0x0;
	s5 =	sand.u32 $0x1, s4;
	s8 =	smul.u32 $0x49400, s1  }
0x7: {  	[smem:$0x7FF] =	sst s3;
	s4 =	sadd.s32 $0x3DE00, s6;
	s13 =	smul.u32 $0x12500, s1  }
0x8: {  	s31 =	sshll.u32 s1, $0x6;
	s7 =	smul.u32 $0x19000, s5;
	_ =	strace $0x80000050  }
0x9: {  	s10 =	smul.u32 $0x24A00, s5;
	s12 =	ssub.s32 $0x2, s5;
	s9 =	sadd.s32 s11, s6  }
0xa: {  	s28 =	sshrl.u32 s8, $0x2;
	s29 =	sshrl.u32 s12, $0x1;
	s17 =	sshrl.u32 s13, $0x3  }
0xb: {  	s18 =	sadd.s32 s13, s2;
	s13 =	simm.s32 $0x1000;
	s7 =	sadd.s32 s7, s6  }
0xc: {  	s5 =	sadd.s32 s28, s2;
	s10 =	sadd.s32 s10, s6;
	s8 =	ssub.s32 s12, s29  }
0xd: {  	s12 =	simm.s32 $0x800;
	s18 =	sshrl.u32 s18, $0x3;
	s6 =	sadd.s32 $0x12000, s5  }
0xe: {  	s30 =	sadd.s32 $0xBE00, s7;
	s16 =	sadd.s32 $0x37CE00, s10;
	s7 =	smax.u32 s8, $0x1  }
0xf: {  	s8 =	sadd.s32 $0x56600, s9;
	s9 =	simm.s32 $0x9000;
	s10 =	simm.s32 $0x3  }
0x10: {  	v0 =	vimm.f32 $0.0e+00;
	s11 =	sadd.s32 s30, s11;
	s16 =	sadd.s32 s17, s16;
	s17 =	sor.u32 $0x1C03, s31  }
.LBB2_1:
0x11: {  	s20 =	simm.s32 $0x0  }
.LBB2_2:
0x12: {  	p0 =	sne.s32 s20, $0x1FC0  }
.Ltmp0:
0x13: {  	_ = 	snop;
	(pc) =	sbr.rel @p0 .LBB2_2-.Ltmp0, $3  }
0x14: {  	_ =	sdelay $0x1  }
0x15: {  	s21 =	sshra.s32 s20, $0x2  }
0x16: {  	s20 =	sadd.s32 $0x40, s20;
	[tilespmem:s21+$0x9000] =	vst v0  }
0x17: {  	s20 =	sadd.s32 $0x0, s5  }
0x18: {  	[spmem:s20] =	stream.linear.scatter [tilespmem:s9], [sflag:$0x3], $0x800, $0x38;
	[tilespmem:$0x1BD00] =	vst v63  }
0x19: {  	s20 =	simm.s32 $0x2000;
	_ =	swait.ge [sflag:s10], $0x800  }
.LBB2_4:
0x1a: {  	s21 =	sshra.s32 s20, $0x2;
	[sflag:s10] =	ssyncset.done $0x0;
	p0 =	sne.s32 s20, $0x46000  }
.Ltmp1:
0x1b: {  	s21 =	sadd.s32 s21, s5;
	[sflag:s10] =	ssyncadd.s32 $0xFFFFF800;
	(pc) =	sbr.rel @p0 .LBB2_4-.Ltmp1, $3  }
0x1c: {  	[spmem:s21] =	stream.linear.scatter [tilespmem:s9], [sflag:$0x3], $0x800, $0x38;
	[tilespmem:$0x1BD00] =	vst v63  }
0x1d: {  	s20 =	sadd.s32 $0x2000, s20;
	_ =	sdelay $0x1  }
0x1e: {  	_ =	swait.ge [sflag:s10], $0x800  }
0x1f: {  	[sflag:s10] =	ssyncset.done $0x0  }
0x20: {  	[sflag:s10] =	ssyncadd.s32 $0xFFFFF800  }
0x21: {  	[spmem:s6] =	stream.linear.scatter [tilespmem:s9], [sflag:$0x3], $0x500, $0x38;
	[tilespmem:$0x1BD00] =	vst v63  }
0x22: {  	_ =	swait.ge [sflag:s10], $0x500  }
0x23: {  	[sflag:s10] =	ssyncset.done $0x0  }
0x24: {  	[sflag:s10] =	ssyncadd.s32 $0xFFFFFB00  }
0x25: {  	s20 =	sadd.s32 $0x0, s11;
	[bflag:$0x0] =	sbarrier.arrive $0xFFFF  }
0x26: {  	[tilespmem:s12], [sflag:$0x3] =	stream.linear.gather [hbm4b:s20+s3], $0x800, $0x38;
	[tilespmem:$0x1BD00] =	vst v63  }
0x27: {  	_ =	swait.ge [sflag:s10], $0x800  }
0x28: {  	[sflag:s10] =	ssyncset.done $0x0  }
0x29: {  	s31 =	sadd.s32 $0x0, s8;
	[sflag:s10] =	ssyncadd.s32 $0xFFFFF800  }
0x2a: {  	[tilespmem:s3], [sflag:$0x3] =	stream.linear.gather [hbm4b:s31+s3], $0x800, $0x38;
	[tilespmem:$0x1BD00] =	vst v63  }
0x2b: {  	_ =	swait.ge [sflag:s10], $0x800  }
0x2c: {  	[sflag:s10] =	ssyncset.done $0x0  }
0x2d: {  	[sflag:s10] =	ssyncadd.s32 $0xFFFFF800  }
0x2e: {  	[tilespmem:s13], [sflag:$0x1] =	stream.indirect.gather [hbm4b:s4+s12], $0x10, s3, s12, $0xb8;
	[tilespmem:$0x1BD00] =	vst v63  }
0x2f: {  	_ =	swait.ge [sflag:s14], $0x8000  }
0x30: {  	[sflag:s14] =	ssyncset.done $0x0  }
0x31: {  	[sflag:s14] =	ssyncadd.s32 $0xFFFF8000  }
0x32: {  	[spmem:s2] =	stream.indirect.scatter.add.f32 [tilespmem:s13], [sflag:$0x2], $0x10, s12, s12, $0xb8;
	[tilespmem:$0x1BD00] =	vst v63  }
0x33: {  	_ =	swait.ge [sflag:s15], $0x8000  }
0x34: {  	s21 =	simm.s32 $0x200;
	s20 =	simm.s32 $0x100;
	[sflag:s15] =	ssyncset.done $0x0  }
.LBB2_6:
0x35: {  	s22 =	sadd.s32 s20, s11  }
0x36: {  	[sflag:s15] =	ssyncadd.s32 $0xFFFF8000;
	s23 =	smov.u32 s21;
	s24 =	sadd.s32 $0x100, s21  }
0x37: {  	[tilespmem:s12], [sflag:$0x3] =	stream.linear.gather [hbm4b:s22+s3], $0x800, $0x38;
	[tilespmem:$0x1BD00] =	vst v63  }
0x38: {  	p0 =	sne.s32 s21, $0x1800;
	_ =	swait.ge [sflag:s10], $0x800  }
0x39: {  	[sflag:s10] =	ssyncset.done $0x0  }
0x3a: {  	s21 =	sadd.s32 s20, s8;
	s20 =	smov.u32 s23;
	[sflag:s10] =	ssyncadd.s32 $0xFFFFF800  }
0x3b: {  	[tilespmem:s3], [sflag:$0x3] =	stream.linear.gather [hbm4b:s21+s3], $0x800, $0x38;
	[tilespmem:$0x1BD00] =	vst v63  }
0x3c: {  	_ =	swait.ge [sflag:s10], $0x800  }
0x3d: {  	[sflag:s10] =	ssyncset.done $0x0  }
0x3e: {  	[sflag:s10] =	ssyncadd.s32 $0xFFFFF800  }
0x3f: {  	[tilespmem:s13], [sflag:$0x1] =	stream.indirect.gather [hbm4b:s4+s12], $0x10, s3, s12, $0xb8;
	[tilespmem:$0x1BD00] =	vst v63  }
0x40: {  	_ =	swait.ge [sflag:s14], $0x8000  }
.Ltmp2:
0x41: {  	[sflag:s14] =	ssyncset.done $0x0;
	(pc) =	sbr.rel @p0 .LBB2_6-.Ltmp2, $4  }
0x42: {  	[sflag:s14] =	ssyncadd.s32 $0xFFFF8000  }
0x43: {  	[spmem:s2] =	stream.indirect.scatter.add.f32 [tilespmem:s13], [sflag:$0x2], $0x10, s12, s12, $0xb8;
	[tilespmem:$0x1BD00] =	vst v63  }
0x44: {  	_ =	swait.ge [sflag:s15], $0x8000  }
0x45: {  	s21 =	smov.u32 s24;
	[sflag:s15] =	ssyncset.done $0x0  }
0x46: {  	s21 =	sadd.s32 s20, s11;
	[sflag:s15] =	ssyncadd.s32 $0xFFFF8000  }
0x47: {  	[tilespmem:s12], [sflag:$0x3] =	stream.linear.gather [hbm4b:s21+s3], $0x800, $0x38;
	[tilespmem:$0x1BD00] =	vst v63  }
0x48: {  	_ =	swait.ge [sflag:s10], $0x800  }
0x49: {  	[sflag:s10] =	ssyncset.done $0x0  }
0x4a: {  	s31 =	sadd.s32 s20, s8;
	[sflag:s10] =	ssyncadd.s32 $0xFFFFF800  }
0x4b: {  	[tilespmem:s3], [sflag:$0x3] =	stream.linear.gather [hbm4b:s31+s3], $0x800, $0x38;
	[tilespmem:$0x1BD00] =	vst v63  }
0x4c: {  	_ =	swait.ge [sflag:s10], $0x800  }
0x4d: {  	[sflag:s10] =	ssyncset.done $0x0  }
0x4e: {  	[sflag:s10] =	ssyncadd.s32 $0xFFFFF800  }
0x4f: {  	[tilespmem:s13], [sflag:$0x1] =	stream.indirect.gather [hbm4b:s4+s12], $0x10, s3, s12, $0xb8;
	[tilespmem:$0x1BD00] =	vst v63  }
0x50: {  	_ =	swait.ge [sflag:s14], $0x8000  }
0x51: {  	[sflag:s14] =	ssyncset.done $0x0  }
0x52: {  	[sflag:s14] =	ssyncadd.s32 $0xFFFF8000  }
0x53: {  	[spmem:s2] =	stream.indirect.scatter.add.f32 [tilespmem:s13], [sflag:$0x2], $0x10, s12, s12, $0xb8;
	[tilespmem:$0x1BD00] =	vst v63  }
0x54: {  	_ =	swait.ge [sflag:s15], $0x8000  }
0x55: {  	s19 =	sadd.s32 $0x1, s19;
	[sflag:s15] =	ssyncset.done $0x0  }
0x56: {  	p0 =	sne.s32 s19, s7;
	[sflag:s15] =	ssyncadd.s32 $0xFFFF8000  }
.Ltmp3:
0x57: {  	[bflag:$0x0] =	sbarrier.arrive $0xFFFF;
	(pc) =	sbr.rel @p0 .LBB2_1-.Ltmp3, $4  }
0x58: {  	[hbm:s16], [sflag:s17] =	dma.local [spmem:s18], $0x24A0  }
0x59: {  	_ =	swait.ge [sflag:s10], $0x24A0  }
0x5a: {  	[sflag:s10] =	ssyncset.done $0x0  }
0x5b: {  	[sflag:s10] =	ssyncadd.s32 $0xFFFFDB60  }
0x5c: {  	_ =	sfence.sel $0x180000  }
0x5d: {  	[bflag:$0x0] =	sbarrier.arrive $0xFFFF  }
0x5e: {  	p0 =	sne.s32 s1, $0x0;
	_ =	strace $0x90000050  }
0x5f: {  	s0 =	sadd.s32 @!p0 $0x100000, s0;
	[bflag:$0x2] =	sbarrier.arrive $0xFFFF  }
0x60: {  	[sflag:s0] =	ssyncadd.tile.s32 @!p0 $0x1;
	_ =	shalt  }
.Lfunc_end2:
_tile_overlayer_lowered:
.L_overlay_start_2:
0x61: {  	(tag) =	ssettag $0x2  }
0x62: {  	s0 =	rddreg [dreg:$0x0];
	s2 =	stileid.u32  }
0x63: {  	s1 =	rddreg [dreg:$0x1];
	p0 =	sne.s32 s2, $0x0  }
0x64: {  	s3 =	rddreg [dreg:$0x2];
	[bflag:$0x3] =	sbarrier.arrive $0xFFFF;
	s2 =	simm.s32 @!p0 $0x1C03  }
0x65: {  	[timem:s3], [sflag:s2] =	dma.local @!p0 [hbm:s0], s1  }
0x66: {  	s0 =	simm.s32 @!p0 $0x3  }
0x67: {  	_ =	swait.ge @!p0 [sflag:s0], s1  }
0x68: {  	s1 =	ssub.s32 @!p0 $0x0, s1;
	[sflag:s0] =	ssyncset.done @!p0 $0x0  }
0x69: {  	[sflag:s0] =	ssyncadd.s32 @!p0 s1  }
0x6a: {  	[bflag:$0x3] =	sbarrier.arrive $0xFFFF  }
0x6b: {  	_ =	shalt  }

// kernel: kernel.37.cloned.1.call-start
scs
__scs_entry_jumppad:
0x0: {  	(pc) =	sbr.rel $0x88, $3  }
0x1: {  	(tag) =	ssettag $0x0;
	lr =	simm.s32 $0x1  }
0x2: {  	[smem:$0x3F90] =	sst lr;
	_ =	strace $0xD0000000  }
0x3: {  	_ = 	snop  }
0x4: {  	_ = 	snop  }
0x5: {  	_ = 	snop  }
0x6: {  	_ = 	snop  }
0x7: {  	_ = 	snop  }
__scs_overlays_trampoline_lowered:
0x8: {  	[smem:$0x3F9F] =	sst s0  }
0x9: {  	[smem:$0x3FA0] =	sst s1  }
0xa: {  	[smem:$0x3FA1] =	sst s2  }
0xb: {  	[smem:$0x3FA2] =	sst s3  }
0xc: {  	[smem:$0x3FA3] =	sst s4  }
0xd: {  	[smem:$0x3FA4] =	sst s5  }
0xe: {  	[smem:$0x3FA5] =	sst s6  }
0xf: {  	[smem:$0x3FA6] =	sst s7  }
0x10: {  	[smem:$0x3FA7] =	sst s8  }
0x11: {  	[smem:$0x3FA8] =	sst s9;
	s0 =	simm.s32 @!p0 $0x0  }
0x12: {  	s1 =	sld [smem:$0x3F8E];
	s0 =	simm.s32 @p0 $0x1  }
0x13: {  	[smem:$0x3FA9] =	sst s0;
	s0 =	simm.s32 @!p1 $0x0  }
0x14: {  	s2 =	sld [smem:$0x3F8D];
	s0 =	simm.s32 @p1 $0x1  }
0x15: {  	[smem:$0x3FAA] =	sst s0;
	s0 =	simm.s32 @!p2 $0x0  }
0x16: {  	s3 =	sld [smem:$0x3FDB];
	s0 =	simm.s32 @p2 $0x1  }
0x17: {  	s4 =	simm.s32 $0x1BF5;
	[smem:$0x3FAC] =	sst s0  }
0x18: {  	s0 =	sld [smem:$0x3F8F];
	_ =	swait.ge [sflag:s4], $0x0  }
0x19: {  	s7 =	sld [smem:$0x3F90]  }
0x1a: {  	s8 =	sadd.s32 $0xFFFFE003, lr  }
0x1b: {  	s9 =	sadd.s32 $0xFFFFFEF7, lr;
	s5 =	simm.s32 $0xFFFFFFFF;
	p2 =	slt.u32 s8, $0xFFFFF086  }
0x1c: {  	p1 =	slt.u32 s9, $0xF7A;
	s5 =	simm.s32 @!p2 $0x0  }
0x1d: {  	s5 =	simm.s32 @p1 $0x1;
	p0 =	seq.s32 s7, s2  }
0x1e: {  	s7 =	smul.u32 @!p0 $0xF7A, s2;
	p2 =	seq.s32 @!p0 s5, $0x0  }
0x1f: {  	s9 =	smul.u32 $0xF7A, s1;
	s8 =	simm.s32 @!p0 $0x1BF5;
	p2 =	por !p2, p0  }
0x20: {  	[sflag:s8] =	ssyncset.s32 @!p0 $0xFFFFF086;
	s6 =	sadd.s32 @!p0 s3, s7;
	s7 =	simm.s32 @!p0 $0x108  }
0x21: {  	s3 =	sadd.s32 s3, s9;
	s6 =	sadd.s32 @!p0 $0x88, s6;
	s7 =	simm.s32 @p2 $0x1082  }
0x22: {  	[simem:s7], [sflag:s8] =	dma.local @!p0 [hbm:s6], $0xF7A  }
0x23: {  	s9 =	sor.u32 $0xD0000000, s2;
	s6 =	simm.s32 $0x108;
	_ =	swait.ge @!p0 [sflag:s8], $0x0  }
0x24: {  	s3 =	sadd.s32 $0x88, s3;
	s6 =	simm.s32 @!p1 $0x1082;
	[sflag:s4] =	ssyncset.s32 $0xFFFFF086  }
0x25: {  	[simem:s6], [sflag:s4] =	dma.local [hbm:s3], $0xF7A  }
0x26: {  	[smem:$0x3F90] =	sst s1;
	(tag) =	ssettag s2;
	_ =	strace s9  }
0x27: {  	s1 =	sld [smem:$0x3FA0]  }
0x28: {  	s2 =	sld [smem:$0x3FA1]  }
0x29: {  	s4 =	sld [smem:$0x3FA3]  }
0x2a: {  	p0 =	seq.s32 s5, $0x0;
	s5 =	sld [smem:$0x3FA4]  }
0x2b: {  	s6 =	sld [smem:$0x3FA5]  }
0x2c: {  	s7 =	sld [smem:$0x3FA6]  }
0x2d: {  	s3 =	simm.s32 $0x108;
	s8 =	sld [smem:$0x3FA7]  }
0x2e: {  	s3 =	simm.s32 @!p0 $0x1082;
	s9 =	sld [smem:$0x3FA8]  }
0x2f: {  	lr =	sadd.s32 s0, s3;
	s0 =	sld [smem:$0x3F9F]  }
0x30: {  	s3 =	sld [smem:$0x3FA2]  }
0x31: {  	[smem:$0x3FAB] =	sst s10  }
0x32: {  	s10 =	sld [smem:$0x3FA9];
	_ =	sdelay $0x3  }
0x33: {  	p0 =	seq.s32 s10, $0x1;
	s10 =	sld [smem:$0x3FAB];
	_ =	sdelay $0x3  }
0x34: {  	[smem:$0x3FAB] =	sst s10  }
0x35: {  	s10 =	sld [smem:$0x3FAA];
	_ =	sdelay $0x3  }
0x36: {  	p1 =	seq.s32 s10, $0x1;
	s10 =	sld [smem:$0x3FAB];
	_ =	sdelay $0x3  }
0x37: {  	[smem:$0x3FAB] =	sst s10  }
0x38: {  	s10 =	sld [smem:$0x3FAC]  }
0x39: {  	_ = 	snop;
	(pc) =	sbr.ind lr, $3  }
0x3a: {  	_ = 	snop  }
0x3b: {  	_ = 	snop  }
0x3c: {  	p2 =	seq.s32 s10, $0x1;
	s10 =	sld [smem:$0x3FAB]  }
0x3d: {  	_ =	shalt  }
0x3e: {  	_ =	shalt  }
0x3f: {  	_ =	shalt  }
0x40: {  	_ =	shalt  }
0x41: {  	_ =	shalt  }
0x42: {  	_ =	shalt  }
0x43: {  	_ =	shalt  }
0x44: {  	_ =	shalt  }
0x45: {  	_ =	shalt  }
0x46: {  	_ =	shalt  }
0x47: {  	_ =	shalt  }
0x48: {  	_ =	shalt  }
0x49: {  	_ =	shalt  }
0x4a: {  	_ =	shalt  }
0x4b: {  	_ =	shalt  }
0x4c: {  	_ =	shalt  }
0x4d: {  	_ =	shalt  }
0x4e: {  	_ =	shalt  }
0x4f: {  	_ =	shalt  }
0x50: {  	_ =	shalt  }
0x51: {  	_ =	shalt  }
0x52: {  	_ =	shalt  }
0x53: {  	_ =	shalt  }
0x54: {  	_ =	shalt  }
0x55: {  	_ =	shalt  }
0x56: {  	_ =	shalt  }
0x57: {  	_ =	shalt  }
0x58: {  	_ =	shalt  }
0x59: {  	_ =	shalt  }
0x5a: {  	_ =	shalt  }
0x5b: {  	_ =	shalt  }
0x5c: {  	_ =	shalt  }
0x5d: {  	_ =	shalt  }
0x5e: {  	_ =	shalt  }
0x5f: {  	_ =	shalt  }
0x60: {  	_ =	shalt  }
0x61: {  	_ =	shalt  }
0x62: {  	_ =	shalt  }
0x63: {  	_ =	shalt  }
0x64: {  	_ =	shalt  }
0x65: {  	_ =	shalt  }
0x66: {  	_ =	shalt  }
0x67: {  	_ =	shalt  }
0x68: {  	_ =	shalt  }
0x69: {  	_ =	shalt  }
0x6a: {  	_ =	shalt  }
0x6b: {  	_ =	shalt  }
0x6c: {  	_ =	shalt  }
0x6d: {  	_ =	shalt  }
0x6e: {  	_ =	shalt  }
0x6f: {  	_ =	shalt  }
0x70: {  	_ =	shalt  }
0x71: {  	_ =	shalt  }
0x72: {  	_ =	shalt  }
0x73: {  	_ =	shalt  }
0x74: {  	_ =	shalt  }
0x75: {  	_ =	shalt  }
0x76: {  	_ =	shalt  }
0x77: {  	_ =	shalt  }
0x78: {  	_ =	shalt  }
0x79: {  	_ =	shalt  }
0x7a: {  	_ =	shalt  }
0x7b: {  	_ =	shalt  }
0x7c: {  	_ =	shalt  }
0x7d: {  	_ =	shalt  }
0x7e: {  	_ =	shalt  }
0x7f: {  	_ =	shalt  }
0x80: {  	_ =	shalt  }
0x81: {  	_ =	shalt  }
0x82: {  	_ =	shalt  }
0x83: {  	_ =	shalt  }
0x84: {  	_ =	shalt  }
0x85: {  	_ =	shalt  }
0x86: {  	_ =	shalt  }
0x87: {  	_ =	shalt  }
.Lfunc_end0:
.L_simem_size_0:
called_computation.7_lowered:
.L_overlay_start_0:
0x88: {  	s2 =	sld [smem:$0x3FD9]  }
0x89: {  	s3 =	sld [smem:$0x3FFE];
	_ =	sdelay $0x1  }
0x8a: {  	s1 =	srdreg.scid  }
0x8b: {  	s0 =	sand.u32 $0x1, s1  }
0x8c: {  	s16 =	sshll.u32 s0, $0xA;
	s2 =	sadd.s32 s3, s2  }
0x8d: {  	s2 =	sadd.s32 s2, s16  }
0x8e: {  	[smem:$0x3FB7] =	sst s2  }
0x8f: {  	_ = 	snop  }
0x90: {  	(tm) =	ssettm $0x1  }
0x91: {  	s17 =	sld [smem:$0x3FFB];
	_ =	sdelay $0x3  }
0x92: {  	_ =	strace s17  }
0x93: {  	s2 =	sld [smem:$0x3FFC];
	_ =	sdelay $0x3  }
0x94: {  	_ =	strace s2  }
0x95: {  	s2 =	sld [smem:$0x3FFD];
	_ =	sdelay $0x3  }
0x96: {  	_ =	strace s2  }
0x97: {  	_ =	strace $0x8FFFFFFF  }
0x98: {  	s18 =	sld [smem:$0x3FDB];
	_ =	sdelay $0x1  }
0x99: {  	s19 =	simm.s32 $_scs_section_size  }
0x9a: {  	s4 =	simm.s32 $_size__tile_overlayer_lowered;
	s5 =	simm.s32 $_tile_overlayer_lowered  }
0x9b: {  	s22 =	simm.s32 $0x1BFF;
	s21 =	sshll.u32 s5, $0x1;
	s2 =	sadd.s32 s19, s18  }
0x9c: {  	s6 =	simm.s32 $0x0;
	s20 =	sshll.u32 s4, $0x1;
	s4 =	sadd.s32 s21, s2  }
0x9d: {  	[timem:s6], [sflag:s22] =	dma.local [hbm:s4], s20  }
0x9e: {  	_ =	swait.ge [sflag:s22], s20  }
0x9f: {  	s3 =	ssub.s32 $0x0, s20;
	[sflag:s22] =	ssyncset.done $0x0  }
0xa0: {  	[sflag:s22] =	ssyncadd.s32 s3;
	_ =	sdelay $0x1  }
0xa1: {  	s23 =	simm.s32 $0x1B8B  }
0xa2: {  	_ =	swait.ge [sflag:s23], $0x1  }
0xa3: {  	[sflag:s23] =	ssyncset.done $0x0  }
0xa4: {  	s25 =	simm.s32 $0x1B8E;
	s24 =	sld [smem:$0x3FFE];
	[sflag:s23] =	ssyncadd.s32 $0xFFFFFFFF  }
0xa5: {  	s26 =	simm.s32 $execute0_lowered;
	[smem:$0x3FD2] =	sst s25  }
0xa6: {  	s4 =	sshll.u32 s26, $0x1;
	_ =	strace $0x8000005B;
	[dreg:$0x1] =	wrdreg $0xFFFFFFFF  }
0xa7: {  	s28 =	simm.s32 $_size_execute0_lowered;
	s2 =	sadd.s32 s2, s4;
	[dreg:$0x0] =	wrdreg $0x0  }
0xa8: {  	s4 =	sshll.u32 s28, $0x1;
	[dreg:$0x2] =	wrdreg s2  }
0xa9: {  	[dreg:$0x3] =	wrdreg s4  }
0xaa: {  	[dreg:$0x4] =	wrdreg $0xC0  }
0xab: {  	_ =	task [dreg:s6], $0x5FFFF  }
0xac: {  	[dreg:$0x1] =	wrdreg $0xFFFFFFFF  }
0xad: {  	[dreg:$0x0] =	wrdreg $0x60  }
0xae: {  	[dreg:$0x2] =	wrdreg s24  }
0xaf: {  	[dreg:$0x3] =	wrdreg $0x10E800  }
0xb0: {  	[dreg:$0x4] =	wrdreg $0x12E800  }
0xb1: {  	[dreg:$0x5] =	wrdreg $0x9  }
0xb2: {  	_ =	task.clear_ibuf [dreg:s6], $0x6FFFF;
	_ =	strace $0x9000005B  }
0xb3: {  	s29 =	simm.s32 $0x9;
	_ =	strace $0x8000005D  }
0xb4: {  	_ =	swait.ge [sflag:s29], $0x1  }
0xb5: {  	[sflag:s29] =	ssyncadd.s32 $0xFFFFFFFF  }
0xb6: {  	_ =	strace $0x9000005D  }
0xb7: {  	_ =	sfence  }
0xb8: {  	s30 =	sld [smem:$0x0];
	_ =	sdelay $0x2  }
0xb9: {  	s31 =	sshll.u32 s1, $0xD;
	s1 =	sshrl.u32 s1, $0x2  }
0xba: {  	s3 =	sand.u32 $0x4000, s31;
	s1 =	sadd.s32 s1, s30  }
0xbb: {  	s0 =	sor.u32 s3, s0;
	s1 =	sshll.u32 s1, $0x11  }
0xbc: {  	s0 =	sor.u32 s1, s0  }
0xbd: {  	s0 =	sadd.s32 $0x8F2B, s0  }
0xbe: {  	[sflag:s0] =	ssyncadd.remote.s32 $0x1  }
0xbf: {  	_ =	sfence.sel $0xFFFF  }
0xc0: {  	[dreg:$0x0] =	wrdreg $0xFFFFFFFF;
	(pc) =	sbr.abs _section_cstart, $3  }
0xc1: {  	[dreg:$0x1] =	wrdreg $0xFFFFFFFF  }
0xc2: {  	_ =	task.clear_ibuf [dreg:s6], $0x2FFFF;
	_ =	strace $0x9FFFFFFF  }
0xc3: {  	(tm) =	ssettm $0x7FFFFFFF  }
tec
execute0_lowered:
.L_overlay_start_1:
0x0: {  	(tag) =	ssettag $0x1  }
0x1: {  	s0 =	rddreg [dreg:$0x0]  }
0x2: {  	s2 =	rddreg [dreg:$0x1];
	s1 =	srdreg.scid  }
0x3: {  	s13 =	stileid.u32;
	s3 =	rddreg [dreg:$0x2]  }
0x4: {  	s4 =	simm.s32 $0x0;
	s14 =	simm.s32 $0x680;
	s15 =	simm.s32 $0x80  }
0x5: {  	s17 =	simm.s32 $0x100;
	s28 =	simm.s32 $0x300;
	s30 =	simm.s32 $0x1  }
0x6: {  	s31 =	simm.s32 $0x2;
	s29 =	simm.s32 $0x500;
	s1 =	sand.u32 $0x1, s1  }
0x7: {  	s5 =	sshll.u32 s13, $0x1;
	[smem:$0x7FF] =	sst s4;
	s7 =	sadd.s32 $0xBE00, s0  }
0x8: {  	s22 =	sshll.u32 s13, $0xD;
	s11 =	sshll.u32 s13, $0xB;
	s25 =	sshll.u32 s13, $0xA  }
0x9: {  	s26 =	sshll.u32 s13, $0x8;
	s13 =	simm.s32 $0x10680;
	s5 =	sor.u32 s1, s5  }
0xa: {  	_ =	strace $0x8000005C;
	s18 =	sshll.u32 s1, $0xE;
	s6 =	smul.u32 $0xD0, s5  }
0xb: {  	s9 =	ssub.s32 $0x2, s1;
	s1 =	sshll.u32 s1, $0xC;
	s21 =	smul.u32 $0x1A000, s5  }
0xc: {  	s10 =	sadd.s32 s18, s0;
	s19 =	sshrl.u32 s9, $0x1;
	s12 =	smul.u32 $0x3400, s5  }
0xd: {  	s5 =	sadd.s32 s22, s2;
	s18 =	simm.s32 $0x4680;
	s20 =	ssub.s32 s9, s19  }
0xe: {  	s24 =	sadd.s32 $0x75E00, s10;
	s19 =	simm.s32 $0x180;
	s8 =	sadd.s32 s6, s0  }
0xf: {  	s0 =	sadd.s32 s1, s0;
	s6 =	sadd.s32 s11, s3;
	s9 =	sshrl.u32 s21, $0x3  }
0x10: {  	s23 =	sadd.s32 s7, s12;
	s1 =	smax.u32 s20, $0x1;
	s12 =	simm.s32 $0x3  }
0x11: {  	s20 =	simm.s32 $0x6680;
	s21 =	simm.s32 $0x200;
	s22 =	sadd.s32 s25, s24  }
0x12: {  	s25 =	simm.s32 $0x280;
	s11 =	simm.s32 $0x400;
	s8 =	sadd.s32 $0x4EB600, s8  }
0x13: {  	[dreg:$0x5] =	wrdreg s23;
	s7 =	sadd.s32 s7, s9;
	s0 =	sadd.s32 $0x73E00, s0  }
0x14: {  	[dreg:$0x7] =	wrdreg s1;
	s23 =	simm.s32 $0x8680;
	s1 =	simm.s32 $0x380  }
0x15: {  	s9 =	simm.s32 $0x0;
	[dreg:$0x4] =	wrdreg s8;
	s7 =	sadd.s32 $0x1C00, s7  }
0x16: {  	s24 =	sadd.s32 s26, s0;
	s26 =	simm.s32 $0xA680;
	s0 =	simm.s32 $0x480  }
0x17: {  	v0 =	vimm.f32 $0.0e+00;
	v1 =	vimm.f32 $1.000000000e+00;
	s8 =	simm.s32 $0x600;
	[dreg:$0x6] =	wrdreg s7;
	s7 =	simm.s32 $0x580  }
.LBB2_1:
0x18: {  	s10 =	simm.s32 $0x0  }
.LBB2_2:
0x19: {  	p0 =	sne.s32 s10, $0x7F00  }
.Ltmp0:
0x1a: {  	s16 =	sshra.s32 s10, $0x2;
	(pc) =	sbr.rel @p0 .LBB2_2-.Ltmp0, $4  }
0x1b: {  	[tilespmem:s16+$0xE680] =	vst v0  }
0x1c: {  	[tilespmem:s16+$0xE690] =	vst v0  }
0x1d: {  	[tilespmem:s16+$0xE6A0] =	vst v0  }
0x1e: {  	s10 =	sadd.s32 $0x100, s10;
	[tilespmem:s16+$0xE6B0] =	vst v0  }
0x1f: {  	s10 =	simm.s32 $0x40;
	s16 =	simm.s32 $0x0  }
.LBB2_4:
0x20: {  	p0 =	sne.s32 s10, $0x1FC0;
	[tilespmem:s16+$0x10680] =	vst v0;
	s16 =	smov.u32 s10;
	s10 =	sadd.s32 $0x40, s10  }
.Ltmp1:
0x21: {  	(pc) =	sbr.rel @p0 .LBB2_4-.Ltmp1, $2  }
0x22: {  	_ =	sdelay $0x2  }
0x23: {  	s16 =	sshra.s32 s16, $0x2  }
0x24: {  	[tilespmem:s16+$0x10680] =	vst v0;
	s10 =	simm.s32 $0xE680  }
0x25: {  	[spmem:s5] =	stream.linear.scatter [tilespmem:s10], [sflag:$0x3], $0x2000, $0x38;
	[tilespmem:$0x13680] =	vst v63  }
0x26: {  	_ =	swait.ge [sflag:s12], $0x2000  }
0x27: {  	[sflag:s12] =	ssyncset.done $0x0  }
0x28: {  	[sflag:s12] =	ssyncadd.s32 $0xFFFFE000  }
0x29: {  	[spmem:s6] =	stream.linear.scatter [tilespmem:s13], [sflag:$0x3], $0x800, $0x38;
	[tilespmem:$0x13680] =	vst v63  }
0x2a: {  	_ =	swait.ge [sflag:s12], $0x800  }
0x2b: {  	[sflag:s12] =	ssyncset.done $0x0  }
0x2c: {  	s16 =	simm.s32 $0x0;
	s10 =	simm.s32 $0x40;
	[sflag:s12] =	ssyncadd.s32 $0xFFFFF800  }
.LBB2_6:
0x2d: {  	p0 =	sne.s32 s10, $0x1FC0;
	[tilespmem:s16+$0x10680] =	vst v1;
	s16 =	smov.u32 s10;
	s10 =	sadd.s32 $0x40, s10  }
.Ltmp2:
0x2e: {  	(pc) =	sbr.rel @p0 .LBB2_6-.Ltmp2, $2  }
0x2f: {  	_ =	sdelay $0x2  }
0x30: {  	s16 =	sshra.s32 s16, $0x2  }
0x31: {  	[tilespmem:s16+$0x10680] =	vst v1  }
0x32: {  	[bflag:$0x0] =	sbarrier.arrive $0xFFFF  }
0x33: {  	s10 =	rddreg [dreg:$0x4]  }
0x34: {  	[tilespmem:s4], [sflag:$0x3] =	stream.linear.gather [hbm4b:s10+s4], $0x680, $0x38;
	[tilespmem:$0x13680] =	vst v63  }
0x35: {  	_ =	swait.ge [sflag:s12], $0x680  }
0x36: {  	[sflag:s12] =	ssyncset.done $0x0  }
0x37: {  	s16 =	rddreg [dreg:$0x5];
	[sflag:s12] =	ssyncadd.s32 $0xFFFFF980  }
0x38: {  	[tilespmem:s14], [sflag:$0x3] =	stream.linear.gather [hbm4b:s16+s4], $0xE000, $0x38;
	[tilespmem:$0x13680] =	vst v63  }
0x39: {  	_ =	swait.ge [sflag:s12], $0xE000  }
0x3a: {  	[sflag:s12] =	ssyncset.done $0x0  }
0x3b: {  	[sflag:s12] =	ssyncadd.s32 $0xFFFF2000  }
0x3c: {  	[spmem:s2] =	stream.indirect.scatter.add.f32 [tilespmem:s14], [sflag:$0x1], $0x40, s4, s15, $0xb8;
	[tilespmem:$0x13680] =	vst v63  }
0x3d: {  	s16 =	simm.s32 $0x2680  }
0x3e: {  	[spmem:s2] =	stream.indirect.scatter.add.f32 [tilespmem:s16], [sflag:$0x1], $0x40, s15, s15, $0xb8;
	[tilespmem:$0x13680] =	vst v63  }
0x3f: {  	_ = 	snop  }
0x40: {  	[spmem:s2] =	stream.indirect.scatter.add.f32 [tilespmem:s18], [sflag:$0x1], $0x40, s17, s15, $0xb8;
	[tilespmem:$0x13680] =	vst v63  }
0x41: {  	_ = 	snop  }
0x42: {  	[spmem:s2] =	stream.indirect.scatter.add.f32 [tilespmem:s20], [sflag:$0x1], $0x40, s19, s15, $0xb8;
	[tilespmem:$0x13680] =	vst v63  }
0x43: {  	_ = 	snop  }
0x44: {  	[spmem:s2] =	stream.indirect.scatter.add.f32 [tilespmem:s23], [sflag:$0x1], $0x40, s21, s15, $0xb8;
	[tilespmem:$0x13680] =	vst v63  }
0x45: {  	_ = 	snop  }
0x46: {  	[spmem:s2] =	stream.indirect.scatter.add.f32 [tilespmem:s26], [sflag:$0x1], $0x40, s25, s15, $0xb8;
	[tilespmem:$0x13680] =	vst v63  }
0x47: {  	s10 =	simm.s32 $0xC680  }
0x48: {  	[spmem:s2] =	stream.indirect.scatter.add.f32 [tilespmem:s10], [sflag:$0x1], $0x40, s28, s15, $0xb8;
	[tilespmem:$0x13680] =	vst v63  }
0x49: {  	_ = 	snop  }
0x4a: {  	[spmem:s3] =	stream.indirect.scatter.add.f32 [tilespmem:s13], [sflag:$0x2], $0x10, s4, s15, $0xb8;
	[tilespmem:$0x13680] =	vst v63  }
0x4b: {  	_ = 	snop  }
0x4c: {  	[spmem:s3] =	stream.indirect.scatter.add.f32 [tilespmem:s13], [sflag:$0x2], $0x10, s15, s15, $0xb8;
	[tilespmem:$0x13680] =	vst v63  }
0x4d: {  	_ = 	snop  }
0x4e: {  	[spmem:s3] =	stream.indirect.scatter.add.f32 [tilespmem:s13], [sflag:$0x2], $0x10, s17, s15, $0xb8;
	[tilespmem:$0x13680] =	vst v63  }
0x4f: {  	_ = 	snop  }
0x50: {  	[spmem:s3] =	stream.indirect.scatter.add.f32 [tilespmem:s13], [sflag:$0x2], $0x10, s19, s15, $0xb8;
	[tilespmem:$0x13680] =	vst v63  }
0x51: {  	_ = 	snop  }
0x52: {  	[spmem:s3] =	stream.indirect.scatter.add.f32 [tilespmem:s13], [sflag:$0x2], $0x10, s21, s15, $0xb8;
	[tilespmem:$0x13680] =	vst v63  }
0x53: {  	_ = 	snop  }
0x54: {  	[spmem:s3] =	stream.indirect.scatter.add.f32 [tilespmem:s13], [sflag:$0x2], $0x10, s25, s15, $0xb8;
	[tilespmem:$0x13680] =	vst v63  }
0x55: {  	_ = 	snop  }
0x56: {  	[spmem:s3] =	stream.indirect.scatter.add.f32 [tilespmem:s13], [sflag:$0x2], $0x10, s28, s15, $0xb8;
	[tilespmem:$0x13680] =	vst v63  }
0x57: {  	_ =	swait.ge [sflag:s30], $0x2000  }
0x58: {  	[sflag:s30] =	ssyncset.done $0x0  }
0x59: {  	[sflag:s30] =	ssyncadd.s32 $0xFFFFE000  }
0x5a: {  	_ =	swait.ge [sflag:s30], $0x2000  }
0x5b: {  	[sflag:s30] =	ssyncset.done $0x0  }
0x5c: {  	[sflag:s30] =	ssyncadd.s32 $0xFFFFE000  }
0x5d: {  	_ =	swait.ge [sflag:s30], $0x2000  }
0x5e: {  	[sflag:s30] =	ssyncset.done $0x0  }
0x5f: {  	[sflag:s30] =	ssyncadd.s32 $0xFFFFE000  }
0x60: {  	_ =	swait.ge [sflag:s30], $0x2000  }
0x61: {  	[sflag:s30] =	ssyncset.done $0x0  }
0x62: {  	[sflag:s30] =	ssyncadd.s32 $0xFFFFE000  }
0x63: {  	_ =	swait.ge [sflag:s30], $0x2000  }
0x64: {  	[sflag:s30] =	ssyncset.done $0x0  }
0x65: {  	[sflag:s30] =	ssyncadd.s32 $0xFFFFE000  }
0x66: {  	_ =	swait.ge [sflag:s30], $0x2000  }
0x67: {  	[sflag:s30] =	ssyncset.done $0x0  }
0x68: {  	[sflag:s30] =	ssyncadd.s32 $0xFFFFE000  }
0x69: {  	_ =	swait.ge [sflag:s30], $0x2000  }
0x6a: {  	[sflag:s30] =	ssyncset.done $0x0  }
0x6b: {  	[sflag:s30] =	ssyncadd.s32 $0xFFFFE000  }
0x6c: {  	_ =	swait.ge [sflag:s31], $0x800  }
0x6d: {  	[sflag:s31] =	ssyncset.done $0x0  }
0x6e: {  	[sflag:s31] =	ssyncadd.s32 $0xFFFFF800  }
0x6f: {  	_ =	swait.ge [sflag:s31], $0x800  }
0x70: {  	[sflag:s31] =	ssyncset.done $0x0  }
0x71: {  	[sflag:s31] =	ssyncadd.s32 $0xFFFFF800  }
0x72: {  	_ =	swait.ge [sflag:s31], $0x800  }
0x73: {  	[sflag:s31] =	ssyncset.done $0x0  }
0x74: {  	[sflag:s31] =	ssyncadd.s32 $0xFFFFF800  }
0x75: {  	_ =	swait.ge [sflag:s31], $0x800  }
0x76: {  	[sflag:s31] =	ssyncset.done $0x0  }
0x77: {  	[sflag:s31] =	ssyncadd.s32 $0xFFFFF800  }
0x78: {  	_ =	swait.ge [sflag:s31], $0x800  }
0x79: {  	[sflag:s31] =	ssyncset.done $0x0  }
0x7a: {  	[sflag:s31] =	ssyncadd.s32 $0xFFFFF800  }
0x7b: {  	_ =	swait.ge [sflag:s31], $0x800  }
0x7c: {  	[sflag:s31] =	ssyncset.done $0x0  }
0x7d: {  	[sflag:s31] =	ssyncadd.s32 $0xFFFFF800  }
0x7e: {  	_ =	swait.ge [sflag:s31], $0x800  }
0x7f: {  	[sflag:s31] =	ssyncset.done $0x0  }
0x80: {  	s10 =	rddreg [dreg:$0x6];
	[sflag:s31] =	ssyncadd.s32 $0xFFFFF800  }
0x81: {  	[tilespmem:s14], [sflag:$0x3] =	stream.linear.gather [hbm4b:s10+s4], $0xC000, $0x38;
	[tilespmem:$0x13680] =	vst v63  }
0x82: {  	_ =	swait.ge [sflag:s12], $0xC000  }
0x83: {  	[sflag:s12] =	ssyncset.done $0x0  }
0x84: {  	[sflag:s12] =	ssyncadd.s32 $0xFFFF4000  }
0x85: {  	[spmem:s2] =	stream.indirect.scatter.add.f32 [tilespmem:s14], [sflag:$0x1], $0x40, s1, s15, $0xb8;
	[tilespmem:$0x13680] =	vst v63  }
0x86: {  	_ = 	snop  }
0x87: {  	[spmem:s2] =	stream.indirect.scatter.add.f32 [tilespmem:s16], [sflag:$0x1], $0x40, s11, s15, $0xb8;
	[tilespmem:$0x13680] =	vst v63  }
0x88: {  	_ = 	snop  }
0x89: {  	[spmem:s2] =	stream.indirect.scatter.add.f32 [tilespmem:s18], [sflag:$0x1], $0x40, s0, s15, $0xb8;
	[tilespmem:$0x13680] =	vst v63  }
0x8a: {  	_ = 	snop  }
0x8b: {  	[spmem:s2] =	stream.indirect.scatter.add.f32 [tilespmem:s20], [sflag:$0x1], $0x40, s29, s15, $0xb8;
	[tilespmem:$0x13680] =	vst v63  }
0x8c: {  	_ = 	snop  }
0x8d: {  	[spmem:s2] =	stream.indirect.scatter.add.f32 [tilespmem:s23], [sflag:$0x1], $0x40, s7, s15, $0xb8;
	[tilespmem:$0x13680] =	vst v63  }
0x8e: {  	_ = 	snop  }
0x8f: {  	[spmem:s2] =	stream.indirect.scatter.add.f32 [tilespmem:s26], [sflag:$0x1], $0x40, s8, s15, $0xb8;
	[tilespmem:$0x13680] =	vst v63  }
0x90: {  	_ = 	snop  }
0x91: {  	[spmem:s3] =	stream.indirect.scatter.add.f32 [tilespmem:s13], [sflag:$0x2], $0x10, s1, s15, $0xb8;
	[tilespmem:$0x13680] =	vst v63  }
0x92: {  	_ = 	snop  }
0x93: {  	[spmem:s3] =	stream.indirect.scatter.add.f32 [tilespmem:s13], [sflag:$0x2], $0x10, s11, s15, $0xb8;
	[tilespmem:$0x13680] =	vst v63  }
0x94: {  	_ = 	snop  }
0x95: {  	[spmem:s3] =	stream.indirect.scatter.add.f32 [tilespmem:s13], [sflag:$0x2], $0x10, s0, s15, $0xb8;
	[tilespmem:$0x13680] =	vst v63  }
0x96: {  	_ = 	snop  }
0x97: {  	[spmem:s3] =	stream.indirect.scatter.add.f32 [tilespmem:s13], [sflag:$0x2], $0x10, s29, s15, $0xb8;
	[tilespmem:$0x13680] =	vst v63  }
0x98: {  	_ = 	snop  }
0x99: {  	[spmem:s3] =	stream.indirect.scatter.add.f32 [tilespmem:s13], [sflag:$0x2], $0x10, s7, s15, $0xb8;
	[tilespmem:$0x13680] =	vst v63  }
0x9a: {  	_ = 	snop  }
0x9b: {  	[spmem:s3] =	stream.indirect.scatter.add.f32 [tilespmem:s13], [sflag:$0x2], $0x10, s8, s15, $0xb8;
	[tilespmem:$0x13680] =	vst v63  }
0x9c: {  	_ =	swait.ge [sflag:s30], $0x2000  }
0x9d: {  	[sflag:s30] =	ssyncset.done $0x0  }
0x9e: {  	[sflag:s30] =	ssyncadd.s32 $0xFFFFE000  }
0x9f: {  	_ =	swait.ge [sflag:s30], $0x2000  }
0xa0: {  	[sflag:s30] =	ssyncset.done $0x0  }
0xa1: {  	[sflag:s30] =	ssyncadd.s32 $0xFFFFE000  }
0xa2: {  	_ =	swait.ge [sflag:s30], $0x2000  }
0xa3: {  	[sflag:s30] =	ssyncset.done $0x0  }
0xa4: {  	[sflag:s30] =	ssyncadd.s32 $0xFFFFE000  }
0xa5: {  	_ =	swait.ge [sflag:s30], $0x2000  }
0xa6: {  	[sflag:s30] =	ssyncset.done $0x0  }
0xa7: {  	[sflag:s30] =	ssyncadd.s32 $0xFFFFE000  }
0xa8: {  	_ =	swait.ge [sflag:s30], $0x2000  }
0xa9: {  	[sflag:s30] =	ssyncset.done $0x0  }
0xaa: {  	[sflag:s30] =	ssyncadd.s32 $0xFFFFE000  }
0xab: {  	_ =	swait.ge [sflag:s30], $0x2000  }
0xac: {  	[sflag:s30] =	ssyncset.done $0x0  }
0xad: {  	[sflag:s30] =	ssyncadd.s32 $0xFFFFE000  }
0xae: {  	_ =	swait.ge [sflag:s31], $0x800  }
0xaf: {  	[sflag:s31] =	ssyncset.done $0x0  }
0xb0: {  	[sflag:s31] =	ssyncadd.s32 $0xFFFFF800  }
0xb1: {  	_ =	swait.ge [sflag:s31], $0x800  }
0xb2: {  	[sflag:s31] =	ssyncset.done $0x0  }
0xb3: {  	[sflag:s31] =	ssyncadd.s32 $0xFFFFF800  }
0xb4: {  	_ =	swait.ge [sflag:s31], $0x800  }
0xb5: {  	[sflag:s31] =	ssyncset.done $0x0  }
0xb6: {  	[sflag:s31] =	ssyncadd.s32 $0xFFFFF800  }
0xb7: {  	_ =	swait.ge [sflag:s31], $0x800  }
0xb8: {  	[sflag:s31] =	ssyncset.done $0x0  }
0xb9: {  	[sflag:s31] =	ssyncadd.s32 $0xFFFFF800  }
0xba: {  	_ =	swait.ge [sflag:s31], $0x800  }
0xbb: {  	[sflag:s31] =	ssyncset.done $0x0  }
0xbc: {  	[sflag:s31] =	ssyncadd.s32 $0xFFFFF800  }
0xbd: {  	_ =	swait.ge [sflag:s31], $0x800  }
0xbe: {  	s16 =	stileid.u32;
	[sflag:s31] =	ssyncset.done $0x0  }
0xbf: {  	s10 =	sshll.u32 s16, $0x6;
	[sflag:s31] =	ssyncadd.s32 $0xFFFFF800  }
0xc0: {  	s16 =	sshrl.u32 s5, $0x3;
	s10 =	sor.u32 $0x1C03, s10;
	[bflag:$0x0] =	sbarrier.arrive $0xFFFF  }
0xc1: {  	[hbm:s22], [sflag:s10] =	dma.local [spmem:s16], $0x400  }
0xc2: {  	_ =	swait.ge [sflag:s12], $0x400  }
0xc3: {  	[sflag:s12] =	ssyncset.done $0x0  }
0xc4: {  	s16 =	sshrl.u32 s6, $0x3;
	[sflag:s12] =	ssyncadd.s32 $0xFFFFFC00  }
0xc5: {  	[hbm:s24], [sflag:s10] =	dma.local [spmem:s16], $0x100  }
0xc6: {  	_ =	swait.ge [sflag:s12], $0x100  }
0xc7: {  	s9 =	sadd.s32 $0x1, s9;
	s16 =	rddreg [dreg:$0x7]  }
0xc8: {  	p0 =	sne.s32 s9, s16  }
.Ltmp3:
0xc9: {  	_ = 	snop;
	(pc) =	sbr.rel @p0 .LBB2_1-.Ltmp3, $3  }
0xca: {  	_ =	sdelay $0x1  }
0xcb: {  	[sflag:s12] =	ssyncset.done $0x0  }
0xcc: {  	[sflag:s12] =	ssyncadd.s32 $0xFFFFFF00  }
0xcd: {  	_ =	sfence.sel $0x180000  }
0xce: {  	[bflag:$0x0] =	sbarrier.arrive $0xFFFF  }
0xcf: {  	_ =	strace $0x9000005C  }
0xd0: {  	s0 =	stileid.u32;
	[bflag:$0x2] =	sbarrier.arrive $0xFFFF  }
0xd1: {  	p0 =	sne.s32 s0, $0x0;
	s0 =	rddreg [dreg:$0x3]  }
0xd2: {  	s0 =	sadd.s32 @!p0 $0x100000, s0  }
0xd3: {  	[sflag:s0] =	ssyncadd.tile.s32 @!p0 $0x1;
	_ =	shalt  }
.Lfunc_end2:
_tile_overlayer_lowered:
.L_overlay_start_2:
0xd4: {  	(tag) =	ssettag $0x2  }
0xd5: {  	s0 =	rddreg [dreg:$0x0];
	s2 =	stileid.u32  }
0xd6: {  	s1 =	rddreg [dreg:$0x1];
	p0 =	sne.s32 s2, $0x0  }
0xd7: {  	s3 =	rddreg [dreg:$0x2];
	[bflag:$0x3] =	sbarrier.arrive $0xFFFF;
	s2 =	simm.s32 @!p0 $0x1C03  }
0xd8: {  	[timem:s3], [sflag:s2] =	dma.local @!p0 [hbm:s0], s1  }
0xd9: {  	s0 =	simm.s32 @!p0 $0x3  }
0xda: {  	_ =	swait.ge @!p0 [sflag:s0], s1  }
0xdb: {  	s1 =	ssub.s32 @!p0 $0x0, s1;
	[sflag:s0] =	ssyncset.done @!p0 $0x0  }
0xdc: {  	[sflag:s0] =	ssyncadd.s32 @!p0 s1  }
0xdd: {  	[bflag:$0x3] =	sbarrier.arrive $0xFFFF  }
0xde: {  	_ =	shalt  }

</sc_bundles>
